<compile_context>
chip_gen: v7x
topology: tpu7x:2x2x1
jax: 0.10.2.dev20260603
libtpu: 0.0.44.dev20260713+nightly
codegen_flags: <defaults>
</compile_context>

<pallas_src>
import functools

import jax
import jax.numpy as jnp
from jax import lax
from jax.experimental import pallas as pl
from jax.experimental.pallas import tpu as pltpu
from jax.experimental.pallas import tpu_sc as plsc

N = 10000
E = 320000
D = 128

NC = 2
NS = 16
NW = NC * NS
EPW = E // NW
CH = 40
NCHUNK = EPW // CH
K = 5
NG = NCHUNK // K
CD = 80
ND = EPW // CD
KD = 5
NGD = ND // KD
RA = 624
RB = N - (NS - 1) * RA

_BN_INV = 0.9999950000374997


@functools.lru_cache(maxsize=None)
def _sc_kernels():
    mesh = plsc.VectorSubcoreMesh(core_axis_name="c", subcore_axis_name="s")

    def _init_and_readback(sid, cid, zeros_hbm, sh, out_hbm, phase):
        start = pl.multiple_of(sid * RA, 8)

        @pl.when(sid < NS - 1)
        def _():
            if phase == 0:
                pltpu.sync_copy(zeros_hbm.at[pl.ds(0, RA)],
                                sh.at[pl.ds(start, RA)])
            else:
                pltpu.sync_copy(sh.at[pl.ds(start, RA)],
                                out_hbm.at[cid, pl.ds(start, RA)])

        @pl.when(sid == NS - 1)
        def _():
            if phase == 0:
                pltpu.sync_copy(zeros_hbm,
                                sh.at[pl.ds((NS - 1) * RA, RB)])
            else:
                pltpu.sync_copy(sh.at[pl.ds((NS - 1) * RA, RB)],
                                out_hbm.at[cid, pl.ds((NS - 1) * RA, RB)])

    @functools.partial(
        pl.kernel,
        out_type=jax.ShapeDtypeStruct((NC, N, 16), jnp.float32),
        mesh=mesh,
        scratch_types=[
            [pltpu.VMEM((CD,), jnp.int32)] * KD,
            pltpu.VMEM((CD, 16), jnp.float32),
            pltpu.VMEM_SHARED((N, 16), jnp.float32),
            [pltpu.SemaphoreType.DMA] * KD,
            [pltpu.SemaphoreType.DMA] * KD,
        ],
        compiler_params=pltpu.CompilerParams(use_tc_tiling_on_sc=False),
    )
    def sc_degree(col_hbm, ones_hbm, zeros_hbm, out_hbm, cidx_vs, ones_v,
                  deg_sh, isems, ssems):
        cid = lax.axis_index("c")
        sid = lax.axis_index("s")
        wid = sid * NC + cid
        _init_and_readback(sid, cid, zeros_hbm, deg_sh, out_hbm, 0)
        pltpu.sync_copy(ones_hbm, ones_v)

        def isrc(i):
            return col_hbm.at[pl.ds(pl.multiple_of(wid * EPW + i * CD, 8), CD)]

        def iload(i, b):
            pltpu.async_copy(isrc(i), cidx_vs[b], isems[b])

        def iwait(i, b):
            pltpu.make_async_copy(isrc(i), cidx_vs[b], isems[b]).wait()

        def scatter(b):
            pltpu.async_copy(ones_v, deg_sh.at[cidx_vs[b]], ssems[b], add=True)

        def scatter_wait(b):
            pltpu.make_async_copy(ones_v, deg_sh.at[cidx_vs[b]],
                                  ssems[b]).wait()

        for b in range(KD):
            iload(b, b)
        plsc.subcore_barrier()

        def group(j, carry):
            for b in range(KD):
                i = j * KD + b
                iwait(i, b)
                scatter(b)

            @pl.when(j < NGD - 1)
            def _():
                for b in range(KD):
                    scatter_wait(b)
                    iload((j + 1) * KD + b, b)

            return carry

        lax.fori_loop(0, NGD, group, 0)
        for b in range(KD):
            scatter_wait(b)
        plsc.subcore_barrier()
        _init_and_readback(sid, cid, zeros_hbm, deg_sh, out_hbm, 1)

    @functools.partial(
        pl.kernel,
        out_type=jax.ShapeDtypeStruct((NC, N, D), jnp.float32),
        mesh=mesh,
        scratch_types=[
            [pltpu.VMEM((K * CH,), jnp.int32)] * 2,
            [pltpu.VMEM((CH,), jnp.int32)] * (2 * K),
            pltpu.VMEM((K * CH, D), jnp.float32),
            pltpu.VMEM_SHARED((N, D), jnp.float32),
            [pltpu.SemaphoreType.DMA] * K,
            [pltpu.SemaphoreType.DMA] * K,
            [pltpu.SemaphoreType.DMA] * 2,
            [pltpu.SemaphoreType.DMA] * 2,
        ],
    )
    def sc_spmm(g_hbm, row_hbm, col_hbm, zeros_hbm, out_hbm,
                ridx_vs, cidx_vs, rows_v, agg_sh, gsems, ssems, irsems, icsems):
        cid = lax.axis_index("c")
        sid = lax.axis_index("s")
        wid = sid * NC + cid
        _init_and_readback(sid, cid, zeros_hbm, agg_sh, out_hbm, 0)

        SLAB = K * CH

        def slab_refs(j, d):
            base = pl.multiple_of(wid * EPW + j * SLAB, 8)
            refs = [(row_hbm.at[pl.ds(base, SLAB)], ridx_vs[d], irsems[d])]
            for b in range(K):
                cb = pl.multiple_of(base + b * CH, 8)
                refs.append((col_hbm.at[pl.ds(cb, CH)], cidx_vs[d * K + b],
                             icsems[d]))
            return refs

        def slab_load(j, d):
            for s, dst, sem in slab_refs(j, d):
                pltpu.async_copy(s, dst, sem)

        def slab_wait(j, d):
            for s, dst, sem in slab_refs(j, d):
                pltpu.make_async_copy(s, dst, sem).wait()

        def gsrc(d, b):
            return g_hbm.at[ridx_vs[d].at[pl.ds(b * CH, CH)]]

        def rbuf(b):
            return rows_v.at[pl.ds(b * CH, CH)]

        def gather(d, b):
            pltpu.async_copy(gsrc(d, b), rbuf(b), gsems[b])

        def gather_wait(d, b):
            pltpu.make_async_copy(gsrc(d, b), rbuf(b), gsems[b]).wait()

        def scatter(d, b):
            pltpu.async_copy(rbuf(b), agg_sh.at[cidx_vs[d * K + b]],
                             ssems[b], add=True)

        def scatter_wait(d, b):
            pltpu.make_async_copy(rbuf(b), agg_sh.at[cidx_vs[d * K + b]],
                                  ssems[b]).wait()

        slab_load(0, 0)
        slab_wait(0, 0)
        plsc.subcore_barrier()
        for b in range(K):
            gather(0, b)

        def one_group(j, d):
            nd = 1 - d

            @pl.when(j < NG - 1)
            def _():
                slab_load(j + 1, nd)

            for b in range(K):
                gather_wait(d, b)
                scatter(d, b)

            @pl.when(j < NG - 1)
            def _():
                slab_wait(j + 1, nd)
                for b in range(K):
                    scatter_wait(d, b)
                    gather(nd, b)

        def pair(t, carry):
            one_group(2 * t, 0)
            one_group(2 * t + 1, 1)
            return carry

        lax.fori_loop(0, NG // 2, pair, 0)
        for b in range(K):
            scatter_wait((NG - 1) % 2, b)
        plsc.subcore_barrier()
        _init_and_readback(sid, cid, zeros_hbm, agg_sh, out_hbm, 1)

    return sc_degree, sc_spmm



R = 2000
G = N // R


def _dot_t(a, w):
    return lax.dot_general(a, w, (((1,), (1,)), ((), ())),
                           preferred_element_type=jnp.float32)


def _ln(h, g, b):
    mu = jnp.mean(h, axis=-1, keepdims=True)
    var = jnp.mean((h - mu) * (h - mu), axis=-1, keepdims=True)
    return (h - mu) * lax.rsqrt(var + 1e-5) * g + b


def _ka_body(x_ref, tfw, tfb, ln0g, ln0b, wq, wqb, wk, wkb, wv, wvb,
             gfw, gfb, bn0g, bn0b,
             layer0_ref, qs_ref, g0_ref, kvs_ref, vsum_ref, ksum_ref):
    i = pl.program_id(0)
    xb = x_ref[...]
    h = _dot_t(xb, tfw[...]) + tfb[...]
    h = jnp.maximum(_ln(h, ln0g[...], ln0b[...]), 0.0)
    layer0_ref[...] = h
    qs = _dot_t(h, wq[...]) + wqb[...]
    kk = _dot_t(h, wk[...]) + wkb[...]
    vs = _dot_t(h, wv[...]) + wvb[...]
    qs = qs * lax.rsqrt(jnp.sum(qs * qs, axis=-1, keepdims=True))
    kk = kk * lax.rsqrt(jnp.sum(kk * kk, axis=-1, keepdims=True))
    qs_ref[...] = qs
    kv = lax.dot_general(kk, vs, (((0,), (0,)), ((), ())),
                         preferred_element_type=jnp.float32)
    vsum = jnp.sum(vs, axis=0, keepdims=True)
    ksum = jnp.sum(kk, axis=0, keepdims=True)

    @pl.when(i == 0)
    def _():
        kvs_ref[...] = kv
        vsum_ref[...] = vsum
        ksum_ref[...] = ksum

    @pl.when(i > 0)
    def _():
        kvs_ref[...] += kv
        vsum_ref[...] += vsum
        ksum_ref[...] += ksum

    g0 = _dot_t(xb, gfw[...]) + gfb[...]
    g0 = jnp.maximum(g0 * _BN_INV * bn0g[...] + bn0b[...], 0.0)
    g0_ref[...] = g0


def _scale_from_deg(deg_ref):
    degb = deg_ref[0, :, 0:1] + deg_ref[1, :, 0:1]
    return jnp.where(degb > 0.0, lax.rsqrt(degb), 0.0)


def _ks_body(deg_ref, g0_ref, out_ref):
    out_ref[...] = _scale_from_deg(deg_ref) * g0_ref[...]


def _kb_body(p_ref, deg_ref, g0_ref, w, b, bng, bnb, out_ref):
    s = _scale_from_deg(deg_ref)
    agg = (p_ref[0] + p_ref[1]) * s
    t = _dot_t(agg, w[...]) + b[...]
    t = jnp.maximum(t * _BN_INV * bng[...] + bnb[...], 0.0) + g0_ref[...]
    out_ref[...] = s * t


def _kx_body(qs_ref, layer0_ref, kvs_ref, vsum_ref, ksum_ref,
             ln1g, ln1b, x1_ref):
    qs = qs_ref[...]
    num = jnp.dot(qs, kvs_ref[...], preferred_element_type=jnp.float32)
    num = num + jnp.float32(N) * vsum_ref[...]
    den = jnp.sum(qs * ksum_ref[...], axis=-1, keepdims=True)
    den = den + jnp.float32(2 * N)
    h = (num / den + layer0_ref[...]) * 0.5
    x1_ref[...] = jnp.maximum(_ln(h, ln1g[...], ln1b[...]), 0.0)


def _kd_body(p_ref, deg_ref, g0_ref, x1_ref,
             w, b, bng, bnb, ow, ob, out_ref):
    s = _scale_from_deg(deg_ref)
    agg = (p_ref[0] + p_ref[1]) * s
    t = _dot_t(agg, w[...]) + b[...]
    x2 = jnp.maximum(t * _BN_INV * bng[...] + bnb[...], 0.0) + g0_ref[...]
    out_ref[...] = _dot_t(0.8 * x2 + 0.2 * x1_ref[...], ow[...]) + ob[...]


_WSPEC = pl.BlockSpec((D, D), lambda i: (0, 0))
_BSPEC = pl.BlockSpec((1, D), lambda i: (0, 0))
_XSPEC = pl.BlockSpec((R, D), lambda i: (i, 0))
_DEGSPEC = pl.BlockSpec((NC, R, 16), lambda i: (0, i, 0))
_PSPEC = pl.BlockSpec((NC, R, D), lambda i: (0, i, 0))

_f32 = jnp.float32


def _ka(x, tfw, tfb, ln0g, ln0b, wq, wqb, wk, wkb, wv, wvb, gfw, gfb, bn0g, bn0b):
    outs = (
        jax.ShapeDtypeStruct((N, D), _f32),
        jax.ShapeDtypeStruct((N, D), _f32),
        jax.ShapeDtypeStruct((N, D), _f32),
        jax.ShapeDtypeStruct((D, D), _f32),
        jax.ShapeDtypeStruct((1, D), _f32),
        jax.ShapeDtypeStruct((1, D), _f32),
    )
    in_specs = [_XSPEC, _WSPEC, _BSPEC, _BSPEC, _BSPEC,
                _WSPEC, _BSPEC, _WSPEC, _BSPEC, _WSPEC, _BSPEC,
                _WSPEC, _BSPEC, _BSPEC, _BSPEC]
    out_specs = (_XSPEC, _XSPEC, _XSPEC, _WSPEC, _BSPEC, _BSPEC)
    return pl.pallas_call(
        _ka_body, grid=(G,), in_specs=in_specs, out_specs=out_specs,
        out_shape=outs)(x, tfw, tfb, ln0g, ln0b, wq, wqb, wk, wkb, wv, wvb,
                        gfw, gfb, bn0g, bn0b)


def _ks(deg, g0):
    return pl.pallas_call(
        _ks_body, grid=(G,), in_specs=[_DEGSPEC, _XSPEC], out_specs=_XSPEC,
        out_shape=jax.ShapeDtypeStruct((N, D), _f32))(deg, g0)


def _kb(p, deg, g0, w, b, bng, bnb):
    return pl.pallas_call(
        _kb_body, grid=(G,),
        in_specs=[_PSPEC, _DEGSPEC, _XSPEC, _WSPEC, _BSPEC, _BSPEC, _BSPEC],
        out_specs=_XSPEC,
        out_shape=jax.ShapeDtypeStruct((N, D), _f32))(p, deg, g0, w, b, bng, bnb)


def _kx(qs, layer0, kvs, vsum, ksum, ln1g, ln1b):
    return pl.pallas_call(
        _kx_body, grid=(G,),
        in_specs=[_XSPEC, _XSPEC, _WSPEC, _BSPEC, _BSPEC, _BSPEC, _BSPEC],
        out_specs=_XSPEC,
        out_shape=jax.ShapeDtypeStruct((N, D), _f32))(
            qs, layer0, kvs, vsum, ksum, ln1g, ln1b)


def _kd(p, deg, g0, x1, w, b, bng, bnb, ow, ob):
    return pl.pallas_call(
        _kd_body, grid=(G,),
        in_specs=[_PSPEC, _DEGSPEC, _XSPEC, _XSPEC,
                  _WSPEC, _BSPEC, _BSPEC, _BSPEC, _WSPEC, _BSPEC],
        out_specs=_XSPEC,
        out_shape=jax.ShapeDtypeStruct((N, D), _f32))(
            p, deg, g0, x1, w, b, bng, bnb, ow, ob)



def kernel(x, edge_index, t_fc_w, t_fc_b, t_ln0_g, t_ln0_b, t_wq_w, t_wq_b,
           t_wk_w, t_wk_b, t_wv_w, t_wv_b, t_ln1_g, t_ln1_b, g_fc_w, g_fc_b,
           g_bn0_g, g_bn0_b, g_w1_w, g_w1_b, g_bn1_g, g_bn1_b, g_w2_w, g_w2_b,
           g_bn2_g, g_bn2_b, out_w, out_b):
    row = edge_index[0]
    col = edge_index[1]

    r2 = lambda v: v.reshape(1, D)

    ones16 = jnp.ones((CD, 16), _f32)
    zerosD = jnp.zeros((RB, D), _f32)
    zeros16 = jnp.zeros((RB, 16), _f32)

    layer0, qs, g0, kvs, vsum, ksum = _ka(
        x, t_fc_w, r2(t_fc_b), r2(t_ln0_g), r2(t_ln0_b),
        t_wq_w, r2(t_wq_b), t_wk_w, r2(t_wk_b), t_wv_w, r2(t_wv_b),
        g_fc_w, r2(g_fc_b), r2(g_bn0_g), r2(g_bn0_b))

    sc_degree, sc_spmm = _sc_kernels()
    deg = sc_degree(col, ones16, zeros16)

    g1s = _ks(deg, g0)
    p1 = sc_spmm(g1s, row, col, zerosD)
    x1 = _kx(qs, layer0, kvs, vsum, ksum, r2(t_ln1_g), r2(t_ln1_b))
    g2s = _kb(p1, deg, g0, g_w1_w, r2(g_w1_b), r2(g_bn1_g), r2(g_bn1_b))
    p2 = sc_spmm(g2s, row, col, zerosD)
    out = _kd(p2, deg, g0, x1,
              g_w2_w, r2(g_w2_b), r2(g_bn2_g), r2(g_bn2_b),
              out_w, r2(out_b))
    return out

# --- scband reference (transcript-rebuilt; emitter-appended) ---
"""Pipeline reference for scband-sgformer-60610578481398 (READ-ONLY COPY).

The authoritative reference and input builder live on the scoring server;
editing this copy changes nothing except your own understanding.
"""

import jax, jax.numpy as jnp
import numpy as np

N_NODES = 10000
N_EDGES = 320000
D_IN = 128
HID = 128
D_OUT = 128


def _layernorm(x, g, b, eps=1e-5):
    mu = jnp.mean(x, axis=-1, keepdims=True)
    var = jnp.var(x, axis=-1, keepdims=True)
    return (x - mu) / jnp.sqrt(var + eps) * g + b


def _bn_eval(x, g, b, eps=1e-5):
    # BatchNorm1d in eval mode with default running stats (mean=0, var=1)
    return x / jnp.sqrt(1.0 + eps) * g + b


def setup_inputs(seed: int = 0) -> dict:
    key = jax.random.key(seed)
    ks = jax.random.split(key, 40)

    def w(i, shape):
        return jax.random.normal(ks[i], shape, dtype=jnp.float32) * 0.05

    inp = {}
    inp["x"] = jax.random.normal(ks[0], (N_NODES, D_IN), dtype=jnp.float32)
    inp["edge_index"] = jax.random.randint(ks[1], (2, N_EDGES), 0, N_NODES, dtype=jnp.int32)
    inp["t_fc_w"] = w(2, (HID, D_IN)); inp["t_fc_b"] = jnp.zeros((HID,), jnp.float32)
    inp["t_ln0_g"] = jnp.ones((HID,), jnp.float32); inp["t_ln0_b"] = jnp.zeros((HID,), jnp.float32)
    inp["t_wq_w"] = w(3, (HID, HID)); inp["t_wq_b"] = jnp.zeros((HID,), jnp.float32)
    inp["t_wk_w"] = w(4, (HID, HID)); inp["t_wk_b"] = jnp.zeros((HID,), jnp.float32)
    inp["t_wv_w"] = w(5, (HID, HID)); inp["t_wv_b"] = jnp.zeros((HID,), jnp.float32)
    inp["t_ln1_g"] = jnp.ones((HID,), jnp.float32); inp["t_ln1_b"] = jnp.zeros((HID,), jnp.float32)
    inp["g_fc_w"] = w(6, (HID, D_IN)); inp["g_fc_b"] = jnp.zeros((HID,), jnp.float32)
    inp["g_bn0_g"] = jnp.ones((HID,), jnp.float32); inp["g_bn0_b"] = jnp.zeros((HID,), jnp.float32)
    inp["g_w1_w"] = w(7, (HID, HID)); inp["g_w1_b"] = jnp.zeros((HID,), jnp.float32)
    inp["g_bn1_g"] = jnp.ones((HID,), jnp.float32); inp["g_bn1_b"] = jnp.zeros((HID,), jnp.float32)
    inp["g_w2_w"] = w(8, (HID, HID)); inp["g_w2_b"] = jnp.zeros((HID,), jnp.float32)
    inp["g_bn2_g"] = jnp.ones((HID,), jnp.float32); inp["g_bn2_b"] = jnp.zeros((HID,), jnp.float32)
    inp["out_w"] = w(9, (D_OUT, HID)); inp["out_b"] = jnp.zeros((D_OUT,), jnp.float32)
    return inp


def reference(x, edge_index, t_fc_w, t_fc_b, t_ln0_g, t_ln0_b, t_wq_w, t_wq_b, t_wk_w, t_wk_b, t_wv_w, t_wv_b, t_ln1_g, t_ln1_b, g_fc_w, g_fc_b, g_bn0_g, g_bn0_b, g_w1_w, g_w1_b, g_bn1_g, g_bn1_b, g_w2_w, g_w2_b, g_bn2_g, g_bn2_b, out_w, out_b):
    N = x.shape[0]
    Nf = jnp.float32(N)
    # ---- transformer (linear attention) branch: batch=1, heads=1, eval-mode dropout ----
    h = x @ t_fc_w.T + t_fc_b
    h = _layernorm(h, t_ln0_g, t_ln0_b)
    h = jax.nn.relu(h)
    layer0 = h
    qs = h @ t_wq_w.T + t_wq_b
    kk = h @ t_wk_w.T + t_wk_b
    vs = h @ t_wv_w.T + t_wv_b
    qs = qs / jnp.linalg.norm(qs, axis=-1, keepdims=True)
    kk = kk / jnp.linalg.norm(kk, axis=-1, keepdims=True)
    kvs = kk.T @ vs
    attention_num = qs @ kvs
    attention_num = attention_num + Nf * jnp.sum(vs, axis=0, keepdims=True)
    ks_sum = jnp.sum(kk, axis=0)
    attention_normalizer = qs @ ks_sum
    attention_normalizer = attention_normalizer[:, None] + Nf
    attention_normalizer = attention_normalizer + Nf
    attn_out = attention_num / attention_normalizer
    h = (attn_out + layer0) / 2.0
    h = _layernorm(h, t_ln1_g, t_ln1_b)
    h = jax.nn.relu(h)
    x1 = h
    # ---- GNN branch: symmetric-normalized SpMM, 2 layers, residual to first embedding ----
    g = x @ g_fc_w.T + g_fc_b
    g = _bn_eval(g, g_bn0_g, g_bn0_b)
    g = jax.nn.relu(g)
    g0 = g
    row, col = edge_index[0], edge_index[1]
    deg = jnp.zeros((N,), jnp.float32).at[col].add(1.0)
    d_norm_in = jnp.sqrt(1.0 / deg[col])
    d_norm_out = jnp.sqrt(1.0 / deg[row])
    value = jnp.nan_to_num(d_norm_in * d_norm_out, nan=0.0, posinf=0.0, neginf=0.0)
    for (w_, b_, bg_, bb_) in ((g_w1_w, g_w1_b, g_bn1_g, g_bn1_b), (g_w2_w, g_w2_b, g_bn2_g, g_bn2_b)):
        agg = jnp.zeros((N, g.shape[1]), jnp.float32).at[col].add(value[:, None] * g[row])
        g = agg @ w_.T + b_
        g = _bn_eval(g, bg_, bb_)
        g = jax.nn.relu(g)
        g = g + g0
    x2 = g
    out = 0.8 * x2 + 0.2 * x1
    out = out @ out_w.T + out_b
    return out

if __name__ == "__main__":
    import jax
    _d = setup_inputs()
    print(jax.jit(kernel)(*tuple(_d.values())))

</pallas_src>

<mosaic_0001>
#map = affine_map<(d0, d1) -> (0, 0)>
#map1 = affine_map<(d0, d1) -> (0)>
#map2 = affine_map<(d0, d1) -> (0, 0, 0)>
module attributes {stable_mosaic.version = 14 : i64} {
  func.func @sc_spmm(%arg0: i32, %arg1: i32, %arg2: memref<10000x128xf32, #tpu.memory_space<hbm>>, %arg3: memref<320000xi32, #tpu.memory_space<hbm>>, %arg4: memref<320000xi32, #tpu.memory_space<hbm>>, %arg5: memref<640x128xf32, #tpu.memory_space<hbm>>, %arg6: memref<2x10000x128xf32, #tpu.memory_space<hbm>>, %arg7: memref<200xi32, #tpu.memory_space<vmem>>, %arg8: memref<200xi32, #tpu.memory_space<vmem>>, %arg9: memref<40xi32, #tpu.memory_space<vmem>>, %arg10: memref<40xi32, #tpu.memory_space<vmem>>, %arg11: memref<40xi32, #tpu.memory_space<vmem>>, %arg12: memref<40xi32, #tpu.memory_space<vmem>>, %arg13: memref<40xi32, #tpu.memory_space<vmem>>, %arg14: memref<40xi32, #tpu.memory_space<vmem>>, %arg15: memref<40xi32, #tpu.memory_space<vmem>>, %arg16: memref<40xi32, #tpu.memory_space<vmem>>, %arg17: memref<40xi32, #tpu.memory_space<vmem>>, %arg18: memref<40xi32, #tpu.memory_space<vmem>>, %arg19: memref<200x128xf32, #tpu.memory_space<vmem>>, %arg20: memref<10000x128xf32, #tpu.memory_space<vmem_shared>>, %arg21: memref<!tpu.dma_semaphore, #tpu.memory_space<semaphore_mem>>, %arg22: memref<!tpu.dma_semaphore, #tpu.memory_space<semaphore_mem>>, %arg23: memref<!tpu.dma_semaphore, #tpu.memory_space<semaphore_mem>>, %arg24: memref<!tpu.dma_semaphore, #tpu.memory_space<semaphore_mem>>, %arg25: memref<!tpu.dma_semaphore, #tpu.memory_space<semaphore_mem>>, %arg26: memref<!tpu.dma_semaphore, #tpu.memory_space<semaphore_mem>>, %arg27: memref<!tpu.dma_semaphore, #tpu.memory_space<semaphore_mem>>, %arg28: memref<!tpu.dma_semaphore, #tpu.memory_space<semaphore_mem>>, %arg29: memref<!tpu.dma_semaphore, #tpu.memory_space<semaphore_mem>>, %arg30: memref<!tpu.dma_semaphore, #tpu.memory_space<semaphore_mem>>, %arg31: memref<!tpu.dma_semaphore, #tpu.memory_space<semaphore_mem>>, %arg32: memref<!tpu.dma_semaphore, #tpu.memory_space<semaphore_mem>>, %arg33: memref<!tpu.dma_semaphore, #tpu.memory_space<semaphore_mem>>, %arg34: memref<!tpu.dma_semaphore, #tpu.memory_space<semaphore_mem>>) attributes {dimension_semantics = [#tpu.dimension_semantics<core_parallel>, #tpu.dimension_semantics<subcore_parallel>], iteration_bounds = array<i64: 2, 16>, scalar_prefetch = 0 : i64, scratch_operands = 28 : i64, tpu.core_type = #tpu.core_type<sc_vector_subcore>, window_params = [{transform_indices = #map}, {transform_indices = #map1}, {transform_indices = #map1}, {transform_indices = #map}, {transform_indices = #map2}]} {
    %mul3A = arith.constant 2 : i32
    %mul3A_0 = arith.muli %arg1, %mul3A : i32
    %add3A = arith.addi %mul3A_0, %arg0 : i32
    %mul3A_1 = arith.constant 624 : i32
    %mul3A_2 = arith.muli %arg1, %mul3A_1 : i32
    %multiple_of3A = tpu.assume_multiple %mul3A_2, 8 : i32
    %lt3A = arith.constant 15 : i32
    %lt3A_3 = arith.cmpi slt, %arg1, %lt3A : i32
    %convert_element_type3A = arith.extui %lt3A_3 : i1 to i32
    %cond3A = arith.constant 0 : i32
    %cond3A_4 = arith.cmpi ne, %convert_element_type3A, %cond3A : i32
    scf.if %cond3A_4 {
      "tpu.region"() ({
        %run_scoped3A = tpu.sem_alloc : memref<!tpu.dma_semaphore, #tpu.memory_space<semaphore_mem>>
        %dma_start3A_160 = arith.constant 0 : i32
        %dma_start3A_161 = tpu.memref_slice %arg20[%multiple_of3A, %dma_start3A_160] : memref<10000x128xf32, #tpu.memory_space<vmem_shared>> -> memref<624x128xf32, #tpu.memory_space<vmem_shared>>
        %dma_start3A_162 = arith.constant 0 : i32
        %dma_start3A_163 = arith.constant 0 : i32
        %dma_start3A_164 = tpu.memref_slice %arg5[%dma_start3A_162, %dma_start3A_163] : memref<640x128xf32, #tpu.memory_space<hbm>> -> memref<624x128xf32, #tpu.memory_space<hbm>>
        tpu.enqueue_dma source(%dma_start3A_164 : memref<624x128xf32, #tpu.memory_space<hbm>>) target(%dma_start3A_161 : memref<624x128xf32, #tpu.memory_space<vmem_shared>>) target_semaphore(%run_scoped3A : memref<!tpu.dma_semaphore, #tpu.memory_space<semaphore_mem>>)
        %dma_wait3A_165 = arith.constant 0 : i32
        %dma_wait3A_166 = tpu.memref_slice %arg20[%multiple_of3A, %dma_wait3A_165] : memref<10000x128xf32, #tpu.memory_space<vmem_shared>> -> memref<624x128xf32, #tpu.memory_space<vmem_shared>>
        %dma_wait3A_167 = arith.constant 0 : i32
        %dma_wait3A_168 = arith.constant 0 : i32
        %dma_wait3A_169 = tpu.memref_slice %arg5[%dma_wait3A_167, %dma_wait3A_168] : memref<640x128xf32, #tpu.memory_space<hbm>> -> memref<624x128xf32, #tpu.memory_space<hbm>>
        tpu.wait_dma2 semaphore(%run_scoped3A : memref<!tpu.dma_semaphore, #tpu.memory_space<semaphore_mem>>) src(%dma_wait3A_169 : memref<624x128xf32, #tpu.memory_space<hbm>>) dst(%dma_wait3A_166 : memref<624x128xf32, #tpu.memory_space<vmem_shared>>)
        tpu.yield
      }) : () -> ()
    } else {
    }
    %eq3A = arith.constant 15 : i32
    %eq3A_5 = arith.cmpi eq, %arg1, %eq3A : i32
    %convert_element_type3A_6 = arith.extui %eq3A_5 : i1 to i32
    %cond3A_7 = arith.constant 0 : i32
    %cond3A_8 = arith.cmpi ne, %convert_element_type3A_6, %cond3A_7 : i32
    scf.if %cond3A_8 {
      "tpu.region"() ({
        %run_scoped3A = tpu.sem_alloc : memref<!tpu.dma_semaphore, #tpu.memory_space<semaphore_mem>>
        %dma_start3A_160 = arith.constant 9360 : i32
        %dma_start3A_161 = arith.constant 0 : i32
        %dma_start3A_162 = tpu.memref_slice %arg20[%dma_start3A_160, %dma_start3A_161] : memref<10000x128xf32, #tpu.memory_space<vmem_shared>> -> memref<640x128xf32, #tpu.memory_space<vmem_shared>>
        tpu.enqueue_dma source(%arg5 : memref<640x128xf32, #tpu.memory_space<hbm>>) target(%dma_start3A_162 : memref<640x128xf32, #tpu.memory_space<vmem_shared>>) target_semaphore(%run_scoped3A : memref<!tpu.dma_semaphore, #tpu.memory_space<semaphore_mem>>)
        %dma_wait3A_163 = arith.constant 9360 : i32
        %dma_wait3A_164 = arith.constant 0 : i32
        %dma_wait3A_165 = tpu.memref_slice %arg20[%dma_wait3A_163, %dma_wait3A_164] : memref<10000x128xf32, #tpu.memory_space<vmem_shared>> -> memref<640x128xf32, #tpu.memory_space<vmem_shared>>
        tpu.wait_dma2 semaphore(%run_scoped3A : memref<!tpu.dma_semaphore, #tpu.memory_space<semaphore_mem>>) src(%arg5 : memref<640x128xf32, #tpu.memory_space<hbm>>) dst(%dma_wait3A_165 : memref<640x128xf32, #tpu.memory_space<vmem_shared>>)
        tpu.yield
      }) : () -> ()
    } else {
    }
    %mul3A_9 = arith.constant 10000 : i32
    %mul3A_10 = arith.muli %add3A, %mul3A_9 : i32
    %add3A_11 = arith.constant 0 : i32
    %add3A_12 = arith.addi %mul3A_10, %add3A_11 : i32
    %multiple_of3A_13 = tpu.assume_multiple %add3A_12, 8 : i32
    %add3A_14 = arith.constant 0 : i32
    %add3A_15 = arith.addi %multiple_of3A_13, %add3A_14 : i32
    %multiple_of3A_16 = tpu.assume_multiple %add3A_15, 8 : i32
    %add3A_17 = arith.constant 40 : i32
    %add3A_18 = arith.addi %multiple_of3A_13, %add3A_17 : i32
    %multiple_of3A_19 = tpu.assume_multiple %add3A_18, 8 : i32
    %add3A_20 = arith.constant 80 : i32
    %add3A_21 = arith.addi %multiple_of3A_13, %add3A_20 : i32
    %multiple_of3A_22 = tpu.assume_multiple %add3A_21, 8 : i32
    %add3A_23 = arith.constant 120 : i32
    %add3A_24 = arith.addi %multiple_of3A_13, %add3A_23 : i32
    %multiple_of3A_25 = tpu.assume_multiple %add3A_24, 8 : i32
    %add3A_26 = arith.constant 160 : i32
    %add3A_27 = arith.addi %multiple_of3A_13, %add3A_26 : i32
    %multiple_of3A_28 = tpu.assume_multiple %add3A_27, 8 : i32
    %dma_start3A = tpu.memref_slice %arg3[%multiple_of3A_13] : memref<320000xi32, #tpu.memory_space<hbm>> -> memref<200xi32, #tpu.memory_space<hbm>>
    %dma_start3A_29 = tpu.memref_slice %arg3[%multiple_of3A_13] : memref<320000xi32, #tpu.memory_space<hbm>> -> memref<200xi32, #tpu.memory_space<hbm>>
    tpu.enqueue_dma source(%dma_start3A_29 : memref<200xi32, #tpu.memory_space<hbm>>) target(%arg7 : memref<200xi32, #tpu.memory_space<vmem>>) target_semaphore(%arg31 : memref<!tpu.dma_semaphore, #tpu.memory_space<semaphore_mem>>)
    %dma_start3A_30 = tpu.memref_slice %arg4[%multiple_of3A_16] : memref<320000xi32, #tpu.memory_space<hbm>> -> memref<40xi32, #tpu.memory_space<hbm>>
    %dma_start3A_31 = tpu.memref_slice %arg4[%multiple_of3A_16] : memref<320000xi32, #tpu.memory_space<hbm>> -> memref<40xi32, #tpu.memory_space<hbm>>
    tpu.enqueue_dma source(%dma_start3A_31 : memref<40xi32, #tpu.memory_space<hbm>>) target(%arg9 : memref<40xi32, #tpu.memory_space<vmem>>) target_semaphore(%arg33 : memref<!tpu.dma_semaphore, #tpu.memory_space<semaphore_mem>>)
    %dma_start3A_32 = tpu.memref_slice %arg4[%multiple_of3A_19] : memref<320000xi32, #tpu.memory_space<hbm>> -> memref<40xi32, #tpu.memory_space<hbm>>
    %dma_start3A_33 = tpu.memref_slice %arg4[%multiple_of3A_19] : memref<320000xi32, #tpu.memory_space<hbm>> -> memref<40xi32, #tpu.memory_space<hbm>>
    tpu.enqueue_dma source(%dma_start3A_33 : memref<40xi32, #tpu.memory_space<hbm>>) target(%arg10 : memref<40xi32, #tpu.memory_space<vmem>>) target_semaphore(%arg33 : memref<!tpu.dma_semaphore, #tpu.memory_space<semaphore_mem>>)
    %dma_start3A_34 = tpu.memref_slice %arg4[%multiple_of3A_22] : memref<320000xi32, #tpu.memory_space<hbm>> -> memref<40xi32, #tpu.memory_space<hbm>>
    %dma_start3A_35 = tpu.memref_slice %arg4[%multiple_of3A_22] : memref<320000xi32, #tpu.memory_space<hbm>> -> memref<40xi32, #tpu.memory_space<hbm>>
    tpu.enqueue_dma source(%dma_start3A_35 : memref<40xi32, #tpu.memory_space<hbm>>) target(%arg11 : memref<40xi32, #tpu.memory_space<vmem>>) target_semaphore(%arg33 : memref<!tpu.dma_semaphore, #tpu.memory_space<semaphore_mem>>)
    %dma_start3A_36 = tpu.memref_slice %arg4[%multiple_of3A_25] : memref<320000xi32, #tpu.memory_space<hbm>> -> memref<40xi32, #tpu.memory_space<hbm>>
    %dma_start3A_37 = tpu.memref_slice %arg4[%multiple_of3A_25] : memref<320000xi32, #tpu.memory_space<hbm>> -> memref<40xi32, #tpu.memory_space<hbm>>
    tpu.enqueue_dma source(%dma_start3A_37 : memref<40xi32, #tpu.memory_space<hbm>>) target(%arg12 : memref<40xi32, #tpu.memory_space<vmem>>) target_semaphore(%arg33 : memref<!tpu.dma_semaphore, #tpu.memory_space<semaphore_mem>>)
    %dma_start3A_38 = tpu.memref_slice %arg4[%multiple_of3A_28] : memref<320000xi32, #tpu.memory_space<hbm>> -> memref<40xi32, #tpu.memory_space<hbm>>
    %dma_start3A_39 = tpu.memref_slice %arg4[%multiple_of3A_28] : memref<320000xi32, #tpu.memory_space<hbm>> -> memref<40xi32, #tpu.memory_space<hbm>>
    tpu.enqueue_dma source(%dma_start3A_39 : memref<40xi32, #tpu.memory_space<hbm>>) target(%arg13 : memref<40xi32, #tpu.memory_space<vmem>>) target_semaphore(%arg33 : memref<!tpu.dma_semaphore, #tpu.memory_space<semaphore_mem>>)
    %mul3A_40 = arith.constant 10000 : i32
    %mul3A_41 = arith.muli %add3A, %mul3A_40 : i32
    %add3A_42 = arith.constant 0 : i32
    %add3A_43 = arith.addi %mul3A_41, %add3A_42 : i32
    %multiple_of3A_44 = tpu.assume_multiple %add3A_43, 8 : i32
    %add3A_45 = arith.constant 0 : i32
    %add3A_46 = arith.addi %multiple_of3A_44, %add3A_45 : i32
    %multiple_of3A_47 = tpu.assume_multiple %add3A_46, 8 : i32
    %add3A_48 = arith.constant 40 : i32
    %add3A_49 = arith.addi %multiple_of3A_44, %add3A_48 : i32
    %multiple_of3A_50 = tpu.assume_multiple %add3A_49, 8 : i32
    %add3A_51 = arith.constant 80 : i32
    %add3A_52 = arith.addi %multiple_of3A_44, %add3A_51 : i32
    %multiple_of3A_53 = tpu.assume_multiple %add3A_52, 8 : i32
    %add3A_54 = arith.constant 120 : i32
    %add3A_55 = arith.addi %multiple_of3A_44, %add3A_54 : i32
    %multiple_of3A_56 = tpu.assume_multiple %add3A_55, 8 : i32
    %add3A_57 = arith.constant 160 : i32
    %add3A_58 = arith.addi %multiple_of3A_44, %add3A_57 : i32
    %multiple_of3A_59 = tpu.assume_multiple %add3A_58, 8 : i32
    %dma_wait3A = tpu.memref_slice %arg3[%multiple_of3A_44] : memref<320000xi32, #tpu.memory_space<hbm>> -> memref<200xi32, #tpu.memory_space<hbm>>
    %dma_wait3A_60 = tpu.memref_slice %arg3[%multiple_of3A_44] : memref<320000xi32, #tpu.memory_space<hbm>> -> memref<200xi32, #tpu.memory_space<hbm>>
    tpu.wait_dma2 semaphore(%arg31 : memref<!tpu.dma_semaphore, #tpu.memory_space<semaphore_mem>>) src(%dma_wait3A_60 : memref<200xi32, #tpu.memory_space<hbm>>) dst(%arg7 : memref<200xi32, #tpu.memory_space<vmem>>)
    %dma_wait3A_61 = tpu.memref_slice %arg4[%multiple_of3A_47] : memref<320000xi32, #tpu.memory_space<hbm>> -> memref<40xi32, #tpu.memory_space<hbm>>
    %dma_wait3A_62 = tpu.memref_slice %arg4[%multiple_of3A_47] : memref<320000xi32, #tpu.memory_space<hbm>> -> memref<40xi32, #tpu.memory_space<hbm>>
    tpu.wait_dma2 semaphore(%arg33 : memref<!tpu.dma_semaphore, #tpu.memory_space<semaphore_mem>>) src(%dma_wait3A_62 : memref<40xi32, #tpu.memory_space<hbm>>) dst(%arg9 : memref<40xi32, #tpu.memory_space<vmem>>)
    %dma_wait3A_63 = tpu.memref_slice %arg4[%multiple_of3A_50] : memref<320000xi32, #tpu.memory_space<hbm>> -> memref<40xi32, #tpu.memory_space<hbm>>
    %dma_wait3A_64 = tpu.memref_slice %arg4[%multiple_of3A_50] : memref<320000xi32, #tpu.memory_space<hbm>> -> memref<40xi32, #tpu.memory_space<hbm>>
    tpu.wait_dma2 semaphore(%arg33 : memref<!tpu.dma_semaphore, #tpu.memory_space<semaphore_mem>>) src(%dma_wait3A_64 : memref<40xi32, #tpu.memory_space<hbm>>) dst(%arg10 : memref<40xi32, #tpu.memory_space<vmem>>)
    %dma_wait3A_65 = tpu.memref_slice %arg4[%multiple_of3A_53] : memref<320000xi32, #tpu.memory_space<hbm>> -> memref<40xi32, #tpu.memory_space<hbm>>
    %dma_wait3A_66 = tpu.memref_slice %arg4[%multiple_of3A_53] : memref<320000xi32, #tpu.memory_space<hbm>> -> memref<40xi32, #tpu.memory_space<hbm>>
    tpu.wait_dma2 semaphore(%arg33 : memref<!tpu.dma_semaphore, #tpu.memory_space<semaphore_mem>>) src(%dma_wait3A_66 : memref<40xi32, #tpu.memory_space<hbm>>) dst(%arg11 : memref<40xi32, #tpu.memory_space<vmem>>)
    %dma_wait3A_67 = tpu.memref_slice %arg4[%multiple_of3A_56] : memref<320000xi32, #tpu.memory_space<hbm>> -> memref<40xi32, #tpu.memory_space<hbm>>
    %dma_wait3A_68 = tpu.memref_slice %arg4[%multiple_of3A_56] : memref<320000xi32, #tpu.memory_space<hbm>> -> memref<40xi32, #tpu.memory_space<hbm>>
    tpu.wait_dma2 semaphore(%arg33 : memref<!tpu.dma_semaphore, #tpu.memory_space<semaphore_mem>>) src(%dma_wait3A_68 : memref<40xi32, #tpu.memory_space<hbm>>) dst(%arg12 : memref<40xi32, #tpu.memory_space<vmem>>)
    %dma_wait3A_69 = tpu.memref_slice %arg4[%multiple_of3A_59] : memref<320000xi32, #tpu.memory_space<hbm>> -> memref<40xi32, #tpu.memory_space<hbm>>
    %dma_wait3A_70 = tpu.memref_slice %arg4[%multiple_of3A_59] : memref<320000xi32, #tpu.memory_space<hbm>> -> memref<40xi32, #tpu.memory_space<hbm>>
    tpu.wait_dma2 semaphore(%arg33 : memref<!tpu.dma_semaphore, #tpu.memory_space<semaphore_mem>>) src(%dma_wait3A_70 : memref<40xi32, #tpu.memory_space<hbm>>) dst(%arg13 : memref<40xi32, #tpu.memory_space<vmem>>)
    %barrier3A = arith.constant 0 : index
    tpu.barrier barrier_id(%barrier3A)
    %dma_start3A_71 = arith.constant 0 : i32
    %dma_start3A_72 = arith.constant 0 : i32
    %dma_start3A_73 = tpu.memref_slice %arg19[%dma_start3A_71, %dma_start3A_72] : memref<200x128xf32, #tpu.memory_space<vmem>> -> memref<40x128xf32, #tpu.memory_space<vmem>>
    %dma_start3A_74 = arith.constant 0 : i32
    %dma_start3A_75 = tpu.memref_slice %arg7[%dma_start3A_74] : memref<200xi32, #tpu.memory_space<vmem>> -> memref<40xi32, #tpu.memory_space<vmem>>
    %dma_start3A_76 = arith.constant 0 : i32
    %dma_start3A_77 = arith.constant 0 : i32
    %dma_start3A_78 = tpu.memref_slice %arg2[%dma_start3A_76, %dma_start3A_77] : memref<10000x128xf32, #tpu.memory_space<hbm>> -> memref<10000x128xf32, #tpu.memory_space<hbm>>
    tpu.enqueue_indirect_dma source(%dma_start3A_78 : memref<10000x128xf32, #tpu.memory_space<hbm>>) target(%dma_start3A_73 : memref<40x128xf32, #tpu.memory_space<vmem>>) offsets(%dma_start3A_75 : memref<40xi32, #tpu.memory_space<vmem>>) semaphore(%arg21 : memref<!tpu.dma_semaphore, #tpu.memory_space<semaphore_mem>>)
    %dma_start3A_79 = arith.constant 40 : i32
    %dma_start3A_80 = arith.constant 0 : i32
    %dma_start3A_81 = tpu.memref_slice %arg19[%dma_start3A_79, %dma_start3A_80] : memref<200x128xf32, #tpu.memory_space<vmem>> -> memref<40x128xf32, #tpu.memory_space<vmem>>
    %dma_start3A_82 = arith.constant 40 : i32
    %dma_start3A_83 = tpu.memref_slice %arg7[%dma_start3A_82] : memref<200xi32, #tpu.memory_space<vmem>> -> memref<40xi32, #tpu.memory_space<vmem>>
    %dma_start3A_84 = arith.constant 0 : i32
    %dma_start3A_85 = arith.constant 0 : i32
    %dma_start3A_86 = tpu.memref_slice %arg2[%dma_start3A_84, %dma_start3A_85] : memref<10000x128xf32, #tpu.memory_space<hbm>> -> memref<10000x128xf32, #tpu.memory_space<hbm>>
    tpu.enqueue_indirect_dma source(%dma_start3A_86 : memref<10000x128xf32, #tpu.memory_space<hbm>>) target(%dma_start3A_81 : memref<40x128xf32, #tpu.memory_space<vmem>>) offsets(%dma_start3A_83 : memref<40xi32, #tpu.memory_space<vmem>>) semaphore(%arg22 : memref<!tpu.dma_semaphore, #tpu.memory_space<semaphore_mem>>)
    %dma_start3A_87 = arith.constant 80 : i32
    %dma_start3A_88 = arith.constant 0 : i32
    %dma_start3A_89 = tpu.memref_slice %arg19[%dma_start3A_87, %dma_start3A_88] : memref<200x128xf32, #tpu.memory_space<vmem>> -> memref<40x128xf32, #tpu.memory_space<vmem>>
    %dma_start3A_90 = arith.constant 80 : i32
    %dma_start3A_91 = tpu.memref_slice %arg7[%dma_start3A_90] : memref<200xi32, #tpu.memory_space<vmem>> -> memref<40xi32, #tpu.memory_space<vmem>>
    %dma_start3A_92 = arith.constant 0 : i32
    %dma_start3A_93 = arith.constant 0 : i32
    %dma_start3A_94 = tpu.memref_slice %arg2[%dma_start3A_92, %dma_start3A_93] : memref<10000x128xf32, #tpu.memory_space<hbm>> -> memref<10000x128xf32, #tpu.memory_space<hbm>>
    tpu.enqueue_indirect_dma source(%dma_start3A_94 : memref<10000x128xf32, #tpu.memory_space<hbm>>) target(%dma_start3A_89 : memref<40x128xf32, #tpu.memory_space<vmem>>) offsets(%dma_start3A_91 : memref<40xi32, #tpu.memory_space<vmem>>) semaphore(%arg23 : memref<!tpu.dma_semaphore, #tpu.memory_space<semaphore_mem>>)
    %dma_start3A_95 = arith.constant 120 : i32
    %dma_start3A_96 = arith.constant 0 : i32
    %dma_start3A_97 = tpu.memref_slice %arg19[%dma_start3A_95, %dma_start3A_96] : memref<200x128xf32, #tpu.memory_space<vmem>> -> memref<40x128xf32, #tpu.memory_space<vmem>>
    %dma_start3A_98 = arith.constant 120 : i32
    %dma_start3A_99 = tpu.memref_slice %arg7[%dma_start3A_98] : memref<200xi32, #tpu.memory_space<vmem>> -> memref<40xi32, #tpu.memory_space<vmem>>
    %dma_start3A_100 = arith.constant 0 : i32
    %dma_start3A_101 = arith.constant 0 : i32
    %dma_start3A_102 = tpu.memref_slice %arg2[%dma_start3A_100, %dma_start3A_101] : memref<10000x128xf32, #tpu.memory_space<hbm>> -> memref<10000x128xf32, #tpu.memory_space<hbm>>
    tpu.enqueue_indirect_dma source(%dma_start3A_102 : memref<10000x128xf32, #tpu.memory_space<hbm>>) target(%dma_start3A_97 : memref<40x128xf32, #tpu.memory_space<vmem>>) offsets(%dma_start3A_99 : memref<40xi32, #tpu.memory_space<vmem>>) semaphore(%arg24 : memref<!tpu.dma_semaphore, #tpu.memory_space<semaphore_mem>>)
    %dma_start3A_103 = arith.constant 160 : i32
    %dma_start3A_104 = arith.constant 0 : i32
    %dma_start3A_105 = tpu.memref_slice %arg19[%dma_start3A_103, %dma_start3A_104] : memref<200x128xf32, #tpu.memory_space<vmem>> -> memref<40x128xf32, #tpu.memory_space<vmem>>
    %dma_start3A_106 = arith.constant 160 : i32
    %dma_start3A_107 = tpu.memref_slice %arg7[%dma_start3A_106] : memref<200xi32, #tpu.memory_space<vmem>> -> memref<40xi32, #tpu.memory_space<vmem>>
    %dma_start3A_108 = arith.constant 0 : i32
    %dma_start3A_109 = arith.constant 0 : i32
    %dma_start3A_110 = tpu.memref_slice %arg2[%dma_start3A_108, %dma_start3A_109] : memref<10000x128xf32, #tpu.memory_space<hbm>> -> memref<10000x128xf32, #tpu.memory_space<hbm>>
    tpu.enqueue_indirect_dma source(%dma_start3A_110 : memref<10000x128xf32, #tpu.memory_space<hbm>>) target(%dma_start3A_105 : memref<40x128xf32, #tpu.memory_space<vmem>>) offsets(%dma_start3A_107 : memref<40xi32, #tpu.memory_space<vmem>>) semaphore(%arg25 : memref<!tpu.dma_semaphore, #tpu.memory_space<semaphore_mem>>)
    %scan3A = arith.constant 0 : i32
    %scan3A_111 = arith.constant 0 : i32
    %scan3A_112 = arith.constant 25 : i32
    %scan3A_113 = arith.addi %scan3A_111, %scan3A_112 : i32
    %scan3A_114 = arith.constant 1 : i32
    scf.for %scan3A_160 = %scan3A_111 to %scan3A_113 step %scan3A_114  : i32 {
      %mul3A_161 = arith.constant 2 : i32
      %mul3A_162 = arith.muli %mul3A_161, %scan3A_160 : i32
      %lt3A_163 = arith.constant 49 : i32
      %lt3A_164 = arith.cmpi slt, %mul3A_162, %lt3A_163 : i32
      %convert_element_type3A_165 = arith.extui %lt3A_164 : i1 to i32
      %cond3A_166 = arith.constant 0 : i32
      %cond3A_167 = arith.cmpi ne, %convert_element_type3A_165, %cond3A_166 : i32
      scf.if %cond3A_167 {
        %add3A_327 = arith.constant 1 : i32
        %add3A_328 = arith.addi %mul3A_162, %add3A_327 : i32
        %mul3A_329 = arith.constant 10000 : i32
        %mul3A_330 = arith.muli %add3A, %mul3A_329 : i32
        %mul3A_331 = arith.constant 200 : i32
        %mul3A_332 = arith.muli %add3A_328, %mul3A_331 : i32
        %add3A_333 = arith.addi %mul3A_330, %mul3A_332 : i32
        %multiple_of3A_334 = tpu.assume_multiple %add3A_333, 8 : i32
        %add3A_335 = arith.constant 0 : i32
        %add3A_336 = arith.addi %multiple_of3A_334, %add3A_335 : i32
        %multiple_of3A_337 = tpu.assume_multiple %add3A_336, 8 : i32
        %add3A_338 = arith.constant 40 : i32
        %add3A_339 = arith.addi %multiple_of3A_334, %add3A_338 : i32
        %multiple_of3A_340 = tpu.assume_multiple %add3A_339, 8 : i32
        %add3A_341 = arith.constant 80 : i32
        %add3A_342 = arith.addi %multiple_of3A_334, %add3A_341 : i32
        %multiple_of3A_343 = tpu.assume_multiple %add3A_342, 8 : i32
        %add3A_344 = arith.constant 120 : i32
        %add3A_345 = arith.addi %multiple_of3A_334, %add3A_344 : i32
        %multiple_of3A_346 = tpu.assume_multiple %add3A_345, 8 : i32
        %add3A_347 = arith.constant 160 : i32
        %add3A_348 = arith.addi %multiple_of3A_334, %add3A_347 : i32
        %multiple_of3A_349 = tpu.assume_multiple %add3A_348, 8 : i32
        %dma_start3A_350 = tpu.memref_slice %arg3[%multiple_of3A_334] : memref<320000xi32, #tpu.memory_space<hbm>> -> memref<200xi32, #tpu.memory_space<hbm>>
        %dma_start3A_351 = tpu.memref_slice %arg3[%multiple_of3A_334] : memref<320000xi32, #tpu.memory_space<hbm>> -> memref<200xi32, #tpu.memory_space<hbm>>
        tpu.enqueue_dma source(%dma_start3A_351 : memref<200xi32, #tpu.memory_space<hbm>>) target(%arg8 : memref<200xi32, #tpu.memory_space<vmem>>) target_semaphore(%arg32 : memref<!tpu.dma_semaphore, #tpu.memory_space<semaphore_mem>>)
        %dma_start3A_352 = tpu.memref_slice %arg4[%multiple_of3A_337] : memref<320000xi32, #tpu.memory_space<hbm>> -> memref<40xi32, #tpu.memory_space<hbm>>
        %dma_start3A_353 = tpu.memref_slice %arg4[%multiple_of3A_337] : memref<320000xi32, #tpu.memory_space<hbm>> -> memref<40xi32, #tpu.memory_space<hbm>>
        tpu.enqueue_dma source(%dma_start3A_353 : memref<40xi32, #tpu.memory_space<hbm>>) target(%arg14 : memref<40xi32, #tpu.memory_space<vmem>>) target_semaphore(%arg34 : memref<!tpu.dma_semaphore, #tpu.memory_space<semaphore_mem>>)
        %dma_start3A_354 = tpu.memref_slice %arg4[%multiple_of3A_340] : memref<320000xi32, #tpu.memory_space<hbm>> -> memref<40xi32, #tpu.memory_space<hbm>>
        %dma_start3A_355 = tpu.memref_slice %arg4[%multiple_of3A_340] : memref<320000xi32, #tpu.memory_space<hbm>> -> memref<40xi32, #tpu.memory_space<hbm>>
        tpu.enqueue_dma source(%dma_start3A_355 : memref<40xi32, #tpu.memory_space<hbm>>) target(%arg15 : memref<40xi32, #tpu.memory_space<vmem>>) target_semaphore(%arg34 : memref<!tpu.dma_semaphore, #tpu.memory_space<semaphore_mem>>)
        %dma_start3A_356 = tpu.memref_slice %arg4[%multiple_of3A_343] : memref<320000xi32, #tpu.memory_space<hbm>> -> memref<40xi32, #tpu.memory_space<hbm>>
        %dma_start3A_357 = tpu.memref_slice %arg4[%multiple_of3A_343] : memref<320000xi32, #tpu.memory_space<hbm>> -> memref<40xi32, #tpu.memory_space<hbm>>
        tpu.enqueue_dma source(%dma_start3A_357 : memref<40xi32, #tpu.memory_space<hbm>>) target(%arg16 : memref<40xi32, #tpu.memory_space<vmem>>) target_semaphore(%arg34 : memref<!tpu.dma_semaphore, #tpu.memory_space<semaphore_mem>>)
        %dma_start3A_358 = tpu.memref_slice %arg4[%multiple_of3A_346] : memref<320000xi32, #tpu.memory_space<hbm>> -> memref<40xi32, #tpu.memory_space<hbm>>
        %dma_start3A_359 = tpu.memref_slice %arg4[%multiple_of3A_346] : memref<320000xi32, #tpu.memory_space<hbm>> -> memref<40xi32, #tpu.memory_space<hbm>>
        tpu.enqueue_dma source(%dma_start3A_359 : memref<40xi32, #tpu.memory_space<hbm>>) target(%arg17 : memref<40xi32, #tpu.memory_space<vmem>>) target_semaphore(%arg34 : memref<!tpu.dma_semaphore, #tpu.memory_space<semaphore_mem>>)
        %dma_start3A_360 = tpu.memref_slice %arg4[%multiple_of3A_349] : memref<320000xi32, #tpu.memory_space<hbm>> -> memref<40xi32, #tpu.memory_space<hbm>>
        %dma_start3A_361 = tpu.memref_slice %arg4[%multiple_of3A_349] : memref<320000xi32, #tpu.memory_space<hbm>> -> memref<40xi32, #tpu.memory_space<hbm>>
        tpu.enqueue_dma source(%dma_start3A_361 : memref<40xi32, #tpu.memory_space<hbm>>) target(%arg18 : memref<40xi32, #tpu.memory_space<vmem>>) target_semaphore(%arg34 : memref<!tpu.dma_semaphore, #tpu.memory_space<semaphore_mem>>)
      } else {
      }
      %dma_wait3A_168 = arith.constant 0 : i32
      %dma_wait3A_169 = arith.constant 0 : i32
      %dma_wait3A_170 = tpu.memref_slice %arg19[%dma_wait3A_168, %dma_wait3A_169] : memref<200x128xf32, #tpu.memory_space<vmem>> -> memref<40x128xf32, #tpu.memory_space<vmem>>
      %dma_wait3A_171 = arith.constant 0 : i32
      %dma_wait3A_172 = tpu.memref_slice %arg7[%dma_wait3A_171] : memref<200xi32, #tpu.memory_space<vmem>> -> memref<40xi32, #tpu.memory_space<vmem>>
      %dma_wait3A_173 = arith.constant 0 : i32
      %dma_wait3A_174 = arith.constant 0 : i32
      %dma_wait3A_175 = tpu.memref_slice %arg2[%dma_wait3A_173, %dma_wait3A_174] : memref<10000x128xf32, #tpu.memory_space<hbm>> -> memref<10000x128xf32, #tpu.memory_space<hbm>>
      tpu.wait_indirect_dma semaphore(%arg21 : memref<!tpu.dma_semaphore, #tpu.memory_space<semaphore_mem>>) src(%dma_wait3A_175 : memref<10000x128xf32, #tpu.memory_space<hbm>>) dst(%dma_wait3A_170 : memref<40x128xf32, #tpu.memory_space<vmem>>)
      %dma_start3A_176 = arith.constant 0 : i32
      %dma_start3A_177 = arith.constant 0 : i32
      %dma_start3A_178 = tpu.memref_slice %arg19[%dma_start3A_176, %dma_start3A_177] : memref<200x128xf32, #tpu.memory_space<vmem>> -> memref<40x128xf32, #tpu.memory_space<vmem>>
      %dma_start3A_179 = arith.constant 0 : i32
      %dma_start3A_180 = arith.constant 0 : i32
      %dma_start3A_181 = tpu.memref_slice %arg20[%dma_start3A_179, %dma_start3A_180] : memref<10000x128xf32, #tpu.memory_space<vmem_shared>> -> memref<10000x128xf32, #tpu.memory_space<vmem_shared>>
      tpu.enqueue_indirect_dma source(%dma_start3A_178 : memref<40x128xf32, #tpu.memory_space<vmem>>) target(%dma_start3A_181 : memref<10000x128xf32, #tpu.memory_space<vmem_shared>>) offsets(%arg9 : memref<40xi32, #tpu.memory_space<vmem>>) semaphore(%arg26 : memref<!tpu.dma_semaphore, #tpu.memory_space<semaphore_mem>>) {add = true}
      %dma_wait3A_182 = arith.constant 40 : i32
      %dma_wait3A_183 = arith.constant 0 : i32
      %dma_wait3A_184 = tpu.memref_slice %arg19[%dma_wait3A_182, %dma_wait3A_183] : memref<200x128xf32, #tpu.memory_space<vmem>> -> memref<40x128xf32, #tpu.memory_space<vmem>>
      %dma_wait3A_185 = arith.constant 40 : i32
      %dma_wait3A_186 = tpu.memref_slice %arg7[%dma_wait3A_185] : memref<200xi32, #tpu.memory_space<vmem>> -> memref<40xi32, #tpu.memory_space<vmem>>
      %dma_wait3A_187 = arith.constant 0 : i32
      %dma_wait3A_188 = arith.constant 0 : i32
      %dma_wait3A_189 = tpu.memref_slice %arg2[%dma_wait3A_187, %dma_wait3A_188] : memref<10000x128xf32, #tpu.memory_space<hbm>> -> memref<10000x128xf32, #tpu.memory_space<hbm>>
      tpu.wait_indirect_dma semaphore(%arg22 : memref<!tpu.dma_semaphore, #tpu.memory_space<semaphore_mem>>) src(%dma_wait3A_189 : memref<10000x128xf32, #tpu.memory_space<hbm>>) dst(%dma_wait3A_184 : memref<40x128xf32, #tpu.memory_space<vmem>>)
      %dma_start3A_190 = arith.constant 40 : i32
      %dma_start3A_191 = arith.constant 0 : i32
      %dma_start3A_192 = tpu.memref_slice %arg19[%dma_start3A_190, %dma_start3A_191] : memref<200x128xf32, #tpu.memory_space<vmem>> -> memref<40x128xf32, #tpu.memory_space<vmem>>
      %dma_start3A_193 = arith.constant 0 : i32
      %dma_start3A_194 = arith.constant 0 : i32
      %dma_start3A_195 = tpu.memref_slice %arg20[%dma_start3A_193, %dma_start3A_194] : memref<10000x128xf32, #tpu.memory_space<vmem_shared>> -> memref<10000x128xf32, #tpu.memory_space<vmem_shared>>
      tpu.enqueue_indirect_dma source(%dma_start3A_192 : memref<40x128xf32, #tpu.memory_space<vmem>>) target(%dma_start3A_195 : memref<10000x128xf32, #tpu.memory_space<vmem_shared>>) offsets(%arg10 : memref<40xi32, #tpu.memory_space<vmem>>) semaphore(%arg27 : memref<!tpu.dma_semaphore, #tpu.memory_space<semaphore_mem>>) {add = true}
      %dma_wait3A_196 = arith.constant 80 : i32
      %dma_wait3A_197 = arith.constant 0 : i32
      %dma_wait3A_198 = tpu.memref_slice %arg19[%dma_wait3A_196, %dma_wait3A_197] : memref<200x128xf32, #tpu.memory_space<vmem>> -> memref<40x128xf32, #tpu.memory_space<vmem>>
      %dma_wait3A_199 = arith.constant 80 : i32
      %dma_wait3A_200 = tpu.memref_slice %arg7[%dma_wait3A_199] : memref<200xi32, #tpu.memory_space<vmem>> -> memref<40xi32, #tpu.memory_space<vmem>>
      %dma_wait3A_201 = arith.constant 0 : i32
      %dma_wait3A_202 = arith.constant 0 : i32
      %dma_wait3A_203 = tpu.memref_slice %arg2[%dma_wait3A_201, %dma_wait3A_202] : memref<10000x128xf32, #tpu.memory_space<hbm>> -> memref<10000x128xf32, #tpu.memory_space<hbm>>
      tpu.wait_indirect_dma semaphore(%arg23 : memref<!tpu.dma_semaphore, #tpu.memory_space<semaphore_mem>>) src(%dma_wait3A_203 : memref<10000x128xf32, #tpu.memory_space<hbm>>) dst(%dma_wait3A_198 : memref<40x128xf32, #tpu.memory_space<vmem>>)
      %dma_start3A_204 = arith.constant 80 : i32
      %dma_start3A_205 = arith.constant 0 : i32
      %dma_start3A_206 = tpu.memref_slice %arg19[%dma_start3A_204, %dma_start3A_205] : memref<200x128xf32, #tpu.memory_space<vmem>> -> memref<40x128xf32, #tpu.memory_space<vmem>>
      %dma_start3A_207 = arith.constant 0 : i32
      %dma_start3A_208 = arith.constant 0 : i32
      %dma_start3A_209 = tpu.memref_slice %arg20[%dma_start3A_207, %dma_start3A_208] : memref<10000x128xf32, #tpu.memory_space<vmem_shared>> -> memref<10000x128xf32, #tpu.memory_space<vmem_shared>>
      tpu.enqueue_indirect_dma source(%dma_start3A_206 : memref<40x128xf32, #tpu.memory_space<vmem>>) target(%dma_start3A_209 : memref<10000x128xf32, #tpu.memory_space<vmem_shared>>) offsets(%arg11 : memref<40xi32, #tpu.memory_space<vmem>>) semaphore(%arg28 : memref<!tpu.dma_semaphore, #tpu.memory_space<semaphore_mem>>) {add = true}
      %dma_wait3A_210 = arith.constant 120 : i32
      %dma_wait3A_211 = arith.constant 0 : i32
      %dma_wait3A_212 = tpu.memref_slice %arg19[%dma_wait3A_210, %dma_wait3A_211] : memref<200x128xf32, #tpu.memory_space<vmem>> -> memref<40x128xf32, #tpu.memory_space<vmem>>
      %dma_wait3A_213 = arith.constant 120 : i32
      %dma_wait3A_214 = tpu.memref_slice %arg7[%dma_wait3A_213] : memref<200xi32, #tpu.memory_space<vmem>> -> memref<40xi32, #tpu.memory_space<vmem>>
      %dma_wait3A_215 = arith.constant 0 : i32
      %dma_wait3A_216 = arith.constant 0 : i32
      %dma_wait3A_217 = tpu.memref_slice %arg2[%dma_wait3A_215, %dma_wait3A_216] : memref<10000x128xf32, #tpu.memory_space<hbm>> -> memref<10000x128xf32, #tpu.memory_space<hbm>>
      tpu.wait_indirect_dma semaphore(%arg24 : memref<!tpu.dma_semaphore, #tpu.memory_space<semaphore_mem>>) src(%dma_wait3A_217 : memref<10000x128xf32, #tpu.memory_space<hbm>>) dst(%dma_wait3A_212 : memref<40x128xf32, #tpu.memory_space<vmem>>)
      %dma_start3A_218 = arith.constant 120 : i32
      %dma_start3A_219 = arith.constant 0 : i32
      %dma_start3A_220 = tpu.memref_slice %arg19[%dma_start3A_218, %dma_start3A_219] : memref<200x128xf32, #tpu.memory_space<vmem>> -> memref<40x128xf32, #tpu.memory_space<vmem>>
      %dma_start3A_221 = arith.constant 0 : i32
      %dma_start3A_222 = arith.constant 0 : i32
      %dma_start3A_223 = tpu.memref_slice %arg20[%dma_start3A_221, %dma_start3A_222] : memref<10000x128xf32, #tpu.memory_space<vmem_shared>> -> memref<10000x128xf32, #tpu.memory_space<vmem_shared>>
      tpu.enqueue_indirect_dma source(%dma_start3A_220 : memref<40x128xf32, #tpu.memory_space<vmem>>) target(%dma_start3A_223 : memref<10000x128xf32, #tpu.memory_space<vmem_shared>>) offsets(%arg12 : memref<40xi32, #tpu.memory_space<vmem>>) semaphore(%arg29 : memref<!tpu.dma_semaphore, #tpu.memory_space<semaphore_mem>>) {add = true}
      %dma_wait3A_224 = arith.constant 160 : i32
      %dma_wait3A_225 = arith.constant 0 : i32
      %dma_wait3A_226 = tpu.memref_slice %arg19[%dma_wait3A_224, %dma_wait3A_225] : memref<200x128xf32, #tpu.memory_space<vmem>> -> memref<40x128xf32, #tpu.memory_space<vmem>>
      %dma_wait3A_227 = arith.constant 160 : i32
      %dma_wait3A_228 = tpu.memref_slice %arg7[%dma_wait3A_227] : memref<200xi32, #tpu.memory_space<vmem>> -> memref<40xi32, #tpu.memory_space<vmem>>
      %dma_wait3A_229 = arith.constant 0 : i32
      %dma_wait3A_230 = arith.constant 0 : i32
      %dma_wait3A_231 = tpu.memref_slice %arg2[%dma_wait3A_229, %dma_wait3A_230] : memref<10000x128xf32, #tpu.memory_space<hbm>> -> memref<10000x128xf32, #tpu.memory_space<hbm>>
      tpu.wait_indirect_dma semaphore(%arg25 : memref<!tpu.dma_semaphore, #tpu.memory_space<semaphore_mem>>) src(%dma_wait3A_231 : memref<10000x128xf32, #tpu.memory_space<hbm>>) dst(%dma_wait3A_226 : memref<40x128xf32, #tpu.memory_space<vmem>>)
      %dma_start3A_232 = arith.constant 160 : i32
      %dma_start3A_233 = arith.constant 0 : i32
      %dma_start3A_234 = tpu.memref_slice %arg19[%dma_start3A_232, %dma_start3A_233] : memref<200x128xf32, #tpu.memory_space<vmem>> -> memref<40x128xf32, #tpu.memory_space<vmem>>
      %dma_start3A_235 = arith.constant 0 : i32
      %dma_start3A_236 = arith.constant 0 : i32
      %dma_start3A_237 = tpu.memref_slice %arg20[%dma_start3A_235, %dma_start3A_236] : memref<10000x128xf32, #tpu.memory_space<vmem_shared>> -> memref<10000x128xf32, #tpu.memory_space<vmem_shared>>
      tpu.enqueue_indirect_dma source(%dma_start3A_234 : memref<40x128xf32, #tpu.memory_space<vmem>>) target(%dma_start3A_237 : memref<10000x128xf32, #tpu.memory_space<vmem_shared>>) offsets(%arg13 : memref<40xi32, #tpu.memory_space<vmem>>) semaphore(%arg30 : memref<!tpu.dma_semaphore, #tpu.memory_space<semaphore_mem>>) {add = true}
      %lt3A_238 = arith.constant 49 : i32
      %lt3A_239 = arith.cmpi slt, %mul3A_162, %lt3A_238 : i32
      %convert_element_type3A_240 = arith.extui %lt3A_239 : i1 to i32
      %cond3A_241 = arith.constant 0 : i32
      %cond3A_242 = arith.cmpi ne, %convert_element_type3A_240, %cond3A_241 : i32
      scf.if %cond3A_242 {
        %add3A_327 = arith.constant 1 : i32
        %add3A_328 = arith.addi %mul3A_162, %add3A_327 : i32
        %mul3A_329 = arith.constant 10000 : i32
        %mul3A_330 = arith.muli %add3A, %mul3A_329 : i32
        %mul3A_331 = arith.constant 200 : i32
        %mul3A_332 = arith.muli %add3A_328, %mul3A_331 : i32
        %add3A_333 = arith.addi %mul3A_330, %mul3A_332 : i32
        %multiple_of3A_334 = tpu.assume_multiple %add3A_333, 8 : i32
        %add3A_335 = arith.constant 0 : i32
        %add3A_336 = arith.addi %multiple_of3A_334, %add3A_335 : i32
        %multiple_of3A_337 = tpu.assume_multiple %add3A_336, 8 : i32
        %add3A_338 = arith.constant 40 : i32
        %add3A_339 = arith.addi %multiple_of3A_334, %add3A_338 : i32
        %multiple_of3A_340 = tpu.assume_multiple %add3A_339, 8 : i32
        %add3A_341 = arith.constant 80 : i32
        %add3A_342 = arith.addi %multiple_of3A_334, %add3A_341 : i32
        %multiple_of3A_343 = tpu.assume_multiple %add3A_342, 8 : i32
        %add3A_344 = arith.constant 120 : i32
        %add3A_345 = arith.addi %multiple_of3A_334, %add3A_344 : i32
        %multiple_of3A_346 = tpu.assume_multiple %add3A_345, 8 : i32
        %add3A_347 = arith.constant 160 : i32
        %add3A_348 = arith.addi %multiple_of3A_334, %add3A_347 : i32
        %multiple_of3A_349 = tpu.assume_multiple %add3A_348, 8 : i32
        %dma_wait3A_350 = tpu.memref_slice %arg3[%multiple_of3A_334] : memref<320000xi32, #tpu.memory_space<hbm>> -> memref<200xi32, #tpu.memory_space<hbm>>
        %dma_wait3A_351 = tpu.memref_slice %arg3[%multiple_of3A_334] : memref<320000xi32, #tpu.memory_space<hbm>> -> memref<200xi32, #tpu.memory_space<hbm>>
        tpu.wait_dma2 semaphore(%arg32 : memref<!tpu.dma_semaphore, #tpu.memory_space<semaphore_mem>>) src(%dma_wait3A_351 : memref<200xi32, #tpu.memory_space<hbm>>) dst(%arg8 : memref<200xi32, #tpu.memory_space<vmem>>)
        %dma_wait3A_352 = tpu.memref_slice %arg4[%multiple_of3A_337] : memref<320000xi32, #tpu.memory_space<hbm>> -> memref<40xi32, #tpu.memory_space<hbm>>
        %dma_wait3A_353 = tpu.memref_slice %arg4[%multiple_of3A_337] : memref<320000xi32, #tpu.memory_space<hbm>> -> memref<40xi32, #tpu.memory_space<hbm>>
        tpu.wait_dma2 semaphore(%arg34 : memref<!tpu.dma_semaphore, #tpu.memory_space<semaphore_mem>>) src(%dma_wait3A_353 : memref<40xi32, #tpu.memory_space<hbm>>) dst(%arg14 : memref<40xi32, #tpu.memory_space<vmem>>)
        %dma_wait3A_354 = tpu.memref_slice %arg4[%multiple_of3A_340] : memref<320000xi32, #tpu.memory_space<hbm>> -> memref<40xi32, #tpu.memory_space<hbm>>
        %dma_wait3A_355 = tpu.memref_slice %arg4[%multiple_of3A_340] : memref<320000xi32, #tpu.memory_space<hbm>> -> memref<40xi32, #tpu.memory_space<hbm>>
        tpu.wait_dma2 semaphore(%arg34 : memref<!tpu.dma_semaphore, #tpu.memory_space<semaphore_mem>>) src(%dma_wait3A_355 : memref<40xi32, #tpu.memory_space<hbm>>) dst(%arg15 : memref<40xi32, #tpu.memory_space<vmem>>)
        %dma_wait3A_356 = tpu.memref_slice %arg4[%multiple_of3A_343] : memref<320000xi32, #tpu.memory_space<hbm>> -> memref<40xi32, #tpu.memory_space<hbm>>
        %dma_wait3A_357 = tpu.memref_slice %arg4[%multiple_of3A_343] : memref<320000xi32, #tpu.memory_space<hbm>> -> memref<40xi32, #tpu.memory_space<hbm>>
        tpu.wait_dma2 semaphore(%arg34 : memref<!tpu.dma_semaphore, #tpu.memory_space<semaphore_mem>>) src(%dma_wait3A_357 : memref<40xi32, #tpu.memory_space<hbm>>) dst(%arg16 : memref<40xi32, #tpu.memory_space<vmem>>)
        %dma_wait3A_358 = tpu.memref_slice %arg4[%multiple_of3A_346] : memref<320000xi32, #tpu.memory_space<hbm>> -> memref<40xi32, #tpu.memory_space<hbm>>
        %dma_wait3A_359 = tpu.memref_slice %arg4[%multiple_of3A_346] : memref<320000xi32, #tpu.memory_space<hbm>> -> memref<40xi32, #tpu.memory_space<hbm>>
        tpu.wait_dma2 semaphore(%arg34 : memref<!tpu.dma_semaphore, #tpu.memory_space<semaphore_mem>>) src(%dma_wait3A_359 : memref<40xi32, #tpu.memory_space<hbm>>) dst(%arg17 : memref<40xi32, #tpu.memory_space<vmem>>)
        %dma_wait3A_360 = tpu.memref_slice %arg4[%multiple_of3A_349] : memref<320000xi32, #tpu.memory_space<hbm>> -> memref<40xi32, #tpu.memory_space<hbm>>
        %dma_wait3A_361 = tpu.memref_slice %arg4[%multiple_of3A_349] : memref<320000xi32, #tpu.memory_space<hbm>> -> memref<40xi32, #tpu.memory_space<hbm>>
        tpu.wait_dma2 semaphore(%arg34 : memref<!tpu.dma_semaphore, #tpu.memory_space<semaphore_mem>>) src(%dma_wait3A_361 : memref<40xi32, #tpu.memory_space<hbm>>) dst(%arg18 : memref<40xi32, #tpu.memory_space<vmem>>)
        %dma_wait3A_362 = arith.constant 0 : i32
        %dma_wait3A_363 = arith.constant 0 : i32
        %dma_wait3A_364 = tpu.memref_slice %arg19[%dma_wait3A_362, %dma_wait3A_363] : memref<200x128xf32, #tpu.memory_space<vmem>> -> memref<40x128xf32, #tpu.memory_space<vmem>>
        %dma_wait3A_365 = arith.constant 0 : i32
        %dma_wait3A_366 = arith.constant 0 : i32
        %dma_wait3A_367 = tpu.memref_slice %arg20[%dma_wait3A_365, %dma_wait3A_366] : memref<10000x128xf32, #tpu.memory_space<vmem_shared>> -> memref<10000x128xf32, #tpu.memory_space<vmem_shared>>
        tpu.wait_indirect_dma semaphore(%arg26 : memref<!tpu.dma_semaphore, #tpu.memory_space<semaphore_mem>>) src(%dma_wait3A_364 : memref<40x128xf32, #tpu.memory_space<vmem>>) dst(%dma_wait3A_367 : memref<10000x128xf32, #tpu.memory_space<vmem_shared>>)
        %dma_start3A_368 = arith.constant 0 : i32
        %dma_start3A_369 = arith.constant 0 : i32
        %dma_start3A_370 = tpu.memref_slice %arg19[%dma_start3A_368, %dma_start3A_369] : memref<200x128xf32, #tpu.memory_space<vmem>> -> memref<40x128xf32, #tpu.memory_space<vmem>>
        %dma_start3A_371 = arith.constant 0 : i32
        %dma_start3A_372 = tpu.memref_slice %arg8[%dma_start3A_371] : memref<200xi32, #tpu.memory_space<vmem>> -> memref<40xi32, #tpu.memory_space<vmem>>
        %dma_start3A_373 = arith.constant 0 : i32
        %dma_start3A_374 = arith.constant 0 : i32
        %dma_start3A_375 = tpu.memref_slice %arg2[%dma_start3A_373, %dma_start3A_374] : memref<10000x128xf32, #tpu.memory_space<hbm>> -> memref<10000x128xf32, #tpu.memory_space<hbm>>
        tpu.enqueue_indirect_dma source(%dma_start3A_375 : memref<10000x128xf32, #tpu.memory_space<hbm>>) target(%dma_start3A_370 : memref<40x128xf32, #tpu.memory_space<vmem>>) offsets(%dma_start3A_372 : memref<40xi32, #tpu.memory_space<vmem>>) semaphore(%arg21 : memref<!tpu.dma_semaphore, #tpu.memory_space<semaphore_mem>>)
        %dma_wait3A_376 = arith.constant 40 : i32
        %dma_wait3A_377 = arith.constant 0 : i32
        %dma_wait3A_378 = tpu.memref_slice %arg19[%dma_wait3A_376, %dma_wait3A_377] : memref<200x128xf32, #tpu.memory_space<vmem>> -> memref<40x128xf32, #tpu.memory_space<vmem>>
        %dma_wait3A_379 = arith.constant 0 : i32
        %dma_wait3A_380 = arith.constant 0 : i32
        %dma_wait3A_381 = tpu.memref_slice %arg20[%dma_wait3A_379, %dma_wait3A_380] : memref<10000x128xf32, #tpu.memory_space<vmem_shared>> -> memref<10000x128xf32, #tpu.memory_space<vmem_shared>>
        tpu.wait_indirect_dma semaphore(%arg27 : memref<!tpu.dma_semaphore, #tpu.memory_space<semaphore_mem>>) src(%dma_wait3A_378 : memref<40x128xf32, #tpu.memory_space<vmem>>) dst(%dma_wait3A_381 : memref<10000x128xf32, #tpu.memory_space<vmem_shared>>)
        %dma_start3A_382 = arith.constant 40 : i32
        %dma_start3A_383 = arith.constant 0 : i32
        %dma_start3A_384 = tpu.memref_slice %arg19[%dma_start3A_382, %dma_start3A_383] : memref<200x128xf32, #tpu.memory_space<vmem>> -> memref<40x128xf32, #tpu.memory_space<vmem>>
        %dma_start3A_385 = arith.constant 40 : i32
        %dma_start3A_386 = tpu.memref_slice %arg8[%dma_start3A_385] : memref<200xi32, #tpu.memory_space<vmem>> -> memref<40xi32, #tpu.memory_space<vmem>>
        %dma_start3A_387 = arith.constant 0 : i32
        %dma_start3A_388 = arith.constant 0 : i32
        %dma_start3A_389 = tpu.memref_slice %arg2[%dma_start3A_387, %dma_start3A_388] : memref<10000x128xf32, #tpu.memory_space<hbm>> -> memref<10000x128xf32, #tpu.memory_space<hbm>>
        tpu.enqueue_indirect_dma source(%dma_start3A_389 : memref<10000x128xf32, #tpu.memory_space<hbm>>) target(%dma_start3A_384 : memref<40x128xf32, #tpu.memory_space<vmem>>) offsets(%dma_start3A_386 : memref<40xi32, #tpu.memory_space<vmem>>) semaphore(%arg22 : memref<!tpu.dma_semaphore, #tpu.memory_space<semaphore_mem>>)
        %dma_wait3A_390 = arith.constant 80 : i32
        %dma_wait3A_391 = arith.constant 0 : i32
        %dma_wait3A_392 = tpu.memref_slice %arg19[%dma_wait3A_390, %dma_wait3A_391] : memref<200x128xf32, #tpu.memory_space<vmem>> -> memref<40x128xf32, #tpu.memory_space<vmem>>
        %dma_wait3A_393 = arith.constant 0 : i32
        %dma_wait3A_394 = arith.constant 0 : i32
        %dma_wait3A_395 = tpu.memref_slice %arg20[%dma_wait3A_393, %dma_wait3A_394] : memref<10000x128xf32, #tpu.memory_space<vmem_shared>> -> memref<10000x128xf32, #tpu.memory_space<vmem_shared>>
        tpu.wait_indirect_dma semaphore(%arg28 : memref<!tpu.dma_semaphore, #tpu.memory_space<semaphore_mem>>) src(%dma_wait3A_392 : memref<40x128xf32, #tpu.memory_space<vmem>>) dst(%dma_wait3A_395 : memref<10000x128xf32, #tpu.memory_space<vmem_shared>>)
        %dma_start3A_396 = arith.constant 80 : i32
        %dma_start3A_397 = arith.constant 0 : i32
        %dma_start3A_398 = tpu.memref_slice %arg19[%dma_start3A_396, %dma_start3A_397] : memref<200x128xf32, #tpu.memory_space<vmem>> -> memref<40x128xf32, #tpu.memory_space<vmem>>
        %dma_start3A_399 = arith.constant 80 : i32
        %dma_start3A_400 = tpu.memref_slice %arg8[%dma_start3A_399] : memref<200xi32, #tpu.memory_space<vmem>> -> memref<40xi32, #tpu.memory_space<vmem>>
        %dma_start3A_401 = arith.constant 0 : i32
        %dma_start3A_402 = arith.constant 0 : i32
        %dma_start3A_403 = tpu.memref_slice %arg2[%dma_start3A_401, %dma_start3A_402] : memref<10000x128xf32, #tpu.memory_space<hbm>> -> memref<10000x128xf32, #tpu.memory_space<hbm>>
        tpu.enqueue_indirect_dma source(%dma_start3A_403 : memref<10000x128xf32, #tpu.memory_space<hbm>>) target(%dma_start3A_398 : memref<40x128xf32, #tpu.memory_space<vmem>>) offsets(%dma_start3A_400 : memref<40xi32, #tpu.memory_space<vmem>>) semaphore(%arg23 : memref<!tpu.dma_semaphore, #tpu.memory_space<semaphore_mem>>)
        %dma_wait3A_404 = arith.constant 120 : i32
        %dma_wait3A_405 = arith.constant 0 : i32
        %dma_wait3A_406 = tpu.memref_slice %arg19[%dma_wait3A_404, %dma_wait3A_405] : memref<200x128xf32, #tpu.memory_space<vmem>> -> memref<40x128xf32, #tpu.memory_space<vmem>>
        %dma_wait3A_407 = arith.constant 0 : i32
        %dma_wait3A_408 = arith.constant 0 : i32
        %dma_wait3A_409 = tpu.memref_slice %arg20[%dma_wait3A_407, %dma_wait3A_408] : memref<10000x128xf32, #tpu.memory_space<vmem_shared>> -> memref<10000x128xf32, #tpu.memory_space<vmem_shared>>
        tpu.wait_indirect_dma semaphore(%arg29 : memref<!tpu.dma_semaphore, #tpu.memory_space<semaphore_mem>>) src(%dma_wait3A_406 : memref<40x128xf32, #tpu.memory_space<vmem>>) dst(%dma_wait3A_409 : memref<10000x128xf32, #tpu.memory_space<vmem_shared>>)
        %dma_start3A_410 = arith.constant 120 : i32
        %dma_start3A_411 = arith.constant 0 : i32
        %dma_start3A_412 = tpu.memref_slice %arg19[%dma_start3A_410, %dma_start3A_411] : memref<200x128xf32, #tpu.memory_space<vmem>> -> memref<40x128xf32, #tpu.memory_space<vmem>>
        %dma_start3A_413 = arith.constant 120 : i32
        %dma_start3A_414 = tpu.memref_slice %arg8[%dma_start3A_413] : memref<200xi32, #tpu.memory_space<vmem>> -> memref<40xi32, #tpu.memory_space<vmem>>
        %dma_start3A_415 = arith.constant 0 : i32
        %dma_start3A_416 = arith.constant 0 : i32
        %dma_start3A_417 = tpu.memref_slice %arg2[%dma_start3A_415, %dma_start3A_416] : memref<10000x128xf32, #tpu.memory_space<hbm>> -> memref<10000x128xf32, #tpu.memory_space<hbm>>
        tpu.enqueue_indirect_dma source(%dma_start3A_417 : memref<10000x128xf32, #tpu.memory_space<hbm>>) target(%dma_start3A_412 : memref<40x128xf32, #tpu.memory_space<vmem>>) offsets(%dma_start3A_414 : memref<40xi32, #tpu.memory_space<vmem>>) semaphore(%arg24 : memref<!tpu.dma_semaphore, #tpu.memory_space<semaphore_mem>>)
        %dma_wait3A_418 = arith.constant 160 : i32
        %dma_wait3A_419 = arith.constant 0 : i32
        %dma_wait3A_420 = tpu.memref_slice %arg19[%dma_wait3A_418, %dma_wait3A_419] : memref<200x128xf32, #tpu.memory_space<vmem>> -> memref<40x128xf32, #tpu.memory_space<vmem>>
        %dma_wait3A_421 = arith.constant 0 : i32
        %dma_wait3A_422 = arith.constant 0 : i32
        %dma_wait3A_423 = tpu.memref_slice %arg20[%dma_wait3A_421, %dma_wait3A_422] : memref<10000x128xf32, #tpu.memory_space<vmem_shared>> -> memref<10000x128xf32, #tpu.memory_space<vmem_shared>>
        tpu.wait_indirect_dma semaphore(%arg30 : memref<!tpu.dma_semaphore, #tpu.memory_space<semaphore_mem>>) src(%dma_wait3A_420 : memref<40x128xf32, #tpu.memory_space<vmem>>) dst(%dma_wait3A_423 : memref<10000x128xf32, #tpu.memory_space<vmem_shared>>)
        %dma_start3A_424 = arith.constant 160 : i32
        %dma_start3A_425 = arith.constant 0 : i32
        %dma_start3A_426 = tpu.memref_slice %arg19[%dma_start3A_424, %dma_start3A_425] : memref<200x128xf32, #tpu.memory_space<vmem>> -> memref<40x128xf32, #tpu.memory_space<vmem>>
        %dma_start3A_427 = arith.constant 160 : i32
        %dma_start3A_428 = tpu.memref_slice %arg8[%dma_start3A_427] : memref<200xi32, #tpu.memory_space<vmem>> -> memref<40xi32, #tpu.memory_space<vmem>>
        %dma_start3A_429 = arith.constant 0 : i32
        %dma_start3A_430 = arith.constant 0 : i32
        %dma_start3A_431 = tpu.memref_slice %arg2[%dma_start3A_429, %dma_start3A_430] : memref<10000x128xf32, #tpu.memory_space<hbm>> -> memref<10000x128xf32, #tpu.memory_space<hbm>>
        tpu.enqueue_indirect_dma source(%dma_start3A_431 : memref<10000x128xf32, #tpu.memory_space<hbm>>) target(%dma_start3A_426 : memref<40x128xf32, #tpu.memory_space<vmem>>) offsets(%dma_start3A_428 : memref<40xi32, #tpu.memory_space<vmem>>) semaphore(%arg25 : memref<!tpu.dma_semaphore, #tpu.memory_space<semaphore_mem>>)
      } else {
      }
      %mul3A_243 = arith.constant 2 : i32
      %mul3A_244 = arith.muli %mul3A_243, %scan3A_160 : i32
      %add3A_245 = arith.constant 1 : i32
      %add3A_246 = arith.addi %mul3A_244, %add3A_245 : i32
      %lt3A_247 = arith.constant 49 : i32
      %lt3A_248 = arith.cmpi slt, %add3A_246, %lt3A_247 : i32
      %convert_element_type3A_249 = arith.extui %lt3A_248 : i1 to i32
      %cond3A_250 = arith.constant 0 : i32
      %cond3A_251 = arith.cmpi ne, %convert_element_type3A_249, %cond3A_250 : i32
      scf.if %cond3A_251 {
        %add3A_327 = arith.constant 1 : i32
        %add3A_328 = arith.addi %add3A_246, %add3A_327 : i32
        %mul3A_329 = arith.constant 10000 : i32
        %mul3A_330 = arith.muli %add3A, %mul3A_329 : i32
        %mul3A_331 = arith.constant 200 : i32
        %mul3A_332 = arith.muli %add3A_328, %mul3A_331 : i32
        %add3A_333 = arith.addi %mul3A_330, %mul3A_332 : i32
        %multiple_of3A_334 = tpu.assume_multiple %add3A_333, 8 : i32
        %add3A_335 = arith.constant 0 : i32
        %add3A_336 = arith.addi %multiple_of3A_334, %add3A_335 : i32
        %multiple_of3A_337 = tpu.assume_multiple %add3A_336, 8 : i32
        %add3A_338 = arith.constant 40 : i32
        %add3A_339 = arith.addi %multiple_of3A_334, %add3A_338 : i32
        %multiple_of3A_340 = tpu.assume_multiple %add3A_339, 8 : i32
        %add3A_341 = arith.constant 80 : i32
        %add3A_342 = arith.addi %multiple_of3A_334, %add3A_341 : i32
        %multiple_of3A_343 = tpu.assume_multiple %add3A_342, 8 : i32
        %add3A_344 = arith.constant 120 : i32
        %add3A_345 = arith.addi %multiple_of3A_334, %add3A_344 : i32
        %multiple_of3A_346 = tpu.assume_multiple %add3A_345, 8 : i32
        %add3A_347 = arith.constant 160 : i32
        %add3A_348 = arith.addi %multiple_of3A_334, %add3A_347 : i32
        %multiple_of3A_349 = tpu.assume_multiple %add3A_348, 8 : i32
        %dma_start3A_350 = tpu.memref_slice %arg3[%multiple_of3A_334] : memref<320000xi32, #tpu.memory_space<hbm>> -> memref<200xi32, #tpu.memory_space<hbm>>
        %dma_start3A_351 = tpu.memref_slice %arg3[%multiple_of3A_334] : memref<320000xi32, #tpu.memory_space<hbm>> -> memref<200xi32, #tpu.memory_space<hbm>>
        tpu.enqueue_dma source(%dma_start3A_351 : memref<200xi32, #tpu.memory_space<hbm>>) target(%arg7 : memref<200xi32, #tpu.memory_space<vmem>>) target_semaphore(%arg31 : memref<!tpu.dma_semaphore, #tpu.memory_space<semaphore_mem>>)
        %dma_start3A_352 = tpu.memref_slice %arg4[%multiple_of3A_337] : memref<320000xi32, #tpu.memory_space<hbm>> -> memref<40xi32, #tpu.memory_space<hbm>>
        %dma_start3A_353 = tpu.memref_slice %arg4[%multiple_of3A_337] : memref<320000xi32, #tpu.memory_space<hbm>> -> memref<40xi32, #tpu.memory_space<hbm>>
        tpu.enqueue_dma source(%dma_start3A_353 : memref<40xi32, #tpu.memory_space<hbm>>) target(%arg9 : memref<40xi32, #tpu.memory_space<vmem>>) target_semaphore(%arg33 : memref<!tpu.dma_semaphore, #tpu.memory_space<semaphore_mem>>)
        %dma_start3A_354 = tpu.memref_slice %arg4[%multiple_of3A_340] : memref<320000xi32, #tpu.memory_space<hbm>> -> memref<40xi32, #tpu.memory_space<hbm>>
        %dma_start3A_355 = tpu.memref_slice %arg4[%multiple_of3A_340] : memref<320000xi32, #tpu.memory_space<hbm>> -> memref<40xi32, #tpu.memory_space<hbm>>
        tpu.enqueue_dma source(%dma_start3A_355 : memref<40xi32, #tpu.memory_space<hbm>>) target(%arg10 : memref<40xi32, #tpu.memory_space<vmem>>) target_semaphore(%arg33 : memref<!tpu.dma_semaphore, #tpu.memory_space<semaphore_mem>>)
        %dma_start3A_356 = tpu.memref_slice %arg4[%multiple_of3A_343] : memref<320000xi32, #tpu.memory_space<hbm>> -> memref<40xi32, #tpu.memory_space<hbm>>
        %dma_start3A_357 = tpu.memref_slice %arg4[%multiple_of3A_343] : memref<320000xi32, #tpu.memory_space<hbm>> -> memref<40xi32, #tpu.memory_space<hbm>>
        tpu.enqueue_dma source(%dma_start3A_357 : memref<40xi32, #tpu.memory_space<hbm>>) target(%arg11 : memref<40xi32, #tpu.memory_space<vmem>>) target_semaphore(%arg33 : memref<!tpu.dma_semaphore, #tpu.memory_space<semaphore_mem>>)
        %dma_start3A_358 = tpu.memref_slice %arg4[%multiple_of3A_346] : memref<320000xi32, #tpu.memory_space<hbm>> -> memref<40xi32, #tpu.memory_space<hbm>>
        %dma_start3A_359 = tpu.memref_slice %arg4[%multiple_of3A_346] : memref<320000xi32, #tpu.memory_space<hbm>> -> memref<40xi32, #tpu.memory_space<hbm>>
        tpu.enqueue_dma source(%dma_start3A_359 : memref<40xi32, #tpu.memory_space<hbm>>) target(%arg12 : memref<40xi32, #tpu.memory_space<vmem>>) target_semaphore(%arg33 : memref<!tpu.dma_semaphore, #tpu.memory_space<semaphore_mem>>)
        %dma_start3A_360 = tpu.memref_slice %arg4[%multiple_of3A_349] : memref<320000xi32, #tpu.memory_space<hbm>> -> memref<40xi32, #tpu.memory_space<hbm>>
        %dma_start3A_361 = tpu.memref_slice %arg4[%multiple_of3A_349] : memref<320000xi32, #tpu.memory_space<hbm>> -> memref<40xi32, #tpu.memory_space<hbm>>
        tpu.enqueue_dma source(%dma_start3A_361 : memref<40xi32, #tpu.memory_space<hbm>>) target(%arg13 : memref<40xi32, #tpu.memory_space<vmem>>) target_semaphore(%arg33 : memref<!tpu.dma_semaphore, #tpu.memory_space<semaphore_mem>>)
      } else {
      }
      %dma_wait3A_252 = arith.constant 0 : i32
      %dma_wait3A_253 = arith.constant 0 : i32
      %dma_wait3A_254 = tpu.memref_slice %arg19[%dma_wait3A_252, %dma_wait3A_253] : memref<200x128xf32, #tpu.memory_space<vmem>> -> memref<40x128xf32, #tpu.memory_space<vmem>>
      %dma_wait3A_255 = arith.constant 0 : i32
      %dma_wait3A_256 = tpu.memref_slice %arg8[%dma_wait3A_255] : memref<200xi32, #tpu.memory_space<vmem>> -> memref<40xi32, #tpu.memory_space<vmem>>
      %dma_wait3A_257 = arith.constant 0 : i32
      %dma_wait3A_258 = arith.constant 0 : i32
      %dma_wait3A_259 = tpu.memref_slice %arg2[%dma_wait3A_257, %dma_wait3A_258] : memref<10000x128xf32, #tpu.memory_space<hbm>> -> memref<10000x128xf32, #tpu.memory_space<hbm>>
      tpu.wait_indirect_dma semaphore(%arg21 : memref<!tpu.dma_semaphore, #tpu.memory_space<semaphore_mem>>) src(%dma_wait3A_259 : memref<10000x128xf32, #tpu.memory_space<hbm>>) dst(%dma_wait3A_254 : memref<40x128xf32, #tpu.memory_space<vmem>>)
      %dma_start3A_260 = arith.constant 0 : i32
      %dma_start3A_261 = arith.constant 0 : i32
      %dma_start3A_262 = tpu.memref_slice %arg19[%dma_start3A_260, %dma_start3A_261] : memref<200x128xf32, #tpu.memory_space<vmem>> -> memref<40x128xf32, #tpu.memory_space<vmem>>
      %dma_start3A_263 = arith.constant 0 : i32
      %dma_start3A_264 = arith.constant 0 : i32
      %dma_start3A_265 = tpu.memref_slice %arg20[%dma_start3A_263, %dma_start3A_264] : memref<10000x128xf32, #tpu.memory_space<vmem_shared>> -> memref<10000x128xf32, #tpu.memory_space<vmem_shared>>
      tpu.enqueue_indirect_dma source(%dma_start3A_262 : memref<40x128xf32, #tpu.memory_space<vmem>>) target(%dma_start3A_265 : memref<10000x128xf32, #tpu.memory_space<vmem_shared>>) offsets(%arg14 : memref<40xi32, #tpu.memory_space<vmem>>) semaphore(%arg26 : memref<!tpu.dma_semaphore, #tpu.memory_space<semaphore_mem>>) {add = true}
      %dma_wait3A_266 = arith.constant 40 : i32
      %dma_wait3A_267 = arith.constant 0 : i32
      %dma_wait3A_268 = tpu.memref_slice %arg19[%dma_wait3A_266, %dma_wait3A_267] : memref<200x128xf32, #tpu.memory_space<vmem>> -> memref<40x128xf32, #tpu.memory_space<vmem>>
      %dma_wait3A_269 = arith.constant 40 : i32
      %dma_wait3A_270 = tpu.memref_slice %arg8[%dma_wait3A_269] : memref<200xi32, #tpu.memory_space<vmem>> -> memref<40xi32, #tpu.memory_space<vmem>>
      %dma_wait3A_271 = arith.constant 0 : i32
      %dma_wait3A_272 = arith.constant 0 : i32
      %dma_wait3A_273 = tpu.memref_slice %arg2[%dma_wait3A_271, %dma_wait3A_272] : memref<10000x128xf32, #tpu.memory_space<hbm>> -> memref<10000x128xf32, #tpu.memory_space<hbm>>
      tpu.wait_indirect_dma semaphore(%arg22 : memref<!tpu.dma_semaphore, #tpu.memory_space<semaphore_mem>>) src(%dma_wait3A_273 : memref<10000x128xf32, #tpu.memory_space<hbm>>) dst(%dma_wait3A_268 : memref<40x128xf32, #tpu.memory_space<vmem>>)
      %dma_start3A_274 = arith.constant 40 : i32
      %dma_start3A_275 = arith.constant 0 : i32
      %dma_start3A_276 = tpu.memref_slice %arg19[%dma_start3A_274, %dma_start3A_275] : memref<200x128xf32, #tpu.memory_space<vmem>> -> memref<40x128xf32, #tpu.memory_space<vmem>>
      %dma_start3A_277 = arith.constant 0 : i32
      %dma_start3A_278 = arith.constant 0 : i32
      %dma_start3A_279 = tpu.memref_slice %arg20[%dma_start3A_277, %dma_start3A_278] : memref<10000x128xf32, #tpu.memory_space<vmem_shared>> -> memref<10000x128xf32, #tpu.memory_space<vmem_shared>>
      tpu.enqueue_indirect_dma source(%dma_start3A_276 : memref<40x128xf32, #tpu.memory_space<vmem>>) target(%dma_start3A_279 : memref<10000x128xf32, #tpu.memory_space<vmem_shared>>) offsets(%arg15 : memref<40xi32, #tpu.memory_space<vmem>>) semaphore(%arg27 : memref<!tpu.dma_semaphore, #tpu.memory_space<semaphore_mem>>) {add = true}
      %dma_wait3A_280 = arith.constant 80 : i32
      %dma_wait3A_281 = arith.constant 0 : i32
      %dma_wait3A_282 = tpu.memref_slice %arg19[%dma_wait3A_280, %dma_wait3A_281] : memref<200x128xf32, #tpu.memory_space<vmem>> -> memref<40x128xf32, #tpu.memory_space<vmem>>
      %dma_wait3A_283 = arith.constant 80 : i32
      %dma_wait3A_284 = tpu.memref_slice %arg8[%dma_wait3A_283] : memref<200xi32, #tpu.memory_space<vmem>> -> memref<40xi32, #tpu.memory_space<vmem>>
      %dma_wait3A_285 = arith.constant 0 : i32
      %dma_wait3A_286 = arith.constant 0 : i32
      %dma_wait3A_287 = tpu.memref_slice %arg2[%dma_wait3A_285, %dma_wait3A_286] : memref<10000x128xf32, #tpu.memory_space<hbm>> -> memref<10000x128xf32, #tpu.memory_space<hbm>>
      tpu.wait_indirect_dma semaphore(%arg23 : memref<!tpu.dma_semaphore, #tpu.memory_space<semaphore_mem>>) src(%dma_wait3A_287 : memref<10000x128xf32, #tpu.memory_space<hbm>>) dst(%dma_wait3A_282 : memref<40x128xf32, #tpu.memory_space<vmem>>)
      %dma_start3A_288 = arith.constant 80 : i32
      %dma_start3A_289 = arith.constant 0 : i32
      %dma_start3A_290 = tpu.memref_slice %arg19[%dma_start3A_288, %dma_start3A_289] : memref<200x128xf32, #tpu.memory_space<vmem>> -> memref<40x128xf32, #tpu.memory_space<vmem>>
      %dma_start3A_291 = arith.constant 0 : i32
      %dma_start3A_292 = arith.constant 0 : i32
      %dma_start3A_293 = tpu.memref_slice %arg20[%dma_start3A_291, %dma_start3A_292] : memref<10000x128xf32, #tpu.memory_space<vmem_shared>> -> memref<10000x128xf32, #tpu.memory_space<vmem_shared>>
      tpu.enqueue_indirect_dma source(%dma_start3A_290 : memref<40x128xf32, #tpu.memory_space<vmem>>) target(%dma_start3A_293 : memref<10000x128xf32, #tpu.memory_space<vmem_shared>>) offsets(%arg16 : memref<40xi32, #tpu.memory_space<vmem>>) semaphore(%arg28 : memref<!tpu.dma_semaphore, #tpu.memory_space<semaphore_mem>>) {add = true}
      %dma_wait3A_294 = arith.constant 120 : i32
      %dma_wait3A_295 = arith.constant 0 : i32
      %dma_wait3A_296 = tpu.memref_slice %arg19[%dma_wait3A_294, %dma_wait3A_295] : memref<200x128xf32, #tpu.memory_space<vmem>> -> memref<40x128xf32, #tpu.memory_space<vmem>>
      %dma_wait3A_297 = arith.constant 120 : i32
      %dma_wait3A_298 = tpu.memref_slice %arg8[%dma_wait3A_297] : memref<200xi32, #tpu.memory_space<vmem>> -> memref<40xi32, #tpu.memory_space<vmem>>
      %dma_wait3A_299 = arith.constant 0 : i32
      %dma_wait3A_300 = arith.constant 0 : i32
      %dma_wait3A_301 = tpu.memref_slice %arg2[%dma_wait3A_299, %dma_wait3A_300] : memref<10000x128xf32, #tpu.memory_space<hbm>> -> memref<10000x128xf32, #tpu.memory_space<hbm>>
      tpu.wait_indirect_dma semaphore(%arg24 : memref<!tpu.dma_semaphore, #tpu.memory_space<semaphore_mem>>) src(%dma_wait3A_301 : memref<10000x128xf32, #tpu.memory_space<hbm>>) dst(%dma_wait3A_296 : memref<40x128xf32, #tpu.memory_space<vmem>>)
      %dma_start3A_302 = arith.constant 120 : i32
      %dma_start3A_303 = arith.constant 0 : i32
      %dma_start3A_304 = tpu.memref_slice %arg19[%dma_start3A_302, %dma_start3A_303] : memref<200x128xf32, #tpu.memory_space<vmem>> -> memref<40x128xf32, #tpu.memory_space<vmem>>
      %dma_start3A_305 = arith.constant 0 : i32
      %dma_start3A_306 = arith.constant 0 : i32
      %dma_start3A_307 = tpu.memref_slice %arg20[%dma_start3A_305, %dma_start3A_306] : memref<10000x128xf32, #tpu.memory_space<vmem_shared>> -> memref<10000x128xf32, #tpu.memory_space<vmem_shared>>
      tpu.enqueue_indirect_dma source(%dma_start3A_304 : memref<40x128xf32, #tpu.memory_space<vmem>>) target(%dma_start3A_307 : memref<10000x128xf32, #tpu.memory_space<vmem_shared>>) offsets(%arg17 : memref<40xi32, #tpu.memory_space<vmem>>) semaphore(%arg29 : memref<!tpu.dma_semaphore, #tpu.memory_space<semaphore_mem>>) {add = true}
      %dma_wait3A_308 = arith.constant 160 : i32
      %dma_wait3A_309 = arith.constant 0 : i32
      %dma_wait3A_310 = tpu.memref_slice %arg19[%dma_wait3A_308, %dma_wait3A_309] : memref<200x128xf32, #tpu.memory_space<vmem>> -> memref<40x128xf32, #tpu.memory_space<vmem>>
      %dma_wait3A_311 = arith.constant 160 : i32
      %dma_wait3A_312 = tpu.memref_slice %arg8[%dma_wait3A_311] : memref<200xi32, #tpu.memory_space<vmem>> -> memref<40xi32, #tpu.memory_space<vmem>>
      %dma_wait3A_313 = arith.constant 0 : i32
      %dma_wait3A_314 = arith.constant 0 : i32
      %dma_wait3A_315 = tpu.memref_slice %arg2[%dma_wait3A_313, %dma_wait3A_314] : memref<10000x128xf32, #tpu.memory_space<hbm>> -> memref<10000x128xf32, #tpu.memory_space<hbm>>
      tpu.wait_indirect_dma semaphore(%arg25 : memref<!tpu.dma_semaphore, #tpu.memory_space<semaphore_mem>>) src(%dma_wait3A_315 : memref<10000x128xf32, #tpu.memory_space<hbm>>) dst(%dma_wait3A_310 : memref<40x128xf32, #tpu.memory_space<vmem>>)
      %dma_start3A_316 = arith.constant 160 : i32
      %dma_start3A_317 = arith.constant 0 : i32
      %dma_start3A_318 = tpu.memref_slice %arg19[%dma_start3A_316, %dma_start3A_317] : memref<200x128xf32, #tpu.memory_space<vmem>> -> memref<40x128xf32, #tpu.memory_space<vmem>>
      %dma_start3A_319 = arith.constant 0 : i32
      %dma_start3A_320 = arith.constant 0 : i32
      %dma_start3A_321 = tpu.memref_slice %arg20[%dma_start3A_319, %dma_start3A_320] : memref<10000x128xf32, #tpu.memory_space<vmem_shared>> -> memref<10000x128xf32, #tpu.memory_space<vmem_shared>>
      tpu.enqueue_indirect_dma source(%dma_start3A_318 : memref<40x128xf32, #tpu.memory_space<vmem>>) target(%dma_start3A_321 : memref<10000x128xf32, #tpu.memory_space<vmem_shared>>) offsets(%arg18 : memref<40xi32, #tpu.memory_space<vmem>>) semaphore(%arg30 : memref<!tpu.dma_semaphore, #tpu.memory_space<semaphore_mem>>) {add = true}
      %lt3A_322 = arith.constant 49 : i32
      %lt3A_323 = arith.cmpi slt, %add3A_246, %lt3A_322 : i32
      %convert_element_type3A_324 = arith.extui %lt3A_323 : i1 to i32
      %cond3A_325 = arith.constant 0 : i32
      %cond3A_326 = arith.cmpi ne, %convert_element_type3A_324, %cond3A_325 : i32
      scf.if %cond3A_326 {
        %add3A_327 = arith.constant 1 : i32
        %add3A_328 = arith.addi %add3A_246, %add3A_327 : i32
        %mul3A_329 = arith.constant 10000 : i32
        %mul3A_330 = arith.muli %add3A, %mul3A_329 : i32
        %mul3A_331 = arith.constant 200 : i32
        %mul3A_332 = arith.muli %add3A_328, %mul3A_331 : i32
        %add3A_333 = arith.addi %mul3A_330, %mul3A_332 : i32
        %multiple_of3A_334 = tpu.assume_multiple %add3A_333, 8 : i32
        %add3A_335 = arith.constant 0 : i32
        %add3A_336 = arith.addi %multiple_of3A_334, %add3A_335 : i32
        %multiple_of3A_337 = tpu.assume_multiple %add3A_336, 8 : i32
        %add3A_338 = arith.constant 40 : i32
        %add3A_339 = arith.addi %multiple_of3A_334, %add3A_338 : i32
        %multiple_of3A_340 = tpu.assume_multiple %add3A_339, 8 : i32
        %add3A_341 = arith.constant 80 : i32
        %add3A_342 = arith.addi %multiple_of3A_334, %add3A_341 : i32
        %multiple_of3A_343 = tpu.assume_multiple %add3A_342, 8 : i32
        %add3A_344 = arith.constant 120 : i32
        %add3A_345 = arith.addi %multiple_of3A_334, %add3A_344 : i32
        %multiple_of3A_346 = tpu.assume_multiple %add3A_345, 8 : i32
        %add3A_347 = arith.constant 160 : i32
        %add3A_348 = arith.addi %multiple_of3A_334, %add3A_347 : i32
        %multiple_of3A_349 = tpu.assume_multiple %add3A_348, 8 : i32
        %dma_wait3A_350 = tpu.memref_slice %arg3[%multiple_of3A_334] : memref<320000xi32, #tpu.memory_space<hbm>> -> memref<200xi32, #tpu.memory_space<hbm>>
        %dma_wait3A_351 = tpu.memref_slice %arg3[%multiple_of3A_334] : memref<320000xi32, #tpu.memory_space<hbm>> -> memref<200xi32, #tpu.memory_space<hbm>>
        tpu.wait_dma2 semaphore(%arg31 : memref<!tpu.dma_semaphore, #tpu.memory_space<semaphore_mem>>) src(%dma_wait3A_351 : memref<200xi32, #tpu.memory_space<hbm>>) dst(%arg7 : memref<200xi32, #tpu.memory_space<vmem>>)
        %dma_wait3A_352 = tpu.memref_slice %arg4[%multiple_of3A_337] : memref<320000xi32, #tpu.memory_space<hbm>> -> memref<40xi32, #tpu.memory_space<hbm>>
        %dma_wait3A_353 = tpu.memref_slice %arg4[%multiple_of3A_337] : memref<320000xi32, #tpu.memory_space<hbm>> -> memref<40xi32, #tpu.memory_space<hbm>>
        tpu.wait_dma2 semaphore(%arg33 : memref<!tpu.dma_semaphore, #tpu.memory_space<semaphore_mem>>) src(%dma_wait3A_353 : memref<40xi32, #tpu.memory_space<hbm>>) dst(%arg9 : memref<40xi32, #tpu.memory_space<vmem>>)
        %dma_wait3A_354 = tpu.memref_slice %arg4[%multiple_of3A_340] : memref<320000xi32, #tpu.memory_space<hbm>> -> memref<40xi32, #tpu.memory_space<hbm>>
        %dma_wait3A_355 = tpu.memref_slice %arg4[%multiple_of3A_340] : memref<320000xi32, #tpu.memory_space<hbm>> -> memref<40xi32, #tpu.memory_space<hbm>>
        tpu.wait_dma2 semaphore(%arg33 : memref<!tpu.dma_semaphore, #tpu.memory_space<semaphore_mem>>) src(%dma_wait3A_355 : memref<40xi32, #tpu.memory_space<hbm>>) dst(%arg10 : memref<40xi32, #tpu.memory_space<vmem>>)
        %dma_wait3A_356 = tpu.memref_slice %arg4[%multiple_of3A_343] : memref<320000xi32, #tpu.memory_space<hbm>> -> memref<40xi32, #tpu.memory_space<hbm>>
        %dma_wait3A_357 = tpu.memref_slice %arg4[%multiple_of3A_343] : memref<320000xi32, #tpu.memory_space<hbm>> -> memref<40xi32, #tpu.memory_space<hbm>>
        tpu.wait_dma2 semaphore(%arg33 : memref<!tpu.dma_semaphore, #tpu.memory_space<semaphore_mem>>) src(%dma_wait3A_357 : memref<40xi32, #tpu.memory_space<hbm>>) dst(%arg11 : memref<40xi32, #tpu.memory_space<vmem>>)
        %dma_wait3A_358 = tpu.memref_slice %arg4[%multiple_of3A_346] : memref<320000xi32, #tpu.memory_space<hbm>> -> memref<40xi32, #tpu.memory_space<hbm>>
        %dma_wait3A_359 = tpu.memref_slice %arg4[%multiple_of3A_346] : memref<320000xi32, #tpu.memory_space<hbm>> -> memref<40xi32, #tpu.memory_space<hbm>>
        tpu.wait_dma2 semaphore(%arg33 : memref<!tpu.dma_semaphore, #tpu.memory_space<semaphore_mem>>) src(%dma_wait3A_359 : memref<40xi32, #tpu.memory_space<hbm>>) dst(%arg12 : memref<40xi32, #tpu.memory_space<vmem>>)
        %dma_wait3A_360 = tpu.memref_slice %arg4[%multiple_of3A_349] : memref<320000xi32, #tpu.memory_space<hbm>> -> memref<40xi32, #tpu.memory_space<hbm>>
        %dma_wait3A_361 = tpu.memref_slice %arg4[%multiple_of3A_349] : memref<320000xi32, #tpu.memory_space<hbm>> -> memref<40xi32, #tpu.memory_space<hbm>>
        tpu.wait_dma2 semaphore(%arg33 : memref<!tpu.dma_semaphore, #tpu.memory_space<semaphore_mem>>) src(%dma_wait3A_361 : memref<40xi32, #tpu.memory_space<hbm>>) dst(%arg13 : memref<40xi32, #tpu.memory_space<vmem>>)
        %dma_wait3A_362 = arith.constant 0 : i32
        %dma_wait3A_363 = arith.constant 0 : i32
        %dma_wait3A_364 = tpu.memref_slice %arg19[%dma_wait3A_362, %dma_wait3A_363] : memref<200x128xf32, #tpu.memory_space<vmem>> -> memref<40x128xf32, #tpu.memory_space<vmem>>
        %dma_wait3A_365 = arith.constant 0 : i32
        %dma_wait3A_366 = arith.constant 0 : i32
        %dma_wait3A_367 = tpu.memref_slice %arg20[%dma_wait3A_365, %dma_wait3A_366] : memref<10000x128xf32, #tpu.memory_space<vmem_shared>> -> memref<10000x128xf32, #tpu.memory_space<vmem_shared>>
        tpu.wait_indirect_dma semaphore(%arg26 : memref<!tpu.dma_semaphore, #tpu.memory_space<semaphore_mem>>) src(%dma_wait3A_364 : memref<40x128xf32, #tpu.memory_space<vmem>>) dst(%dma_wait3A_367 : memref<10000x128xf32, #tpu.memory_space<vmem_shared>>)
        %dma_start3A_368 = arith.constant 0 : i32
        %dma_start3A_369 = arith.constant 0 : i32
        %dma_start3A_370 = tpu.memref_slice %arg19[%dma_start3A_368, %dma_start3A_369] : memref<200x128xf32, #tpu.memory_space<vmem>> -> memref<40x128xf32, #tpu.memory_space<vmem>>
        %dma_start3A_371 = arith.constant 0 : i32
        %dma_start3A_372 = tpu.memref_slice %arg7[%dma_start3A_371] : memref<200xi32, #tpu.memory_space<vmem>> -> memref<40xi32, #tpu.memory_space<vmem>>
        %dma_start3A_373 = arith.constant 0 : i32
        %dma_start3A_374 = arith.constant 0 : i32
        %dma_start3A_375 = tpu.memref_slice %arg2[%dma_start3A_373, %dma_start3A_374] : memref<10000x128xf32, #tpu.memory_space<hbm>> -> memref<10000x128xf32, #tpu.memory_space<hbm>>
        tpu.enqueue_indirect_dma source(%dma_start3A_375 : memref<10000x128xf32, #tpu.memory_space<hbm>>) target(%dma_start3A_370 : memref<40x128xf32, #tpu.memory_space<vmem>>) offsets(%dma_start3A_372 : memref<40xi32, #tpu.memory_space<vmem>>) semaphore(%arg21 : memref<!tpu.dma_semaphore, #tpu.memory_space<semaphore_mem>>)
        %dma_wait3A_376 = arith.constant 40 : i32
        %dma_wait3A_377 = arith.constant 0 : i32
        %dma_wait3A_378 = tpu.memref_slice %arg19[%dma_wait3A_376, %dma_wait3A_377] : memref<200x128xf32, #tpu.memory_space<vmem>> -> memref<40x128xf32, #tpu.memory_space<vmem>>
        %dma_wait3A_379 = arith.constant 0 : i32
        %dma_wait3A_380 = arith.constant 0 : i32
        %dma_wait3A_381 = tpu.memref_slice %arg20[%dma_wait3A_379, %dma_wait3A_380] : memref<10000x128xf32, #tpu.memory_space<vmem_shared>> -> memref<10000x128xf32, #tpu.memory_space<vmem_shared>>
        tpu.wait_indirect_dma semaphore(%arg27 : memref<!tpu.dma_semaphore, #tpu.memory_space<semaphore_mem>>) src(%dma_wait3A_378 : memref<40x128xf32, #tpu.memory_space<vmem>>) dst(%dma_wait3A_381 : memref<10000x128xf32, #tpu.memory_space<vmem_shared>>)
        %dma_start3A_382 = arith.constant 40 : i32
        %dma_start3A_383 = arith.constant 0 : i32
        %dma_start3A_384 = tpu.memref_slice %arg19[%dma_start3A_382, %dma_start3A_383] : memref<200x128xf32, #tpu.memory_space<vmem>> -> memref<40x128xf32, #tpu.memory_space<vmem>>
        %dma_start3A_385 = arith.constant 40 : i32
        %dma_start3A_386 = tpu.memref_slice %arg7[%dma_start3A_385] : memref<200xi32, #tpu.memory_space<vmem>> -> memref<40xi32, #tpu.memory_space<vmem>>
        %dma_start3A_387 = arith.constant 0 : i32
        %dma_start3A_388 = arith.constant 0 : i32
        %dma_start3A_389 = tpu.memref_slice %arg2[%dma_start3A_387, %dma_start3A_388] : memref<10000x128xf32, #tpu.memory_space<hbm>> -> memref<10000x128xf32, #tpu.memory_space<hbm>>
        tpu.enqueue_indirect_dma source(%dma_start3A_389 : memref<10000x128xf32, #tpu.memory_space<hbm>>) target(%dma_start3A_384 : memref<40x128xf32, #tpu.memory_space<vmem>>) offsets(%dma_start3A_386 : memref<40xi32, #tpu.memory_space<vmem>>) semaphore(%arg22 : memref<!tpu.dma_semaphore, #tpu.memory_space<semaphore_mem>>)
        %dma_wait3A_390 = arith.constant 80 : i32
        %dma_wait3A_391 = arith.constant 0 : i32
        %dma_wait3A_392 = tpu.memref_slice %arg19[%dma_wait3A_390, %dma_wait3A_391] : memref<200x128xf32, #tpu.memory_space<vmem>> -> memref<40x128xf32, #tpu.memory_space<vmem>>
        %dma_wait3A_393 = arith.constant 0 : i32
        %dma_wait3A_394 = arith.constant 0 : i32
        %dma_wait3A_395 = tpu.memref_slice %arg20[%dma_wait3A_393, %dma_wait3A_394] : memref<10000x128xf32, #tpu.memory_space<vmem_shared>> -> memref<10000x128xf32, #tpu.memory_space<vmem_shared>>
        tpu.wait_indirect_dma semaphore(%arg28 : memref<!tpu.dma_semaphore, #tpu.memory_space<semaphore_mem>>) src(%dma_wait3A_392 : memref<40x128xf32, #tpu.memory_space<vmem>>) dst(%dma_wait3A_395 : memref<10000x128xf32, #tpu.memory_space<vmem_shared>>)
        %dma_start3A_396 = arith.constant 80 : i32
        %dma_start3A_397 = arith.constant 0 : i32
        %dma_start3A_398 = tpu.memref_slice %arg19[%dma_start3A_396, %dma_start3A_397] : memref<200x128xf32, #tpu.memory_space<vmem>> -> memref<40x128xf32, #tpu.memory_space<vmem>>
        %dma_start3A_399 = arith.constant 80 : i32
        %dma_start3A_400 = tpu.memref_slice %arg7[%dma_start3A_399] : memref<200xi32, #tpu.memory_space<vmem>> -> memref<40xi32, #tpu.memory_space<vmem>>
        %dma_start3A_401 = arith.constant 0 : i32
        %dma_start3A_402 = arith.constant 0 : i32
        %dma_start3A_403 = tpu.memref_slice %arg2[%dma_start3A_401, %dma_start3A_402] : memref<10000x128xf32, #tpu.memory_space<hbm>> -> memref<10000x128xf32, #tpu.memory_space<hbm>>
        tpu.enqueue_indirect_dma source(%dma_start3A_403 : memref<10000x128xf32, #tpu.memory_space<hbm>>) target(%dma_start3A_398 : memref<40x128xf32, #tpu.memory_space<vmem>>) offsets(%dma_start3A_400 : memref<40xi32, #tpu.memory_space<vmem>>) semaphore(%arg23 : memref<!tpu.dma_semaphore, #tpu.memory_space<semaphore_mem>>)
        %dma_wait3A_404 = arith.constant 120 : i32
        %dma_wait3A_405 = arith.constant 0 : i32
        %dma_wait3A_406 = tpu.memref_slice %arg19[%dma_wait3A_404, %dma_wait3A_405] : memref<200x128xf32, #tpu.memory_space<vmem>> -> memref<40x128xf32, #tpu.memory_space<vmem>>
        %dma_wait3A_407 = arith.constant 0 : i32
        %dma_wait3A_408 = arith.constant 0 : i32
        %dma_wait3A_409 = tpu.memref_slice %arg20[%dma_wait3A_407, %dma_wait3A_408] : memref<10000x128xf32, #tpu.memory_space<vmem_shared>> -> memref<10000x128xf32, #tpu.memory_space<vmem_shared>>
        tpu.wait_indirect_dma semaphore(%arg29 : memref<!tpu.dma_semaphore, #tpu.memory_space<semaphore_mem>>) src(%dma_wait3A_406 : memref<40x128xf32, #tpu.memory_space<vmem>>) dst(%dma_wait3A_409 : memref<10000x128xf32, #tpu.memory_space<vmem_shared>>)
        %dma_start3A_410 = arith.constant 120 : i32
        %dma_start3A_411 = arith.constant 0 : i32
        %dma_start3A_412 = tpu.memref_slice %arg19[%dma_start3A_410, %dma_start3A_411] : memref<200x128xf32, #tpu.memory_space<vmem>> -> memref<40x128xf32, #tpu.memory_space<vmem>>
        %dma_start3A_413 = arith.constant 120 : i32
        %dma_start3A_414 = tpu.memref_slice %arg7[%dma_start3A_413] : memref<200xi32, #tpu.memory_space<vmem>> -> memref<40xi32, #tpu.memory_space<vmem>>
        %dma_start3A_415 = arith.constant 0 : i32
        %dma_start3A_416 = arith.constant 0 : i32
        %dma_start3A_417 = tpu.memref_slice %arg2[%dma_start3A_415, %dma_start3A_416] : memref<10000x128xf32, #tpu.memory_space<hbm>> -> memref<10000x128xf32, #tpu.memory_space<hbm>>
        tpu.enqueue_indirect_dma source(%dma_start3A_417 : memref<10000x128xf32, #tpu.memory_space<hbm>>) target(%dma_start3A_412 : memref<40x128xf32, #tpu.memory_space<vmem>>) offsets(%dma_start3A_414 : memref<40xi32, #tpu.memory_space<vmem>>) semaphore(%arg24 : memref<!tpu.dma_semaphore, #tpu.memory_space<semaphore_mem>>)
        %dma_wait3A_418 = arith.constant 160 : i32
        %dma_wait3A_419 = arith.constant 0 : i32
        %dma_wait3A_420 = tpu.memref_slice %arg19[%dma_wait3A_418, %dma_wait3A_419] : memref<200x128xf32, #tpu.memory_space<vmem>> -> memref<40x128xf32, #tpu.memory_space<vmem>>
        %dma_wait3A_421 = arith.constant 0 : i32
        %dma_wait3A_422 = arith.constant 0 : i32
        %dma_wait3A_423 = tpu.memref_slice %arg20[%dma_wait3A_421, %dma_wait3A_422] : memref<10000x128xf32, #tpu.memory_space<vmem_shared>> -> memref<10000x128xf32, #tpu.memory_space<vmem_shared>>
        tpu.wait_indirect_dma semaphore(%arg30 : memref<!tpu.dma_semaphore, #tpu.memory_space<semaphore_mem>>) src(%dma_wait3A_420 : memref<40x128xf32, #tpu.memory_space<vmem>>) dst(%dma_wait3A_423 : memref<10000x128xf32, #tpu.memory_space<vmem_shared>>)
        %dma_start3A_424 = arith.constant 160 : i32
        %dma_start3A_425 = arith.constant 0 : i32
        %dma_start3A_426 = tpu.memref_slice %arg19[%dma_start3A_424, %dma_start3A_425] : memref<200x128xf32, #tpu.memory_space<vmem>> -> memref<40x128xf32, #tpu.memory_space<vmem>>
        %dma_start3A_427 = arith.constant 160 : i32
        %dma_start3A_428 = tpu.memref_slice %arg7[%dma_start3A_427] : memref<200xi32, #tpu.memory_space<vmem>> -> memref<40xi32, #tpu.memory_space<vmem>>
        %dma_start3A_429 = arith.constant 0 : i32
        %dma_start3A_430 = arith.constant 0 : i32
        %dma_start3A_431 = tpu.memref_slice %arg2[%dma_start3A_429, %dma_start3A_430] : memref<10000x128xf32, #tpu.memory_space<hbm>> -> memref<10000x128xf32, #tpu.memory_space<hbm>>
        tpu.enqueue_indirect_dma source(%dma_start3A_431 : memref<10000x128xf32, #tpu.memory_space<hbm>>) target(%dma_start3A_426 : memref<40x128xf32, #tpu.memory_space<vmem>>) offsets(%dma_start3A_428 : memref<40xi32, #tpu.memory_space<vmem>>) semaphore(%arg25 : memref<!tpu.dma_semaphore, #tpu.memory_space<semaphore_mem>>)
      } else {
      }
    }
    %scan3A_115 = arith.constant 25 : i32
    %dma_wait3A_116 = arith.constant 0 : i32
    %dma_wait3A_117 = arith.constant 0 : i32
    %dma_wait3A_118 = tpu.memref_slice %arg19[%dma_wait3A_116, %dma_wait3A_117] : memref<200x128xf32, #tpu.memory_space<vmem>> -> memref<40x128xf32, #tpu.memory_space<vmem>>
    %dma_wait3A_119 = arith.constant 0 : i32
    %dma_wait3A_120 = arith.constant 0 : i32
    %dma_wait3A_121 = tpu.memref_slice %arg20[%dma_wait3A_119, %dma_wait3A_120] : memref<10000x128xf32, #tpu.memory_space<vmem_shared>> -> memref<10000x128xf32, #tpu.memory_space<vmem_shared>>
    tpu.wait_indirect_dma semaphore(%arg26 : memref<!tpu.dma_semaphore, #tpu.memory_space<semaphore_mem>>) src(%dma_wait3A_118 : memref<40x128xf32, #tpu.memory_space<vmem>>) dst(%dma_wait3A_121 : memref<10000x128xf32, #tpu.memory_space<vmem_shared>>)
    %dma_wait3A_122 = arith.constant 40 : i32
    %dma_wait3A_123 = arith.constant 0 : i32
    %dma_wait3A_124 = tpu.memref_slice %arg19[%dma_wait3A_122, %dma_wait3A_123] : memref<200x128xf32, #tpu.memory_space<vmem>> -> memref<40x128xf32, #tpu.memory_space<vmem>>
    %dma_wait3A_125 = arith.constant 0 : i32
    %dma_wait3A_126 = arith.constant 0 : i32
    %dma_wait3A_127 = tpu.memref_slice %arg20[%dma_wait3A_125, %dma_wait3A_126] : memref<10000x128xf32, #tpu.memory_space<vmem_shared>> -> memref<10000x128xf32, #tpu.memory_space<vmem_shared>>
    tpu.wait_indirect_dma semaphore(%arg27 : memref<!tpu.dma_semaphore, #tpu.memory_space<semaphore_mem>>) src(%dma_wait3A_124 : memref<40x128xf32, #tpu.memory_space<vmem>>) dst(%dma_wait3A_127 : memref<10000x128xf32, #tpu.memory_space<vmem_shared>>)
    %dma_wait3A_128 = arith.constant 80 : i32
    %dma_wait3A_129 = arith.constant 0 : i32
    %dma_wait3A_130 = tpu.memref_slice %arg19[%dma_wait3A_128, %dma_wait3A_129] : memref<200x128xf32, #tpu.memory_space<vmem>> -> memref<40x128xf32, #tpu.memory_space<vmem>>
    %dma_wait3A_131 = arith.constant 0 : i32
    %dma_wait3A_132 = arith.constant 0 : i32
    %dma_wait3A_133 = tpu.memref_slice %arg20[%dma_wait3A_131, %dma_wait3A_132] : memref<10000x128xf32, #tpu.memory_space<vmem_shared>> -> memref<10000x128xf32, #tpu.memory_space<vmem_shared>>
    tpu.wait_indirect_dma semaphore(%arg28 : memref<!tpu.dma_semaphore, #tpu.memory_space<semaphore_mem>>) src(%dma_wait3A_130 : memref<40x128xf32, #tpu.memory_space<vmem>>) dst(%dma_wait3A_133 : memref<10000x128xf32, #tpu.memory_space<vmem_shared>>)
    %dma_wait3A_134 = arith.constant 120 : i32
    %dma_wait3A_135 = arith.constant 0 : i32
    %dma_wait3A_136 = tpu.memref_slice %arg19[%dma_wait3A_134, %dma_wait3A_135] : memref<200x128xf32, #tpu.memory_space<vmem>> -> memref<40x128xf32, #tpu.memory_space<vmem>>
    %dma_wait3A_137 = arith.constant 0 : i32
    %dma_wait3A_138 = arith.constant 0 : i32
    %dma_wait3A_139 = tpu.memref_slice %arg20[%dma_wait3A_137, %dma_wait3A_138] : memref<10000x128xf32, #tpu.memory_space<vmem_shared>> -> memref<10000x128xf32, #tpu.memory_space<vmem_shared>>
    tpu.wait_indirect_dma semaphore(%arg29 : memref<!tpu.dma_semaphore, #tpu.memory_space<semaphore_mem>>) src(%dma_wait3A_136 : memref<40x128xf32, #tpu.memory_space<vmem>>) dst(%dma_wait3A_139 : memref<10000x128xf32, #tpu.memory_space<vmem_shared>>)
    %dma_wait3A_140 = arith.constant 160 : i32
    %dma_wait3A_141 = arith.constant 0 : i32
    %dma_wait3A_142 = tpu.memref_slice %arg19[%dma_wait3A_140, %dma_wait3A_141] : memref<200x128xf32, #tpu.memory_space<vmem>> -> memref<40x128xf32, #tpu.memory_space<vmem>>
    %dma_wait3A_143 = arith.constant 0 : i32
    %dma_wait3A_144 = arith.constant 0 : i32
    %dma_wait3A_145 = tpu.memref_slice %arg20[%dma_wait3A_143, %dma_wait3A_144] : memref<10000x128xf32, #tpu.memory_space<vmem_shared>> -> memref<10000x128xf32, #tpu.memory_space<vmem_shared>>
    tpu.wait_indirect_dma semaphore(%arg30 : memref<!tpu.dma_semaphore, #tpu.memory_space<semaphore_mem>>) src(%dma_wait3A_142 : memref<40x128xf32, #tpu.memory_space<vmem>>) dst(%dma_wait3A_145 : memref<10000x128xf32, #tpu.memory_space<vmem_shared>>)
    %barrier3A_146 = arith.constant 0 : index
    tpu.barrier barrier_id(%barrier3A_146)
    %mul3A_147 = arith.constant 624 : i32
    %mul3A_148 = arith.muli %arg1, %mul3A_147 : i32
    %multiple_of3A_149 = tpu.assume_multiple %mul3A_148, 8 : i32
    %lt3A_150 = arith.constant 15 : i32
    %lt3A_151 = arith.cmpi slt, %arg1, %lt3A_150 : i32
    %convert_element_type3A_152 = arith.extui %lt3A_151 : i1 to i32
    %cond3A_153 = arith.constant 0 : i32
    %cond3A_154 = arith.cmpi ne, %convert_element_type3A_152, %cond3A_153 : i32
    scf.if %cond3A_154 {
      "tpu.region"() ({
        %run_scoped3A = tpu.sem_alloc : memref<!tpu.dma_semaphore, #tpu.memory_space<semaphore_mem>>
        %dma_start3A_160 = arith.constant 0 : i32
        %dma_start3A_161 = tpu.memref_slice %arg6[%arg0, %multiple_of3A_149, %dma_start3A_160] : memref<2x10000x128xf32, #tpu.memory_space<hbm>> -> memref<1x624x128xf32, #tpu.memory_space<hbm>>
        %dma_start3A_162 = tpu.memref_squeeze %dma_start3A_161 : memref<1x624x128xf32, #tpu.memory_space<hbm>> -> memref<624x128xf32, #tpu.memory_space<hbm>>
        %dma_start3A_163 = arith.constant 0 : i32
        %dma_start3A_164 = tpu.memref_slice %arg20[%multiple_of3A_149, %dma_start3A_163] : memref<10000x128xf32, #tpu.memory_space<vmem_shared>> -> memref<624x128xf32, #tpu.memory_space<vmem_shared>>
        tpu.enqueue_dma source(%dma_start3A_164 : memref<624x128xf32, #tpu.memory_space<vmem_shared>>) target(%dma_start3A_162 : memref<624x128xf32, #tpu.memory_space<hbm>>) target_semaphore(%run_scoped3A : memref<!tpu.dma_semaphore, #tpu.memory_space<semaphore_mem>>)
        %dma_wait3A_165 = arith.constant 0 : i32
        %dma_wait3A_166 = tpu.memref_slice %arg6[%arg0, %multiple_of3A_149, %dma_wait3A_165] : memref<2x10000x128xf32, #tpu.memory_space<hbm>> -> memref<1x624x128xf32, #tpu.memory_space<hbm>>
        %dma_wait3A_167 = tpu.memref_squeeze %dma_wait3A_166 : memref<1x624x128xf32, #tpu.memory_space<hbm>> -> memref<624x128xf32, #tpu.memory_space<hbm>>
        %dma_wait3A_168 = arith.constant 0 : i32
        %dma_wait3A_169 = tpu.memref_slice %arg20[%multiple_of3A_149, %dma_wait3A_168] : memref<10000x128xf32, #tpu.memory_space<vmem_shared>> -> memref<624x128xf32, #tpu.memory_space<vmem_shared>>
        tpu.wait_dma2 semaphore(%run_scoped3A : memref<!tpu.dma_semaphore, #tpu.memory_space<semaphore_mem>>) src(%dma_wait3A_169 : memref<624x128xf32, #tpu.memory_space<vmem_shared>>) dst(%dma_wait3A_167 : memref<624x128xf32, #tpu.memory_space<hbm>>)
        tpu.yield
      }) : () -> ()
    } else {
    }
    %eq3A_155 = arith.constant 15 : i32
    %eq3A_156 = arith.cmpi eq, %arg1, %eq3A_155 : i32
    %convert_element_type3A_157 = arith.extui %eq3A_156 : i1 to i32
    %cond3A_158 = arith.constant 0 : i32
    %cond3A_159 = arith.cmpi ne, %convert_element_type3A_157, %cond3A_158 : i32
    scf.if %cond3A_159 {
      "tpu.region"() ({
        %run_scoped3A = tpu.sem_alloc : memref<!tpu.dma_semaphore, #tpu.memory_space<semaphore_mem>>
        %dma_start3A_160 = arith.constant 9360 : i32
        %dma_start3A_161 = arith.constant 0 : i32
        %dma_start3A_162 = tpu.memref_slice %arg6[%arg0, %dma_start3A_160, %dma_start3A_161] : memref<2x10000x128xf32, #tpu.memory_space<hbm>> -> memref<1x640x128xf32, #tpu.memory_space<hbm>>
        %dma_start3A_163 = tpu.memref_squeeze %dma_start3A_162 : memref<1x640x128xf32, #tpu.memory_space<hbm>> -> memref<640x128xf32, #tpu.memory_space<hbm>>
        %dma_start3A_164 = arith.constant 9360 : i32
        %dma_start3A_165 = arith.constant 0 : i32
        %dma_start3A_166 = tpu.memref_slice %arg20[%dma_start3A_164, %dma_start3A_165] : memref<10000x128xf32, #tpu.memory_space<vmem_shared>> -> memref<640x128xf32, #tpu.memory_space<vmem_shared>>
        tpu.enqueue_dma source(%dma_start3A_166 : memref<640x128xf32, #tpu.memory_space<vmem_shared>>) target(%dma_start3A_163 : memref<640x128xf32, #tpu.memory_space<hbm>>) target_semaphore(%run_scoped3A : memref<!tpu.dma_semaphore, #tpu.memory_space<semaphore_mem>>)
        %dma_wait3A_167 = arith.constant 9360 : i32
        %dma_wait3A_168 = arith.constant 0 : i32
        %dma_wait3A_169 = tpu.memref_slice %arg6[%arg0, %dma_wait3A_167, %dma_wait3A_168] : memref<2x10000x128xf32, #tpu.memory_space<hbm>> -> memref<1x640x128xf32, #tpu.memory_space<hbm>>
        %dma_wait3A_170 = tpu.memref_squeeze %dma_wait3A_169 : memref<1x640x128xf32, #tpu.memory_space<hbm>> -> memref<640x128xf32, #tpu.memory_space<hbm>>
        %dma_wait3A_171 = arith.constant 9360 : i32
        %dma_wait3A_172 = arith.constant 0 : i32
        %dma_wait3A_173 = tpu.memref_slice %arg20[%dma_wait3A_171, %dma_wait3A_172] : memref<10000x128xf32, #tpu.memory_space<vmem_shared>> -> memref<640x128xf32, #tpu.memory_space<vmem_shared>>
        tpu.wait_dma2 semaphore(%run_scoped3A : memref<!tpu.dma_semaphore, #tpu.memory_space<semaphore_mem>>) src(%dma_wait3A_173 : memref<640x128xf32, #tpu.memory_space<vmem_shared>>) dst(%dma_wait3A_170 : memref<640x128xf32, #tpu.memory_space<hbm>>)
        tpu.yield
      }) : () -> ()
    } else {
    }
    return
  }
}

#map = affine_map<(d0, d1) -> (0)>
#map1 = affine_map<(d0, d1) -> (0, 0)>
#map2 = affine_map<(d0, d1) -> (0, 0, 0)>
module attributes {stable_mosaic.version = 14 : i64} {
  func.func @sc_degree(%arg0: i32, %arg1: i32, %arg2: memref<320000xi32, #tpu.memory_space<hbm>>, %arg3: memref<80x16xf32, #tpu.memory_space<hbm>>, %arg4: memref<640x16xf32, #tpu.memory_space<hbm>>, %arg5: memref<2x10000x16xf32, #tpu.memory_space<hbm>>, %arg6: memref<80xi32, #tpu.memory_space<vmem>>, %arg7: memref<80xi32, #tpu.memory_space<vmem>>, %arg8: memref<80xi32, #tpu.memory_space<vmem>>, %arg9: memref<80xi32, #tpu.memory_space<vmem>>, %arg10: memref<80xi32, #tpu.memory_space<vmem>>, %arg11: memref<80x16xf32, #tpu.memory_space<vmem>>, %arg12: memref<10000x16xf32, #tpu.memory_space<vmem_shared>>, %arg13: memref<!tpu.dma_semaphore, #tpu.memory_space<semaphore_mem>>, %arg14: memref<!tpu.dma_semaphore, #tpu.memory_space<semaphore_mem>>, %arg15: memref<!tpu.dma_semaphore, #tpu.memory_space<semaphore_mem>>, %arg16: memref<!tpu.dma_semaphore, #tpu.memory_space<semaphore_mem>>, %arg17: memref<!tpu.dma_semaphore, #tpu.memory_space<semaphore_mem>>, %arg18: memref<!tpu.dma_semaphore, #tpu.memory_space<semaphore_mem>>, %arg19: memref<!tpu.dma_semaphore, #tpu.memory_space<semaphore_mem>>, %arg20: memref<!tpu.dma_semaphore, #tpu.memory_space<semaphore_mem>>, %arg21: memref<!tpu.dma_semaphore, #tpu.memory_space<semaphore_mem>>, %arg22: memref<!tpu.dma_semaphore, #tpu.memory_space<semaphore_mem>>) attributes {dimension_semantics = [#tpu.dimension_semantics<core_parallel>, #tpu.dimension_semantics<subcore_parallel>], iteration_bounds = array<i64: 2, 16>, scalar_prefetch = 0 : i64, scratch_operands = 17 : i64, tpu.core_type = #tpu.core_type<sc_vector_subcore>, window_params = [{transform_indices = #map}, {transform_indices = #map1}, {transform_indices = #map1}, {transform_indices = #map2}]} {
    %mul3A = arith.constant 2 : i32
    %mul3A_0 = arith.muli %arg1, %mul3A : i32
    %add3A = arith.addi %mul3A_0, %arg0 : i32
    %mul3A_1 = arith.constant 624 : i32
    %mul3A_2 = arith.muli %arg1, %mul3A_1 : i32
    %multiple_of3A = tpu.assume_multiple %mul3A_2, 8 : i32
    %lt3A = arith.constant 15 : i32
    %lt3A_3 = arith.cmpi slt, %arg1, %lt3A : i32
    %convert_element_type3A = arith.extui %lt3A_3 : i1 to i32
    %cond3A = arith.constant 0 : i32
    %cond3A_4 = arith.cmpi ne, %convert_element_type3A, %cond3A : i32
    scf.if %cond3A_4 {
      "tpu.region"() ({
        %run_scoped3A = tpu.sem_alloc : memref<!tpu.dma_semaphore, #tpu.memory_space<semaphore_mem>>
        %dma_start3A_76 = arith.constant 0 : i32
        %dma_start3A_77 = tpu.memref_slice %arg12[%multiple_of3A, %dma_start3A_76] : memref<10000x16xf32, #tpu.memory_space<vmem_shared>> -> memref<624x16xf32, #tpu.memory_space<vmem_shared>>
        %dma_start3A_78 = arith.constant 0 : i32
        %dma_start3A_79 = arith.constant 0 : i32
        %dma_start3A_80 = tpu.memref_slice %arg4[%dma_start3A_78, %dma_start3A_79] : memref<640x16xf32, #tpu.memory_space<hbm>> -> memref<624x16xf32, #tpu.memory_space<hbm>>
        tpu.enqueue_dma source(%dma_start3A_80 : memref<624x16xf32, #tpu.memory_space<hbm>>) target(%dma_start3A_77 : memref<624x16xf32, #tpu.memory_space<vmem_shared>>) target_semaphore(%run_scoped3A : memref<!tpu.dma_semaphore, #tpu.memory_space<semaphore_mem>>)
        %dma_wait3A_81 = arith.constant 0 : i32
        %dma_wait3A_82 = tpu.memref_slice %arg12[%multiple_of3A, %dma_wait3A_81] : memref<10000x16xf32, #tpu.memory_space<vmem_shared>> -> memref<624x16xf32, #tpu.memory_space<vmem_shared>>
        %dma_wait3A_83 = arith.constant 0 : i32
        %dma_wait3A_84 = arith.constant 0 : i32
        %dma_wait3A_85 = tpu.memref_slice %arg4[%dma_wait3A_83, %dma_wait3A_84] : memref<640x16xf32, #tpu.memory_space<hbm>> -> memref<624x16xf32, #tpu.memory_space<hbm>>
        tpu.wait_dma2 semaphore(%run_scoped3A : memref<!tpu.dma_semaphore, #tpu.memory_space<semaphore_mem>>) src(%dma_wait3A_85 : memref<624x16xf32, #tpu.memory_space<hbm>>) dst(%dma_wait3A_82 : memref<624x16xf32, #tpu.memory_space<vmem_shared>>)
        tpu.yield
      }) : () -> ()
    } else {
    }
    %eq3A = arith.constant 15 : i32
    %eq3A_5 = arith.cmpi eq, %arg1, %eq3A : i32
    %convert_element_type3A_6 = arith.extui %eq3A_5 : i1 to i32
    %cond3A_7 = arith.constant 0 : i32
    %cond3A_8 = arith.cmpi ne, %convert_element_type3A_6, %cond3A_7 : i32
    scf.if %cond3A_8 {
      "tpu.region"() ({
        %run_scoped3A = tpu.sem_alloc : memref<!tpu.dma_semaphore, #tpu.memory_space<semaphore_mem>>
        %dma_start3A_76 = arith.constant 9360 : i32
        %dma_start3A_77 = arith.constant 0 : i32
        %dma_start3A_78 = tpu.memref_slice %arg12[%dma_start3A_76, %dma_start3A_77] : memref<10000x16xf32, #tpu.memory_space<vmem_shared>> -> memref<640x16xf32, #tpu.memory_space<vmem_shared>>
        tpu.enqueue_dma source(%arg4 : memref<640x16xf32, #tpu.memory_space<hbm>>) target(%dma_start3A_78 : memref<640x16xf32, #tpu.memory_space<vmem_shared>>) target_semaphore(%run_scoped3A : memref<!tpu.dma_semaphore, #tpu.memory_space<semaphore_mem>>)
        %dma_wait3A_79 = arith.constant 9360 : i32
        %dma_wait3A_80 = arith.constant 0 : i32
        %dma_wait3A_81 = tpu.memref_slice %arg12[%dma_wait3A_79, %dma_wait3A_80] : memref<10000x16xf32, #tpu.memory_space<vmem_shared>> -> memref<640x16xf32, #tpu.memory_space<vmem_shared>>
        tpu.wait_dma2 semaphore(%run_scoped3A : memref<!tpu.dma_semaphore, #tpu.memory_space<semaphore_mem>>) src(%arg4 : memref<640x16xf32, #tpu.memory_space<hbm>>) dst(%dma_wait3A_81 : memref<640x16xf32, #tpu.memory_space<vmem_shared>>)
        tpu.yield
      }) : () -> ()
    } else {
    }
    "tpu.region"() ({
      %run_scoped3A = tpu.sem_alloc : memref<!tpu.dma_semaphore, #tpu.memory_space<semaphore_mem>>
      tpu.enqueue_dma source(%arg3 : memref<80x16xf32, #tpu.memory_space<hbm>>) target(%arg11 : memref<80x16xf32, #tpu.memory_space<vmem>>) target_semaphore(%run_scoped3A : memref<!tpu.dma_semaphore, #tpu.memory_space<semaphore_mem>>)
      tpu.wait_dma2 semaphore(%run_scoped3A : memref<!tpu.dma_semaphore, #tpu.memory_space<semaphore_mem>>) src(%arg3 : memref<80x16xf32, #tpu.memory_space<hbm>>) dst(%arg11 : memref<80x16xf32, #tpu.memory_space<vmem>>)
      tpu.yield
    }) : () -> ()
    %mul3A_9 = arith.constant 10000 : i32
    %mul3A_10 = arith.muli %add3A, %mul3A_9 : i32
    %add3A_11 = arith.constant 0 : i32
    %add3A_12 = arith.addi %mul3A_10, %add3A_11 : i32
    %multiple_of3A_13 = tpu.assume_multiple %add3A_12, 8 : i32
    %dma_start3A = tpu.memref_slice %arg2[%multiple_of3A_13] : memref<320000xi32, #tpu.memory_space<hbm>> -> memref<80xi32, #tpu.memory_space<hbm>>
    %dma_start3A_14 = tpu.memref_slice %arg2[%multiple_of3A_13] : memref<320000xi32, #tpu.memory_space<hbm>> -> memref<80xi32, #tpu.memory_space<hbm>>
    tpu.enqueue_dma source(%dma_start3A_14 : memref<80xi32, #tpu.memory_space<hbm>>) target(%arg6 : memref<80xi32, #tpu.memory_space<vmem>>) target_semaphore(%arg13 : memref<!tpu.dma_semaphore, #tpu.memory_space<semaphore_mem>>)
    %mul3A_15 = arith.constant 10000 : i32
    %mul3A_16 = arith.muli %add3A, %mul3A_15 : i32
    %add3A_17 = arith.constant 80 : i32
    %add3A_18 = arith.addi %mul3A_16, %add3A_17 : i32
    %multiple_of3A_19 = tpu.assume_multiple %add3A_18, 8 : i32
    %dma_start3A_20 = tpu.memref_slice %arg2[%multiple_of3A_19] : memref<320000xi32, #tpu.memory_space<hbm>> -> memref<80xi32, #tpu.memory_space<hbm>>
    %dma_start3A_21 = tpu.memref_slice %arg2[%multiple_of3A_19] : memref<320000xi32, #tpu.memory_space<hbm>> -> memref<80xi32, #tpu.memory_space<hbm>>
    tpu.enqueue_dma source(%dma_start3A_21 : memref<80xi32, #tpu.memory_space<hbm>>) target(%arg7 : memref<80xi32, #tpu.memory_space<vmem>>) target_semaphore(%arg14 : memref<!tpu.dma_semaphore, #tpu.memory_space<semaphore_mem>>)
    %mul3A_22 = arith.constant 10000 : i32
    %mul3A_23 = arith.muli %add3A, %mul3A_22 : i32
    %add3A_24 = arith.constant 160 : i32
    %add3A_25 = arith.addi %mul3A_23, %add3A_24 : i32
    %multiple_of3A_26 = tpu.assume_multiple %add3A_25, 8 : i32
    %dma_start3A_27 = tpu.memref_slice %arg2[%multiple_of3A_26] : memref<320000xi32, #tpu.memory_space<hbm>> -> memref<80xi32, #tpu.memory_space<hbm>>
    %dma_start3A_28 = tpu.memref_slice %arg2[%multiple_of3A_26] : memref<320000xi32, #tpu.memory_space<hbm>> -> memref<80xi32, #tpu.memory_space<hbm>>
    tpu.enqueue_dma source(%dma_start3A_28 : memref<80xi32, #tpu.memory_space<hbm>>) target(%arg8 : memref<80xi32, #tpu.memory_space<vmem>>) target_semaphore(%arg15 : memref<!tpu.dma_semaphore, #tpu.memory_space<semaphore_mem>>)
    %mul3A_29 = arith.constant 10000 : i32
    %mul3A_30 = arith.muli %add3A, %mul3A_29 : i32
    %add3A_31 = arith.constant 240 : i32
    %add3A_32 = arith.addi %mul3A_30, %add3A_31 : i32
    %multiple_of3A_33 = tpu.assume_multiple %add3A_32, 8 : i32
    %dma_start3A_34 = tpu.memref_slice %arg2[%multiple_of3A_33] : memref<320000xi32, #tpu.memory_space<hbm>> -> memref<80xi32, #tpu.memory_space<hbm>>
    %dma_start3A_35 = tpu.memref_slice %arg2[%multiple_of3A_33] : memref<320000xi32, #tpu.memory_space<hbm>> -> memref<80xi32, #tpu.memory_space<hbm>>
    tpu.enqueue_dma source(%dma_start3A_35 : memref<80xi32, #tpu.memory_space<hbm>>) target(%arg9 : memref<80xi32, #tpu.memory_space<vmem>>) target_semaphore(%arg16 : memref<!tpu.dma_semaphore, #tpu.memory_space<semaphore_mem>>)
    %mul3A_36 = arith.constant 10000 : i32
    %mul3A_37 = arith.muli %add3A, %mul3A_36 : i32
    %add3A_38 = arith.constant 320 : i32
    %add3A_39 = arith.addi %mul3A_37, %add3A_38 : i32
    %multiple_of3A_40 = tpu.assume_multiple %add3A_39, 8 : i32
    %dma_start3A_41 = tpu.memref_slice %arg2[%multiple_of3A_40] : memref<320000xi32, #tpu.memory_space<hbm>> -> memref<80xi32, #tpu.memory_space<hbm>>
    %dma_start3A_42 = tpu.memref_slice %arg2[%multiple_of3A_40] : memref<320000xi32, #tpu.memory_space<hbm>> -> memref<80xi32, #tpu.memory_space<hbm>>
    tpu.enqueue_dma source(%dma_start3A_42 : memref<80xi32, #tpu.memory_space<hbm>>) target(%arg10 : memref<80xi32, #tpu.memory_space<vmem>>) target_semaphore(%arg17 : memref<!tpu.dma_semaphore, #tpu.memory_space<semaphore_mem>>)
    %barrier3A = arith.constant 0 : index
    tpu.barrier barrier_id(%barrier3A)
    %scan3A = arith.constant 0 : i32
    %scan3A_43 = arith.constant 0 : i32
    %scan3A_44 = arith.constant 25 : i32
    %scan3A_45 = arith.addi %scan3A_43, %scan3A_44 : i32
    %scan3A_46 = arith.constant 1 : i32
    scf.for %scan3A_76 = %scan3A_43 to %scan3A_45 step %scan3A_46  : i32 {
      %mul3A_77 = arith.constant 5 : i32
      %mul3A_78 = arith.muli %scan3A_76, %mul3A_77 : i32
      %add3A_79 = arith.constant 0 : i32
      %add3A_80 = arith.addi %mul3A_78, %add3A_79 : i32
      %mul3A_81 = arith.constant 10000 : i32
      %mul3A_82 = arith.muli %add3A, %mul3A_81 : i32
      %mul3A_83 = arith.constant 80 : i32
      %mul3A_84 = arith.muli %add3A_80, %mul3A_83 : i32
      %add3A_85 = arith.addi %mul3A_82, %mul3A_84 : i32
      %multiple_of3A_86 = tpu.assume_multiple %add3A_85, 8 : i32
      %dma_wait3A_87 = tpu.memref_slice %arg2[%multiple_of3A_86] : memref<320000xi32, #tpu.memory_space<hbm>> -> memref<80xi32, #tpu.memory_space<hbm>>
      %dma_wait3A_88 = tpu.memref_slice %arg2[%multiple_of3A_86] : memref<320000xi32, #tpu.memory_space<hbm>> -> memref<80xi32, #tpu.memory_space<hbm>>
      tpu.wait_dma2 semaphore(%arg13 : memref<!tpu.dma_semaphore, #tpu.memory_space<semaphore_mem>>) src(%dma_wait3A_88 : memref<80xi32, #tpu.memory_space<hbm>>) dst(%arg6 : memref<80xi32, #tpu.memory_space<vmem>>)
      %dma_start3A_89 = arith.constant 0 : i32
      %dma_start3A_90 = arith.constant 0 : i32
      %dma_start3A_91 = tpu.memref_slice %arg12[%dma_start3A_89, %dma_start3A_90] : memref<10000x16xf32, #tpu.memory_space<vmem_shared>> -> memref<10000x16xf32, #tpu.memory_space<vmem_shared>>
      tpu.enqueue_indirect_dma source(%arg11 : memref<80x16xf32, #tpu.memory_space<vmem>>) target(%dma_start3A_91 : memref<10000x16xf32, #tpu.memory_space<vmem_shared>>) offsets(%arg6 : memref<80xi32, #tpu.memory_space<vmem>>) semaphore(%arg18 : memref<!tpu.dma_semaphore, #tpu.memory_space<semaphore_mem>>) {add = true}
      %mul3A_92 = arith.constant 5 : i32
      %mul3A_93 = arith.muli %scan3A_76, %mul3A_92 : i32
      %add3A_94 = arith.constant 1 : i32
      %add3A_95 = arith.addi %mul3A_93, %add3A_94 : i32
      %mul3A_96 = arith.constant 10000 : i32
      %mul3A_97 = arith.muli %add3A, %mul3A_96 : i32
      %mul3A_98 = arith.constant 80 : i32
      %mul3A_99 = arith.muli %add3A_95, %mul3A_98 : i32
      %add3A_100 = arith.addi %mul3A_97, %mul3A_99 : i32
      %multiple_of3A_101 = tpu.assume_multiple %add3A_100, 8 : i32
      %dma_wait3A_102 = tpu.memref_slice %arg2[%multiple_of3A_101] : memref<320000xi32, #tpu.memory_space<hbm>> -> memref<80xi32, #tpu.memory_space<hbm>>
      %dma_wait3A_103 = tpu.memref_slice %arg2[%multiple_of3A_101] : memref<320000xi32, #tpu.memory_space<hbm>> -> memref<80xi32, #tpu.memory_space<hbm>>
      tpu.wait_dma2 semaphore(%arg14 : memref<!tpu.dma_semaphore, #tpu.memory_space<semaphore_mem>>) src(%dma_wait3A_103 : memref<80xi32, #tpu.memory_space<hbm>>) dst(%arg7 : memref<80xi32, #tpu.memory_space<vmem>>)
      %dma_start3A_104 = arith.constant 0 : i32
      %dma_start3A_105 = arith.constant 0 : i32
      %dma_start3A_106 = tpu.memref_slice %arg12[%dma_start3A_104, %dma_start3A_105] : memref<10000x16xf32, #tpu.memory_space<vmem_shared>> -> memref<10000x16xf32, #tpu.memory_space<vmem_shared>>
      tpu.enqueue_indirect_dma source(%arg11 : memref<80x16xf32, #tpu.memory_space<vmem>>) target(%dma_start3A_106 : memref<10000x16xf32, #tpu.memory_space<vmem_shared>>) offsets(%arg7 : memref<80xi32, #tpu.memory_space<vmem>>) semaphore(%arg19 : memref<!tpu.dma_semaphore, #tpu.memory_space<semaphore_mem>>) {add = true}
      %mul3A_107 = arith.constant 5 : i32
      %mul3A_108 = arith.muli %scan3A_76, %mul3A_107 : i32
      %add3A_109 = arith.constant 2 : i32
      %add3A_110 = arith.addi %mul3A_108, %add3A_109 : i32
      %mul3A_111 = arith.constant 10000 : i32
      %mul3A_112 = arith.muli %add3A, %mul3A_111 : i32
      %mul3A_113 = arith.constant 80 : i32
      %mul3A_114 = arith.muli %add3A_110, %mul3A_113 : i32
      %add3A_115 = arith.addi %mul3A_112, %mul3A_114 : i32
      %multiple_of3A_116 = tpu.assume_multiple %add3A_115, 8 : i32
      %dma_wait3A_117 = tpu.memref_slice %arg2[%multiple_of3A_116] : memref<320000xi32, #tpu.memory_space<hbm>> -> memref<80xi32, #tpu.memory_space<hbm>>
      %dma_wait3A_118 = tpu.memref_slice %arg2[%multiple_of3A_116] : memref<320000xi32, #tpu.memory_space<hbm>> -> memref<80xi32, #tpu.memory_space<hbm>>
      tpu.wait_dma2 semaphore(%arg15 : memref<!tpu.dma_semaphore, #tpu.memory_space<semaphore_mem>>) src(%dma_wait3A_118 : memref<80xi32, #tpu.memory_space<hbm>>) dst(%arg8 : memref<80xi32, #tpu.memory_space<vmem>>)
      %dma_start3A_119 = arith.constant 0 : i32
      %dma_start3A_120 = arith.constant 0 : i32
      %dma_start3A_121 = tpu.memref_slice %arg12[%dma_start3A_119, %dma_start3A_120] : memref<10000x16xf32, #tpu.memory_space<vmem_shared>> -> memref<10000x16xf32, #tpu.memory_space<vmem_shared>>
      tpu.enqueue_indirect_dma source(%arg11 : memref<80x16xf32, #tpu.memory_space<vmem>>) target(%dma_start3A_121 : memref<10000x16xf32, #tpu.memory_space<vmem_shared>>) offsets(%arg8 : memref<80xi32, #tpu.memory_space<vmem>>) semaphore(%arg20 : memref<!tpu.dma_semaphore, #tpu.memory_space<semaphore_mem>>) {add = true}
      %mul3A_122 = arith.constant 5 : i32
      %mul3A_123 = arith.muli %scan3A_76, %mul3A_122 : i32
      %add3A_124 = arith.constant 3 : i32
      %add3A_125 = arith.addi %mul3A_123, %add3A_124 : i32
      %mul3A_126 = arith.constant 10000 : i32
      %mul3A_127 = arith.muli %add3A, %mul3A_126 : i32
      %mul3A_128 = arith.constant 80 : i32
      %mul3A_129 = arith.muli %add3A_125, %mul3A_128 : i32
      %add3A_130 = arith.addi %mul3A_127, %mul3A_129 : i32
      %multiple_of3A_131 = tpu.assume_multiple %add3A_130, 8 : i32
      %dma_wait3A_132 = tpu.memref_slice %arg2[%multiple_of3A_131] : memref<320000xi32, #tpu.memory_space<hbm>> -> memref<80xi32, #tpu.memory_space<hbm>>
      %dma_wait3A_133 = tpu.memref_slice %arg2[%multiple_of3A_131] : memref<320000xi32, #tpu.memory_space<hbm>> -> memref<80xi32, #tpu.memory_space<hbm>>
      tpu.wait_dma2 semaphore(%arg16 : memref<!tpu.dma_semaphore, #tpu.memory_space<semaphore_mem>>) src(%dma_wait3A_133 : memref<80xi32, #tpu.memory_space<hbm>>) dst(%arg9 : memref<80xi32, #tpu.memory_space<vmem>>)
      %dma_start3A_134 = arith.constant 0 : i32
      %dma_start3A_135 = arith.constant 0 : i32
      %dma_start3A_136 = tpu.memref_slice %arg12[%dma_start3A_134, %dma_start3A_135] : memref<10000x16xf32, #tpu.memory_space<vmem_shared>> -> memref<10000x16xf32, #tpu.memory_space<vmem_shared>>
      tpu.enqueue_indirect_dma source(%arg11 : memref<80x16xf32, #tpu.memory_space<vmem>>) target(%dma_start3A_136 : memref<10000x16xf32, #tpu.memory_space<vmem_shared>>) offsets(%arg9 : memref<80xi32, #tpu.memory_space<vmem>>) semaphore(%arg21 : memref<!tpu.dma_semaphore, #tpu.memory_space<semaphore_mem>>) {add = true}
      %mul3A_137 = arith.constant 5 : i32
      %mul3A_138 = arith.muli %scan3A_76, %mul3A_137 : i32
      %add3A_139 = arith.constant 4 : i32
      %add3A_140 = arith.addi %mul3A_138, %add3A_139 : i32
      %mul3A_141 = arith.constant 10000 : i32
      %mul3A_142 = arith.muli %add3A, %mul3A_141 : i32
      %mul3A_143 = arith.constant 80 : i32
      %mul3A_144 = arith.muli %add3A_140, %mul3A_143 : i32
      %add3A_145 = arith.addi %mul3A_142, %mul3A_144 : i32
      %multiple_of3A_146 = tpu.assume_multiple %add3A_145, 8 : i32
      %dma_wait3A_147 = tpu.memref_slice %arg2[%multiple_of3A_146] : memref<320000xi32, #tpu.memory_space<hbm>> -> memref<80xi32, #tpu.memory_space<hbm>>
      %dma_wait3A_148 = tpu.memref_slice %arg2[%multiple_of3A_146] : memref<320000xi32, #tpu.memory_space<hbm>> -> memref<80xi32, #tpu.memory_space<hbm>>
      tpu.wait_dma2 semaphore(%arg17 : memref<!tpu.dma_semaphore, #tpu.memory_space<semaphore_mem>>) src(%dma_wait3A_148 : memref<80xi32, #tpu.memory_space<hbm>>) dst(%arg10 : memref<80xi32, #tpu.memory_space<vmem>>)
      %dma_start3A_149 = arith.constant 0 : i32
      %dma_start3A_150 = arith.constant 0 : i32
      %dma_start3A_151 = tpu.memref_slice %arg12[%dma_start3A_149, %dma_start3A_150] : memref<10000x16xf32, #tpu.memory_space<vmem_shared>> -> memref<10000x16xf32, #tpu.memory_space<vmem_shared>>
      tpu.enqueue_indirect_dma source(%arg11 : memref<80x16xf32, #tpu.memory_space<vmem>>) target(%dma_start3A_151 : memref<10000x16xf32, #tpu.memory_space<vmem_shared>>) offsets(%arg10 : memref<80xi32, #tpu.memory_space<vmem>>) semaphore(%arg22 : memref<!tpu.dma_semaphore, #tpu.memory_space<semaphore_mem>>) {add = true}
      %lt3A_152 = arith.constant 24 : i32
      %lt3A_153 = arith.cmpi slt, %scan3A_76, %lt3A_152 : i32
      %convert_element_type3A_154 = arith.extui %lt3A_153 : i1 to i32
      %cond3A_155 = arith.constant 0 : i32
      %cond3A_156 = arith.cmpi ne, %convert_element_type3A_154, %cond3A_155 : i32
      scf.if %cond3A_156 {
        %dma_wait3A_157 = arith.constant 0 : i32
        %dma_wait3A_158 = arith.constant 0 : i32
        %dma_wait3A_159 = tpu.memref_slice %arg12[%dma_wait3A_157, %dma_wait3A_158] : memref<10000x16xf32, #tpu.memory_space<vmem_shared>> -> memref<10000x16xf32, #tpu.memory_space<vmem_shared>>
        tpu.wait_indirect_dma semaphore(%arg18 : memref<!tpu.dma_semaphore, #tpu.memory_space<semaphore_mem>>) src(%arg11 : memref<80x16xf32, #tpu.memory_space<vmem>>) dst(%dma_wait3A_159 : memref<10000x16xf32, #tpu.memory_space<vmem_shared>>)
        %add3A_160 = arith.constant 1 : i32
        %add3A_161 = arith.addi %scan3A_76, %add3A_160 : i32
        %mul3A_162 = arith.constant 5 : i32
        %mul3A_163 = arith.muli %add3A_161, %mul3A_162 : i32
        %add3A_164 = arith.constant 0 : i32
        %add3A_165 = arith.addi %mul3A_163, %add3A_164 : i32
        %mul3A_166 = arith.constant 10000 : i32
        %mul3A_167 = arith.muli %add3A, %mul3A_166 : i32
        %mul3A_168 = arith.constant 80 : i32
        %mul3A_169 = arith.muli %add3A_165, %mul3A_168 : i32
        %add3A_170 = arith.addi %mul3A_167, %mul3A_169 : i32
        %multiple_of3A_171 = tpu.assume_multiple %add3A_170, 8 : i32
        %dma_start3A_172 = tpu.memref_slice %arg2[%multiple_of3A_171] : memref<320000xi32, #tpu.memory_space<hbm>> -> memref<80xi32, #tpu.memory_space<hbm>>
        %dma_start3A_173 = tpu.memref_slice %arg2[%multiple_of3A_171] : memref<320000xi32, #tpu.memory_space<hbm>> -> memref<80xi32, #tpu.memory_space<hbm>>
        tpu.enqueue_dma source(%dma_start3A_173 : memref<80xi32, #tpu.memory_space<hbm>>) target(%arg6 : memref<80xi32, #tpu.memory_space<vmem>>) target_semaphore(%arg13 : memref<!tpu.dma_semaphore, #tpu.memory_space<semaphore_mem>>)
        %dma_wait3A_174 = arith.constant 0 : i32
        %dma_wait3A_175 = arith.constant 0 : i32
        %dma_wait3A_176 = tpu.memref_slice %arg12[%dma_wait3A_174, %dma_wait3A_175] : memref<10000x16xf32, #tpu.memory_space<vmem_shared>> -> memref<10000x16xf32, #tpu.memory_space<vmem_shared>>
        tpu.wait_indirect_dma semaphore(%arg19 : memref<!tpu.dma_semaphore, #tpu.memory_space<semaphore_mem>>) src(%arg11 : memref<80x16xf32, #tpu.memory_space<vmem>>) dst(%dma_wait3A_176 : memref<10000x16xf32, #tpu.memory_space<vmem_shared>>)
        %add3A_177 = arith.constant 1 : i32
        %add3A_178 = arith.addi %scan3A_76, %add3A_177 : i32
        %mul3A_179 = arith.constant 5 : i32
        %mul3A_180 = arith.muli %add3A_178, %mul3A_179 : i32
        %add3A_181 = arith.constant 1 : i32
        %add3A_182 = arith.addi %mul3A_180, %add3A_181 : i32
        %mul3A_183 = arith.constant 10000 : i32
        %mul3A_184 = arith.muli %add3A, %mul3A_183 : i32
        %mul3A_185 = arith.constant 80 : i32
        %mul3A_186 = arith.muli %add3A_182, %mul3A_185 : i32
        %add3A_187 = arith.addi %mul3A_184, %mul3A_186 : i32
        %multiple_of3A_188 = tpu.assume_multiple %add3A_187, 8 : i32
        %dma_start3A_189 = tpu.memref_slice %arg2[%multiple_of3A_188] : memref<320000xi32, #tpu.memory_space<hbm>> -> memref<80xi32, #tpu.memory_space<hbm>>
        %dma_start3A_190 = tpu.memref_slice %arg2[%multiple_of3A_188] : memref<320000xi32, #tpu.memory_space<hbm>> -> memref<80xi32, #tpu.memory_space<hbm>>
        tpu.enqueue_dma source(%dma_start3A_190 : memref<80xi32, #tpu.memory_space<hbm>>) target(%arg7 : memref<80xi32, #tpu.memory_space<vmem>>) target_semaphore(%arg14 : memref<!tpu.dma_semaphore, #tpu.memory_space<semaphore_mem>>)
        %dma_wait3A_191 = arith.constant 0 : i32
        %dma_wait3A_192 = arith.constant 0 : i32
        %dma_wait3A_193 = tpu.memref_slice %arg12[%dma_wait3A_191, %dma_wait3A_192] : memref<10000x16xf32, #tpu.memory_space<vmem_shared>> -> memref<10000x16xf32, #tpu.memory_space<vmem_shared>>
        tpu.wait_indirect_dma semaphore(%arg20 : memref<!tpu.dma_semaphore, #tpu.memory_space<semaphore_mem>>) src(%arg11 : memref<80x16xf32, #tpu.memory_space<vmem>>) dst(%dma_wait3A_193 : memref<10000x16xf32, #tpu.memory_space<vmem_shared>>)
        %add3A_194 = arith.constant 1 : i32
        %add3A_195 = arith.addi %scan3A_76, %add3A_194 : i32
        %mul3A_196 = arith.constant 5 : i32
        %mul3A_197 = arith.muli %add3A_195, %mul3A_196 : i32
        %add3A_198 = arith.constant 2 : i32
        %add3A_199 = arith.addi %mul3A_197, %add3A_198 : i32
        %mul3A_200 = arith.constant 10000 : i32
        %mul3A_201 = arith.muli %add3A, %mul3A_200 : i32
        %mul3A_202 = arith.constant 80 : i32
        %mul3A_203 = arith.muli %add3A_199, %mul3A_202 : i32
        %add3A_204 = arith.addi %mul3A_201, %mul3A_203 : i32
        %multiple_of3A_205 = tpu.assume_multiple %add3A_204, 8 : i32
        %dma_start3A_206 = tpu.memref_slice %arg2[%multiple_of3A_205] : memref<320000xi32, #tpu.memory_space<hbm>> -> memref<80xi32, #tpu.memory_space<hbm>>
        %dma_start3A_207 = tpu.memref_slice %arg2[%multiple_of3A_205] : memref<320000xi32, #tpu.memory_space<hbm>> -> memref<80xi32, #tpu.memory_space<hbm>>
        tpu.enqueue_dma source(%dma_start3A_207 : memref<80xi32, #tpu.memory_space<hbm>>) target(%arg8 : memref<80xi32, #tpu.memory_space<vmem>>) target_semaphore(%arg15 : memref<!tpu.dma_semaphore, #tpu.memory_space<semaphore_mem>>)
        %dma_wait3A_208 = arith.constant 0 : i32
        %dma_wait3A_209 = arith.constant 0 : i32
        %dma_wait3A_210 = tpu.memref_slice %arg12[%dma_wait3A_208, %dma_wait3A_209] : memref<10000x16xf32, #tpu.memory_space<vmem_shared>> -> memref<10000x16xf32, #tpu.memory_space<vmem_shared>>
        tpu.wait_indirect_dma semaphore(%arg21 : memref<!tpu.dma_semaphore, #tpu.memory_space<semaphore_mem>>) src(%arg11 : memref<80x16xf32, #tpu.memory_space<vmem>>) dst(%dma_wait3A_210 : memref<10000x16xf32, #tpu.memory_space<vmem_shared>>)
        %add3A_211 = arith.constant 1 : i32
        %add3A_212 = arith.addi %scan3A_76, %add3A_211 : i32
        %mul3A_213 = arith.constant 5 : i32
        %mul3A_214 = arith.muli %add3A_212, %mul3A_213 : i32
        %add3A_215 = arith.constant 3 : i32
        %add3A_216 = arith.addi %mul3A_214, %add3A_215 : i32
        %mul3A_217 = arith.constant 10000 : i32
        %mul3A_218 = arith.muli %add3A, %mul3A_217 : i32
        %mul3A_219 = arith.constant 80 : i32
        %mul3A_220 = arith.muli %add3A_216, %mul3A_219 : i32
        %add3A_221 = arith.addi %mul3A_218, %mul3A_220 : i32
        %multiple_of3A_222 = tpu.assume_multiple %add3A_221, 8 : i32
        %dma_start3A_223 = tpu.memref_slice %arg2[%multiple_of3A_222] : memref<320000xi32, #tpu.memory_space<hbm>> -> memref<80xi32, #tpu.memory_space<hbm>>
        %dma_start3A_224 = tpu.memref_slice %arg2[%multiple_of3A_222] : memref<320000xi32, #tpu.memory_space<hbm>> -> memref<80xi32, #tpu.memory_space<hbm>>
        tpu.enqueue_dma source(%dma_start3A_224 : memref<80xi32, #tpu.memory_space<hbm>>) target(%arg9 : memref<80xi32, #tpu.memory_space<vmem>>) target_semaphore(%arg16 : memref<!tpu.dma_semaphore, #tpu.memory_space<semaphore_mem>>)
        %dma_wait3A_225 = arith.constant 0 : i32
        %dma_wait3A_226 = arith.constant 0 : i32
        %dma_wait3A_227 = tpu.memref_slice %arg12[%dma_wait3A_225, %dma_wait3A_226] : memref<10000x16xf32, #tpu.memory_space<vmem_shared>> -> memref<10000x16xf32, #tpu.memory_space<vmem_shared>>
        tpu.wait_indirect_dma semaphore(%arg22 : memref<!tpu.dma_semaphore, #tpu.memory_space<semaphore_mem>>) src(%arg11 : memref<80x16xf32, #tpu.memory_space<vmem>>) dst(%dma_wait3A_227 : memref<10000x16xf32, #tpu.memory_space<vmem_shared>>)
        %add3A_228 = arith.constant 1 : i32
        %add3A_229 = arith.addi %scan3A_76, %add3A_228 : i32
        %mul3A_230 = arith.constant 5 : i32
        %mul3A_231 = arith.muli %add3A_229, %mul3A_230 : i32
        %add3A_232 = arith.constant 4 : i32
        %add3A_233 = arith.addi %mul3A_231, %add3A_232 : i32
        %mul3A_234 = arith.constant 10000 : i32
        %mul3A_235 = arith.muli %add3A, %mul3A_234 : i32
        %mul3A_236 = arith.constant 80 : i32
        %mul3A_237 = arith.muli %add3A_233, %mul3A_236 : i32
        %add3A_238 = arith.addi %mul3A_235, %mul3A_237 : i32
        %multiple_of3A_239 = tpu.assume_multiple %add3A_238, 8 : i32
        %dma_start3A_240 = tpu.memref_slice %arg2[%multiple_of3A_239] : memref<320000xi32, #tpu.memory_space<hbm>> -> memref<80xi32, #tpu.memory_space<hbm>>
        %dma_start3A_241 = tpu.memref_slice %arg2[%multiple_of3A_239] : memref<320000xi32, #tpu.memory_space<hbm>> -> memref<80xi32, #tpu.memory_space<hbm>>
        tpu.enqueue_dma source(%dma_start3A_241 : memref<80xi32, #tpu.memory_space<hbm>>) target(%arg10 : memref<80xi32, #tpu.memory_space<vmem>>) target_semaphore(%arg17 : memref<!tpu.dma_semaphore, #tpu.memory_space<semaphore_mem>>)
      } else {
      }
    }
    %scan3A_47 = arith.constant 25 : i32
    %dma_wait3A = arith.constant 0 : i32
    %dma_wait3A_48 = arith.constant 0 : i32
    %dma_wait3A_49 = tpu.memref_slice %arg12[%dma_wait3A, %dma_wait3A_48] : memref<10000x16xf32, #tpu.memory_space<vmem_shared>> -> memref<10000x16xf32, #tpu.memory_space<vmem_shared>>
    tpu.wait_indirect_dma semaphore(%arg18 : memref<!tpu.dma_semaphore, #tpu.memory_space<semaphore_mem>>) src(%arg11 : memref<80x16xf32, #tpu.memory_space<vmem>>) dst(%dma_wait3A_49 : memref<10000x16xf32, #tpu.memory_space<vmem_shared>>)
    %dma_wait3A_50 = arith.constant 0 : i32
    %dma_wait3A_51 = arith.constant 0 : i32
    %dma_wait3A_52 = tpu.memref_slice %arg12[%dma_wait3A_50, %dma_wait3A_51] : memref<10000x16xf32, #tpu.memory_space<vmem_shared>> -> memref<10000x16xf32, #tpu.memory_space<vmem_shared>>
    tpu.wait_indirect_dma semaphore(%arg19 : memref<!tpu.dma_semaphore, #tpu.memory_space<semaphore_mem>>) src(%arg11 : memref<80x16xf32, #tpu.memory_space<vmem>>) dst(%dma_wait3A_52 : memref<10000x16xf32, #tpu.memory_space<vmem_shared>>)
    %dma_wait3A_53 = arith.constant 0 : i32
    %dma_wait3A_54 = arith.constant 0 : i32
    %dma_wait3A_55 = tpu.memref_slice %arg12[%dma_wait3A_53, %dma_wait3A_54] : memref<10000x16xf32, #tpu.memory_space<vmem_shared>> -> memref<10000x16xf32, #tpu.memory_space<vmem_shared>>
    tpu.wait_indirect_dma semaphore(%arg20 : memref<!tpu.dma_semaphore, #tpu.memory_space<semaphore_mem>>) src(%arg11 : memref<80x16xf32, #tpu.memory_space<vmem>>) dst(%dma_wait3A_55 : memref<10000x16xf32, #tpu.memory_space<vmem_shared>>)
    %dma_wait3A_56 = arith.constant 0 : i32
    %dma_wait3A_57 = arith.constant 0 : i32
    %dma_wait3A_58 = tpu.memref_slice %arg12[%dma_wait3A_56, %dma_wait3A_57] : memref<10000x16xf32, #tpu.memory_space<vmem_shared>> -> memref<10000x16xf32, #tpu.memory_space<vmem_shared>>
    tpu.wait_indirect_dma semaphore(%arg21 : memref<!tpu.dma_semaphore, #tpu.memory_space<semaphore_mem>>) src(%arg11 : memref<80x16xf32, #tpu.memory_space<vmem>>) dst(%dma_wait3A_58 : memref<10000x16xf32, #tpu.memory_space<vmem_shared>>)
    %dma_wait3A_59 = arith.constant 0 : i32
    %dma_wait3A_60 = arith.constant 0 : i32
    %dma_wait3A_61 = tpu.memref_slice %arg12[%dma_wait3A_59, %dma_wait3A_60] : memref<10000x16xf32, #tpu.memory_space<vmem_shared>> -> memref<10000x16xf32, #tpu.memory_space<vmem_shared>>
    tpu.wait_indirect_dma semaphore(%arg22 : memref<!tpu.dma_semaphore, #tpu.memory_space<semaphore_mem>>) src(%arg11 : memref<80x16xf32, #tpu.memory_space<vmem>>) dst(%dma_wait3A_61 : memref<10000x16xf32, #tpu.memory_space<vmem_shared>>)
    %barrier3A_62 = arith.constant 0 : index
    tpu.barrier barrier_id(%barrier3A_62)
    %mul3A_63 = arith.constant 624 : i32
    %mul3A_64 = arith.muli %arg1, %mul3A_63 : i32
    %multiple_of3A_65 = tpu.assume_multiple %mul3A_64, 8 : i32
    %lt3A_66 = arith.constant 15 : i32
    %lt3A_67 = arith.cmpi slt, %arg1, %lt3A_66 : i32
    %convert_element_type3A_68 = arith.extui %lt3A_67 : i1 to i32
    %cond3A_69 = arith.constant 0 : i32
    %cond3A_70 = arith.cmpi ne, %convert_element_type3A_68, %cond3A_69 : i32
    scf.if %cond3A_70 {
      "tpu.region"() ({
        %run_scoped3A = tpu.sem_alloc : memref<!tpu.dma_semaphore, #tpu.memory_space<semaphore_mem>>
        %dma_start3A_76 = arith.constant 0 : i32
        %dma_start3A_77 = tpu.memref_slice %arg5[%arg0, %multiple_of3A_65, %dma_start3A_76] : memref<2x10000x16xf32, #tpu.memory_space<hbm>> -> memref<1x624x16xf32, #tpu.memory_space<hbm>>
        %dma_start3A_78 = tpu.memref_squeeze %dma_start3A_77 : memref<1x624x16xf32, #tpu.memory_space<hbm>> -> memref<624x16xf32, #tpu.memory_space<hbm>>
        %dma_start3A_79 = arith.constant 0 : i32
        %dma_start3A_80 = tpu.memref_slice %arg12[%multiple_of3A_65, %dma_start3A_79] : memref<10000x16xf32, #tpu.memory_space<vmem_shared>> -> memref<624x16xf32, #tpu.memory_space<vmem_shared>>
        tpu.enqueue_dma source(%dma_start3A_80 : memref<624x16xf32, #tpu.memory_space<vmem_shared>>) target(%dma_start3A_78 : memref<624x16xf32, #tpu.memory_space<hbm>>) target_semaphore(%run_scoped3A : memref<!tpu.dma_semaphore, #tpu.memory_space<semaphore_mem>>)
        %dma_wait3A_81 = arith.constant 0 : i32
        %dma_wait3A_82 = tpu.memref_slice %arg5[%arg0, %multiple_of3A_65, %dma_wait3A_81] : memref<2x10000x16xf32, #tpu.memory_space<hbm>> -> memref<1x624x16xf32, #tpu.memory_space<hbm>>
        %dma_wait3A_83 = tpu.memref_squeeze %dma_wait3A_82 : memref<1x624x16xf32, #tpu.memory_space<hbm>> -> memref<624x16xf32, #tpu.memory_space<hbm>>
        %dma_wait3A_84 = arith.constant 0 : i32
        %dma_wait3A_85 = tpu.memref_slice %arg12[%multiple_of3A_65, %dma_wait3A_84] : memref<10000x16xf32, #tpu.memory_space<vmem_shared>> -> memref<624x16xf32, #tpu.memory_space<vmem_shared>>
        tpu.wait_dma2 semaphore(%run_scoped3A : memref<!tpu.dma_semaphore, #tpu.memory_space<semaphore_mem>>) src(%dma_wait3A_85 : memref<624x16xf32, #tpu.memory_space<vmem_shared>>) dst(%dma_wait3A_83 : memref<624x16xf32, #tpu.memory_space<hbm>>)
        tpu.yield
      }) : () -> ()
    } else {
    }
    %eq3A_71 = arith.constant 15 : i32
    %eq3A_72 = arith.cmpi eq, %arg1, %eq3A_71 : i32
    %convert_element_type3A_73 = arith.extui %eq3A_72 : i1 to i32
    %cond3A_74 = arith.constant 0 : i32
    %cond3A_75 = arith.cmpi ne, %convert_element_type3A_73, %cond3A_74 : i32
    scf.if %cond3A_75 {
      "tpu.region"() ({
        %run_scoped3A = tpu.sem_alloc : memref<!tpu.dma_semaphore, #tpu.memory_space<semaphore_mem>>
        %dma_start3A_76 = arith.constant 9360 : i32
        %dma_start3A_77 = arith.constant 0 : i32
        %dma_start3A_78 = tpu.memref_slice %arg5[%arg0, %dma_start3A_76, %dma_start3A_77] : memref<2x10000x16xf32, #tpu.memory_space<hbm>> -> memref<1x640x16xf32, #tpu.memory_space<hbm>>
        %dma_start3A_79 = tpu.memref_squeeze %dma_start3A_78 : memref<1x640x16xf32, #tpu.memory_space<hbm>> -> memref<640x16xf32, #tpu.memory_space<hbm>>
        %dma_start3A_80 = arith.constant 9360 : i32
        %dma_start3A_81 = arith.constant 0 : i32
        %dma_start3A_82 = tpu.memref_slice %arg12[%dma_start3A_80, %dma_start3A_81] : memref<10000x16xf32, #tpu.memory_space<vmem_shared>> -> memref<640x16xf32, #tpu.memory_space<vmem_shared>>
        tpu.enqueue_dma source(%dma_start3A_82 : memref<640x16xf32, #tpu.memory_space<vmem_shared>>) target(%dma_start3A_79 : memref<640x16xf32, #tpu.memory_space<hbm>>) target_semaphore(%run_scoped3A : memref<!tpu.dma_semaphore, #tpu.memory_space<semaphore_mem>>)
        %dma_wait3A_83 = arith.constant 9360 : i32
        %dma_wait3A_84 = arith.constant 0 : i32
        %dma_wait3A_85 = tpu.memref_slice %arg5[%arg0, %dma_wait3A_83, %dma_wait3A_84] : memref<2x10000x16xf32, #tpu.memory_space<hbm>> -> memref<1x640x16xf32, #tpu.memory_space<hbm>>
        %dma_wait3A_86 = tpu.memref_squeeze %dma_wait3A_85 : memref<1x640x16xf32, #tpu.memory_space<hbm>> -> memref<640x16xf32, #tpu.memory_space<hbm>>
        %dma_wait3A_87 = arith.constant 9360 : i32
        %dma_wait3A_88 = arith.constant 0 : i32
        %dma_wait3A_89 = tpu.memref_slice %arg12[%dma_wait3A_87, %dma_wait3A_88] : memref<10000x16xf32, #tpu.memory_space<vmem_shared>> -> memref<640x16xf32, #tpu.memory_space<vmem_shared>>
        tpu.wait_dma2 semaphore(%run_scoped3A : memref<!tpu.dma_semaphore, #tpu.memory_space<semaphore_mem>>) src(%dma_wait3A_89 : memref<640x16xf32, #tpu.memory_space<vmem_shared>>) dst(%dma_wait3A_86 : memref<640x16xf32, #tpu.memory_space<hbm>>)
        tpu.yield
      }) : () -> ()
    } else {
    }
    return
  }
}

#map = affine_map<(d0, d1) -> (0, 0)>
#map1 = affine_map<(d0, d1) -> (0)>
#map2 = affine_map<(d0, d1) -> (0, 0, 0)>
module attributes {stable_mosaic.version = 14 : i64} {
  func.func @sc_spmm(%arg0: i32, %arg1: i32, %arg2: memref<10000x128xf32, #tpu.memory_space<hbm>>, %arg3: memref<320000xi32, #tpu.memory_space<hbm>>, %arg4: memref<320000xi32, #tpu.memory_space<hbm>>, %arg5: memref<640x128xf32, #tpu.memory_space<hbm>>, %arg6: memref<2x10000x128xf32, #tpu.memory_space<hbm>>, %arg7: memref<200xi32, #tpu.memory_space<vmem>>, %arg8: memref<200xi32, #tpu.memory_space<vmem>>, %arg9: memref<40xi32, #tpu.memory_space<vmem>>, %arg10: memref<40xi32, #tpu.memory_space<vmem>>, %arg11: memref<40xi32, #tpu.memory_space<vmem>>, %arg12: memref<40xi32, #tpu.memory_space<vmem>>, %arg13: memref<40xi32, #tpu.memory_space<vmem>>, %arg14: memref<40xi32, #tpu.memory_space<vmem>>, %arg15: memref<40xi32, #tpu.memory_space<vmem>>, %arg16: memref<40xi32, #tpu.memory_space<vmem>>, %arg17: memref<40xi32, #tpu.memory_space<vmem>>, %arg18: memref<40xi32, #tpu.memory_space<vmem>>, %arg19: memref<200x128xf32, #tpu.memory_space<vmem>>, %arg20: memref<10000x128xf32, #tpu.memory_space<vmem_shared>>, %arg21: memref<!tpu.dma_semaphore, #tpu.memory_space<semaphore_mem>>, %arg22: memref<!tpu.dma_semaphore, #tpu.memory_space<semaphore_mem>>, %arg23: memref<!tpu.dma_semaphore, #tpu.memory_space<semaphore_mem>>, %arg24: memref<!tpu.dma_semaphore, #tpu.memory_space<semaphore_mem>>, %arg25: memref<!tpu.dma_semaphore, #tpu.memory_space<semaphore_mem>>, %arg26: memref<!tpu.dma_semaphore, #tpu.memory_space<semaphore_mem>>, %arg27: memref<!tpu.dma_semaphore, #tpu.memory_space<semaphore_mem>>, %arg28: memref<!tpu.dma_semaphore, #tpu.memory_space<semaphore_mem>>, %arg29: memref<!tpu.dma_semaphore, #tpu.memory_space<semaphore_mem>>, %arg30: memref<!tpu.dma_semaphore, #tpu.memory_space<semaphore_mem>>, %arg31: memref<!tpu.dma_semaphore, #tpu.memory_space<semaphore_mem>>, %arg32: memref<!tpu.dma_semaphore, #tpu.memory_space<semaphore_mem>>, %arg33: memref<!tpu.dma_semaphore, #tpu.memory_space<semaphore_mem>>, %arg34: memref<!tpu.dma_semaphore, #tpu.memory_space<semaphore_mem>>) attributes {dimension_semantics = [#tpu.dimension_semantics<core_parallel>, #tpu.dimension_semantics<subcore_parallel>], iteration_bounds = array<i64: 2, 16>, scalar_prefetch = 0 : i64, scratch_operands = 28 : i64, tpu.core_type = #tpu.core_type<sc_vector_subcore>, window_params = [{transform_indices = #map}, {transform_indices = #map1}, {transform_indices = #map1}, {transform_indices = #map}, {transform_indices = #map2}]} {
    %mul3A = arith.constant 2 : i32
    %mul3A_0 = arith.muli %arg1, %mul3A : i32
    %add3A = arith.addi %mul3A_0, %arg0 : i32
    %mul3A_1 = arith.constant 624 : i32
    %mul3A_2 = arith.muli %arg1, %mul3A_1 : i32
    %multiple_of3A = tpu.assume_multiple %mul3A_2, 8 : i32
    %lt3A = arith.constant 15 : i32
    %lt3A_3 = arith.cmpi slt, %arg1, %lt3A : i32
    %convert_element_type3A = arith.extui %lt3A_3 : i1 to i32
    %cond3A = arith.constant 0 : i32
    %cond3A_4 = arith.cmpi ne, %convert_element_type3A, %cond3A : i32
    scf.if %cond3A_4 {
      "tpu.region"() ({
        %run_scoped3A = tpu.sem_alloc : memref<!tpu.dma_semaphore, #tpu.memory_space<semaphore_mem>>
        %dma_start3A_160 = arith.constant 0 : i32
        %dma_start3A_161 = tpu.memref_slice %arg20[%multiple_of3A, %dma_start3A_160] : memref<10000x128xf32, #tpu.memory_space<vmem_shared>> -> memref<624x128xf32, #tpu.memory_space<vmem_shared>>
        %dma_start3A_162 = arith.constant 0 : i32
        %dma_start3A_163 = arith.constant 0 : i32
        %dma_start3A_164 = tpu.memref_slice %arg5[%dma_start3A_162, %dma_start3A_163] : memref<640x128xf32, #tpu.memory_space<hbm>> -> memref<624x128xf32, #tpu.memory_space<hbm>>
        tpu.enqueue_dma source(%dma_start3A_164 : memref<624x128xf32, #tpu.memory_space<hbm>>) target(%dma_start3A_161 : memref<624x128xf32, #tpu.memory_space<vmem_shared>>) target_semaphore(%run_scoped3A : memref<!tpu.dma_semaphore, #tpu.memory_space<semaphore_mem>>)
        %dma_wait3A_165 = arith.constant 0 : i32
        %dma_wait3A_166 = tpu.memref_slice %arg20[%multiple_of3A, %dma_wait3A_165] : memref<10000x128xf32, #tpu.memory_space<vmem_shared>> -> memref<624x128xf32, #tpu.memory_space<vmem_shared>>
        %dma_wait3A_167 = arith.constant 0 : i32
        %dma_wait3A_168 = arith.constant 0 : i32
        %dma_wait3A_169 = tpu.memref_slice %arg5[%dma_wait3A_167, %dma_wait3A_168] : memref<640x128xf32, #tpu.memory_space<hbm>> -> memref<624x128xf32, #tpu.memory_space<hbm>>
        tpu.wait_dma2 semaphore(%run_scoped3A : memref<!tpu.dma_semaphore, #tpu.memory_space<semaphore_mem>>) src(%dma_wait3A_169 : memref<624x128xf32, #tpu.memory_space<hbm>>) dst(%dma_wait3A_166 : memref<624x128xf32, #tpu.memory_space<vmem_shared>>)
        tpu.yield
      }) : () -> ()
    } else {
    }
    %eq3A = arith.constant 15 : i32
    %eq3A_5 = arith.cmpi eq, %arg1, %eq3A : i32
    %convert_element_type3A_6 = arith.extui %eq3A_5 : i1 to i32
    %cond3A_7 = arith.constant 0 : i32
    %cond3A_8 = arith.cmpi ne, %convert_element_type3A_6, %cond3A_7 : i32
    scf.if %cond3A_8 {
      "tpu.region"() ({
        %run_scoped3A = tpu.sem_alloc : memref<!tpu.dma_semaphore, #tpu.memory_space<semaphore_mem>>
        %dma_start3A_160 = arith.constant 9360 : i32
        %dma_start3A_161 = arith.constant 0 : i32
        %dma_start3A_162 = tpu.memref_slice %arg20[%dma_start3A_160, %dma_start3A_161] : memref<10000x128xf32, #tpu.memory_space<vmem_shared>> -> memref<640x128xf32, #tpu.memory_space<vmem_shared>>
        tpu.enqueue_dma source(%arg5 : memref<640x128xf32, #tpu.memory_space<hbm>>) target(%dma_start3A_162 : memref<640x128xf32, #tpu.memory_space<vmem_shared>>) target_semaphore(%run_scoped3A : memref<!tpu.dma_semaphore, #tpu.memory_space<semaphore_mem>>)
        %dma_wait3A_163 = arith.constant 9360 : i32
        %dma_wait3A_164 = arith.constant 0 : i32
        %dma_wait3A_165 = tpu.memref_slice %arg20[%dma_wait3A_163, %dma_wait3A_164] : memref<10000x128xf32, #tpu.memory_space<vmem_shared>> -> memref<640x128xf32, #tpu.memory_space<vmem_shared>>
        tpu.wait_dma2 semaphore(%run_scoped3A : memref<!tpu.dma_semaphore, #tpu.memory_space<semaphore_mem>>) src(%arg5 : memref<640x128xf32, #tpu.memory_space<hbm>>) dst(%dma_wait3A_165 : memref<640x128xf32, #tpu.memory_space<vmem_shared>>)
        tpu.yield
      }) : () -> ()
    } else {
    }
    %mul3A_9 = arith.constant 10000 : i32
    %mul3A_10 = arith.muli %add3A, %mul3A_9 : i32
    %add3A_11 = arith.constant 0 : i32
    %add3A_12 = arith.addi %mul3A_10, %add3A_11 : i32
    %multiple_of3A_13 = tpu.assume_multiple %add3A_12, 8 : i32
    %add3A_14 = arith.constant 0 : i32
    %add3A_15 = arith.addi %multiple_of3A_13, %add3A_14 : i32
    %multiple_of3A_16 = tpu.assume_multiple %add3A_15, 8 : i32
    %add3A_17 = arith.constant 40 : i32
    %add3A_18 = arith.addi %multiple_of3A_13, %add3A_17 : i32
    %multiple_of3A_19 = tpu.assume_multiple %add3A_18, 8 : i32
    %add3A_20 = arith.constant 80 : i32
    %add3A_21 = arith.addi %multiple_of3A_13, %add3A_20 : i32
    %multiple_of3A_22 = tpu.assume_multiple %add3A_21, 8 : i32
    %add3A_23 = arith.constant 120 : i32
    %add3A_24 = arith.addi %multiple_of3A_13, %add3A_23 : i32
    %multiple_of3A_25 = tpu.assume_multiple %add3A_24, 8 : i32
    %add3A_26 = arith.constant 160 : i32
    %add3A_27 = arith.addi %multiple_of3A_13, %add3A_26 : i32
    %multiple_of3A_28 = tpu.assume_multiple %add3A_27, 8 : i32
    %dma_start3A = tpu.memref_slice %arg3[%multiple_of3A_13] : memref<320000xi32, #tpu.memory_space<hbm>> -> memref<200xi32, #tpu.memory_space<hbm>>
    %dma_start3A_29 = tpu.memref_slice %arg3[%multiple_of3A_13] : memref<320000xi32, #tpu.memory_space<hbm>> -> memref<200xi32, #tpu.memory_space<hbm>>
    tpu.enqueue_dma source(%dma_start3A_29 : memref<200xi32, #tpu.memory_space<hbm>>) target(%arg7 : memref<200xi32, #tpu.memory_space<vmem>>) target_semaphore(%arg31 : memref<!tpu.dma_semaphore, #tpu.memory_space<semaphore_mem>>)
    %dma_start3A_30 = tpu.memref_slice %arg4[%multiple_of3A_16] : memref<320000xi32, #tpu.memory_space<hbm>> -> memref<40xi32, #tpu.memory_space<hbm>>
    %dma_start3A_31 = tpu.memref_slice %arg4[%multiple_of3A_16] : memref<320000xi32, #tpu.memory_space<hbm>> -> memref<40xi32, #tpu.memory_space<hbm>>
    tpu.enqueue_dma source(%dma_start3A_31 : memref<40xi32, #tpu.memory_space<hbm>>) target(%arg9 : memref<40xi32, #tpu.memory_space<vmem>>) target_semaphore(%arg33 : memref<!tpu.dma_semaphore, #tpu.memory_space<semaphore_mem>>)
    %dma_start3A_32 = tpu.memref_slice %arg4[%multiple_of3A_19] : memref<320000xi32, #tpu.memory_space<hbm>> -> memref<40xi32, #tpu.memory_space<hbm>>
    %dma_start3A_33 = tpu.memref_slice %arg4[%multiple_of3A_19] : memref<320000xi32, #tpu.memory_space<hbm>> -> memref<40xi32, #tpu.memory_space<hbm>>
    tpu.enqueue_dma source(%dma_start3A_33 : memref<40xi32, #tpu.memory_space<hbm>>) target(%arg10 : memref<40xi32, #tpu.memory_space<vmem>>) target_semaphore(%arg33 : memref<!tpu.dma_semaphore, #tpu.memory_space<semaphore_mem>>)
    %dma_start3A_34 = tpu.memref_slice %arg4[%multiple_of3A_22] : memref<320000xi32, #tpu.memory_space<hbm>> -> memref<40xi32, #tpu.memory_space<hbm>>
    %dma_start3A_35 = tpu.memref_slice %arg4[%multiple_of3A_22] : memref<320000xi32, #tpu.memory_space<hbm>> -> memref<40xi32, #tpu.memory_space<hbm>>
    tpu.enqueue_dma source(%dma_start3A_35 : memref<40xi32, #tpu.memory_space<hbm>>) target(%arg11 : memref<40xi32, #tpu.memory_space<vmem>>) target_semaphore(%arg33 : memref<!tpu.dma_semaphore, #tpu.memory_space<semaphore_mem>>)
    %dma_start3A_36 = tpu.memref_slice %arg4[%multiple_of3A_25] : memref<320000xi32, #tpu.memory_space<hbm>> -> memref<40xi32, #tpu.memory_space<hbm>>
    %dma_start3A_37 = tpu.memref_slice %arg4[%multiple_of3A_25] : memref<320000xi32, #tpu.memory_space<hbm>> -> memref<40xi32, #tpu.memory_space<hbm>>
    tpu.enqueue_dma source(%dma_start3A_37 : memref<40xi32, #tpu.memory_space<hbm>>) target(%arg12 : memref<40xi32, #tpu.memory_space<vmem>>) target_semaphore(%arg33 : memref<!tpu.dma_semaphore, #tpu.memory_space<semaphore_mem>>)
    %dma_start3A_38 = tpu.memref_slice %arg4[%multiple_of3A_28] : memref<320000xi32, #tpu.memory_space<hbm>> -> memref<40xi32, #tpu.memory_space<hbm>>
    %dma_start3A_39 = tpu.memref_slice %arg4[%multiple_of3A_28] : memref<320000xi32, #tpu.memory_space<hbm>> -> memref<40xi32, #tpu.memory_space<hbm>>
    tpu.enqueue_dma source(%dma_start3A_39 : memref<40xi32, #tpu.memory_space<hbm>>) target(%arg13 : memref<40xi32, #tpu.memory_space<vmem>>) target_semaphore(%arg33 : memref<!tpu.dma_semaphore, #tpu.memory_space<semaphore_mem>>)
    %mul3A_40 = arith.constant 10000 : i32
    %mul3A_41 = arith.muli %add3A, %mul3A_40 : i32
    %add3A_42 = arith.constant 0 : i32
    %add3A_43 = arith.addi %mul3A_41, %add3A_42 : i32
    %multiple_of3A_44 = tpu.assume_multiple %add3A_43, 8 : i32
    %add3A_45 = arith.constant 0 : i32
    %add3A_46 = arith.addi %multiple_of3A_44, %add3A_45 : i32
    %multiple_of3A_47 = tpu.assume_multiple %add3A_46, 8 : i32
    %add3A_48 = arith.constant 40 : i32
    %add3A_49 = arith.addi %multiple_of3A_44, %add3A_48 : i32
    %multiple_of3A_50 = tpu.assume_multiple %add3A_49, 8 : i32
    %add3A_51 = arith.constant 80 : i32
    %add3A_52 = arith.addi %multiple_of3A_44, %add3A_51 : i32
    %multiple_of3A_53 = tpu.assume_multiple %add3A_52, 8 : i32
    %add3A_54 = arith.constant 120 : i32
    %add3A_55 = arith.addi %multiple_of3A_44, %add3A_54 : i32
    %multiple_of3A_56 = tpu.assume_multiple %add3A_55, 8 : i32
    %add3A_57 = arith.constant 160 : i32
    %add3A_58 = arith.addi %multiple_of3A_44, %add3A_57 : i32
    %multiple_of3A_59 = tpu.assume_multiple %add3A_58, 8 : i32
    %dma_wait3A = tpu.memref_slice %arg3[%multiple_of3A_44] : memref<320000xi32, #tpu.memory_space<hbm>> -> memref<200xi32, #tpu.memory_space<hbm>>
    %dma_wait3A_60 = tpu.memref_slice %arg3[%multiple_of3A_44] : memref<320000xi32, #tpu.memory_space<hbm>> -> memref<200xi32, #tpu.memory_space<hbm>>
    tpu.wait_dma2 semaphore(%arg31 : memref<!tpu.dma_semaphore, #tpu.memory_space<semaphore_mem>>) src(%dma_wait3A_60 : memref<200xi32, #tpu.memory_space<hbm>>) dst(%arg7 : memref<200xi32, #tpu.memory_space<vmem>>)
    %dma_wait3A_61 = tpu.memref_slice %arg4[%multiple_of3A_47] : memref<320000xi32, #tpu.memory_space<hbm>> -> memref<40xi32, #tpu.memory_space<hbm>>
    %dma_wait3A_62 = tpu.memref_slice %arg4[%multiple_of3A_47] : memref<320000xi32, #tpu.memory_space<hbm>> -> memref<40xi32, #tpu.memory_space<hbm>>
    tpu.wait_dma2 semaphore(%arg33 : memref<!tpu.dma_semaphore, #tpu.memory_space<semaphore_mem>>) src(%dma_wait3A_62 : memref<40xi32, #tpu.memory_space<hbm>>) dst(%arg9 : memref<40xi32, #tpu.memory_space<vmem>>)
    %dma_wait3A_63 = tpu.memref_slice %arg4[%multiple_of3A_50] : memref<320000xi32, #tpu.memory_space<hbm>> -> memref<40xi32, #tpu.memory_space<hbm>>
    %dma_wait3A_64 = tpu.memref_slice %arg4[%multiple_of3A_50] : memref<320000xi32, #tpu.memory_space<hbm>> -> memref<40xi32, #tpu.memory_space<hbm>>
    tpu.wait_dma2 semaphore(%arg33 : memref<!tpu.dma_semaphore, #tpu.memory_space<semaphore_mem>>) src(%dma_wait3A_64 : memref<40xi32, #tpu.memory_space<hbm>>) dst(%arg10 : memref<40xi32, #tpu.memory_space<vmem>>)
    %dma_wait3A_65 = tpu.memref_slice %arg4[%multiple_of3A_53] : memref<320000xi32, #tpu.memory_space<hbm>> -> memref<40xi32, #tpu.memory_space<hbm>>
    %dma_wait3A_66 = tpu.memref_slice %arg4[%multiple_of3A_53] : memref<320000xi32, #tpu.memory_space<hbm>> -> memref<40xi32, #tpu.memory_space<hbm>>
    tpu.wait_dma2 semaphore(%arg33 : memref<!tpu.dma_semaphore, #tpu.memory_space<semaphore_mem>>) src(%dma_wait3A_66 : memref<40xi32, #tpu.memory_space<hbm>>) dst(%arg11 : memref<40xi32, #tpu.memory_space<vmem>>)
    %dma_wait3A_67 = tpu.memref_slice %arg4[%multiple_of3A_56] : memref<320000xi32, #tpu.memory_space<hbm>> -> memref<40xi32, #tpu.memory_space<hbm>>
    %dma_wait3A_68 = tpu.memref_slice %arg4[%multiple_of3A_56] : memref<320000xi32, #tpu.memory_space<hbm>> -> memref<40xi32, #tpu.memory_space<hbm>>
    tpu.wait_dma2 semaphore(%arg33 : memref<!tpu.dma_semaphore, #tpu.memory_space<semaphore_mem>>) src(%dma_wait3A_68 : memref<40xi32, #tpu.memory_space<hbm>>) dst(%arg12 : memref<40xi32, #tpu.memory_space<vmem>>)
    %dma_wait3A_69 = tpu.memref_slice %arg4[%multiple_of3A_59] : memref<320000xi32, #tpu.memory_space<hbm>> -> memref<40xi32, #tpu.memory_space<hbm>>
    %dma_wait3A_70 = tpu.memref_slice %arg4[%multiple_of3A_59] : memref<320000xi32, #tpu.memory_space<hbm>> -> memref<40xi32, #tpu.memory_space<hbm>>
    tpu.wait_dma2 semaphore(%arg33 : memref<!tpu.dma_semaphore, #tpu.memory_space<semaphore_mem>>) src(%dma_wait3A_70 : memref<40xi32, #tpu.memory_space<hbm>>) dst(%arg13 : memref<40xi32, #tpu.memory_space<vmem>>)
    %barrier3A = arith.constant 0 : index
    tpu.barrier barrier_id(%barrier3A)
    %dma_start3A_71 = arith.constant 0 : i32
    %dma_start3A_72 = arith.constant 0 : i32
    %dma_start3A_73 = tpu.memref_slice %arg19[%dma_start3A_71, %dma_start3A_72] : memref<200x128xf32, #tpu.memory_space<vmem>> -> memref<40x128xf32, #tpu.memory_space<vmem>>
    %dma_start3A_74 = arith.constant 0 : i32
    %dma_start3A_75 = tpu.memref_slice %arg7[%dma_start3A_74] : memref<200xi32, #tpu.memory_space<vmem>> -> memref<40xi32, #tpu.memory_space<vmem>>
    %dma_start3A_76 = arith.constant 0 : i32
    %dma_start3A_77 = arith.constant 0 : i32
    %dma_start3A_78 = tpu.memref_slice %arg2[%dma_start3A_76, %dma_start3A_77] : memref<10000x128xf32, #tpu.memory_space<hbm>> -> memref<10000x128xf32, #tpu.memory_space<hbm>>
    tpu.enqueue_indirect_dma source(%dma_start3A_78 : memref<10000x128xf32, #tpu.memory_space<hbm>>) target(%dma_start3A_73 : memref<40x128xf32, #tpu.memory_space<vmem>>) offsets(%dma_start3A_75 : memref<40xi32, #tpu.memory_space<vmem>>) semaphore(%arg21 : memref<!tpu.dma_semaphore, #tpu.memory_space<semaphore_mem>>)
    %dma_start3A_79 = arith.constant 40 : i32
    %dma_start3A_80 = arith.constant 0 : i32
    %dma_start3A_81 = tpu.memref_slice %arg19[%dma_start3A_79, %dma_start3A_80] : memref<200x128xf32, #tpu.memory_space<vmem>> -> memref<40x128xf32, #tpu.memory_space<vmem>>
    %dma_start3A_82 = arith.constant 40 : i32
    %dma_start3A_83 = tpu.memref_slice %arg7[%dma_start3A_82] : memref<200xi32, #tpu.memory_space<vmem>> -> memref<40xi32, #tpu.memory_space<vmem>>
    %dma_start3A_84 = arith.constant 0 : i32
    %dma_start3A_85 = arith.constant 0 : i32
    %dma_start3A_86 = tpu.memref_slice %arg2[%dma_start3A_84, %dma_start3A_85] : memref<10000x128xf32, #tpu.memory_space<hbm>> -> memref<10000x128xf32, #tpu.memory_space<hbm>>
    tpu.enqueue_indirect_dma source(%dma_start3A_86 : memref<10000x128xf32, #tpu.memory_space<hbm>>) target(%dma_start3A_81 : memref<40x128xf32, #tpu.memory_space<vmem>>) offsets(%dma_start3A_83 : memref<40xi32, #tpu.memory_space<vmem>>) semaphore(%arg22 : memref<!tpu.dma_semaphore, #tpu.memory_space<semaphore_mem>>)
    %dma_start3A_87 = arith.constant 80 : i32
    %dma_start3A_88 = arith.constant 0 : i32
    %dma_start3A_89 = tpu.memref_slice %arg19[%dma_start3A_87, %dma_start3A_88] : memref<200x128xf32, #tpu.memory_space<vmem>> -> memref<40x128xf32, #tpu.memory_space<vmem>>
    %dma_start3A_90 = arith.constant 80 : i32
    %dma_start3A_91 = tpu.memref_slice %arg7[%dma_start3A_90] : memref<200xi32, #tpu.memory_space<vmem>> -> memref<40xi32, #tpu.memory_space<vmem>>
    %dma_start3A_92 = arith.constant 0 : i32
    %dma_start3A_93 = arith.constant 0 : i32
    %dma_start3A_94 = tpu.memref_slice %arg2[%dma_start3A_92, %dma_start3A_93] : memref<10000x128xf32, #tpu.memory_space<hbm>> -> memref<10000x128xf32, #tpu.memory_space<hbm>>
    tpu.enqueue_indirect_dma source(%dma_start3A_94 : memref<10000x128xf32, #tpu.memory_space<hbm>>) target(%dma_start3A_89 : memref<40x128xf32, #tpu.memory_space<vmem>>) offsets(%dma_start3A_91 : memref<40xi32, #tpu.memory_space<vmem>>) semaphore(%arg23 : memref<!tpu.dma_semaphore, #tpu.memory_space<semaphore_mem>>)
    %dma_start3A_95 = arith.constant 120 : i32
    %dma_start3A_96 = arith.constant 0 : i32
    %dma_start3A_97 = tpu.memref_slice %arg19[%dma_start3A_95, %dma_start3A_96] : memref<200x128xf32, #tpu.memory_space<vmem>> -> memref<40x128xf32, #tpu.memory_space<vmem>>
    %dma_start3A_98 = arith.constant 120 : i32
    %dma_start3A_99 = tpu.memref_slice %arg7[%dma_start3A_98] : memref<200xi32, #tpu.memory_space<vmem>> -> memref<40xi32, #tpu.memory_space<vmem>>
    %dma_start3A_100 = arith.constant 0 : i32
    %dma_start3A_101 = arith.constant 0 : i32
    %dma_start3A_102 = tpu.memref_slice %arg2[%dma_start3A_100, %dma_start3A_101] : memref<10000x128xf32, #tpu.memory_space<hbm>> -> memref<10000x128xf32, #tpu.memory_space<hbm>>
    tpu.enqueue_indirect_dma source(%dma_start3A_102 : memref<10000x128xf32, #tpu.memory_space<hbm>>) target(%dma_start3A_97 : memref<40x128xf32, #tpu.memory_space<vmem>>) offsets(%dma_start3A_99 : memref<40xi32, #tpu.memory_space<vmem>>) semaphore(%arg24 : memref<!tpu.dma_semaphore, #tpu.memory_space<semaphore_mem>>)
    %dma_start3A_103 = arith.constant 160 : i32
    %dma_start3A_104 = arith.constant 0 : i32
    %dma_start3A_105 = tpu.memref_slice %arg19[%dma_start3A_103, %dma_start3A_104] : memref<200x128xf32, #tpu.memory_space<vmem>> -> memref<40x128xf32, #tpu.memory_space<vmem>>
    %dma_start3A_106 = arith.constant 160 : i32
    %dma_start3A_107 = tpu.memref_slice %arg7[%dma_start3A_106] : memref<200xi32, #tpu.memory_space<vmem>> -> memref<40xi32, #tpu.memory_space<vmem>>
    %dma_start3A_108 = arith.constant 0 : i32
    %dma_start3A_109 = arith.constant 0 : i32
    %dma_start3A_110 = tpu.memref_slice %arg2[%dma_start3A_108, %dma_start3A_109] : memref<10000x128xf32, #tpu.memory_space<hbm>> -> memref<10000x128xf32, #tpu.memory_space<hbm>>
    tpu.enqueue_indirect_dma source(%dma_start3A_110 : memref<10000x128xf32, #tpu.memory_space<hbm>>) target(%dma_start3A_105 : memref<40x128xf32, #tpu.memory_space<vmem>>) offsets(%dma_start3A_107 : memref<40xi32, #tpu.memory_space<vmem>>) semaphore(%arg25 : memref<!tpu.dma_semaphore, #tpu.memory_space<semaphore_mem>>)
    %scan3A = arith.constant 0 : i32
    %scan3A_111 = arith.constant 0 : i32
    %scan3A_112 = arith.constant 25 : i32
    %scan3A_113 = arith.addi %scan3A_111, %scan3A_112 : i32
    %scan3A_114 = arith.constant 1 : i32
    scf.for %scan3A_160 = %scan3A_111 to %scan3A_113 step %scan3A_114  : i32 {
      %mul3A_161 = arith.constant 2 : i32
      %mul3A_162 = arith.muli %mul3A_161, %scan3A_160 : i32
      %lt3A_163 = arith.constant 49 : i32
      %lt3A_164 = arith.cmpi slt, %mul3A_162, %lt3A_163 : i32
      %convert_element_type3A_165 = arith.extui %lt3A_164 : i1 to i32
      %cond3A_166 = arith.constant 0 : i32
      %cond3A_167 = arith.cmpi ne, %convert_element_type3A_165, %cond3A_166 : i32
      scf.if %cond3A_167 {
        %add3A_327 = arith.constant 1 : i32
        %add3A_328 = arith.addi %mul3A_162, %add3A_327 : i32
        %mul3A_329 = arith.constant 10000 : i32
        %mul3A_330 = arith.muli %add3A, %mul3A_329 : i32
        %mul3A_331 = arith.constant 200 : i32
        %mul3A_332 = arith.muli %add3A_328, %mul3A_331 : i32
        %add3A_333 = arith.addi %mul3A_330, %mul3A_332 : i32
        %multiple_of3A_334 = tpu.assume_multiple %add3A_333, 8 : i32
        %add3A_335 = arith.constant 0 : i32
        %add3A_336 = arith.addi %multiple_of3A_334, %add3A_335 : i32
        %multiple_of3A_337 = tpu.assume_multiple %add3A_336, 8 : i32
        %add3A_338 = arith.constant 40 : i32
        %add3A_339 = arith.addi %multiple_of3A_334, %add3A_338 : i32
        %multiple_of3A_340 = tpu.assume_multiple %add3A_339, 8 : i32
        %add3A_341 = arith.constant 80 : i32
        %add3A_342 = arith.addi %multiple_of3A_334, %add3A_341 : i32
        %multiple_of3A_343 = tpu.assume_multiple %add3A_342, 8 : i32
        %add3A_344 = arith.constant 120 : i32
        %add3A_345 = arith.addi %multiple_of3A_334, %add3A_344 : i32
        %multiple_of3A_346 = tpu.assume_multiple %add3A_345, 8 : i32
        %add3A_347 = arith.constant 160 : i32
        %add3A_348 = arith.addi %multiple_of3A_334, %add3A_347 : i32
        %multiple_of3A_349 = tpu.assume_multiple %add3A_348, 8 : i32
        %dma_start3A_350 = tpu.memref_slice %arg3[%multiple_of3A_334] : memref<320000xi32, #tpu.memory_space<hbm>> -> memref<200xi32, #tpu.memory_space<hbm>>
        %dma_start3A_351 = tpu.memref_slice %arg3[%multiple_of3A_334] : memref<320000xi32, #tpu.memory_space<hbm>> -> memref<200xi32, #tpu.memory_space<hbm>>
        tpu.enqueue_dma source(%dma_start3A_351 : memref<200xi32, #tpu.memory_space<hbm>>) target(%arg8 : memref<200xi32, #tpu.memory_space<vmem>>) target_semaphore(%arg32 : memref<!tpu.dma_semaphore, #tpu.memory_space<semaphore_mem>>)
        %dma_start3A_352 = tpu.memref_slice %arg4[%multiple_of3A_337] : memref<320000xi32, #tpu.memory_space<hbm>> -> memref<40xi32, #tpu.memory_space<hbm>>
        %dma_start3A_353 = tpu.memref_slice %arg4[%multiple_of3A_337] : memref<320000xi32, #tpu.memory_space<hbm>> -> memref<40xi32, #tpu.memory_space<hbm>>
        tpu.enqueue_dma source(%dma_start3A_353 : memref<40xi32, #tpu.memory_space<hbm>>) target(%arg14 : memref<40xi32, #tpu.memory_space<vmem>>) target_semaphore(%arg34 : memref<!tpu.dma_semaphore, #tpu.memory_space<semaphore_mem>>)
        %dma_start3A_354 = tpu.memref_slice %arg4[%multiple_of3A_340] : memref<320000xi32, #tpu.memory_space<hbm>> -> memref<40xi32, #tpu.memory_space<hbm>>
        %dma_start3A_355 = tpu.memref_slice %arg4[%multiple_of3A_340] : memref<320000xi32, #tpu.memory_space<hbm>> -> memref<40xi32, #tpu.memory_space<hbm>>
        tpu.enqueue_dma source(%dma_start3A_355 : memref<40xi32, #tpu.memory_space<hbm>>) target(%arg15 : memref<40xi32, #tpu.memory_space<vmem>>) target_semaphore(%arg34 : memref<!tpu.dma_semaphore, #tpu.memory_space<semaphore_mem>>)
        %dma_start3A_356 = tpu.memref_slice %arg4[%multiple_of3A_343] : memref<320000xi32, #tpu.memory_space<hbm>> -> memref<40xi32, #tpu.memory_space<hbm>>
        %dma_start3A_357 = tpu.memref_slice %arg4[%multiple_of3A_343] : memref<320000xi32, #tpu.memory_space<hbm>> -> memref<40xi32, #tpu.memory_space<hbm>>
        tpu.enqueue_dma source(%dma_start3A_357 : memref<40xi32, #tpu.memory_space<hbm>>) target(%arg16 : memref<40xi32, #tpu.memory_space<vmem>>) target_semaphore(%arg34 : memref<!tpu.dma_semaphore, #tpu.memory_space<semaphore_mem>>)
        %dma_start3A_358 = tpu.memref_slice %arg4[%multiple_of3A_346] : memref<320000xi32, #tpu.memory_space<hbm>> -> memref<40xi32, #tpu.memory_space<hbm>>
        %dma_start3A_359 = tpu.memref_slice %arg4[%multiple_of3A_346] : memref<320000xi32, #tpu.memory_space<hbm>> -> memref<40xi32, #tpu.memory_space<hbm>>
        tpu.enqueue_dma source(%dma_start3A_359 : memref<40xi32, #tpu.memory_space<hbm>>) target(%arg17 : memref<40xi32, #tpu.memory_space<vmem>>) target_semaphore(%arg34 : memref<!tpu.dma_semaphore, #tpu.memory_space<semaphore_mem>>)
        %dma_start3A_360 = tpu.memref_slice %arg4[%multiple_of3A_349] : memref<320000xi32, #tpu.memory_space<hbm>> -> memref<40xi32, #tpu.memory_space<hbm>>
        %dma_start3A_361 = tpu.memref_slice %arg4[%multiple_of3A_349] : memref<320000xi32, #tpu.memory_space<hbm>> -> memref<40xi32, #tpu.memory_space<hbm>>
        tpu.enqueue_dma source(%dma_start3A_361 : memref<40xi32, #tpu.memory_space<hbm>>) target(%arg18 : memref<40xi32, #tpu.memory_space<vmem>>) target_semaphore(%arg34 : memref<!tpu.dma_semaphore, #tpu.memory_space<semaphore_mem>>)
      } else {
      }
      %dma_wait3A_168 = arith.constant 0 : i32
      %dma_wait3A_169 = arith.constant 0 : i32
      %dma_wait3A_170 = tpu.memref_slice %arg19[%dma_wait3A_168, %dma_wait3A_169] : memref<200x128xf32, #tpu.memory_space<vmem>> -> memref<40x128xf32, #tpu.memory_space<vmem>>
      %dma_wait3A_171 = arith.constant 0 : i32
      %dma_wait3A_172 = tpu.memref_slice %arg7[%dma_wait3A_171] : memref<200xi32, #tpu.memory_space<vmem>> -> memref<40xi32, #tpu.memory_space<vmem>>
      %dma_wait3A_173 = arith.constant 0 : i32
      %dma_wait3A_174 = arith.constant 0 : i32
      %dma_wait3A_175 = tpu.memref_slice %arg2[%dma_wait3A_173, %dma_wait3A_174] : memref<10000x128xf32, #tpu.memory_space<hbm>> -> memref<10000x128xf32, #tpu.memory_space<hbm>>
      tpu.wait_indirect_dma semaphore(%arg21 : memref<!tpu.dma_semaphore, #tpu.memory_space<semaphore_mem>>) src(%dma_wait3A_175 : memref<10000x128xf32, #tpu.memory_space<hbm>>) dst(%dma_wait3A_170 : memref<40x128xf32, #tpu.memory_space<vmem>>)
      %dma_start3A_176 = arith.constant 0 : i32
      %dma_start3A_177 = arith.constant 0 : i32
      %dma_start3A_178 = tpu.memref_slice %arg19[%dma_start3A_176, %dma_start3A_177] : memref<200x128xf32, #tpu.memory_space<vmem>> -> memref<40x128xf32, #tpu.memory_space<vmem>>
      %dma_start3A_179 = arith.constant 0 : i32
      %dma_start3A_180 = arith.constant 0 : i32
      %dma_start3A_181 = tpu.memref_slice %arg20[%dma_start3A_179, %dma_start3A_180] : memref<10000x128xf32, #tpu.memory_space<vmem_shared>> -> memref<10000x128xf32, #tpu.memory_space<vmem_shared>>
      tpu.enqueue_indirect_dma source(%dma_start3A_178 : memref<40x128xf32, #tpu.memory_space<vmem>>) target(%dma_start3A_181 : memref<10000x128xf32, #tpu.memory_space<vmem_shared>>) offsets(%arg9 : memref<40xi32, #tpu.memory_space<vmem>>) semaphore(%arg26 : memref<!tpu.dma_semaphore, #tpu.memory_space<semaphore_mem>>) {add = true}
      %dma_wait3A_182 = arith.constant 40 : i32
      %dma_wait3A_183 = arith.constant 0 : i32
      %dma_wait3A_184 = tpu.memref_slice %arg19[%dma_wait3A_182, %dma_wait3A_183] : memref<200x128xf32, #tpu.memory_space<vmem>> -> memref<40x128xf32, #tpu.memory_space<vmem>>
      %dma_wait3A_185 = arith.constant 40 : i32
      %dma_wait3A_186 = tpu.memref_slice %arg7[%dma_wait3A_185] : memref<200xi32, #tpu.memory_space<vmem>> -> memref<40xi32, #tpu.memory_space<vmem>>
      %dma_wait3A_187 = arith.constant 0 : i32
      %dma_wait3A_188 = arith.constant 0 : i32
      %dma_wait3A_189 = tpu.memref_slice %arg2[%dma_wait3A_187, %dma_wait3A_188] : memref<10000x128xf32, #tpu.memory_space<hbm>> -> memref<10000x128xf32, #tpu.memory_space<hbm>>
      tpu.wait_indirect_dma semaphore(%arg22 : memref<!tpu.dma_semaphore, #tpu.memory_space<semaphore_mem>>) src(%dma_wait3A_189 : memref<10000x128xf32, #tpu.memory_space<hbm>>) dst(%dma_wait3A_184 : memref<40x128xf32, #tpu.memory_space<vmem>>)
      %dma_start3A_190 = arith.constant 40 : i32
      %dma_start3A_191 = arith.constant 0 : i32
      %dma_start3A_192 = tpu.memref_slice %arg19[%dma_start3A_190, %dma_start3A_191] : memref<200x128xf32, #tpu.memory_space<vmem>> -> memref<40x128xf32, #tpu.memory_space<vmem>>
      %dma_start3A_193 = arith.constant 0 : i32
      %dma_start3A_194 = arith.constant 0 : i32
      %dma_start3A_195 = tpu.memref_slice %arg20[%dma_start3A_193, %dma_start3A_194] : memref<10000x128xf32, #tpu.memory_space<vmem_shared>> -> memref<10000x128xf32, #tpu.memory_space<vmem_shared>>
      tpu.enqueue_indirect_dma source(%dma_start3A_192 : memref<40x128xf32, #tpu.memory_space<vmem>>) target(%dma_start3A_195 : memref<10000x128xf32, #tpu.memory_space<vmem_shared>>) offsets(%arg10 : memref<40xi32, #tpu.memory_space<vmem>>) semaphore(%arg27 : memref<!tpu.dma_semaphore, #tpu.memory_space<semaphore_mem>>) {add = true}
      %dma_wait3A_196 = arith.constant 80 : i32
      %dma_wait3A_197 = arith.constant 0 : i32
      %dma_wait3A_198 = tpu.memref_slice %arg19[%dma_wait3A_196, %dma_wait3A_197] : memref<200x128xf32, #tpu.memory_space<vmem>> -> memref<40x128xf32, #tpu.memory_space<vmem>>
      %dma_wait3A_199 = arith.constant 80 : i32
      %dma_wait3A_200 = tpu.memref_slice %arg7[%dma_wait3A_199] : memref<200xi32, #tpu.memory_space<vmem>> -> memref<40xi32, #tpu.memory_space<vmem>>
      %dma_wait3A_201 = arith.constant 0 : i32
      %dma_wait3A_202 = arith.constant 0 : i32
      %dma_wait3A_203 = tpu.memref_slice %arg2[%dma_wait3A_201, %dma_wait3A_202] : memref<10000x128xf32, #tpu.memory_space<hbm>> -> memref<10000x128xf32, #tpu.memory_space<hbm>>
      tpu.wait_indirect_dma semaphore(%arg23 : memref<!tpu.dma_semaphore, #tpu.memory_space<semaphore_mem>>) src(%dma_wait3A_203 : memref<10000x128xf32, #tpu.memory_space<hbm>>) dst(%dma_wait3A_198 : memref<40x128xf32, #tpu.memory_space<vmem>>)
      %dma_start3A_204 = arith.constant 80 : i32
      %dma_start3A_205 = arith.constant 0 : i32
      %dma_start3A_206 = tpu.memref_slice %arg19[%dma_start3A_204, %dma_start3A_205] : memref<200x128xf32, #tpu.memory_space<vmem>> -> memref<40x128xf32, #tpu.memory_space<vmem>>
      %dma_start3A_207 = arith.constant 0 : i32
      %dma_start3A_208 = arith.constant 0 : i32
      %dma_start3A_209 = tpu.memref_slice %arg20[%dma_start3A_207, %dma_start3A_208] : memref<10000x128xf32, #tpu.memory_space<vmem_shared>> -> memref<10000x128xf32, #tpu.memory_space<vmem_shared>>
      tpu.enqueue_indirect_dma source(%dma_start3A_206 : memref<40x128xf32, #tpu.memory_space<vmem>>) target(%dma_start3A_209 : memref<10000x128xf32, #tpu.memory_space<vmem_shared>>) offsets(%arg11 : memref<40xi32, #tpu.memory_space<vmem>>) semaphore(%arg28 : memref<!tpu.dma_semaphore, #tpu.memory_space<semaphore_mem>>) {add = true}
      %dma_wait3A_210 = arith.constant 120 : i32
      %dma_wait3A_211 = arith.constant 0 : i32
      %dma_wait3A_212 = tpu.memref_slice %arg19[%dma_wait3A_210, %dma_wait3A_211] : memref<200x128xf32, #tpu.memory_space<vmem>> -> memref<40x128xf32, #tpu.memory_space<vmem>>
      %dma_wait3A_213 = arith.constant 120 : i32
      %dma_wait3A_214 = tpu.memref_slice %arg7[%dma_wait3A_213] : memref<200xi32, #tpu.memory_space<vmem>> -> memref<40xi32, #tpu.memory_space<vmem>>
      %dma_wait3A_215 = arith.constant 0 : i32
      %dma_wait3A_216 = arith.constant 0 : i32
      %dma_wait3A_217 = tpu.memref_slice %arg2[%dma_wait3A_215, %dma_wait3A_216] : memref<10000x128xf32, #tpu.memory_space<hbm>> -> memref<10000x128xf32, #tpu.memory_space<hbm>>
      tpu.wait_indirect_dma semaphore(%arg24 : memref<!tpu.dma_semaphore, #tpu.memory_space<semaphore_mem>>) src(%dma_wait3A_217 : memref<10000x128xf32, #tpu.memory_space<hbm>>) dst(%dma_wait3A_212 : memref<40x128xf32, #tpu.memory_space<vmem>>)
      %dma_start3A_218 = arith.constant 120 : i32
      %dma_start3A_219 = arith.constant 0 : i32
      %dma_start3A_220 = tpu.memref_slice %arg19[%dma_start3A_218, %dma_start3A_219] : memref<200x128xf32, #tpu.memory_space<vmem>> -> memref<40x128xf32, #tpu.memory_space<vmem>>
      %dma_start3A_221 = arith.constant 0 : i32
      %dma_start3A_222 = arith.constant 0 : i32
      %dma_start3A_223 = tpu.memref_slice %arg20[%dma_start3A_221, %dma_start3A_222] : memref<10000x128xf32, #tpu.memory_space<vmem_shared>> -> memref<10000x128xf32, #tpu.memory_space<vmem_shared>>
      tpu.enqueue_indirect_dma source(%dma_start3A_220 : memref<40x128xf32, #tpu.memory_space<vmem>>) target(%dma_start3A_223 : memref<10000x128xf32, #tpu.memory_space<vmem_shared>>) offsets(%arg12 : memref<40xi32, #tpu.memory_space<vmem>>) semaphore(%arg29 : memref<!tpu.dma_semaphore, #tpu.memory_space<semaphore_mem>>) {add = true}
      %dma_wait3A_224 = arith.constant 160 : i32
      %dma_wait3A_225 = arith.constant 0 : i32
      %dma_wait3A_226 = tpu.memref_slice %arg19[%dma_wait3A_224, %dma_wait3A_225] : memref<200x128xf32, #tpu.memory_space<vmem>> -> memref<40x128xf32, #tpu.memory_space<vmem>>
      %dma_wait3A_227 = arith.constant 160 : i32
      %dma_wait3A_228 = tpu.memref_slice %arg7[%dma_wait3A_227] : memref<200xi32, #tpu.memory_space<vmem>> -> memref<40xi32, #tpu.memory_space<vmem>>
      %dma_wait3A_229 = arith.constant 0 : i32
      %dma_wait3A_230 = arith.constant 0 : i32
      %dma_wait3A_231 = tpu.memref_slice %arg2[%dma_wait3A_229, %dma_wait3A_230] : memref<10000x128xf32, #tpu.memory_space<hbm>> -> memref<10000x128xf32, #tpu.memory_space<hbm>>
      tpu.wait_indirect_dma semaphore(%arg25 : memref<!tpu.dma_semaphore, #tpu.memory_space<semaphore_mem>>) src(%dma_wait3A_231 : memref<10000x128xf32, #tpu.memory_space<hbm>>) dst(%dma_wait3A_226 : memref<40x128xf32, #tpu.memory_space<vmem>>)
      %dma_start3A_232 = arith.constant 160 : i32
      %dma_start3A_233 = arith.constant 0 : i32
      %dma_start3A_234 = tpu.memref_slice %arg19[%dma_start3A_232, %dma_start3A_233] : memref<200x128xf32, #tpu.memory_space<vmem>> -> memref<40x128xf32, #tpu.memory_space<vmem>>
      %dma_start3A_235 = arith.constant 0 : i32
      %dma_start3A_236 = arith.constant 0 : i32
      %dma_start3A_237 = tpu.memref_slice %arg20[%dma_start3A_235, %dma_start3A_236] : memref<10000x128xf32, #tpu.memory_space<vmem_shared>> -> memref<10000x128xf32, #tpu.memory_space<vmem_shared>>
      tpu.enqueue_indirect_dma source(%dma_start3A_234 : memref<40x128xf32, #tpu.memory_space<vmem>>) target(%dma_start3A_237 : memref<10000x128xf32, #tpu.memory_space<vmem_shared>>) offsets(%arg13 : memref<40xi32, #tpu.memory_space<vmem>>) semaphore(%arg30 : memref<!tpu.dma_semaphore, #tpu.memory_space<semaphore_mem>>) {add = true}
      %lt3A_238 = arith.constant 49 : i32
      %lt3A_239 = arith.cmpi slt, %mul3A_162, %lt3A_238 : i32
      %convert_element_type3A_240 = arith.extui %lt3A_239 : i1 to i32
      %cond3A_241 = arith.constant 0 : i32
      %cond3A_242 = arith.cmpi ne, %convert_element_type3A_240, %cond3A_241 : i32
      scf.if %cond3A_242 {
        %add3A_327 = arith.constant 1 : i32
        %add3A_328 = arith.addi %mul3A_162, %add3A_327 : i32
        %mul3A_329 = arith.constant 10000 : i32
        %mul3A_330 = arith.muli %add3A, %mul3A_329 : i32
        %mul3A_331 = arith.constant 200 : i32
        %mul3A_332 = arith.muli %add3A_328, %mul3A_331 : i32
        %add3A_333 = arith.addi %mul3A_330, %mul3A_332 : i32
        %multiple_of3A_334 = tpu.assume_multiple %add3A_333, 8 : i32
        %add3A_335 = arith.constant 0 : i32
        %add3A_336 = arith.addi %multiple_of3A_334, %add3A_335 : i32
        %multiple_of3A_337 = tpu.assume_multiple %add3A_336, 8 : i32
        %add3A_338 = arith.constant 40 : i32
        %add3A_339 = arith.addi %multiple_of3A_334, %add3A_338 : i32
        %multiple_of3A_340 = tpu.assume_multiple %add3A_339, 8 : i32
        %add3A_341 = arith.constant 80 : i32
        %add3A_342 = arith.addi %multiple_of3A_334, %add3A_341 : i32
        %multiple_of3A_343 = tpu.assume_multiple %add3A_342, 8 : i32
        %add3A_344 = arith.constant 120 : i32
        %add3A_345 = arith.addi %multiple_of3A_334, %add3A_344 : i32
        %multiple_of3A_346 = tpu.assume_multiple %add3A_345, 8 : i32
        %add3A_347 = arith.constant 160 : i32
        %add3A_348 = arith.addi %multiple_of3A_334, %add3A_347 : i32
        %multiple_of3A_349 = tpu.assume_multiple %add3A_348, 8 : i32
        %dma_wait3A_350 = tpu.memref_slice %arg3[%multiple_of3A_334] : memref<320000xi32, #tpu.memory_space<hbm>> -> memref<200xi32, #tpu.memory_space<hbm>>
        %dma_wait3A_351 = tpu.memref_slice %arg3[%multiple_of3A_334] : memref<320000xi32, #tpu.memory_space<hbm>> -> memref<200xi32, #tpu.memory_space<hbm>>
        tpu.wait_dma2 semaphore(%arg32 : memref<!tpu.dma_semaphore, #tpu.memory_space<semaphore_mem>>) src(%dma_wait3A_351 : memref<200xi32, #tpu.memory_space<hbm>>) dst(%arg8 : memref<200xi32, #tpu.memory_space<vmem>>)
        %dma_wait3A_352 = tpu.memref_slice %arg4[%multiple_of3A_337] : memref<320000xi32, #tpu.memory_space<hbm>> -> memref<40xi32, #tpu.memory_space<hbm>>
        %dma_wait3A_353 = tpu.memref_slice %arg4[%multiple_of3A_337] : memref<320000xi32, #tpu.memory_space<hbm>> -> memref<40xi32, #tpu.memory_space<hbm>>
        tpu.wait_dma2 semaphore(%arg34 : memref<!tpu.dma_semaphore, #tpu.memory_space<semaphore_mem>>) src(%dma_wait3A_353 : memref<40xi32, #tpu.memory_space<hbm>>) dst(%arg14 : memref<40xi32, #tpu.memory_space<vmem>>)
        %dma_wait3A_354 = tpu.memref_slice %arg4[%multiple_of3A_340] : memref<320000xi32, #tpu.memory_space<hbm>> -> memref<40xi32, #tpu.memory_space<hbm>>
        %dma_wait3A_355 = tpu.memref_slice %arg4[%multiple_of3A_340] : memref<320000xi32, #tpu.memory_space<hbm>> -> memref<40xi32, #tpu.memory_space<hbm>>
        tpu.wait_dma2 semaphore(%arg34 : memref<!tpu.dma_semaphore, #tpu.memory_space<semaphore_mem>>) src(%dma_wait3A_355 : memref<40xi32, #tpu.memory_space<hbm>>) dst(%arg15 : memref<40xi32, #tpu.memory_space<vmem>>)
        %dma_wait3A_356 = tpu.memref_slice %arg4[%multiple_of3A_343] : memref<320000xi32, #tpu.memory_space<hbm>> -> memref<40xi32, #tpu.memory_space<hbm>>
        %dma_wait3A_357 = tpu.memref_slice %arg4[%multiple_of3A_343] : memref<320000xi32, #tpu.memory_space<hbm>> -> memref<40xi32, #tpu.memory_space<hbm>>
        tpu.wait_dma2 semaphore(%arg34 : memref<!tpu.dma_semaphore, #tpu.memory_space<semaphore_mem>>) src(%dma_wait3A_357 : memref<40xi32, #tpu.memory_space<hbm>>) dst(%arg16 : memref<40xi32, #tpu.memory_space<vmem>>)
        %dma_wait3A_358 = tpu.memref_slice %arg4[%multiple_of3A_346] : memref<320000xi32, #tpu.memory_space<hbm>> -> memref<40xi32, #tpu.memory_space<hbm>>
        %dma_wait3A_359 = tpu.memref_slice %arg4[%multiple_of3A_346] : memref<320000xi32, #tpu.memory_space<hbm>> -> memref<40xi32, #tpu.memory_space<hbm>>
        tpu.wait_dma2 semaphore(%arg34 : memref<!tpu.dma_semaphore, #tpu.memory_space<semaphore_mem>>) src(%dma_wait3A_359 : memref<40xi32, #tpu.memory_space<hbm>>) dst(%arg17 : memref<40xi32, #tpu.memory_space<vmem>>)
        %dma_wait3A_360 = tpu.memref_slice %arg4[%multiple_of3A_349] : memref<320000xi32, #tpu.memory_space<hbm>> -> memref<40xi32, #tpu.memory_space<hbm>>
        %dma_wait3A_361 = tpu.memref_slice %arg4[%multiple_of3A_349] : memref<320000xi32, #tpu.memory_space<hbm>> -> memref<40xi32, #tpu.memory_space<hbm>>
        tpu.wait_dma2 semaphore(%arg34 : memref<!tpu.dma_semaphore, #tpu.memory_space<semaphore_mem>>) src(%dma_wait3A_361 : memref<40xi32, #tpu.memory_space<hbm>>) dst(%arg18 : memref<40xi32, #tpu.memory_space<vmem>>)
        %dma_wait3A_362 = arith.constant 0 : i32
        %dma_wait3A_363 = arith.constant 0 : i32
        %dma_wait3A_364 = tpu.memref_slice %arg19[%dma_wait3A_362, %dma_wait3A_363] : memref<200x128xf32, #tpu.memory_space<vmem>> -> memref<40x128xf32, #tpu.memory_space<vmem>>
        %dma_wait3A_365 = arith.constant 0 : i32
        %dma_wait3A_366 = arith.constant 0 : i32
        %dma_wait3A_367 = tpu.memref_slice %arg20[%dma_wait3A_365, %dma_wait3A_366] : memref<10000x128xf32, #tpu.memory_space<vmem_shared>> -> memref<10000x128xf32, #tpu.memory_space<vmem_shared>>
        tpu.wait_indirect_dma semaphore(%arg26 : memref<!tpu.dma_semaphore, #tpu.memory_space<semaphore_mem>>) src(%dma_wait3A_364 : memref<40x128xf32, #tpu.memory_space<vmem>>) dst(%dma_wait3A_367 : memref<10000x128xf32, #tpu.memory_space<vmem_shared>>)
        %dma_start3A_368 = arith.constant 0 : i32
        %dma_start3A_369 = arith.constant 0 : i32
        %dma_start3A_370 = tpu.memref_slice %arg19[%dma_start3A_368, %dma_start3A_369] : memref<200x128xf32, #tpu.memory_space<vmem>> -> memref<40x128xf32, #tpu.memory_space<vmem>>
        %dma_start3A_371 = arith.constant 0 : i32
        %dma_start3A_372 = tpu.memref_slice %arg8[%dma_start3A_371] : memref<200xi32, #tpu.memory_space<vmem>> -> memref<40xi32, #tpu.memory_space<vmem>>
        %dma_start3A_373 = arith.constant 0 : i32
        %dma_start3A_374 = arith.constant 0 : i32
        %dma_start3A_375 = tpu.memref_slice %arg2[%dma_start3A_373, %dma_start3A_374] : memref<10000x128xf32, #tpu.memory_space<hbm>> -> memref<10000x128xf32, #tpu.memory_space<hbm>>
        tpu.enqueue_indirect_dma source(%dma_start3A_375 : memref<10000x128xf32, #tpu.memory_space<hbm>>) target(%dma_start3A_370 : memref<40x128xf32, #tpu.memory_space<vmem>>) offsets(%dma_start3A_372 : memref<40xi32, #tpu.memory_space<vmem>>) semaphore(%arg21 : memref<!tpu.dma_semaphore, #tpu.memory_space<semaphore_mem>>)
        %dma_wait3A_376 = arith.constant 40 : i32
        %dma_wait3A_377 = arith.constant 0 : i32
        %dma_wait3A_378 = tpu.memref_slice %arg19[%dma_wait3A_376, %dma_wait3A_377] : memref<200x128xf32, #tpu.memory_space<vmem>> -> memref<40x128xf32, #tpu.memory_space<vmem>>
        %dma_wait3A_379 = arith.constant 0 : i32
        %dma_wait3A_380 = arith.constant 0 : i32
        %dma_wait3A_381 = tpu.memref_slice %arg20[%dma_wait3A_379, %dma_wait3A_380] : memref<10000x128xf32, #tpu.memory_space<vmem_shared>> -> memref<10000x128xf32, #tpu.memory_space<vmem_shared>>
        tpu.wait_indirect_dma semaphore(%arg27 : memref<!tpu.dma_semaphore, #tpu.memory_space<semaphore_mem>>) src(%dma_wait3A_378 : memref<40x128xf32, #tpu.memory_space<vmem>>) dst(%dma_wait3A_381 : memref<10000x128xf32, #tpu.memory_space<vmem_shared>>)
        %dma_start3A_382 = arith.constant 40 : i32
        %dma_start3A_383 = arith.constant 0 : i32
        %dma_start3A_384 = tpu.memref_slice %arg19[%dma_start3A_382, %dma_start3A_383] : memref<200x128xf32, #tpu.memory_space<vmem>> -> memref<40x128xf32, #tpu.memory_space<vmem>>
        %dma_start3A_385 = arith.constant 40 : i32
        %dma_start3A_386 = tpu.memref_slice %arg8[%dma_start3A_385] : memref<200xi32, #tpu.memory_space<vmem>> -> memref<40xi32, #tpu.memory_space<vmem>>
        %dma_start3A_387 = arith.constant 0 : i32
        %dma_start3A_388 = arith.constant 0 : i32
        %dma_start3A_389 = tpu.memref_slice %arg2[%dma_start3A_387, %dma_start3A_388] : memref<10000x128xf32, #tpu.memory_space<hbm>> -> memref<10000x128xf32, #tpu.memory_space<hbm>>
        tpu.enqueue_indirect_dma source(%dma_start3A_389 : memref<10000x128xf32, #tpu.memory_space<hbm>>) target(%dma_start3A_384 : memref<40x128xf32, #tpu.memory_space<vmem>>) offsets(%dma_start3A_386 : memref<40xi32, #tpu.memory_space<vmem>>) semaphore(%arg22 : memref<!tpu.dma_semaphore, #tpu.memory_space<semaphore_mem>>)
        %dma_wait3A_390 = arith.constant 80 : i32
        %dma_wait3A_391 = arith.constant 0 : i32
        %dma_wait3A_392 = tpu.memref_slice %arg19[%dma_wait3A_390, %dma_wait3A_391] : memref<200x128xf32, #tpu.memory_space<vmem>> -> memref<40x128xf32, #tpu.memory_space<vmem>>
        %dma_wait3A_393 = arith.constant 0 : i32
        %dma_wait3A_394 = arith.constant 0 : i32
        %dma_wait3A_395 = tpu.memref_slice %arg20[%dma_wait3A_393, %dma_wait3A_394] : memref<10000x128xf32, #tpu.memory_space<vmem_shared>> -> memref<10000x128xf32, #tpu.memory_space<vmem_shared>>
        tpu.wait_indirect_dma semaphore(%arg28 : memref<!tpu.dma_semaphore, #tpu.memory_space<semaphore_mem>>) src(%dma_wait3A_392 : memref<40x128xf32, #tpu.memory_space<vmem>>) dst(%dma_wait3A_395 : memref<10000x128xf32, #tpu.memory_space<vmem_shared>>)
        %dma_start3A_396 = arith.constant 80 : i32
        %dma_start3A_397 = arith.constant 0 : i32
        %dma_start3A_398 = tpu.memref_slice %arg19[%dma_start3A_396, %dma_start3A_397] : memref<200x128xf32, #tpu.memory_space<vmem>> -> memref<40x128xf32, #tpu.memory_space<vmem>>
        %dma_start3A_399 = arith.constant 80 : i32
        %dma_start3A_400 = tpu.memref_slice %arg8[%dma_start3A_399] : memref<200xi32, #tpu.memory_space<vmem>> -> memref<40xi32, #tpu.memory_space<vmem>>
        %dma_start3A_401 = arith.constant 0 : i32
        %dma_start3A_402 = arith.constant 0 : i32
        %dma_start3A_403 = tpu.memref_slice %arg2[%dma_start3A_401, %dma_start3A_402] : memref<10000x128xf32, #tpu.memory_space<hbm>> -> memref<10000x128xf32, #tpu.memory_space<hbm>>
        tpu.enqueue_indirect_dma source(%dma_start3A_403 : memref<10000x128xf32, #tpu.memory_space<hbm>>) target(%dma_start3A_398 : memref<40x128xf32, #tpu.memory_space<vmem>>) offsets(%dma_start3A_400 : memref<40xi32, #tpu.memory_space<vmem>>) semaphore(%arg23 : memref<!tpu.dma_semaphore, #tpu.memory_space<semaphore_mem>>)
        %dma_wait3A_404 = arith.constant 120 : i32
        %dma_wait3A_405 = arith.constant 0 : i32
        %dma_wait3A_406 = tpu.memref_slice %arg19[%dma_wait3A_404, %dma_wait3A_405] : memref<200x128xf32, #tpu.memory_space<vmem>> -> memref<40x128xf32, #tpu.memory_space<vmem>>
        %dma_wait3A_407 = arith.constant 0 : i32
        %dma_wait3A_408 = arith.constant 0 : i32
        %dma_wait3A_409 = tpu.memref_slice %arg20[%dma_wait3A_407, %dma_wait3A_408] : memref<10000x128xf32, #tpu.memory_space<vmem_shared>> -> memref<10000x128xf32, #tpu.memory_space<vmem_shared>>
        tpu.wait_indirect_dma semaphore(%arg29 : memref<!tpu.dma_semaphore, #tpu.memory_space<semaphore_mem>>) src(%dma_wait3A_406 : memref<40x128xf32, #tpu.memory_space<vmem>>) dst(%dma_wait3A_409 : memref<10000x128xf32, #tpu.memory_space<vmem_shared>>)
        %dma_start3A_410 = arith.constant 120 : i32
        %dma_start3A_411 = arith.constant 0 : i32
        %dma_start3A_412 = tpu.memref_slice %arg19[%dma_start3A_410, %dma_start3A_411] : memref<200x128xf32, #tpu.memory_space<vmem>> -> memref<40x128xf32, #tpu.memory_space<vmem>>
        %dma_start3A_413 = arith.constant 120 : i32
        %dma_start3A_414 = tpu.memref_slice %arg8[%dma_start3A_413] : memref<200xi32, #tpu.memory_space<vmem>> -> memref<40xi32, #tpu.memory_space<vmem>>
        %dma_start3A_415 = arith.constant 0 : i32
        %dma_start3A_416 = arith.constant 0 : i32
        %dma_start3A_417 = tpu.memref_slice %arg2[%dma_start3A_415, %dma_start3A_416] : memref<10000x128xf32, #tpu.memory_space<hbm>> -> memref<10000x128xf32, #tpu.memory_space<hbm>>
        tpu.enqueue_indirect_dma source(%dma_start3A_417 : memref<10000x128xf32, #tpu.memory_space<hbm>>) target(%dma_start3A_412 : memref<40x128xf32, #tpu.memory_space<vmem>>) offsets(%dma_start3A_414 : memref<40xi32, #tpu.memory_space<vmem>>) semaphore(%arg24 : memref<!tpu.dma_semaphore, #tpu.memory_space<semaphore_mem>>)
        %dma_wait3A_418 = arith.constant 160 : i32
        %dma_wait3A_419 = arith.constant 0 : i32
        %dma_wait3A_420 = tpu.memref_slice %arg19[%dma_wait3A_418, %dma_wait3A_419] : memref<200x128xf32, #tpu.memory_space<vmem>> -> memref<40x128xf32, #tpu.memory_space<vmem>>
        %dma_wait3A_421 = arith.constant 0 : i32
        %dma_wait3A_422 = arith.constant 0 : i32
        %dma_wait3A_423 = tpu.memref_slice %arg20[%dma_wait3A_421, %dma_wait3A_422] : memref<10000x128xf32, #tpu.memory_space<vmem_shared>> -> memref<10000x128xf32, #tpu.memory_space<vmem_shared>>
        tpu.wait_indirect_dma semaphore(%arg30 : memref<!tpu.dma_semaphore, #tpu.memory_space<semaphore_mem>>) src(%dma_wait3A_420 : memref<40x128xf32, #tpu.memory_space<vmem>>) dst(%dma_wait3A_423 : memref<10000x128xf32, #tpu.memory_space<vmem_shared>>)
        %dma_start3A_424 = arith.constant 160 : i32
        %dma_start3A_425 = arith.constant 0 : i32
        %dma_start3A_426 = tpu.memref_slice %arg19[%dma_start3A_424, %dma_start3A_425] : memref<200x128xf32, #tpu.memory_space<vmem>> -> memref<40x128xf32, #tpu.memory_space<vmem>>
        %dma_start3A_427 = arith.constant 160 : i32
        %dma_start3A_428 = tpu.memref_slice %arg8[%dma_start3A_427] : memref<200xi32, #tpu.memory_space<vmem>> -> memref<40xi32, #tpu.memory_space<vmem>>
        %dma_start3A_429 = arith.constant 0 : i32
        %dma_start3A_430 = arith.constant 0 : i32
        %dma_start3A_431 = tpu.memref_slice %arg2[%dma_start3A_429, %dma_start3A_430] : memref<10000x128xf32, #tpu.memory_space<hbm>> -> memref<10000x128xf32, #tpu.memory_space<hbm>>
        tpu.enqueue_indirect_dma source(%dma_start3A_431 : memref<10000x128xf32, #tpu.memory_space<hbm>>) target(%dma_start3A_426 : memref<40x128xf32, #tpu.memory_space<vmem>>) offsets(%dma_start3A_428 : memref<40xi32, #tpu.memory_space<vmem>>) semaphore(%arg25 : memref<!tpu.dma_semaphore, #tpu.memory_space<semaphore_mem>>)
      } else {
      }
      %mul3A_243 = arith.constant 2 : i32
      %mul3A_244 = arith.muli %mul3A_243, %scan3A_160 : i32
      %add3A_245 = arith.constant 1 : i32
      %add3A_246 = arith.addi %mul3A_244, %add3A_245 : i32
      %lt3A_247 = arith.constant 49 : i32
      %lt3A_248 = arith.cmpi slt, %add3A_246, %lt3A_247 : i32
      %convert_element_type3A_249 = arith.extui %lt3A_248 : i1 to i32
      %cond3A_250 = arith.constant 0 : i32
      %cond3A_251 = arith.cmpi ne, %convert_element_type3A_249, %cond3A_250 : i32
      scf.if %cond3A_251 {
        %add3A_327 = arith.constant 1 : i32
        %add3A_328 = arith.addi %add3A_246, %add3A_327 : i32
        %mul3A_329 = arith.constant 10000 : i32
        %mul3A_330 = arith.muli %add3A, %mul3A_329 : i32
        %mul3A_331 = arith.constant 200 : i32
        %mul3A_332 = arith.muli %add3A_328, %mul3A_331 : i32
        %add3A_333 = arith.addi %mul3A_330, %mul3A_332 : i32
        %multiple_of3A_334 = tpu.assume_multiple %add3A_333, 8 : i32
        %add3A_335 = arith.constant 0 : i32
        %add3A_336 = arith.addi %multiple_of3A_334, %add3A_335 : i32
        %multiple_of3A_337 = tpu.assume_multiple %add3A_336, 8 : i32
        %add3A_338 = arith.constant 40 : i32
        %add3A_339 = arith.addi %multiple_of3A_334, %add3A_338 : i32
        %multiple_of3A_340 = tpu.assume_multiple %add3A_339, 8 : i32
        %add3A_341 = arith.constant 80 : i32
        %add3A_342 = arith.addi %multiple_of3A_334, %add3A_341 : i32
        %multiple_of3A_343 = tpu.assume_multiple %add3A_342, 8 : i32
        %add3A_344 = arith.constant 120 : i32
        %add3A_345 = arith.addi %multiple_of3A_334, %add3A_344 : i32
        %multiple_of3A_346 = tpu.assume_multiple %add3A_345, 8 : i32
        %add3A_347 = arith.constant 160 : i32
        %add3A_348 = arith.addi %multiple_of3A_334, %add3A_347 : i32
        %multiple_of3A_349 = tpu.assume_multiple %add3A_348, 8 : i32
        %dma_start3A_350 = tpu.memref_slice %arg3[%multiple_of3A_334] : memref<320000xi32, #tpu.memory_space<hbm>> -> memref<200xi32, #tpu.memory_space<hbm>>
        %dma_start3A_351 = tpu.memref_slice %arg3[%multiple_of3A_334] : memref<320000xi32, #tpu.memory_space<hbm>> -> memref<200xi32, #tpu.memory_space<hbm>>
        tpu.enqueue_dma source(%dma_start3A_351 : memref<200xi32, #tpu.memory_space<hbm>>) target(%arg7 : memref<200xi32, #tpu.memory_space<vmem>>) target_semaphore(%arg31 : memref<!tpu.dma_semaphore, #tpu.memory_space<semaphore_mem>>)
        %dma_start3A_352 = tpu.memref_slice %arg4[%multiple_of3A_337] : memref<320000xi32, #tpu.memory_space<hbm>> -> memref<40xi32, #tpu.memory_space<hbm>>
        %dma_start3A_353 = tpu.memref_slice %arg4[%multiple_of3A_337] : memref<320000xi32, #tpu.memory_space<hbm>> -> memref<40xi32, #tpu.memory_space<hbm>>
        tpu.enqueue_dma source(%dma_start3A_353 : memref<40xi32, #tpu.memory_space<hbm>>) target(%arg9 : memref<40xi32, #tpu.memory_space<vmem>>) target_semaphore(%arg33 : memref<!tpu.dma_semaphore, #tpu.memory_space<semaphore_mem>>)
        %dma_start3A_354 = tpu.memref_slice %arg4[%multiple_of3A_340] : memref<320000xi32, #tpu.memory_space<hbm>> -> memref<40xi32, #tpu.memory_space<hbm>>
        %dma_start3A_355 = tpu.memref_slice %arg4[%multiple_of3A_340] : memref<320000xi32, #tpu.memory_space<hbm>> -> memref<40xi32, #tpu.memory_space<hbm>>
        tpu.enqueue_dma source(%dma_start3A_355 : memref<40xi32, #tpu.memory_space<hbm>>) target(%arg10 : memref<40xi32, #tpu.memory_space<vmem>>) target_semaphore(%arg33 : memref<!tpu.dma_semaphore, #tpu.memory_space<semaphore_mem>>)
        %dma_start3A_356 = tpu.memref_slice %arg4[%multiple_of3A_343] : memref<320000xi32, #tpu.memory_space<hbm>> -> memref<40xi32, #tpu.memory_space<hbm>>
        %dma_start3A_357 = tpu.memref_slice %arg4[%multiple_of3A_343] : memref<320000xi32, #tpu.memory_space<hbm>> -> memref<40xi32, #tpu.memory_space<hbm>>
        tpu.enqueue_dma source(%dma_start3A_357 : memref<40xi32, #tpu.memory_space<hbm>>) target(%arg11 : memref<40xi32, #tpu.memory_space<vmem>>) target_semaphore(%arg33 : memref<!tpu.dma_semaphore, #tpu.memory_space<semaphore_mem>>)
        %dma_start3A_358 = tpu.memref_slice %arg4[%multiple_of3A_346] : memref<320000xi32, #tpu.memory_space<hbm>> -> memref<40xi32, #tpu.memory_space<hbm>>
        %dma_start3A_359 = tpu.memref_slice %arg4[%multiple_of3A_346] : memref<320000xi32, #tpu.memory_space<hbm>> -> memref<40xi32, #tpu.memory_space<hbm>>
        tpu.enqueue_dma source(%dma_start3A_359 : memref<40xi32, #tpu.memory_space<hbm>>) target(%arg12 : memref<40xi32, #tpu.memory_space<vmem>>) target_semaphore(%arg33 : memref<!tpu.dma_semaphore, #tpu.memory_space<semaphore_mem>>)
        %dma_start3A_360 = tpu.memref_slice %arg4[%multiple_of3A_349] : memref<320000xi32, #tpu.memory_space<hbm>> -> memref<40xi32, #tpu.memory_space<hbm>>
        %dma_start3A_361 = tpu.memref_slice %arg4[%multiple_of3A_349] : memref<320000xi32, #tpu.memory_space<hbm>> -> memref<40xi32, #tpu.memory_space<hbm>>
        tpu.enqueue_dma source(%dma_start3A_361 : memref<40xi32, #tpu.memory_space<hbm>>) target(%arg13 : memref<40xi32, #tpu.memory_space<vmem>>) target_semaphore(%arg33 : memref<!tpu.dma_semaphore, #tpu.memory_space<semaphore_mem>>)
      } else {
      }
      %dma_wait3A_252 = arith.constant 0 : i32
      %dma_wait3A_253 = arith.constant 0 : i32
      %dma_wait3A_254 = tpu.memref_slice %arg19[%dma_wait3A_252, %dma_wait3A_253] : memref<200x128xf32, #tpu.memory_space<vmem>> -> memref<40x128xf32, #tpu.memory_space<vmem>>
      %dma_wait3A_255 = arith.constant 0 : i32
      %dma_wait3A_256 = tpu.memref_slice %arg8[%dma_wait3A_255] : memref<200xi32, #tpu.memory_space<vmem>> -> memref<40xi32, #tpu.memory_space<vmem>>
      %dma_wait3A_257 = arith.constant 0 : i32
      %dma_wait3A_258 = arith.constant 0 : i32
      %dma_wait3A_259 = tpu.memref_slice %arg2[%dma_wait3A_257, %dma_wait3A_258] : memref<10000x128xf32, #tpu.memory_space<hbm>> -> memref<10000x128xf32, #tpu.memory_space<hbm>>
      tpu.wait_indirect_dma semaphore(%arg21 : memref<!tpu.dma_semaphore, #tpu.memory_space<semaphore_mem>>) src(%dma_wait3A_259 : memref<10000x128xf32, #tpu.memory_space<hbm>>) dst(%dma_wait3A_254 : memref<40x128xf32, #tpu.memory_space<vmem>>)
      %dma_start3A_260 = arith.constant 0 : i32
      %dma_start3A_261 = arith.constant 0 : i32
      %dma_start3A_262 = tpu.memref_slice %arg19[%dma_start3A_260, %dma_start3A_261] : memref<200x128xf32, #tpu.memory_space<vmem>> -> memref<40x128xf32, #tpu.memory_space<vmem>>
      %dma_start3A_263 = arith.constant 0 : i32
      %dma_start3A_264 = arith.constant 0 : i32
      %dma_start3A_265 = tpu.memref_slice %arg20[%dma_start3A_263, %dma_start3A_264] : memref<10000x128xf32, #tpu.memory_space<vmem_shared>> -> memref<10000x128xf32, #tpu.memory_space<vmem_shared>>
      tpu.enqueue_indirect_dma source(%dma_start3A_262 : memref<40x128xf32, #tpu.memory_space<vmem>>) target(%dma_start3A_265 : memref<10000x128xf32, #tpu.memory_space<vmem_shared>>) offsets(%arg14 : memref<40xi32, #tpu.memory_space<vmem>>) semaphore(%arg26 : memref<!tpu.dma_semaphore, #tpu.memory_space<semaphore_mem>>) {add = true}
      %dma_wait3A_266 = arith.constant 40 : i32
      %dma_wait3A_267 = arith.constant 0 : i32
      %dma_wait3A_268 = tpu.memref_slice %arg19[%dma_wait3A_266, %dma_wait3A_267] : memref<200x128xf32, #tpu.memory_space<vmem>> -> memref<40x128xf32, #tpu.memory_space<vmem>>
      %dma_wait3A_269 = arith.constant 40 : i32
      %dma_wait3A_270 = tpu.memref_slice %arg8[%dma_wait3A_269] : memref<200xi32, #tpu.memory_space<vmem>> -> memref<40xi32, #tpu.memory_space<vmem>>
      %dma_wait3A_271 = arith.constant 0 : i32
      %dma_wait3A_272 = arith.constant 0 : i32
      %dma_wait3A_273 = tpu.memref_slice %arg2[%dma_wait3A_271, %dma_wait3A_272] : memref<10000x128xf32, #tpu.memory_space<hbm>> -> memref<10000x128xf32, #tpu.memory_space<hbm>>
      tpu.wait_indirect_dma semaphore(%arg22 : memref<!tpu.dma_semaphore, #tpu.memory_space<semaphore_mem>>) src(%dma_wait3A_273 : memref<10000x128xf32, #tpu.memory_space<hbm>>) dst(%dma_wait3A_268 : memref<40x128xf32, #tpu.memory_space<vmem>>)
      %dma_start3A_274 = arith.constant 40 : i32
      %dma_start3A_275 = arith.constant 0 : i32
      %dma_start3A_276 = tpu.memref_slice %arg19[%dma_start3A_274, %dma_start3A_275] : memref<200x128xf32, #tpu.memory_space<vmem>> -> memref<40x128xf32, #tpu.memory_space<vmem>>
      %dma_start3A_277 = arith.constant 0 : i32
      %dma_start3A_278 = arith.constant 0 : i32
      %dma_start3A_279 = tpu.memref_slice %arg20[%dma_start3A_277, %dma_start3A_278] : memref<10000x128xf32, #tpu.memory_space<vmem_shared>> -> memref<10000x128xf32, #tpu.memory_space<vmem_shared>>
      tpu.enqueue_indirect_dma source(%dma_start3A_276 : memref<40x128xf32, #tpu.memory_space<vmem>>) target(%dma_start3A_279 : memref<10000x128xf32, #tpu.memory_space<vmem_shared>>) offsets(%arg15 : memref<40xi32, #tpu.memory_space<vmem>>) semaphore(%arg27 : memref<!tpu.dma_semaphore, #tpu.memory_space<semaphore_mem>>) {add = true}
      %dma_wait3A_280 = arith.constant 80 : i32
      %dma_wait3A_281 = arith.constant 0 : i32
      %dma_wait3A_282 = tpu.memref_slice %arg19[%dma_wait3A_280, %dma_wait3A_281] : memref<200x128xf32, #tpu.memory_space<vmem>> -> memref<40x128xf32, #tpu.memory_space<vmem>>
      %dma_wait3A_283 = arith.constant 80 : i32
      %dma_wait3A_284 = tpu.memref_slice %arg8[%dma_wait3A_283] : memref<200xi32, #tpu.memory_space<vmem>> -> memref<40xi32, #tpu.memory_space<vmem>>
      %dma_wait3A_285 = arith.constant 0 : i32
      %dma_wait3A_286 = arith.constant 0 : i32
      %dma_wait3A_287 = tpu.memref_slice %arg2[%dma_wait3A_285, %dma_wait3A_286] : memref<10000x128xf32, #tpu.memory_space<hbm>> -> memref<10000x128xf32, #tpu.memory_space<hbm>>
      tpu.wait_indirect_dma semaphore(%arg23 : memref<!tpu.dma_semaphore, #tpu.memory_space<semaphore_mem>>) src(%dma_wait3A_287 : memref<10000x128xf32, #tpu.memory_space<hbm>>) dst(%dma_wait3A_282 : memref<40x128xf32, #tpu.memory_space<vmem>>)
      %dma_start3A_288 = arith.constant 80 : i32
      %dma_start3A_289 = arith.constant 0 : i32
      %dma_start3A_290 = tpu.memref_slice %arg19[%dma_start3A_288, %dma_start3A_289] : memref<200x128xf32, #tpu.memory_space<vmem>> -> memref<40x128xf32, #tpu.memory_space<vmem>>
      %dma_start3A_291 = arith.constant 0 : i32
      %dma_start3A_292 = arith.constant 0 : i32
      %dma_start3A_293 = tpu.memref_slice %arg20[%dma_start3A_291, %dma_start3A_292] : memref<10000x128xf32, #tpu.memory_space<vmem_shared>> -> memref<10000x128xf32, #tpu.memory_space<vmem_shared>>
      tpu.enqueue_indirect_dma source(%dma_start3A_290 : memref<40x128xf32, #tpu.memory_space<vmem>>) target(%dma_start3A_293 : memref<10000x128xf32, #tpu.memory_space<vmem_shared>>) offsets(%arg16 : memref<40xi32, #tpu.memory_space<vmem>>) semaphore(%arg28 : memref<!tpu.dma_semaphore, #tpu.memory_space<semaphore_mem>>) {add = true}
      %dma_wait3A_294 = arith.constant 120 : i32
      %dma_wait3A_295 = arith.constant 0 : i32
      %dma_wait3A_296 = tpu.memref_slice %arg19[%dma_wait3A_294, %dma_wait3A_295] : memref<200x128xf32, #tpu.memory_space<vmem>> -> memref<40x128xf32, #tpu.memory_space<vmem>>
      %dma_wait3A_297 = arith.constant 120 : i32
      %dma_wait3A_298 = tpu.memref_slice %arg8[%dma_wait3A_297] : memref<200xi32, #tpu.memory_space<vmem>> -> memref<40xi32, #tpu.memory_space<vmem>>
      %dma_wait3A_299 = arith.constant 0 : i32
      %dma_wait3A_300 = arith.constant 0 : i32
      %dma_wait3A_301 = tpu.memref_slice %arg2[%dma_wait3A_299, %dma_wait3A_300] : memref<10000x128xf32, #tpu.memory_space<hbm>> -> memref<10000x128xf32, #tpu.memory_space<hbm>>
      tpu.wait_indirect_dma semaphore(%arg24 : memref<!tpu.dma_semaphore, #tpu.memory_space<semaphore_mem>>) src(%dma_wait3A_301 : memref<10000x128xf32, #tpu.memory_space<hbm>>) dst(%dma_wait3A_296 : memref<40x128xf32, #tpu.memory_space<vmem>>)
      %dma_start3A_302 = arith.constant 120 : i32
      %dma_start3A_303 = arith.constant 0 : i32
      %dma_start3A_304 = tpu.memref_slice %arg19[%dma_start3A_302, %dma_start3A_303] : memref<200x128xf32, #tpu.memory_space<vmem>> -> memref<40x128xf32, #tpu.memory_space<vmem>>
      %dma_start3A_305 = arith.constant 0 : i32
      %dma_start3A_306 = arith.constant 0 : i32
      %dma_start3A_307 = tpu.memref_slice %arg20[%dma_start3A_305, %dma_start3A_306] : memref<10000x128xf32, #tpu.memory_space<vmem_shared>> -> memref<10000x128xf32, #tpu.memory_space<vmem_shared>>
      tpu.enqueue_indirect_dma source(%dma_start3A_304 : memref<40x128xf32, #tpu.memory_space<vmem>>) target(%dma_start3A_307 : memref<10000x128xf32, #tpu.memory_space<vmem_shared>>) offsets(%arg17 : memref<40xi32, #tpu.memory_space<vmem>>) semaphore(%arg29 : memref<!tpu.dma_semaphore, #tpu.memory_space<semaphore_mem>>) {add = true}
      %dma_wait3A_308 = arith.constant 160 : i32
      %dma_wait3A_309 = arith.constant 0 : i32
      %dma_wait3A_310 = tpu.memref_slice %arg19[%dma_wait3A_308, %dma_wait3A_309] : memref<200x128xf32, #tpu.memory_space<vmem>> -> memref<40x128xf32, #tpu.memory_space<vmem>>
      %dma_wait3A_311 = arith.constant 160 : i32
      %dma_wait3A_312 = tpu.memref_slice %arg8[%dma_wait3A_311] : memref<200xi32, #tpu.memory_space<vmem>> -> memref<40xi32, #tpu.memory_space<vmem>>
      %dma_wait3A_313 = arith.constant 0 : i32
      %dma_wait3A_314 = arith.constant 0 : i32
      %dma_wait3A_315 = tpu.memref_slice %arg2[%dma_wait3A_313, %dma_wait3A_314] : memref<10000x128xf32, #tpu.memory_space<hbm>> -> memref<10000x128xf32, #tpu.memory_space<hbm>>
      tpu.wait_indirect_dma semaphore(%arg25 : memref<!tpu.dma_semaphore, #tpu.memory_space<semaphore_mem>>) src(%dma_wait3A_315 : memref<10000x128xf32, #tpu.memory_space<hbm>>) dst(%dma_wait3A_310 : memref<40x128xf32, #tpu.memory_space<vmem>>)
      %dma_start3A_316 = arith.constant 160 : i32
      %dma_start3A_317 = arith.constant 0 : i32
      %dma_start3A_318 = tpu.memref_slice %arg19[%dma_start3A_316, %dma_start3A_317] : memref<200x128xf32, #tpu.memory_space<vmem>> -> memref<40x128xf32, #tpu.memory_space<vmem>>
      %dma_start3A_319 = arith.constant 0 : i32
      %dma_start3A_320 = arith.constant 0 : i32
      %dma_start3A_321 = tpu.memref_slice %arg20[%dma_start3A_319, %dma_start3A_320] : memref<10000x128xf32, #tpu.memory_space<vmem_shared>> -> memref<10000x128xf32, #tpu.memory_space<vmem_shared>>
      tpu.enqueue_indirect_dma source(%dma_start3A_318 : memref<40x128xf32, #tpu.memory_space<vmem>>) target(%dma_start3A_321 : memref<10000x128xf32, #tpu.memory_space<vmem_shared>>) offsets(%arg18 : memref<40xi32, #tpu.memory_space<vmem>>) semaphore(%arg30 : memref<!tpu.dma_semaphore, #tpu.memory_space<semaphore_mem>>) {add = true}
      %lt3A_322 = arith.constant 49 : i32
      %lt3A_323 = arith.cmpi slt, %add3A_246, %lt3A_322 : i32
      %convert_element_type3A_324 = arith.extui %lt3A_323 : i1 to i32
      %cond3A_325 = arith.constant 0 : i32
      %cond3A_326 = arith.cmpi ne, %convert_element_type3A_324, %cond3A_325 : i32
      scf.if %cond3A_326 {
        %add3A_327 = arith.constant 1 : i32
        %add3A_328 = arith.addi %add3A_246, %add3A_327 : i32
        %mul3A_329 = arith.constant 10000 : i32
        %mul3A_330 = arith.muli %add3A, %mul3A_329 : i32
        %mul3A_331 = arith.constant 200 : i32
        %mul3A_332 = arith.muli %add3A_328, %mul3A_331 : i32
        %add3A_333 = arith.addi %mul3A_330, %mul3A_332 : i32
        %multiple_of3A_334 = tpu.assume_multiple %add3A_333, 8 : i32
        %add3A_335 = arith.constant 0 : i32
        %add3A_336 = arith.addi %multiple_of3A_334, %add3A_335 : i32
        %multiple_of3A_337 = tpu.assume_multiple %add3A_336, 8 : i32
        %add3A_338 = arith.constant 40 : i32
        %add3A_339 = arith.addi %multiple_of3A_334, %add3A_338 : i32
        %multiple_of3A_340 = tpu.assume_multiple %add3A_339, 8 : i32
        %add3A_341 = arith.constant 80 : i32
        %add3A_342 = arith.addi %multiple_of3A_334, %add3A_341 : i32
        %multiple_of3A_343 = tpu.assume_multiple %add3A_342, 8 : i32
        %add3A_344 = arith.constant 120 : i32
        %add3A_345 = arith.addi %multiple_of3A_334, %add3A_344 : i32
        %multiple_of3A_346 = tpu.assume_multiple %add3A_345, 8 : i32
        %add3A_347 = arith.constant 160 : i32
        %add3A_348 = arith.addi %multiple_of3A_334, %add3A_347 : i32
        %multiple_of3A_349 = tpu.assume_multiple %add3A_348, 8 : i32
        %dma_wait3A_350 = tpu.memref_slice %arg3[%multiple_of3A_334] : memref<320000xi32, #tpu.memory_space<hbm>> -> memref<200xi32, #tpu.memory_space<hbm>>
        %dma_wait3A_351 = tpu.memref_slice %arg3[%multiple_of3A_334] : memref<320000xi32, #tpu.memory_space<hbm>> -> memref<200xi32, #tpu.memory_space<hbm>>
        tpu.wait_dma2 semaphore(%arg31 : memref<!tpu.dma_semaphore, #tpu.memory_space<semaphore_mem>>) src(%dma_wait3A_351 : memref<200xi32, #tpu.memory_space<hbm>>) dst(%arg7 : memref<200xi32, #tpu.memory_space<vmem>>)
        %dma_wait3A_352 = tpu.memref_slice %arg4[%multiple_of3A_337] : memref<320000xi32, #tpu.memory_space<hbm>> -> memref<40xi32, #tpu.memory_space<hbm>>
        %dma_wait3A_353 = tpu.memref_slice %arg4[%multiple_of3A_337] : memref<320000xi32, #tpu.memory_space<hbm>> -> memref<40xi32, #tpu.memory_space<hbm>>
        tpu.wait_dma2 semaphore(%arg33 : memref<!tpu.dma_semaphore, #tpu.memory_space<semaphore_mem>>) src(%dma_wait3A_353 : memref<40xi32, #tpu.memory_space<hbm>>) dst(%arg9 : memref<40xi32, #tpu.memory_space<vmem>>)
        %dma_wait3A_354 = tpu.memref_slice %arg4[%multiple_of3A_340] : memref<320000xi32, #tpu.memory_space<hbm>> -> memref<40xi32, #tpu.memory_space<hbm>>
        %dma_wait3A_355 = tpu.memref_slice %arg4[%multiple_of3A_340] : memref<320000xi32, #tpu.memory_space<hbm>> -> memref<40xi32, #tpu.memory_space<hbm>>
        tpu.wait_dma2 semaphore(%arg33 : memref<!tpu.dma_semaphore, #tpu.memory_space<semaphore_mem>>) src(%dma_wait3A_355 : memref<40xi32, #tpu.memory_space<hbm>>) dst(%arg10 : memref<40xi32, #tpu.memory_space<vmem>>)
        %dma_wait3A_356 = tpu.memref_slice %arg4[%multiple_of3A_343] : memref<320000xi32, #tpu.memory_space<hbm>> -> memref<40xi32, #tpu.memory_space<hbm>>
        %dma_wait3A_357 = tpu.memref_slice %arg4[%multiple_of3A_343] : memref<320000xi32, #tpu.memory_space<hbm>> -> memref<40xi32, #tpu.memory_space<hbm>>
        tpu.wait_dma2 semaphore(%arg33 : memref<!tpu.dma_semaphore, #tpu.memory_space<semaphore_mem>>) src(%dma_wait3A_357 : memref<40xi32, #tpu.memory_space<hbm>>) dst(%arg11 : memref<40xi32, #tpu.memory_space<vmem>>)
        %dma_wait3A_358 = tpu.memref_slice %arg4[%multiple_of3A_346] : memref<320000xi32, #tpu.memory_space<hbm>> -> memref<40xi32, #tpu.memory_space<hbm>>
        %dma_wait3A_359 = tpu.memref_slice %arg4[%multiple_of3A_346] : memref<320000xi32, #tpu.memory_space<hbm>> -> memref<40xi32, #tpu.memory_space<hbm>>
        tpu.wait_dma2 semaphore(%arg33 : memref<!tpu.dma_semaphore, #tpu.memory_space<semaphore_mem>>) src(%dma_wait3A_359 : memref<40xi32, #tpu.memory_space<hbm>>) dst(%arg12 : memref<40xi32, #tpu.memory_space<vmem>>)
        %dma_wait3A_360 = tpu.memref_slice %arg4[%multiple_of3A_349] : memref<320000xi32, #tpu.memory_space<hbm>> -> memref<40xi32, #tpu.memory_space<hbm>>
        %dma_wait3A_361 = tpu.memref_slice %arg4[%multiple_of3A_349] : memref<320000xi32, #tpu.memory_space<hbm>> -> memref<40xi32, #tpu.memory_space<hbm>>
        tpu.wait_dma2 semaphore(%arg33 : memref<!tpu.dma_semaphore, #tpu.memory_space<semaphore_mem>>) src(%dma_wait3A_361 : memref<40xi32, #tpu.memory_space<hbm>>) dst(%arg13 : memref<40xi32, #tpu.memory_space<vmem>>)
        %dma_wait3A_362 = arith.constant 0 : i32
        %dma_wait3A_363 = arith.constant 0 : i32
        %dma_wait3A_364 = tpu.memref_slice %arg19[%dma_wait3A_362, %dma_wait3A_363] : memref<200x128xf32, #tpu.memory_space<vmem>> -> memref<40x128xf32, #tpu.memory_space<vmem>>
        %dma_wait3A_365 = arith.constant 0 : i32
        %dma_wait3A_366 = arith.constant 0 : i32
        %dma_wait3A_367 = tpu.memref_slice %arg20[%dma_wait3A_365, %dma_wait3A_366] : memref<10000x128xf32, #tpu.memory_space<vmem_shared>> -> memref<10000x128xf32, #tpu.memory_space<vmem_shared>>
        tpu.wait_indirect_dma semaphore(%arg26 : memref<!tpu.dma_semaphore, #tpu.memory_space<semaphore_mem>>) src(%dma_wait3A_364 : memref<40x128xf32, #tpu.memory_space<vmem>>) dst(%dma_wait3A_367 : memref<10000x128xf32, #tpu.memory_space<vmem_shared>>)
        %dma_start3A_368 = arith.constant 0 : i32
        %dma_start3A_369 = arith.constant 0 : i32
        %dma_start3A_370 = tpu.memref_slice %arg19[%dma_start3A_368, %dma_start3A_369] : memref<200x128xf32, #tpu.memory_space<vmem>> -> memref<40x128xf32, #tpu.memory_space<vmem>>
        %dma_start3A_371 = arith.constant 0 : i32
        %dma_start3A_372 = tpu.memref_slice %arg7[%dma_start3A_371] : memref<200xi32, #tpu.memory_space<vmem>> -> memref<40xi32, #tpu.memory_space<vmem>>
        %dma_start3A_373 = arith.constant 0 : i32
        %dma_start3A_374 = arith.constant 0 : i32
        %dma_start3A_375 = tpu.memref_slice %arg2[%dma_start3A_373, %dma_start3A_374] : memref<10000x128xf32, #tpu.memory_space<hbm>> -> memref<10000x128xf32, #tpu.memory_space<hbm>>
        tpu.enqueue_indirect_dma source(%dma_start3A_375 : memref<10000x128xf32, #tpu.memory_space<hbm>>) target(%dma_start3A_370 : memref<40x128xf32, #tpu.memory_space<vmem>>) offsets(%dma_start3A_372 : memref<40xi32, #tpu.memory_space<vmem>>) semaphore(%arg21 : memref<!tpu.dma_semaphore, #tpu.memory_space<semaphore_mem>>)
        %dma_wait3A_376 = arith.constant 40 : i32
        %dma_wait3A_377 = arith.constant 0 : i32
        %dma_wait3A_378 = tpu.memref_slice %arg19[%dma_wait3A_376, %dma_wait3A_377] : memref<200x128xf32, #tpu.memory_space<vmem>> -> memref<40x128xf32, #tpu.memory_space<vmem>>
        %dma_wait3A_379 = arith.constant 0 : i32
        %dma_wait3A_380 = arith.constant 0 : i32
        %dma_wait3A_381 = tpu.memref_slice %arg20[%dma_wait3A_379, %dma_wait3A_380] : memref<10000x128xf32, #tpu.memory_space<vmem_shared>> -> memref<10000x128xf32, #tpu.memory_space<vmem_shared>>
        tpu.wait_indirect_dma semaphore(%arg27 : memref<!tpu.dma_semaphore, #tpu.memory_space<semaphore_mem>>) src(%dma_wait3A_378 : memref<40x128xf32, #tpu.memory_space<vmem>>) dst(%dma_wait3A_381 : memref<10000x128xf32, #tpu.memory_space<vmem_shared>>)
        %dma_start3A_382 = arith.constant 40 : i32
        %dma_start3A_383 = arith.constant 0 : i32
        %dma_start3A_384 = tpu.memref_slice %arg19[%dma_start3A_382, %dma_start3A_383] : memref<200x128xf32, #tpu.memory_space<vmem>> -> memref<40x128xf32, #tpu.memory_space<vmem>>
        %dma_start3A_385 = arith.constant 40 : i32
        %dma_start3A_386 = tpu.memref_slice %arg7[%dma_start3A_385] : memref<200xi32, #tpu.memory_space<vmem>> -> memref<40xi32, #tpu.memory_space<vmem>>
        %dma_start3A_387 = arith.constant 0 : i32
        %dma_start3A_388 = arith.constant 0 : i32
        %dma_start3A_389 = tpu.memref_slice %arg2[%dma_start3A_387, %dma_start3A_388] : memref<10000x128xf32, #tpu.memory_space<hbm>> -> memref<10000x128xf32, #tpu.memory_space<hbm>>
        tpu.enqueue_indirect_dma source(%dma_start3A_389 : memref<10000x128xf32, #tpu.memory_space<hbm>>) target(%dma_start3A_384 : memref<40x128xf32, #tpu.memory_space<vmem>>) offsets(%dma_start3A_386 : memref<40xi32, #tpu.memory_space<vmem>>) semaphore(%arg22 : memref<!tpu.dma_semaphore, #tpu.memory_space<semaphore_mem>>)
        %dma_wait3A_390 = arith.constant 80 : i32
        %dma_wait3A_391 = arith.constant 0 : i32
        %dma_wait3A_392 = tpu.memref_slice %arg19[%dma_wait3A_390, %dma_wait3A_391] : memref<200x128xf32, #tpu.memory_space<vmem>> -> memref<40x128xf32, #tpu.memory_space<vmem>>
        %dma_wait3A_393 = arith.constant 0 : i32
        %dma_wait3A_394 = arith.constant 0 : i32
        %dma_wait3A_395 = tpu.memref_slice %arg20[%dma_wait3A_393, %dma_wait3A_394] : memref<10000x128xf32, #tpu.memory_space<vmem_shared>> -> memref<10000x128xf32, #tpu.memory_space<vmem_shared>>
        tpu.wait_indirect_dma semaphore(%arg28 : memref<!tpu.dma_semaphore, #tpu.memory_space<semaphore_mem>>) src(%dma_wait3A_392 : memref<40x128xf32, #tpu.memory_space<vmem>>) dst(%dma_wait3A_395 : memref<10000x128xf32, #tpu.memory_space<vmem_shared>>)
        %dma_start3A_396 = arith.constant 80 : i32
        %dma_start3A_397 = arith.constant 0 : i32
        %dma_start3A_398 = tpu.memref_slice %arg19[%dma_start3A_396, %dma_start3A_397] : memref<200x128xf32, #tpu.memory_space<vmem>> -> memref<40x128xf32, #tpu.memory_space<vmem>>
        %dma_start3A_399 = arith.constant 80 : i32
        %dma_start3A_400 = tpu.memref_slice %arg7[%dma_start3A_399] : memref<200xi32, #tpu.memory_space<vmem>> -> memref<40xi32, #tpu.memory_space<vmem>>
        %dma_start3A_401 = arith.constant 0 : i32
        %dma_start3A_402 = arith.constant 0 : i32
        %dma_start3A_403 = tpu.memref_slice %arg2[%dma_start3A_401, %dma_start3A_402] : memref<10000x128xf32, #tpu.memory_space<hbm>> -> memref<10000x128xf32, #tpu.memory_space<hbm>>
        tpu.enqueue_indirect_dma source(%dma_start3A_403 : memref<10000x128xf32, #tpu.memory_space<hbm>>) target(%dma_start3A_398 : memref<40x128xf32, #tpu.memory_space<vmem>>) offsets(%dma_start3A_400 : memref<40xi32, #tpu.memory_space<vmem>>) semaphore(%arg23 : memref<!tpu.dma_semaphore, #tpu.memory_space<semaphore_mem>>)
        %dma_wait3A_404 = arith.constant 120 : i32
        %dma_wait3A_405 = arith.constant 0 : i32
        %dma_wait3A_406 = tpu.memref_slice %arg19[%dma_wait3A_404, %dma_wait3A_405] : memref<200x128xf32, #tpu.memory_space<vmem>> -> memref<40x128xf32, #tpu.memory_space<vmem>>
        %dma_wait3A_407 = arith.constant 0 : i32
        %dma_wait3A_408 = arith.constant 0 : i32
        %dma_wait3A_409 = tpu.memref_slice %arg20[%dma_wait3A_407, %dma_wait3A_408] : memref<10000x128xf32, #tpu.memory_space<vmem_shared>> -> memref<10000x128xf32, #tpu.memory_space<vmem_shared>>
        tpu.wait_indirect_dma semaphore(%arg29 : memref<!tpu.dma_semaphore, #tpu.memory_space<semaphore_mem>>) src(%dma_wait3A_406 : memref<40x128xf32, #tpu.memory_space<vmem>>) dst(%dma_wait3A_409 : memref<10000x128xf32, #tpu.memory_space<vmem_shared>>)
        %dma_start3A_410 = arith.constant 120 : i32
        %dma_start3A_411 = arith.constant 0 : i32
        %dma_start3A_412 = tpu.memref_slice %arg19[%dma_start3A_410, %dma_start3A_411] : memref<200x128xf32, #tpu.memory_space<vmem>> -> memref<40x128xf32, #tpu.memory_space<vmem>>
        %dma_start3A_413 = arith.constant 120 : i32
        %dma_start3A_414 = tpu.memref_slice %arg7[%dma_start3A_413] : memref<200xi32, #tpu.memory_space<vmem>> -> memref<40xi32, #tpu.memory_space<vmem>>
        %dma_start3A_415 = arith.constant 0 : i32
        %dma_start3A_416 = arith.constant 0 : i32
        %dma_start3A_417 = tpu.memref_slice %arg2[%dma_start3A_415, %dma_start3A_416] : memref<10000x128xf32, #tpu.memory_space<hbm>> -> memref<10000x128xf32, #tpu.memory_space<hbm>>
        tpu.enqueue_indirect_dma source(%dma_start3A_417 : memref<10000x128xf32, #tpu.memory_space<hbm>>) target(%dma_start3A_412 : memref<40x128xf32, #tpu.memory_space<vmem>>) offsets(%dma_start3A_414 : memref<40xi32, #tpu.memory_space<vmem>>) semaphore(%arg24 : memref<!tpu.dma_semaphore, #tpu.memory_space<semaphore_mem>>)
        %dma_wait3A_418 = arith.constant 160 : i32
        %dma_wait3A_419 = arith.constant 0 : i32
        %dma_wait3A_420 = tpu.memref_slice %arg19[%dma_wait3A_418, %dma_wait3A_419] : memref<200x128xf32, #tpu.memory_space<vmem>> -> memref<40x128xf32, #tpu.memory_space<vmem>>
        %dma_wait3A_421 = arith.constant 0 : i32
        %dma_wait3A_422 = arith.constant 0 : i32
        %dma_wait3A_423 = tpu.memref_slice %arg20[%dma_wait3A_421, %dma_wait3A_422] : memref<10000x128xf32, #tpu.memory_space<vmem_shared>> -> memref<10000x128xf32, #tpu.memory_space<vmem_shared>>
        tpu.wait_indirect_dma semaphore(%arg30 : memref<!tpu.dma_semaphore, #tpu.memory_space<semaphore_mem>>) src(%dma_wait3A_420 : memref<40x128xf32, #tpu.memory_space<vmem>>) dst(%dma_wait3A_423 : memref<10000x128xf32, #tpu.memory_space<vmem_shared>>)
        %dma_start3A_424 = arith.constant 160 : i32
        %dma_start3A_425 = arith.constant 0 : i32
        %dma_start3A_426 = tpu.memref_slice %arg19[%dma_start3A_424, %dma_start3A_425] : memref<200x128xf32, #tpu.memory_space<vmem>> -> memref<40x128xf32, #tpu.memory_space<vmem>>
        %dma_start3A_427 = arith.constant 160 : i32
        %dma_start3A_428 = tpu.memref_slice %arg7[%dma_start3A_427] : memref<200xi32, #tpu.memory_space<vmem>> -> memref<40xi32, #tpu.memory_space<vmem>>
        %dma_start3A_429 = arith.constant 0 : i32
        %dma_start3A_430 = arith.constant 0 : i32
        %dma_start3A_431 = tpu.memref_slice %arg2[%dma_start3A_429, %dma_start3A_430] : memref<10000x128xf32, #tpu.memory_space<hbm>> -> memref<10000x128xf32, #tpu.memory_space<hbm>>
        tpu.enqueue_indirect_dma source(%dma_start3A_431 : memref<10000x128xf32, #tpu.memory_space<hbm>>) target(%dma_start3A_426 : memref<40x128xf32, #tpu.memory_space<vmem>>) offsets(%dma_start3A_428 : memref<40xi32, #tpu.memory_space<vmem>>) semaphore(%arg25 : memref<!tpu.dma_semaphore, #tpu.memory_space<semaphore_mem>>)
      } else {
      }
    }
    %scan3A_115 = arith.constant 25 : i32
    %dma_wait3A_116 = arith.constant 0 : i32
    %dma_wait3A_117 = arith.constant 0 : i32
    %dma_wait3A_118 = tpu.memref_slice %arg19[%dma_wait3A_116, %dma_wait3A_117] : memref<200x128xf32, #tpu.memory_space<vmem>> -> memref<40x128xf32, #tpu.memory_space<vmem>>
    %dma_wait3A_119 = arith.constant 0 : i32
    %dma_wait3A_120 = arith.constant 0 : i32
    %dma_wait3A_121 = tpu.memref_slice %arg20[%dma_wait3A_119, %dma_wait3A_120] : memref<10000x128xf32, #tpu.memory_space<vmem_shared>> -> memref<10000x128xf32, #tpu.memory_space<vmem_shared>>
    tpu.wait_indirect_dma semaphore(%arg26 : memref<!tpu.dma_semaphore, #tpu.memory_space<semaphore_mem>>) src(%dma_wait3A_118 : memref<40x128xf32, #tpu.memory_space<vmem>>) dst(%dma_wait3A_121 : memref<10000x128xf32, #tpu.memory_space<vmem_shared>>)
    %dma_wait3A_122 = arith.constant 40 : i32
    %dma_wait3A_123 = arith.constant 0 : i32
    %dma_wait3A_124 = tpu.memref_slice %arg19[%dma_wait3A_122, %dma_wait3A_123] : memref<200x128xf32, #tpu.memory_space<vmem>> -> memref<40x128xf32, #tpu.memory_space<vmem>>
    %dma_wait3A_125 = arith.constant 0 : i32
    %dma_wait3A_126 = arith.constant 0 : i32
    %dma_wait3A_127 = tpu.memref_slice %arg20[%dma_wait3A_125, %dma_wait3A_126] : memref<10000x128xf32, #tpu.memory_space<vmem_shared>> -> memref<10000x128xf32, #tpu.memory_space<vmem_shared>>
    tpu.wait_indirect_dma semaphore(%arg27 : memref<!tpu.dma_semaphore, #tpu.memory_space<semaphore_mem>>) src(%dma_wait3A_124 : memref<40x128xf32, #tpu.memory_space<vmem>>) dst(%dma_wait3A_127 : memref<10000x128xf32, #tpu.memory_space<vmem_shared>>)
    %dma_wait3A_128 = arith.constant 80 : i32
    %dma_wait3A_129 = arith.constant 0 : i32
    %dma_wait3A_130 = tpu.memref_slice %arg19[%dma_wait3A_128, %dma_wait3A_129] : memref<200x128xf32, #tpu.memory_space<vmem>> -> memref<40x128xf32, #tpu.memory_space<vmem>>
    %dma_wait3A_131 = arith.constant 0 : i32
    %dma_wait3A_132 = arith.constant 0 : i32
    %dma_wait3A_133 = tpu.memref_slice %arg20[%dma_wait3A_131, %dma_wait3A_132] : memref<10000x128xf32, #tpu.memory_space<vmem_shared>> -> memref<10000x128xf32, #tpu.memory_space<vmem_shared>>
    tpu.wait_indirect_dma semaphore(%arg28 : memref<!tpu.dma_semaphore, #tpu.memory_space<semaphore_mem>>) src(%dma_wait3A_130 : memref<40x128xf32, #tpu.memory_space<vmem>>) dst(%dma_wait3A_133 : memref<10000x128xf32, #tpu.memory_space<vmem_shared>>)
    %dma_wait3A_134 = arith.constant 120 : i32
    %dma_wait3A_135 = arith.constant 0 : i32
    %dma_wait3A_136 = tpu.memref_slice %arg19[%dma_wait3A_134, %dma_wait3A_135] : memref<200x128xf32, #tpu.memory_space<vmem>> -> memref<40x128xf32, #tpu.memory_space<vmem>>
    %dma_wait3A_137 = arith.constant 0 : i32
    %dma_wait3A_138 = arith.constant 0 : i32
    %dma_wait3A_139 = tpu.memref_slice %arg20[%dma_wait3A_137, %dma_wait3A_138] : memref<10000x128xf32, #tpu.memory_space<vmem_shared>> -> memref<10000x128xf32, #tpu.memory_space<vmem_shared>>
    tpu.wait_indirect_dma semaphore(%arg29 : memref<!tpu.dma_semaphore, #tpu.memory_space<semaphore_mem>>) src(%dma_wait3A_136 : memref<40x128xf32, #tpu.memory_space<vmem>>) dst(%dma_wait3A_139 : memref<10000x128xf32, #tpu.memory_space<vmem_shared>>)
    %dma_wait3A_140 = arith.constant 160 : i32
    %dma_wait3A_141 = arith.constant 0 : i32
    %dma_wait3A_142 = tpu.memref_slice %arg19[%dma_wait3A_140, %dma_wait3A_141] : memref<200x128xf32, #tpu.memory_space<vmem>> -> memref<40x128xf32, #tpu.memory_space<vmem>>
    %dma_wait3A_143 = arith.constant 0 : i32
    %dma_wait3A_144 = arith.constant 0 : i32
    %dma_wait3A_145 = tpu.memref_slice %arg20[%dma_wait3A_143, %dma_wait3A_144] : memref<10000x128xf32, #tpu.memory_space<vmem_shared>> -> memref<10000x128xf32, #tpu.memory_space<vmem_shared>>
    tpu.wait_indirect_dma semaphore(%arg30 : memref<!tpu.dma_semaphore, #tpu.memory_space<semaphore_mem>>) src(%dma_wait3A_142 : memref<40x128xf32, #tpu.memory_space<vmem>>) dst(%dma_wait3A_145 : memref<10000x128xf32, #tpu.memory_space<vmem_shared>>)
    %barrier3A_146 = arith.constant 0 : index
    tpu.barrier barrier_id(%barrier3A_146)
    %mul3A_147 = arith.constant 624 : i32
    %mul3A_148 = arith.muli %arg1, %mul3A_147 : i32
    %multiple_of3A_149 = tpu.assume_multiple %mul3A_148, 8 : i32
    %lt3A_150 = arith.constant 15 : i32
    %lt3A_151 = arith.cmpi slt, %arg1, %lt3A_150 : i32
    %convert_element_type3A_152 = arith.extui %lt3A_151 : i1 to i32
    %cond3A_153 = arith.constant 0 : i32
    %cond3A_154 = arith.cmpi ne, %convert_element_type3A_152, %cond3A_153 : i32
    scf.if %cond3A_154 {
      "tpu.region"() ({
        %run_scoped3A = tpu.sem_alloc : memref<!tpu.dma_semaphore, #tpu.memory_space<semaphore_mem>>
        %dma_start3A_160 = arith.constant 0 : i32
        %dma_start3A_161 = tpu.memref_slice %arg6[%arg0, %multiple_of3A_149, %dma_start3A_160] : memref<2x10000x128xf32, #tpu.memory_space<hbm>> -> memref<1x624x128xf32, #tpu.memory_space<hbm>>
        %dma_start3A_162 = tpu.memref_squeeze %dma_start3A_161 : memref<1x624x128xf32, #tpu.memory_space<hbm>> -> memref<624x128xf32, #tpu.memory_space<hbm>>
        %dma_start3A_163 = arith.constant 0 : i32
        %dma_start3A_164 = tpu.memref_slice %arg20[%multiple_of3A_149, %dma_start3A_163] : memref<10000x128xf32, #tpu.memory_space<vmem_shared>> -> memref<624x128xf32, #tpu.memory_space<vmem_shared>>
        tpu.enqueue_dma source(%dma_start3A_164 : memref<624x128xf32, #tpu.memory_space<vmem_shared>>) target(%dma_start3A_162 : memref<624x128xf32, #tpu.memory_space<hbm>>) target_semaphore(%run_scoped3A : memref<!tpu.dma_semaphore, #tpu.memory_space<semaphore_mem>>)
        %dma_wait3A_165 = arith.constant 0 : i32
        %dma_wait3A_166 = tpu.memref_slice %arg6[%arg0, %multiple_of3A_149, %dma_wait3A_165] : memref<2x10000x128xf32, #tpu.memory_space<hbm>> -> memref<1x624x128xf32, #tpu.memory_space<hbm>>
        %dma_wait3A_167 = tpu.memref_squeeze %dma_wait3A_166 : memref<1x624x128xf32, #tpu.memory_space<hbm>> -> memref<624x128xf32, #tpu.memory_space<hbm>>
        %dma_wait3A_168 = arith.constant 0 : i32
        %dma_wait3A_169 = tpu.memref_slice %arg20[%multiple_of3A_149, %dma_wait3A_168] : memref<10000x128xf32, #tpu.memory_space<vmem_shared>> -> memref<624x128xf32, #tpu.memory_space<vmem_shared>>
        tpu.wait_dma2 semaphore(%run_scoped3A : memref<!tpu.dma_semaphore, #tpu.memory_space<semaphore_mem>>) src(%dma_wait3A_169 : memref<624x128xf32, #tpu.memory_space<vmem_shared>>) dst(%dma_wait3A_167 : memref<624x128xf32, #tpu.memory_space<hbm>>)
        tpu.yield
      }) : () -> ()
    } else {
    }
    %eq3A_155 = arith.constant 15 : i32
    %eq3A_156 = arith.cmpi eq, %arg1, %eq3A_155 : i32
    %convert_element_type3A_157 = arith.extui %eq3A_156 : i1 to i32
    %cond3A_158 = arith.constant 0 : i32
    %cond3A_159 = arith.cmpi ne, %convert_element_type3A_157, %cond3A_158 : i32
    scf.if %cond3A_159 {
      "tpu.region"() ({
        %run_scoped3A = tpu.sem_alloc : memref<!tpu.dma_semaphore, #tpu.memory_space<semaphore_mem>>
        %dma_start3A_160 = arith.constant 9360 : i32
        %dma_start3A_161 = arith.constant 0 : i32
        %dma_start3A_162 = tpu.memref_slice %arg6[%arg0, %dma_start3A_160, %dma_start3A_161] : memref<2x10000x128xf32, #tpu.memory_space<hbm>> -> memref<1x640x128xf32, #tpu.memory_space<hbm>>
        %dma_start3A_163 = tpu.memref_squeeze %dma_start3A_162 : memref<1x640x128xf32, #tpu.memory_space<hbm>> -> memref<640x128xf32, #tpu.memory_space<hbm>>
        %dma_start3A_164 = arith.constant 9360 : i32
        %dma_start3A_165 = arith.constant 0 : i32
        %dma_start3A_166 = tpu.memref_slice %arg20[%dma_start3A_164, %dma_start3A_165] : memref<10000x128xf32, #tpu.memory_space<vmem_shared>> -> memref<640x128xf32, #tpu.memory_space<vmem_shared>>
        tpu.enqueue_dma source(%dma_start3A_166 : memref<640x128xf32, #tpu.memory_space<vmem_shared>>) target(%dma_start3A_163 : memref<640x128xf32, #tpu.memory_space<hbm>>) target_semaphore(%run_scoped3A : memref<!tpu.dma_semaphore, #tpu.memory_space<semaphore_mem>>)
        %dma_wait3A_167 = arith.constant 9360 : i32
        %dma_wait3A_168 = arith.constant 0 : i32
        %dma_wait3A_169 = tpu.memref_slice %arg6[%arg0, %dma_wait3A_167, %dma_wait3A_168] : memref<2x10000x128xf32, #tpu.memory_space<hbm>> -> memref<1x640x128xf32, #tpu.memory_space<hbm>>
        %dma_wait3A_170 = tpu.memref_squeeze %dma_wait3A_169 : memref<1x640x128xf32, #tpu.memory_space<hbm>> -> memref<640x128xf32, #tpu.memory_space<hbm>>
        %dma_wait3A_171 = arith.constant 9360 : i32
        %dma_wait3A_172 = arith.constant 0 : i32
        %dma_wait3A_173 = tpu.memref_slice %arg20[%dma_wait3A_171, %dma_wait3A_172] : memref<10000x128xf32, #tpu.memory_space<vmem_shared>> -> memref<640x128xf32, #tpu.memory_space<vmem_shared>>
        tpu.wait_dma2 semaphore(%run_scoped3A : memref<!tpu.dma_semaphore, #tpu.memory_space<semaphore_mem>>) src(%dma_wait3A_173 : memref<640x128xf32, #tpu.memory_space<vmem_shared>>) dst(%dma_wait3A_170 : memref<640x128xf32, #tpu.memory_space<hbm>>)
        tpu.yield
      }) : () -> ()
    } else {
    }
    return
  }
}

module attributes {stable_mosaic.version = 14 : i64} {
  func.func @_ka_body(%arg0: i32, %arg1: memref<2000x128xf32, #tpu.memory_space<vmem>>, %arg2: memref<128x128xf32, #tpu.memory_space<vmem>>, %arg3: memref<1x128xf32, #tpu.memory_space<vmem>>, %arg4: memref<1x128xf32, #tpu.memory_space<vmem>>, %arg5: memref<1x128xf32, #tpu.memory_space<vmem>>, %arg6: memref<128x128xf32, #tpu.memory_space<vmem>>, %arg7: memref<1x128xf32, #tpu.memory_space<vmem>>, %arg8: memref<128x128xf32, #tpu.memory_space<vmem>>, %arg9: memref<1x128xf32, #tpu.memory_space<vmem>>, %arg10: memref<128x128xf32, #tpu.memory_space<vmem>>, %arg11: memref<1x128xf32, #tpu.memory_space<vmem>>, %arg12: memref<128x128xf32, #tpu.memory_space<vmem>>, %arg13: memref<1x128xf32, #tpu.memory_space<vmem>>, %arg14: memref<1x128xf32, #tpu.memory_space<vmem>>, %arg15: memref<1x128xf32, #tpu.memory_space<vmem>>, %arg16: memref<2000x128xf32, #tpu.memory_space<vmem>>, %arg17: memref<2000x128xf32, #tpu.memory_space<vmem>>, %arg18: memref<2000x128xf32, #tpu.memory_space<vmem>>, %arg19: memref<128x128xf32, #tpu.memory_space<vmem>>, %arg20: memref<1x128xf32, #tpu.memory_space<vmem>>, %arg21: memref<1x128xf32, #tpu.memory_space<vmem>>) attributes {dimension_semantics = [#tpu.dimension_semantics<arbitrary>], iteration_bounds = array<i64: 5>, scalar_prefetch = 0 : i64, scratch_operands = 0 : i64, tpu.core_type = #tpu.core_type<tc>, window_params = [{transform_indices = @transform_0, window_bounds = array<i64: 2000, 128>}, {pipeline_mode = #tpu.pipeline_mode<synchronous>, transform_indices = @transform_1, window_bounds = array<i64: 128, 128>}, {pipeline_mode = #tpu.pipeline_mode<synchronous>, transform_indices = @transform_2, window_bounds = array<i64: 1, 128>}, {pipeline_mode = #tpu.pipeline_mode<synchronous>, transform_indices = @transform_3, window_bounds = array<i64: 1, 128>}, {pipeline_mode = #tpu.pipeline_mode<synchronous>, transform_indices = @transform_4, window_bounds = array<i64: 1, 128>}, {pipeline_mode = #tpu.pipeline_mode<synchronous>, transform_indices = @transform_5, window_bounds = array<i64: 128, 128>}, {pipeline_mode = #tpu.pipeline_mode<synchronous>, transform_indices = @transform_6, window_bounds = array<i64: 1, 128>}, {pipeline_mode = #tpu.pipeline_mode<synchronous>, transform_indices = @transform_7, window_bounds = array<i64: 128, 128>}, {pipeline_mode = #tpu.pipeline_mode<synchronous>, transform_indices = @transform_8, window_bounds = array<i64: 1, 128>}, {pipeline_mode = #tpu.pipeline_mode<synchronous>, transform_indices = @transform_9, window_bounds = array<i64: 128, 128>}, {pipeline_mode = #tpu.pipeline_mode<synchronous>, transform_indices = @transform_10, window_bounds = array<i64: 1, 128>}, {pipeline_mode = #tpu.pipeline_mode<synchronous>, transform_indices = @transform_11, window_bounds = array<i64: 128, 128>}, {pipeline_mode = #tpu.pipeline_mode<synchronous>, transform_indices = @transform_12, window_bounds = array<i64: 1, 128>}, {pipeline_mode = #tpu.pipeline_mode<synchronous>, transform_indices = @transform_13, window_bounds = array<i64: 1, 128>}, {pipeline_mode = #tpu.pipeline_mode<synchronous>, transform_indices = @transform_14, window_bounds = array<i64: 1, 128>}, {transform_indices = @transform_15, window_bounds = array<i64: 2000, 128>}, {transform_indices = @transform_16, window_bounds = array<i64: 2000, 128>}, {transform_indices = @transform_17, window_bounds = array<i64: 2000, 128>}, {pipeline_mode = #tpu.pipeline_mode<synchronous>, transform_indices = @transform_18, window_bounds = array<i64: 128, 128>}, {pipeline_mode = #tpu.pipeline_mode<synchronous>, transform_indices = @transform_19, window_bounds = array<i64: 1, 128>}, {pipeline_mode = #tpu.pipeline_mode<synchronous>, transform_indices = @transform_20, window_bounds = array<i64: 1, 128>}]} {
    %get3A = arith.constant 0 : index
    %get3A_0 = arith.constant 0 : index
    %get3A_1 = vector.load %arg1[%get3A, %get3A_0] : memref<2000x128xf32, #tpu.memory_space<vmem>>, vector<2000x128xf32>
    %get3A_2 = arith.constant 0 : index
    %get3A_3 = arith.constant 0 : index
    %get3A_4 = vector.load %arg2[%get3A_2, %get3A_3] : memref<128x128xf32, #tpu.memory_space<vmem>>, vector<128x128xf32>
    %dot_general3A = arith.constant dense<0.000000e+00> : vector<2000x128xf32>
    %dot_general3A_5 = tpu.matmul %get3A_1, %get3A_4, %dot_general3A {dimension_numbers = #tpu.dot_dimension_numbers<[1], [1], [0], [0], [0, 0, 1, 0], [], []>, transpose_lhs_hint = false} : vector<2000x128xf32>, vector<128x128xf32>, vector<2000x128xf32> -> vector<2000x128xf32>
    %get3A_6 = arith.constant 0 : index
    %get3A_7 = arith.constant 0 : index
    %get3A_8 = vector.load %arg3[%get3A_6, %get3A_7] : memref<1x128xf32, #tpu.memory_space<vmem>>, vector<1x128xf32>
    %add3A = vector.broadcast %get3A_8 : vector<1x128xf32> to vector<2000x128xf32>
    %add3A_9 = arith.addf %dot_general3A_5, %add3A : vector<2000x128xf32>
    %get3A_10 = arith.constant 0 : index
    %get3A_11 = arith.constant 0 : index
    %get3A_12 = vector.load %arg4[%get3A_10, %get3A_11] : memref<1x128xf32, #tpu.memory_space<vmem>>, vector<1x128xf32>
    %get3A_13 = arith.constant 0 : index
    %get3A_14 = arith.constant 0 : index
    %get3A_15 = vector.load %arg5[%get3A_13, %get3A_14] : memref<1x128xf32, #tpu.memory_space<vmem>>, vector<1x128xf32>
    %reduce_sum3A = arith.constant dense<0.000000e+00> : vector<2000xf32>
    %reduce_sum3A_16 = vector.multi_reduction <add>, %add3A_9, %reduce_sum3A [1] : vector<2000x128xf32> to vector<2000xf32>
    %broadcast_in_dim3A = vector.shape_cast %reduce_sum3A_16 : vector<2000xf32> to vector<2000x1xf32>
    %div3A = arith.constant 1.280000e+02 : f32
    %div3A_17 = vector.broadcast %div3A : f32 to vector<2000x1xf32>
    %div3A_18 = arith.divf %broadcast_in_dim3A, %div3A_17 : vector<2000x1xf32>
    %sub3A = vector.broadcast %div3A_18 : vector<2000x1xf32> to vector<2000x128xf32>
    %sub3A_19 = arith.subf %add3A_9, %sub3A : vector<2000x128xf32>
    %sub3A_20 = vector.broadcast %div3A_18 : vector<2000x1xf32> to vector<2000x128xf32>
    %sub3A_21 = arith.subf %add3A_9, %sub3A_20 : vector<2000x128xf32>
    %mul3A = arith.mulf %sub3A_19, %sub3A_21 : vector<2000x128xf32>
    %reduce_sum3A_22 = arith.constant dense<0.000000e+00> : vector<2000xf32>
    %reduce_sum3A_23 = vector.multi_reduction <add>, %mul3A, %reduce_sum3A_22 [1] : vector<2000x128xf32> to vector<2000xf32>
    %broadcast_in_dim3A_24 = vector.shape_cast %reduce_sum3A_23 : vector<2000xf32> to vector<2000x1xf32>
    %div3A_25 = arith.constant 1.280000e+02 : f32
    %div3A_26 = vector.broadcast %div3A_25 : f32 to vector<2000x1xf32>
    %div3A_27 = arith.divf %broadcast_in_dim3A_24, %div3A_26 : vector<2000x1xf32>
    %sub3A_28 = vector.broadcast %div3A_18 : vector<2000x1xf32> to vector<2000x128xf32>
    %sub3A_29 = arith.subf %add3A_9, %sub3A_28 : vector<2000x128xf32>
    %add3A_30 = arith.constant 9.99999974E-6 : f32
    %add3A_31 = vector.broadcast %add3A_30 : f32 to vector<2000x1xf32>
    %add3A_32 = arith.addf %div3A_27, %add3A_31 : vector<2000x1xf32>
    %rsqrt3A = math.rsqrt %add3A_32 : vector<2000x1xf32>
    %mul3A_33 = vector.broadcast %rsqrt3A : vector<2000x1xf32> to vector<2000x128xf32>
    %mul3A_34 = arith.mulf %sub3A_29, %mul3A_33 : vector<2000x128xf32>
    %mul3A_35 = vector.broadcast %get3A_12 : vector<1x128xf32> to vector<2000x128xf32>
    %mul3A_36 = arith.mulf %mul3A_34, %mul3A_35 : vector<2000x128xf32>
    %add3A_37 = vector.broadcast %get3A_15 : vector<1x128xf32> to vector<2000x128xf32>
    %add3A_38 = arith.addf %mul3A_36, %add3A_37 : vector<2000x128xf32>
    %max3A = arith.constant 0.000000e+00 : f32
    %max3A_39 = vector.broadcast %max3A : f32 to vector<2000x128xf32>
    %max3A_40 = arith.maximumf %add3A_38, %max3A_39 : vector<2000x128xf32>
    %swap3A = arith.constant 0 : index
    %swap3A_41 = arith.constant 0 : index
    %swap3A_42 = vector.load %arg16[%swap3A, %swap3A_41] : memref<2000x128xf32, #tpu.memory_space<vmem>>, vector<2000x128xf32>
    tpu.vector_store %arg16[%swap3A, %swap3A_41], %max3A_40 {strides = array<i32>} : memref<2000x128xf32, #tpu.memory_space<vmem>>, vector<2000x128xf32>,
    %get3A_43 = arith.constant 0 : index
    %get3A_44 = arith.constant 0 : index
    %get3A_45 = vector.load %arg6[%get3A_43, %get3A_44] : memref<128x128xf32, #tpu.memory_space<vmem>>, vector<128x128xf32>
    %dot_general3A_46 = arith.constant dense<0.000000e+00> : vector<2000x128xf32>
    %dot_general3A_47 = tpu.matmul %max3A_40, %get3A_45, %dot_general3A_46 {dimension_numbers = #tpu.dot_dimension_numbers<[1], [1], [0], [0], [0, 0, 1, 0], [], []>, transpose_lhs_hint = false} : vector<2000x128xf32>, vector<128x128xf32>, vector<2000x128xf32> -> vector<2000x128xf32>
    %get3A_48 = arith.constant 0 : index
    %get3A_49 = arith.constant 0 : index
    %get3A_50 = vector.load %arg7[%get3A_48, %get3A_49] : memref<1x128xf32, #tpu.memory_space<vmem>>, vector<1x128xf32>
    %add3A_51 = vector.broadcast %get3A_50 : vector<1x128xf32> to vector<2000x128xf32>
    %add3A_52 = arith.addf %dot_general3A_47, %add3A_51 : vector<2000x128xf32>
    %get3A_53 = arith.constant 0 : index
    %get3A_54 = arith.constant 0 : index
    %get3A_55 = vector.load %arg8[%get3A_53, %get3A_54] : memref<128x128xf32, #tpu.memory_space<vmem>>, vector<128x128xf32>
    %dot_general3A_56 = arith.constant dense<0.000000e+00> : vector<2000x128xf32>
    %dot_general3A_57 = tpu.matmul %max3A_40, %get3A_55, %dot_general3A_56 {dimension_numbers = #tpu.dot_dimension_numbers<[1], [1], [0], [0], [0, 0, 1, 0], [], []>, transpose_lhs_hint = false} : vector<2000x128xf32>, vector<128x128xf32>, vector<2000x128xf32> -> vector<2000x128xf32>
    %get3A_58 = arith.constant 0 : index
    %get3A_59 = arith.constant 0 : index
    %get3A_60 = vector.load %arg9[%get3A_58, %get3A_59] : memref<1x128xf32, #tpu.memory_space<vmem>>, vector<1x128xf32>
    %add3A_61 = vector.broadcast %get3A_60 : vector<1x128xf32> to vector<2000x128xf32>
    %add3A_62 = arith.addf %dot_general3A_57, %add3A_61 : vector<2000x128xf32>
    %get3A_63 = arith.constant 0 : index
    %get3A_64 = arith.constant 0 : index
    %get3A_65 = vector.load %arg10[%get3A_63, %get3A_64] : memref<128x128xf32, #tpu.memory_space<vmem>>, vector<128x128xf32>
    %dot_general3A_66 = arith.constant dense<0.000000e+00> : vector<2000x128xf32>
    %dot_general3A_67 = tpu.matmul %max3A_40, %get3A_65, %dot_general3A_66 {dimension_numbers = #tpu.dot_dimension_numbers<[1], [1], [0], [0], [0, 0, 1, 0], [], []>, transpose_lhs_hint = false} : vector<2000x128xf32>, vector<128x128xf32>, vector<2000x128xf32> -> vector<2000x128xf32>
    %get3A_68 = arith.constant 0 : index
    %get3A_69 = arith.constant 0 : index
    %get3A_70 = vector.load %arg11[%get3A_68, %get3A_69] : memref<1x128xf32, #tpu.memory_space<vmem>>, vector<1x128xf32>
    %add3A_71 = vector.broadcast %get3A_70 : vector<1x128xf32> to vector<2000x128xf32>
    %add3A_72 = arith.addf %dot_general3A_67, %add3A_71 : vector<2000x128xf32>
    %mul3A_73 = arith.mulf %add3A_52, %add3A_52 : vector<2000x128xf32>
    %reduce_sum3A_74 = arith.constant dense<0.000000e+00> : vector<2000xf32>
    %reduce_sum3A_75 = vector.multi_reduction <add>, %mul3A_73, %reduce_sum3A_74 [1] : vector<2000x128xf32> to vector<2000xf32>
    %broadcast_in_dim3A_76 = vector.shape_cast %reduce_sum3A_75 : vector<2000xf32> to vector<2000x1xf32>
    %rsqrt3A_77 = math.rsqrt %broadcast_in_dim3A_76 : vector<2000x1xf32>
    %mul3A_78 = vector.broadcast %rsqrt3A_77 : vector<2000x1xf32> to vector<2000x128xf32>
    %mul3A_79 = arith.mulf %add3A_52, %mul3A_78 : vector<2000x128xf32>
    %mul3A_80 = arith.mulf %add3A_62, %add3A_62 : vector<2000x128xf32>
    %reduce_sum3A_81 = arith.constant dense<0.000000e+00> : vector<2000xf32>
    %reduce_sum3A_82 = vector.multi_reduction <add>, %mul3A_80, %reduce_sum3A_81 [1] : vector<2000x128xf32> to vector<2000xf32>
    %broadcast_in_dim3A_83 = vector.shape_cast %reduce_sum3A_82 : vector<2000xf32> to vector<2000x1xf32>
    %rsqrt3A_84 = math.rsqrt %broadcast_in_dim3A_83 : vector<2000x1xf32>
    %mul3A_85 = vector.broadcast %rsqrt3A_84 : vector<2000x1xf32> to vector<2000x128xf32>
    %mul3A_86 = arith.mulf %add3A_62, %mul3A_85 : vector<2000x128xf32>
    %swap3A_87 = arith.constant 0 : index
    %swap3A_88 = arith.constant 0 : index
    %swap3A_89 = vector.load %arg17[%swap3A_87, %swap3A_88] : memref<2000x128xf32, #tpu.memory_space<vmem>>, vector<2000x128xf32>
    tpu.vector_store %arg17[%swap3A_87, %swap3A_88], %mul3A_79 {strides = array<i32>} : memref<2000x128xf32, #tpu.memory_space<vmem>>, vector<2000x128xf32>,
    %dot_general3A_90 = arith.constant dense<0.000000e+00> : vector<128x128xf32>
    %dot_general3A_91 = tpu.matmul %mul3A_86, %add3A_72, %dot_general3A_90 {dimension_numbers = #tpu.dot_dimension_numbers<[0], [0], [1], [1], [0, 1, 1, 1], [], []>, transpose_lhs_hint = false} : vector<2000x128xf32>, vector<2000x128xf32>, vector<128x128xf32> -> vector<128x128xf32>
    %reduce_sum3A_92 = arith.constant dense<0.000000e+00> : vector<128xf32>
    %reduce_sum3A_93 = vector.multi_reduction <add>, %add3A_72, %reduce_sum3A_92 [0] : vector<2000x128xf32> to vector<128xf32>
    %broadcast_in_dim3A_94 = vector.shape_cast %reduce_sum3A_93 : vector<128xf32> to vector<1x128xf32>
    %reduce_sum3A_95 = arith.constant dense<0.000000e+00> : vector<128xf32>
    %reduce_sum3A_96 = vector.multi_reduction <add>, %mul3A_86, %reduce_sum3A_95 [0] : vector<2000x128xf32> to vector<128xf32>
    %broadcast_in_dim3A_97 = vector.shape_cast %reduce_sum3A_96 : vector<128xf32> to vector<1x128xf32>
    %eq3A = arith.constant 0 : i32
    %eq3A_98 = arith.cmpi eq, %arg0, %eq3A : i32
    %convert_element_type3A = arith.extui %eq3A_98 : i1 to i32
    %cond3A = arith.constant 0 : i32
    %cond3A_99 = arith.cmpi ne, %convert_element_type3A, %cond3A : i32
    scf.if %cond3A_99 {
      %swap3A_133 = arith.constant 0 : index
      %swap3A_134 = arith.constant 0 : index
      %swap3A_135 = vector.load %arg19[%swap3A_133, %swap3A_134] : memref<128x128xf32, #tpu.memory_space<vmem>>, vector<128x128xf32>
      tpu.vector_store %arg19[%swap3A_133, %swap3A_134], %dot_general3A_91 {strides = array<i32>} : memref<128x128xf32, #tpu.memory_space<vmem>>, vector<128x128xf32>,
      %swap3A_136 = arith.constant 0 : index
      %swap3A_137 = arith.constant 0 : index
      %swap3A_138 = vector.load %arg20[%swap3A_136, %swap3A_137] : memref<1x128xf32, #tpu.memory_space<vmem>>, vector<1x128xf32>
      tpu.vector_store %arg20[%swap3A_136, %swap3A_137], %broadcast_in_dim3A_94 {strides = array<i32>} : memref<1x128xf32, #tpu.memory_space<vmem>>, vector<1x128xf32>,
      %swap3A_139 = arith.constant 0 : index
      %swap3A_140 = arith.constant 0 : index
      %swap3A_141 = vector.load %arg21[%swap3A_139, %swap3A_140] : memref<1x128xf32, #tpu.memory_space<vmem>>, vector<1x128xf32>
      tpu.vector_store %arg21[%swap3A_139, %swap3A_140], %broadcast_in_dim3A_97 {strides = array<i32>} : memref<1x128xf32, #tpu.memory_space<vmem>>, vector<1x128xf32>,
    } else {
    }
    %gt3A = arith.constant 0 : i32
    %gt3A_100 = arith.cmpi sgt, %arg0, %gt3A : i32
    %convert_element_type3A_101 = arith.extui %gt3A_100 : i1 to i32
    %cond3A_102 = arith.constant 0 : i32
    %cond3A_103 = arith.cmpi ne, %convert_element_type3A_101, %cond3A_102 : i32
    scf.if %cond3A_103 {
      %get3A_133 = arith.constant 0 : index
      %get3A_134 = arith.constant 0 : index
      %get3A_135 = vector.load %arg19[%get3A_133, %get3A_134] : memref<128x128xf32, #tpu.memory_space<vmem>>, vector<128x128xf32>
      %add3A_136 = arith.addf %get3A_135, %dot_general3A_91 : vector<128x128xf32>
      %swap3A_137 = arith.constant 0 : index
      %swap3A_138 = arith.constant 0 : index
      %swap3A_139 = vector.load %arg19[%swap3A_137, %swap3A_138] : memref<128x128xf32, #tpu.memory_space<vmem>>, vector<128x128xf32>
      tpu.vector_store %arg19[%swap3A_137, %swap3A_138], %add3A_136 {strides = array<i32>} : memref<128x128xf32, #tpu.memory_space<vmem>>, vector<128x128xf32>,
      %get3A_140 = arith.constant 0 : index
      %get3A_141 = arith.constant 0 : index
      %get3A_142 = vector.load %arg20[%get3A_140, %get3A_141] : memref<1x128xf32, #tpu.memory_space<vmem>>, vector<1x128xf32>
      %add3A_143 = arith.addf %get3A_142, %broadcast_in_dim3A_94 : vector<1x128xf32>
      %swap3A_144 = arith.constant 0 : index
      %swap3A_145 = arith.constant 0 : index
      %swap3A_146 = vector.load %arg20[%swap3A_144, %swap3A_145] : memref<1x128xf32, #tpu.memory_space<vmem>>, vector<1x128xf32>
      tpu.vector_store %arg20[%swap3A_144, %swap3A_145], %add3A_143 {strides = array<i32>} : memref<1x128xf32, #tpu.memory_space<vmem>>, vector<1x128xf32>,
      %get3A_147 = arith.constant 0 : index
      %get3A_148 = arith.constant 0 : index
      %get3A_149 = vector.load %arg21[%get3A_147, %get3A_148] : memref<1x128xf32, #tpu.memory_space<vmem>>, vector<1x128xf32>
      %add3A_150 = arith.addf %get3A_149, %broadcast_in_dim3A_97 : vector<1x128xf32>
      %swap3A_151 = arith.constant 0 : index
      %swap3A_152 = arith.constant 0 : index
      %swap3A_153 = vector.load %arg21[%swap3A_151, %swap3A_152] : memref<1x128xf32, #tpu.memory_space<vmem>>, vector<1x128xf32>
      tpu.vector_store %arg21[%swap3A_151, %swap3A_152], %add3A_150 {strides = array<i32>} : memref<1x128xf32, #tpu.memory_space<vmem>>, vector<1x128xf32>,
    } else {
    }
    %get3A_104 = arith.constant 0 : index
    %get3A_105 = arith.constant 0 : index
    %get3A_106 = vector.load %arg12[%get3A_104, %get3A_105] : memref<128x128xf32, #tpu.memory_space<vmem>>, vector<128x128xf32>
    %dot_general3A_107 = arith.constant dense<0.000000e+00> : vector<2000x128xf32>
    %dot_general3A_108 = tpu.matmul %get3A_1, %get3A_106, %dot_general3A_107 {dimension_numbers = #tpu.dot_dimension_numbers<[1], [1], [0], [0], [0, 0, 1, 0], [], []>, transpose_lhs_hint = false} : vector<2000x128xf32>, vector<128x128xf32>, vector<2000x128xf32> -> vector<2000x128xf32>
    %get3A_109 = arith.constant 0 : index
    %get3A_110 = arith.constant 0 : index
    %get3A_111 = vector.load %arg13[%get3A_109, %get3A_110] : memref<1x128xf32, #tpu.memory_space<vmem>>, vector<1x128xf32>
    %add3A_112 = vector.broadcast %get3A_111 : vector<1x128xf32> to vector<2000x128xf32>
    %add3A_113 = arith.addf %dot_general3A_108, %add3A_112 : vector<2000x128xf32>
    %mul3A_114 = arith.constant 0.999994993 : f32
    %mul3A_115 = vector.broadcast %mul3A_114 : f32 to vector<2000x128xf32>
    %mul3A_116 = arith.mulf %add3A_113, %mul3A_115 : vector<2000x128xf32>
    %get3A_117 = arith.constant 0 : index
    %get3A_118 = arith.constant 0 : index
    %get3A_119 = vector.load %arg14[%get3A_117, %get3A_118] : memref<1x128xf32, #tpu.memory_space<vmem>>, vector<1x128xf32>
    %mul3A_120 = vector.broadcast %get3A_119 : vector<1x128xf32> to vector<2000x128xf32>
    %mul3A_121 = arith.mulf %mul3A_116, %mul3A_120 : vector<2000x128xf32>
    %get3A_122 = arith.constant 0 : index
    %get3A_123 = arith.constant 0 : index
    %get3A_124 = vector.load %arg15[%get3A_122, %get3A_123] : memref<1x128xf32, #tpu.memory_space<vmem>>, vector<1x128xf32>
    %add3A_125 = vector.broadcast %get3A_124 : vector<1x128xf32> to vector<2000x128xf32>
    %add3A_126 = arith.addf %mul3A_121, %add3A_125 : vector<2000x128xf32>
    %max3A_127 = arith.constant 0.000000e+00 : f32
    %max3A_128 = vector.broadcast %max3A_127 : f32 to vector<2000x128xf32>
    %max3A_129 = arith.maximumf %add3A_126, %max3A_128 : vector<2000x128xf32>
    %swap3A_130 = arith.constant 0 : index
    %swap3A_131 = arith.constant 0 : index
    %swap3A_132 = vector.load %arg18[%swap3A_130, %swap3A_131] : memref<2000x128xf32, #tpu.memory_space<vmem>>, vector<2000x128xf32>
    tpu.vector_store %arg18[%swap3A_130, %swap3A_131], %max3A_129 {strides = array<i32>} : memref<2000x128xf32, #tpu.memory_space<vmem>>, vector<2000x128xf32>,
    return
  }
  func.func @transform_0(%arg0: i32) -> (i32, i32) {
    %c0_i32 = arith.constant 0 : i32
    %c0_i32_0 = arith.constant 0 : i32
    return %arg0, %c0_i32 : i32, i32
  }
  func.func @transform_1(%arg0: i32) -> (i32, i32) {
    %c0_i32 = arith.constant 0 : i32
    %c0_i32_0 = arith.constant 0 : i32
    %c0_i32_1 = arith.constant 0 : i32
    return %c0_i32, %c0_i32_0 : i32, i32
  }
  func.func @transform_2(%arg0: i32) -> (i32, i32) {
    %c0_i32 = arith.constant 0 : i32
    %c0_i32_0 = arith.constant 0 : i32
    %c0_i32_1 = arith.constant 0 : i32
    return %c0_i32, %c0_i32_0 : i32, i32
  }
  func.func @transform_3(%arg0: i32) -> (i32, i32) {
    %c0_i32 = arith.constant 0 : i32
    %c0_i32_0 = arith.constant 0 : i32
    %c0_i32_1 = arith.constant 0 : i32
    return %c0_i32, %c0_i32_0 : i32, i32
  }
  func.func @transform_4(%arg0: i32) -> (i32, i32) {
    %c0_i32 = arith.constant 0 : i32
    %c0_i32_0 = arith.constant 0 : i32
    %c0_i32_1 = arith.constant 0 : i32
    return %c0_i32, %c0_i32_0 : i32, i32
  }
  func.func @transform_5(%arg0: i32) -> (i32, i32) {
    %c0_i32 = arith.constant 0 : i32
    %c0_i32_0 = arith.constant 0 : i32
    %c0_i32_1 = arith.constant 0 : i32
    return %c0_i32, %c0_i32_0 : i32, i32
  }
  func.func @transform_6(%arg0: i32) -> (i32, i32) {
    %c0_i32 = arith.constant 0 : i32
    %c0_i32_0 = arith.constant 0 : i32
    %c0_i32_1 = arith.constant 0 : i32
    return %c0_i32, %c0_i32_0 : i32, i32
  }
  func.func @transform_7(%arg0: i32) -> (i32, i32) {
    %c0_i32 = arith.constant 0 : i32
    %c0_i32_0 = arith.constant 0 : i32
    %c0_i32_1 = arith.constant 0 : i32
    return %c0_i32, %c0_i32_0 : i32, i32
  }
  func.func @transform_8(%arg0: i32) -> (i32, i32) {
    %c0_i32 = arith.constant 0 : i32
    %c0_i32_0 = arith.constant 0 : i32
    %c0_i32_1 = arith.constant 0 : i32
    return %c0_i32, %c0_i32_0 : i32, i32
  }
  func.func @transform_9(%arg0: i32) -> (i32, i32) {
    %c0_i32 = arith.constant 0 : i32
    %c0_i32_0 = arith.constant 0 : i32
    %c0_i32_1 = arith.constant 0 : i32
    return %c0_i32, %c0_i32_0 : i32, i32
  }
  func.func @transform_10(%arg0: i32) -> (i32, i32) {
    %c0_i32 = arith.constant 0 : i32
    %c0_i32_0 = arith.constant 0 : i32
    %c0_i32_1 = arith.constant 0 : i32
    return %c0_i32, %c0_i32_0 : i32, i32
  }
  func.func @transform_11(%arg0: i32) -> (i32, i32) {
    %c0_i32 = arith.constant 0 : i32
    %c0_i32_0 = arith.constant 0 : i32
    %c0_i32_1 = arith.constant 0 : i32
    return %c0_i32, %c0_i32_0 : i32, i32
  }
  func.func @transform_12(%arg0: i32) -> (i32, i32) {
    %c0_i32 = arith.constant 0 : i32
    %c0_i32_0 = arith.constant 0 : i32
    %c0_i32_1 = arith.constant 0 : i32
    return %c0_i32, %c0_i32_0 : i32, i32
  }
  func.func @transform_13(%arg0: i32) -> (i32, i32) {
    %c0_i32 = arith.constant 0 : i32
    %c0_i32_0 = arith.constant 0 : i32
    %c0_i32_1 = arith.constant 0 : i32
    return %c0_i32, %c0_i32_0 : i32, i32
  }
  func.func @transform_14(%arg0: i32) -> (i32, i32) {
    %c0_i32 = arith.constant 0 : i32
    %c0_i32_0 = arith.constant 0 : i32
    %c0_i32_1 = arith.constant 0 : i32
    return %c0_i32, %c0_i32_0 : i32, i32
  }
  func.func @transform_15(%arg0: i32) -> (i32, i32) {
    %c0_i32 = arith.constant 0 : i32
    %c0_i32_0 = arith.constant 0 : i32
    return %arg0, %c0_i32 : i32, i32
  }
  func.func @transform_16(%arg0: i32) -> (i32, i32) {
    %c0_i32 = arith.constant 0 : i32
    %c0_i32_0 = arith.constant 0 : i32
    return %arg0, %c0_i32 : i32, i32
  }
  func.func @transform_17(%arg0: i32) -> (i32, i32) {
    %c0_i32 = arith.constant 0 : i32
    %c0_i32_0 = arith.constant 0 : i32
    return %arg0, %c0_i32 : i32, i32
  }
  func.func @transform_18(%arg0: i32) -> (i32, i32) {
    %c0_i32 = arith.constant 0 : i32
    %c0_i32_0 = arith.constant 0 : i32
    %c0_i32_1 = arith.constant 0 : i32
    return %c0_i32, %c0_i32_0 : i32, i32
  }
  func.func @transform_19(%arg0: i32) -> (i32, i32) {
    %c0_i32 = arith.constant 0 : i32
    %c0_i32_0 = arith.constant 0 : i32
    %c0_i32_1 = arith.constant 0 : i32
    return %c0_i32, %c0_i32_0 : i32, i32
  }
  func.func @transform_20(%arg0: i32) -> (i32, i32) {
    %c0_i32 = arith.constant 0 : i32
    %c0_i32_0 = arith.constant 0 : i32
    %c0_i32_1 = arith.constant 0 : i32
    return %c0_i32, %c0_i32_0 : i32, i32
  }
}

module attributes {stable_mosaic.version = 14 : i64} {
  func.func @_ks_body(%arg0: i32, %arg1: memref<2x2000x16xf32, #tpu.memory_space<vmem>>, %arg2: memref<2000x128xf32, #tpu.memory_space<vmem>>, %arg3: memref<2000x128xf32, #tpu.memory_space<vmem>>) attributes {dimension_semantics = [#tpu.dimension_semantics<arbitrary>], iteration_bounds = array<i64: 5>, scalar_prefetch = 0 : i64, scratch_operands = 0 : i64, tpu.core_type = #tpu.core_type<tc>, window_params = [{transform_indices = @transform_0, window_bounds = array<i64: 2, 2000, 16>}, {transform_indices = @transform_1, window_bounds = array<i64: 2000, 128>}, {transform_indices = @transform_2, window_bounds = array<i64: 2000, 128>}]} {
    %get3A = arith.constant 0 : index
    %get3A_0 = arith.constant 0 : index
    %get3A_1 = arith.constant 0 : index
    %get3A_2 = vector.load %arg1[%get3A, %get3A_0, %get3A_1] : memref<2x2000x16xf32, #tpu.memory_space<vmem>>, vector<1x2000x1xf32>
    %get3A_3 = vector.shape_cast %get3A_2 : vector<1x2000x1xf32> to vector<2000x1xf32>
    %get3A_4 = arith.constant 1 : index
    %get3A_5 = arith.constant 0 : index
    %get3A_6 = arith.constant 0 : index
    %get3A_7 = vector.load %arg1[%get3A_4, %get3A_5, %get3A_6] : memref<2x2000x16xf32, #tpu.memory_space<vmem>>, vector<1x2000x1xf32>
    %get3A_8 = vector.shape_cast %get3A_7 : vector<1x2000x1xf32> to vector<2000x1xf32>
    %add3A = arith.addf %get3A_3, %get3A_8 : vector<2000x1xf32>
    %gt3A = arith.constant 0.000000e+00 : f32
    %gt3A_9 = vector.broadcast %gt3A : f32 to vector<2000x1xf32>
    %gt3A_10 = arith.cmpf ogt, %add3A, %gt3A_9 : vector<2000x1xf32>
    %rsqrt3A = math.rsqrt %add3A : vector<2000x1xf32>
    %jit3A = arith.constant 0.000000e+00 : f32
    %broadcast_in_dim3A = vector.broadcast %jit3A : f32 to vector<2000x1xf32>
    %select_n3A = arith.select %gt3A_10, %rsqrt3A, %broadcast_in_dim3A : vector<2000x1xi1>, vector<2000x1xf32>
    %get3A_11 = arith.constant 0 : index
    %get3A_12 = arith.constant 0 : index
    %get3A_13 = vector.load %arg2[%get3A_11, %get3A_12] : memref<2000x128xf32, #tpu.memory_space<vmem>>, vector<2000x128xf32>
    %mul3A = vector.broadcast %select_n3A : vector<2000x1xf32> to vector<2000x128xf32>
    %mul3A_14 = arith.mulf %mul3A, %get3A_13 : vector<2000x128xf32>
    %swap3A = arith.constant 0 : index
    %swap3A_15 = arith.constant 0 : index
    %swap3A_16 = vector.load %arg3[%swap3A, %swap3A_15] : memref<2000x128xf32, #tpu.memory_space<vmem>>, vector<2000x128xf32>
    tpu.vector_store %arg3[%swap3A, %swap3A_15], %mul3A_14 {strides = array<i32>} : memref<2000x128xf32, #tpu.memory_space<vmem>>, vector<2000x128xf32>,
    return
  }
  func.func @transform_0(%arg0: i32) -> (i32, i32, i32) {
    %c0_i32 = arith.constant 0 : i32
    %c0_i32_0 = arith.constant 0 : i32
    %c0_i32_1 = arith.constant 0 : i32
    return %c0_i32, %arg0, %c0_i32_0 : i32, i32, i32
  }
  func.func @transform_1(%arg0: i32) -> (i32, i32) {
    %c0_i32 = arith.constant 0 : i32
    %c0_i32_0 = arith.constant 0 : i32
    return %arg0, %c0_i32 : i32, i32
  }
  func.func @transform_2(%arg0: i32) -> (i32, i32) {
    %c0_i32 = arith.constant 0 : i32
    %c0_i32_0 = arith.constant 0 : i32
    return %arg0, %c0_i32 : i32, i32
  }
}

module attributes {stable_mosaic.version = 14 : i64} {
  func.func @_kb_body(%arg0: i32, %arg1: memref<2x2000x128xf32, #tpu.memory_space<vmem>>, %arg2: memref<2x2000x16xf32, #tpu.memory_space<vmem>>, %arg3: memref<2000x128xf32, #tpu.memory_space<vmem>>, %arg4: memref<128x128xf32, #tpu.memory_space<vmem>>, %arg5: memref<1x128xf32, #tpu.memory_space<vmem>>, %arg6: memref<1x128xf32, #tpu.memory_space<vmem>>, %arg7: memref<1x128xf32, #tpu.memory_space<vmem>>, %arg8: memref<2000x128xf32, #tpu.memory_space<vmem>>) attributes {dimension_semantics = [#tpu.dimension_semantics<arbitrary>], iteration_bounds = array<i64: 5>, scalar_prefetch = 0 : i64, scratch_operands = 0 : i64, tpu.core_type = #tpu.core_type<tc>, window_params = [{transform_indices = @transform_0, window_bounds = array<i64: 2, 2000, 128>}, {transform_indices = @transform_1, window_bounds = array<i64: 2, 2000, 16>}, {transform_indices = @transform_2, window_bounds = array<i64: 2000, 128>}, {pipeline_mode = #tpu.pipeline_mode<synchronous>, transform_indices = @transform_3, window_bounds = array<i64: 128, 128>}, {pipeline_mode = #tpu.pipeline_mode<synchronous>, transform_indices = @transform_4, window_bounds = array<i64: 1, 128>}, {pipeline_mode = #tpu.pipeline_mode<synchronous>, transform_indices = @transform_5, window_bounds = array<i64: 1, 128>}, {pipeline_mode = #tpu.pipeline_mode<synchronous>, transform_indices = @transform_6, window_bounds = array<i64: 1, 128>}, {transform_indices = @transform_7, window_bounds = array<i64: 2000, 128>}]} {
    %get3A = arith.constant 0 : index
    %get3A_0 = arith.constant 0 : index
    %get3A_1 = arith.constant 0 : index
    %get3A_2 = vector.load %arg2[%get3A, %get3A_0, %get3A_1] : memref<2x2000x16xf32, #tpu.memory_space<vmem>>, vector<1x2000x1xf32>
    %get3A_3 = vector.shape_cast %get3A_2 : vector<1x2000x1xf32> to vector<2000x1xf32>
    %get3A_4 = arith.constant 1 : index
    %get3A_5 = arith.constant 0 : index
    %get3A_6 = arith.constant 0 : index
    %get3A_7 = vector.load %arg2[%get3A_4, %get3A_5, %get3A_6] : memref<2x2000x16xf32, #tpu.memory_space<vmem>>, vector<1x2000x1xf32>
    %get3A_8 = vector.shape_cast %get3A_7 : vector<1x2000x1xf32> to vector<2000x1xf32>
    %add3A = arith.addf %get3A_3, %get3A_8 : vector<2000x1xf32>
    %gt3A = arith.constant 0.000000e+00 : f32
    %gt3A_9 = vector.broadcast %gt3A : f32 to vector<2000x1xf32>
    %gt3A_10 = arith.cmpf ogt, %add3A, %gt3A_9 : vector<2000x1xf32>
    %rsqrt3A = math.rsqrt %add3A : vector<2000x1xf32>
    %jit3A = arith.constant 0.000000e+00 : f32
    %broadcast_in_dim3A = vector.broadcast %jit3A : f32 to vector<2000x1xf32>
    %select_n3A = arith.select %gt3A_10, %rsqrt3A, %broadcast_in_dim3A : vector<2000x1xi1>, vector<2000x1xf32>
    %get3A_11 = arith.constant 0 : index
    %get3A_12 = arith.constant 0 : index
    %get3A_13 = arith.constant 0 : index
    %get3A_14 = vector.load %arg1[%get3A_11, %get3A_12, %get3A_13] : memref<2x2000x128xf32, #tpu.memory_space<vmem>>, vector<1x2000x128xf32>
    %get3A_15 = vector.shape_cast %get3A_14 : vector<1x2000x128xf32> to vector<2000x128xf32>
    %get3A_16 = arith.constant 1 : index
    %get3A_17 = arith.constant 0 : index
    %get3A_18 = arith.constant 0 : index
    %get3A_19 = vector.load %arg1[%get3A_16, %get3A_17, %get3A_18] : memref<2x2000x128xf32, #tpu.memory_space<vmem>>, vector<1x2000x128xf32>
    %get3A_20 = vector.shape_cast %get3A_19 : vector<1x2000x128xf32> to vector<2000x128xf32>
    %add3A_21 = arith.addf %get3A_15, %get3A_20 : vector<2000x128xf32>
    %mul3A = vector.broadcast %select_n3A : vector<2000x1xf32> to vector<2000x128xf32>
    %mul3A_22 = arith.mulf %add3A_21, %mul3A : vector<2000x128xf32>
    %get3A_23 = arith.constant 0 : index
    %get3A_24 = arith.constant 0 : index
    %get3A_25 = vector.load %arg4[%get3A_23, %get3A_24] : memref<128x128xf32, #tpu.memory_space<vmem>>, vector<128x128xf32>
    %dot_general3A = arith.constant dense<0.000000e+00> : vector<2000x128xf32>
    %dot_general3A_26 = tpu.matmul %mul3A_22, %get3A_25, %dot_general3A {dimension_numbers = #tpu.dot_dimension_numbers<[1], [1], [0], [0], [0, 0, 1, 0], [], []>, transpose_lhs_hint = false} : vector<2000x128xf32>, vector<128x128xf32>, vector<2000x128xf32> -> vector<2000x128xf32>
    %get3A_27 = arith.constant 0 : index
    %get3A_28 = arith.constant 0 : index
    %get3A_29 = vector.load %arg5[%get3A_27, %get3A_28] : memref<1x128xf32, #tpu.memory_space<vmem>>, vector<1x128xf32>
    %add3A_30 = vector.broadcast %get3A_29 : vector<1x128xf32> to vector<2000x128xf32>
    %add3A_31 = arith.addf %dot_general3A_26, %add3A_30 : vector<2000x128xf32>
    %mul3A_32 = arith.constant 0.999994993 : f32
    %mul3A_33 = vector.broadcast %mul3A_32 : f32 to vector<2000x128xf32>
    %mul3A_34 = arith.mulf %add3A_31, %mul3A_33 : vector<2000x128xf32>
    %get3A_35 = arith.constant 0 : index
    %get3A_36 = arith.constant 0 : index
    %get3A_37 = vector.load %arg6[%get3A_35, %get3A_36] : memref<1x128xf32, #tpu.memory_space<vmem>>, vector<1x128xf32>
    %mul3A_38 = vector.broadcast %get3A_37 : vector<1x128xf32> to vector<2000x128xf32>
    %mul3A_39 = arith.mulf %mul3A_34, %mul3A_38 : vector<2000x128xf32>
    %get3A_40 = arith.constant 0 : index
    %get3A_41 = arith.constant 0 : index
    %get3A_42 = vector.load %arg7[%get3A_40, %get3A_41] : memref<1x128xf32, #tpu.memory_space<vmem>>, vector<1x128xf32>
    %add3A_43 = vector.broadcast %get3A_42 : vector<1x128xf32> to vector<2000x128xf32>
    %add3A_44 = arith.addf %mul3A_39, %add3A_43 : vector<2000x128xf32>
    %max3A = arith.constant 0.000000e+00 : f32
    %max3A_45 = vector.broadcast %max3A : f32 to vector<2000x128xf32>
    %max3A_46 = arith.maximumf %add3A_44, %max3A_45 : vector<2000x128xf32>
    %get3A_47 = arith.constant 0 : index
    %get3A_48 = arith.constant 0 : index
    %get3A_49 = vector.load %arg3[%get3A_47, %get3A_48] : memref<2000x128xf32, #tpu.memory_space<vmem>>, vector<2000x128xf32>
    %add3A_50 = arith.addf %max3A_46, %get3A_49 : vector<2000x128xf32>
    %mul3A_51 = vector.broadcast %select_n3A : vector<2000x1xf32> to vector<2000x128xf32>
    %mul3A_52 = arith.mulf %mul3A_51, %add3A_50 : vector<2000x128xf32>
    %swap3A = arith.constant 0 : index
    %swap3A_53 = arith.constant 0 : index
    %swap3A_54 = vector.load %arg8[%swap3A, %swap3A_53] : memref<2000x128xf32, #tpu.memory_space<vmem>>, vector<2000x128xf32>
    tpu.vector_store %arg8[%swap3A, %swap3A_53], %mul3A_52 {strides = array<i32>} : memref<2000x128xf32, #tpu.memory_space<vmem>>, vector<2000x128xf32>,
    return
  }
  func.func @transform_0(%arg0: i32) -> (i32, i32, i32) {
    %c0_i32 = arith.constant 0 : i32
    %c0_i32_0 = arith.constant 0 : i32
    %c0_i32_1 = arith.constant 0 : i32
    return %c0_i32, %arg0, %c0_i32_0 : i32, i32, i32
  }
  func.func @transform_1(%arg0: i32) -> (i32, i32, i32) {
    %c0_i32 = arith.constant 0 : i32
    %c0_i32_0 = arith.constant 0 : i32
    %c0_i32_1 = arith.constant 0 : i32
    return %c0_i32, %arg0, %c0_i32_0 : i32, i32, i32
  }
  func.func @transform_2(%arg0: i32) -> (i32, i32) {
    %c0_i32 = arith.constant 0 : i32
    %c0_i32_0 = arith.constant 0 : i32
    return %arg0, %c0_i32 : i32, i32
  }
  func.func @transform_3(%arg0: i32) -> (i32, i32) {
    %c0_i32 = arith.constant 0 : i32
    %c0_i32_0 = arith.constant 0 : i32
    %c0_i32_1 = arith.constant 0 : i32
    return %c0_i32, %c0_i32_0 : i32, i32
  }
  func.func @transform_4(%arg0: i32) -> (i32, i32) {
    %c0_i32 = arith.constant 0 : i32
    %c0_i32_0 = arith.constant 0 : i32
    %c0_i32_1 = arith.constant 0 : i32
    return %c0_i32, %c0_i32_0 : i32, i32
  }
  func.func @transform_5(%arg0: i32) -> (i32, i32) {
    %c0_i32 = arith.constant 0 : i32
    %c0_i32_0 = arith.constant 0 : i32
    %c0_i32_1 = arith.constant 0 : i32
    return %c0_i32, %c0_i32_0 : i32, i32
  }
  func.func @transform_6(%arg0: i32) -> (i32, i32) {
    %c0_i32 = arith.constant 0 : i32
    %c0_i32_0 = arith.constant 0 : i32
    %c0_i32_1 = arith.constant 0 : i32
    return %c0_i32, %c0_i32_0 : i32, i32
  }
  func.func @transform_7(%arg0: i32) -> (i32, i32) {
    %c0_i32 = arith.constant 0 : i32
    %c0_i32_0 = arith.constant 0 : i32
    return %arg0, %c0_i32 : i32, i32
  }
}

module attributes {stable_mosaic.version = 14 : i64} {
  func.func @_kx_body(%arg0: i32, %arg1: memref<2000x128xf32, #tpu.memory_space<vmem>>, %arg2: memref<2000x128xf32, #tpu.memory_space<vmem>>, %arg3: memref<128x128xf32, #tpu.memory_space<vmem>>, %arg4: memref<1x128xf32, #tpu.memory_space<vmem>>, %arg5: memref<1x128xf32, #tpu.memory_space<vmem>>, %arg6: memref<1x128xf32, #tpu.memory_space<vmem>>, %arg7: memref<1x128xf32, #tpu.memory_space<vmem>>, %arg8: memref<2000x128xf32, #tpu.memory_space<vmem>>) attributes {dimension_semantics = [#tpu.dimension_semantics<arbitrary>], iteration_bounds = array<i64: 5>, scalar_prefetch = 0 : i64, scratch_operands = 0 : i64, tpu.core_type = #tpu.core_type<tc>, window_params = [{transform_indices = @transform_0, window_bounds = array<i64: 2000, 128>}, {transform_indices = @transform_1, window_bounds = array<i64: 2000, 128>}, {pipeline_mode = #tpu.pipeline_mode<synchronous>, transform_indices = @transform_2, window_bounds = array<i64: 128, 128>}, {pipeline_mode = #tpu.pipeline_mode<synchronous>, transform_indices = @transform_3, window_bounds = array<i64: 1, 128>}, {pipeline_mode = #tpu.pipeline_mode<synchronous>, transform_indices = @transform_4, window_bounds = array<i64: 1, 128>}, {pipeline_mode = #tpu.pipeline_mode<synchronous>, transform_indices = @transform_5, window_bounds = array<i64: 1, 128>}, {pipeline_mode = #tpu.pipeline_mode<synchronous>, transform_indices = @transform_6, window_bounds = array<i64: 1, 128>}, {transform_indices = @transform_7, window_bounds = array<i64: 2000, 128>}]} {
    %get3A = arith.constant 0 : index
    %get3A_0 = arith.constant 0 : index
    %get3A_1 = vector.load %arg1[%get3A, %get3A_0] : memref<2000x128xf32, #tpu.memory_space<vmem>>, vector<2000x128xf32>
    %get3A_2 = arith.constant 0 : index
    %get3A_3 = arith.constant 0 : index
    %get3A_4 = vector.load %arg3[%get3A_2, %get3A_3] : memref<128x128xf32, #tpu.memory_space<vmem>>, vector<128x128xf32>
    %dot_general3A = arith.constant dense<0.000000e+00> : vector<2000x128xf32>
    %dot_general3A_5 = tpu.matmul %get3A_1, %get3A_4, %dot_general3A {dimension_numbers = #tpu.dot_dimension_numbers<[1], [0], [0], [1], [0, 0, 1, 1], [], []>, transpose_lhs_hint = false} : vector<2000x128xf32>, vector<128x128xf32>, vector<2000x128xf32> -> vector<2000x128xf32>
    %get3A_6 = arith.constant 0 : index
    %get3A_7 = arith.constant 0 : index
    %get3A_8 = vector.load %arg4[%get3A_6, %get3A_7] : memref<1x128xf32, #tpu.memory_space<vmem>>, vector<1x128xf32>
    %mul3A = arith.constant 1.000000e+04 : f32
    %mul3A_9 = vector.broadcast %mul3A : f32 to vector<1x128xf32>
    %mul3A_10 = arith.mulf %mul3A_9, %get3A_8 : vector<1x128xf32>
    %add3A = vector.broadcast %mul3A_10 : vector<1x128xf32> to vector<2000x128xf32>
    %add3A_11 = arith.addf %dot_general3A_5, %add3A : vector<2000x128xf32>
    %get3A_12 = arith.constant 0 : index
    %get3A_13 = arith.constant 0 : index
    %get3A_14 = vector.load %arg5[%get3A_12, %get3A_13] : memref<1x128xf32, #tpu.memory_space<vmem>>, vector<1x128xf32>
    %mul3A_15 = vector.broadcast %get3A_14 : vector<1x128xf32> to vector<2000x128xf32>
    %mul3A_16 = arith.mulf %get3A_1, %mul3A_15 : vector<2000x128xf32>
    %reduce_sum3A = arith.constant dense<0.000000e+00> : vector<2000xf32>
    %reduce_sum3A_17 = vector.multi_reduction <add>, %mul3A_16, %reduce_sum3A [1] : vector<2000x128xf32> to vector<2000xf32>
    %broadcast_in_dim3A = vector.shape_cast %reduce_sum3A_17 : vector<2000xf32> to vector<2000x1xf32>
    %add3A_18 = arith.constant 2.000000e+04 : f32
    %add3A_19 = vector.broadcast %add3A_18 : f32 to vector<2000x1xf32>
    %add3A_20 = arith.addf %broadcast_in_dim3A, %add3A_19 : vector<2000x1xf32>
    %div3A = vector.broadcast %add3A_20 : vector<2000x1xf32> to vector<2000x128xf32>
    %div3A_21 = arith.divf %add3A_11, %div3A : vector<2000x128xf32>
    %get3A_22 = arith.constant 0 : index
    %get3A_23 = arith.constant 0 : index
    %get3A_24 = vector.load %arg2[%get3A_22, %get3A_23] : memref<2000x128xf32, #tpu.memory_space<vmem>>, vector<2000x128xf32>
    %add3A_25 = arith.addf %div3A_21, %get3A_24 : vector<2000x128xf32>
    %mul3A_26 = arith.constant 5.000000e-01 : f32
    %mul3A_27 = vector.broadcast %mul3A_26 : f32 to vector<2000x128xf32>
    %mul3A_28 = arith.mulf %add3A_25, %mul3A_27 : vector<2000x128xf32>
    %get3A_29 = arith.constant 0 : index
    %get3A_30 = arith.constant 0 : index
    %get3A_31 = vector.load %arg6[%get3A_29, %get3A_30] : memref<1x128xf32, #tpu.memory_space<vmem>>, vector<1x128xf32>
    %get3A_32 = arith.constant 0 : index
    %get3A_33 = arith.constant 0 : index
    %get3A_34 = vector.load %arg7[%get3A_32, %get3A_33] : memref<1x128xf32, #tpu.memory_space<vmem>>, vector<1x128xf32>
    %reduce_sum3A_35 = arith.constant dense<0.000000e+00> : vector<2000xf32>
    %reduce_sum3A_36 = vector.multi_reduction <add>, %mul3A_28, %reduce_sum3A_35 [1] : vector<2000x128xf32> to vector<2000xf32>
    %broadcast_in_dim3A_37 = vector.shape_cast %reduce_sum3A_36 : vector<2000xf32> to vector<2000x1xf32>
    %div3A_38 = arith.constant 1.280000e+02 : f32
    %div3A_39 = vector.broadcast %div3A_38 : f32 to vector<2000x1xf32>
    %div3A_40 = arith.divf %broadcast_in_dim3A_37, %div3A_39 : vector<2000x1xf32>
    %sub3A = vector.broadcast %div3A_40 : vector<2000x1xf32> to vector<2000x128xf32>
    %sub3A_41 = arith.subf %mul3A_28, %sub3A : vector<2000x128xf32>
    %sub3A_42 = vector.broadcast %div3A_40 : vector<2000x1xf32> to vector<2000x128xf32>
    %sub3A_43 = arith.subf %mul3A_28, %sub3A_42 : vector<2000x128xf32>
    %mul3A_44 = arith.mulf %sub3A_41, %sub3A_43 : vector<2000x128xf32>
    %reduce_sum3A_45 = arith.constant dense<0.000000e+00> : vector<2000xf32>
    %reduce_sum3A_46 = vector.multi_reduction <add>, %mul3A_44, %reduce_sum3A_45 [1] : vector<2000x128xf32> to vector<2000xf32>
    %broadcast_in_dim3A_47 = vector.shape_cast %reduce_sum3A_46 : vector<2000xf32> to vector<2000x1xf32>
    %div3A_48 = arith.constant 1.280000e+02 : f32
    %div3A_49 = vector.broadcast %div3A_48 : f32 to vector<2000x1xf32>
    %div3A_50 = arith.divf %broadcast_in_dim3A_47, %div3A_49 : vector<2000x1xf32>
    %sub3A_51 = vector.broadcast %div3A_40 : vector<2000x1xf32> to vector<2000x128xf32>
    %sub3A_52 = arith.subf %mul3A_28, %sub3A_51 : vector<2000x128xf32>
    %add3A_53 = arith.constant 9.99999974E-6 : f32
    %add3A_54 = vector.broadcast %add3A_53 : f32 to vector<2000x1xf32>
    %add3A_55 = arith.addf %div3A_50, %add3A_54 : vector<2000x1xf32>
    %rsqrt3A = math.rsqrt %add3A_55 : vector<2000x1xf32>
    %mul3A_56 = vector.broadcast %rsqrt3A : vector<2000x1xf32> to vector<2000x128xf32>
    %mul3A_57 = arith.mulf %sub3A_52, %mul3A_56 : vector<2000x128xf32>
    %mul3A_58 = vector.broadcast %get3A_31 : vector<1x128xf32> to vector<2000x128xf32>
    %mul3A_59 = arith.mulf %mul3A_57, %mul3A_58 : vector<2000x128xf32>
    %add3A_60 = vector.broadcast %get3A_34 : vector<1x128xf32> to vector<2000x128xf32>
    %add3A_61 = arith.addf %mul3A_59, %add3A_60 : vector<2000x128xf32>
    %max3A = arith.constant 0.000000e+00 : f32
    %max3A_62 = vector.broadcast %max3A : f32 to vector<2000x128xf32>
    %max3A_63 = arith.maximumf %add3A_61, %max3A_62 : vector<2000x128xf32>
    %swap3A = arith.constant 0 : index
    %swap3A_64 = arith.constant 0 : index
    %swap3A_65 = vector.load %arg8[%swap3A, %swap3A_64] : memref<2000x128xf32, #tpu.memory_space<vmem>>, vector<2000x128xf32>
    tpu.vector_store %arg8[%swap3A, %swap3A_64], %max3A_63 {strides = array<i32>} : memref<2000x128xf32, #tpu.memory_space<vmem>>, vector<2000x128xf32>,
    return
  }
  func.func @transform_0(%arg0: i32) -> (i32, i32) {
    %c0_i32 = arith.constant 0 : i32
    %c0_i32_0 = arith.constant 0 : i32
    return %arg0, %c0_i32 : i32, i32
  }
  func.func @transform_1(%arg0: i32) -> (i32, i32) {
    %c0_i32 = arith.constant 0 : i32
    %c0_i32_0 = arith.constant 0 : i32
    return %arg0, %c0_i32 : i32, i32
  }
  func.func @transform_2(%arg0: i32) -> (i32, i32) {
    %c0_i32 = arith.constant 0 : i32
    %c0_i32_0 = arith.constant 0 : i32
    %c0_i32_1 = arith.constant 0 : i32
    return %c0_i32, %c0_i32_0 : i32, i32
  }
  func.func @transform_3(%arg0: i32) -> (i32, i32) {
    %c0_i32 = arith.constant 0 : i32
    %c0_i32_0 = arith.constant 0 : i32
    %c0_i32_1 = arith.constant 0 : i32
    return %c0_i32, %c0_i32_0 : i32, i32
  }
  func.func @transform_4(%arg0: i32) -> (i32, i32) {
    %c0_i32 = arith.constant 0 : i32
    %c0_i32_0 = arith.constant 0 : i32
    %c0_i32_1 = arith.constant 0 : i32
    return %c0_i32, %c0_i32_0 : i32, i32
  }
  func.func @transform_5(%arg0: i32) -> (i32, i32) {
    %c0_i32 = arith.constant 0 : i32
    %c0_i32_0 = arith.constant 0 : i32
    %c0_i32_1 = arith.constant 0 : i32
    return %c0_i32, %c0_i32_0 : i32, i32
  }
  func.func @transform_6(%arg0: i32) -> (i32, i32) {
    %c0_i32 = arith.constant 0 : i32
    %c0_i32_0 = arith.constant 0 : i32
    %c0_i32_1 = arith.constant 0 : i32
    return %c0_i32, %c0_i32_0 : i32, i32
  }
  func.func @transform_7(%arg0: i32) -> (i32, i32) {
    %c0_i32 = arith.constant 0 : i32
    %c0_i32_0 = arith.constant 0 : i32
    return %arg0, %c0_i32 : i32, i32
  }
}

module attributes {stable_mosaic.version = 14 : i64} {
  func.func @_kd_body(%arg0: i32, %arg1: memref<2x2000x128xf32, #tpu.memory_space<vmem>>, %arg2: memref<2x2000x16xf32, #tpu.memory_space<vmem>>, %arg3: memref<2000x128xf32, #tpu.memory_space<vmem>>, %arg4: memref<2000x128xf32, #tpu.memory_space<vmem>>, %arg5: memref<128x128xf32, #tpu.memory_space<vmem>>, %arg6: memref<1x128xf32, #tpu.memory_space<vmem>>, %arg7: memref<1x128xf32, #tpu.memory_space<vmem>>, %arg8: memref<1x128xf32, #tpu.memory_space<vmem>>, %arg9: memref<128x128xf32, #tpu.memory_space<vmem>>, %arg10: memref<1x128xf32, #tpu.memory_space<vmem>>, %arg11: memref<2000x128xf32, #tpu.memory_space<vmem>>) attributes {dimension_semantics = [#tpu.dimension_semantics<arbitrary>], iteration_bounds = array<i64: 5>, scalar_prefetch = 0 : i64, scratch_operands = 0 : i64, tpu.core_type = #tpu.core_type<tc>, window_params = [{transform_indices = @transform_0, window_bounds = array<i64: 2, 2000, 128>}, {transform_indices = @transform_1, window_bounds = array<i64: 2, 2000, 16>}, {transform_indices = @transform_2, window_bounds = array<i64: 2000, 128>}, {transform_indices = @transform_3, window_bounds = array<i64: 2000, 128>}, {pipeline_mode = #tpu.pipeline_mode<synchronous>, transform_indices = @transform_4, window_bounds = array<i64: 128, 128>}, {pipeline_mode = #tpu.pipeline_mode<synchronous>, transform_indices = @transform_5, window_bounds = array<i64: 1, 128>}, {pipeline_mode = #tpu.pipeline_mode<synchronous>, transform_indices = @transform_6, window_bounds = array<i64: 1, 128>}, {pipeline_mode = #tpu.pipeline_mode<synchronous>, transform_indices = @transform_7, window_bounds = array<i64: 1, 128>}, {pipeline_mode = #tpu.pipeline_mode<synchronous>, transform_indices = @transform_8, window_bounds = array<i64: 128, 128>}, {pipeline_mode = #tpu.pipeline_mode<synchronous>, transform_indices = @transform_9, window_bounds = array<i64: 1, 128>}, {transform_indices = @transform_10, window_bounds = array<i64: 2000, 128>}]} {
    %get3A = arith.constant 0 : index
    %get3A_0 = arith.constant 0 : index
    %get3A_1 = arith.constant 0 : index
    %get3A_2 = vector.load %arg2[%get3A, %get3A_0, %get3A_1] : memref<2x2000x16xf32, #tpu.memory_space<vmem>>, vector<1x2000x1xf32>
    %get3A_3 = vector.shape_cast %get3A_2 : vector<1x2000x1xf32> to vector<2000x1xf32>
    %get3A_4 = arith.constant 1 : index
    %get3A_5 = arith.constant 0 : index
    %get3A_6 = arith.constant 0 : index
    %get3A_7 = vector.load %arg2[%get3A_4, %get3A_5, %get3A_6] : memref<2x2000x16xf32, #tpu.memory_space<vmem>>, vector<1x2000x1xf32>
    %get3A_8 = vector.shape_cast %get3A_7 : vector<1x2000x1xf32> to vector<2000x1xf32>
    %add3A = arith.addf %get3A_3, %get3A_8 : vector<2000x1xf32>
    %gt3A = arith.constant 0.000000e+00 : f32
    %gt3A_9 = vector.broadcast %gt3A : f32 to vector<2000x1xf32>
    %gt3A_10 = arith.cmpf ogt, %add3A, %gt3A_9 : vector<2000x1xf32>
    %rsqrt3A = math.rsqrt %add3A : vector<2000x1xf32>
    %jit3A = arith.constant 0.000000e+00 : f32
    %broadcast_in_dim3A = vector.broadcast %jit3A : f32 to vector<2000x1xf32>
    %select_n3A = arith.select %gt3A_10, %rsqrt3A, %broadcast_in_dim3A : vector<2000x1xi1>, vector<2000x1xf32>
    %get3A_11 = arith.constant 0 : index
    %get3A_12 = arith.constant 0 : index
    %get3A_13 = arith.constant 0 : index
    %get3A_14 = vector.load %arg1[%get3A_11, %get3A_12, %get3A_13] : memref<2x2000x128xf32, #tpu.memory_space<vmem>>, vector<1x2000x128xf32>
    %get3A_15 = vector.shape_cast %get3A_14 : vector<1x2000x128xf32> to vector<2000x128xf32>
    %get3A_16 = arith.constant 1 : index
    %get3A_17 = arith.constant 0 : index
    %get3A_18 = arith.constant 0 : index
    %get3A_19 = vector.load %arg1[%get3A_16, %get3A_17, %get3A_18] : memref<2x2000x128xf32, #tpu.memory_space<vmem>>, vector<1x2000x128xf32>
    %get3A_20 = vector.shape_cast %get3A_19 : vector<1x2000x128xf32> to vector<2000x128xf32>
    %add3A_21 = arith.addf %get3A_15, %get3A_20 : vector<2000x128xf32>
    %mul3A = vector.broadcast %select_n3A : vector<2000x1xf32> to vector<2000x128xf32>
    %mul3A_22 = arith.mulf %add3A_21, %mul3A : vector<2000x128xf32>
    %get3A_23 = arith.constant 0 : index
    %get3A_24 = arith.constant 0 : index
    %get3A_25 = vector.load %arg5[%get3A_23, %get3A_24] : memref<128x128xf32, #tpu.memory_space<vmem>>, vector<128x128xf32>
    %dot_general3A = arith.constant dense<0.000000e+00> : vector<2000x128xf32>
    %dot_general3A_26 = tpu.matmul %mul3A_22, %get3A_25, %dot_general3A {dimension_numbers = #tpu.dot_dimension_numbers<[1], [1], [0], [0], [0, 0, 1, 0], [], []>, transpose_lhs_hint = false} : vector<2000x128xf32>, vector<128x128xf32>, vector<2000x128xf32> -> vector<2000x128xf32>
    %get3A_27 = arith.constant 0 : index
    %get3A_28 = arith.constant 0 : index
    %get3A_29 = vector.load %arg6[%get3A_27, %get3A_28] : memref<1x128xf32, #tpu.memory_space<vmem>>, vector<1x128xf32>
    %add3A_30 = vector.broadcast %get3A_29 : vector<1x128xf32> to vector<2000x128xf32>
    %add3A_31 = arith.addf %dot_general3A_26, %add3A_30 : vector<2000x128xf32>
    %mul3A_32 = arith.constant 0.999994993 : f32
    %mul3A_33 = vector.broadcast %mul3A_32 : f32 to vector<2000x128xf32>
    %mul3A_34 = arith.mulf %add3A_31, %mul3A_33 : vector<2000x128xf32>
    %get3A_35 = arith.constant 0 : index
    %get3A_36 = arith.constant 0 : index
    %get3A_37 = vector.load %arg7[%get3A_35, %get3A_36] : memref<1x128xf32, #tpu.memory_space<vmem>>, vector<1x128xf32>
    %mul3A_38 = vector.broadcast %get3A_37 : vector<1x128xf32> to vector<2000x128xf32>
    %mul3A_39 = arith.mulf %mul3A_34, %mul3A_38 : vector<2000x128xf32>
    %get3A_40 = arith.constant 0 : index
    %get3A_41 = arith.constant 0 : index
    %get3A_42 = vector.load %arg8[%get3A_40, %get3A_41] : memref<1x128xf32, #tpu.memory_space<vmem>>, vector<1x128xf32>
    %add3A_43 = vector.broadcast %get3A_42 : vector<1x128xf32> to vector<2000x128xf32>
    %add3A_44 = arith.addf %mul3A_39, %add3A_43 : vector<2000x128xf32>
    %max3A = arith.constant 0.000000e+00 : f32
    %max3A_45 = vector.broadcast %max3A : f32 to vector<2000x128xf32>
    %max3A_46 = arith.maximumf %add3A_44, %max3A_45 : vector<2000x128xf32>
    %get3A_47 = arith.constant 0 : index
    %get3A_48 = arith.constant 0 : index
    %get3A_49 = vector.load %arg3[%get3A_47, %get3A_48] : memref<2000x128xf32, #tpu.memory_space<vmem>>, vector<2000x128xf32>
    %add3A_50 = arith.addf %max3A_46, %get3A_49 : vector<2000x128xf32>
    %mul3A_51 = arith.constant 8.000000e-01 : f32
    %mul3A_52 = vector.broadcast %mul3A_51 : f32 to vector<2000x128xf32>
    %mul3A_53 = arith.mulf %mul3A_52, %add3A_50 : vector<2000x128xf32>
    %get3A_54 = arith.constant 0 : index
    %get3A_55 = arith.constant 0 : index
    %get3A_56 = vector.load %arg4[%get3A_54, %get3A_55] : memref<2000x128xf32, #tpu.memory_space<vmem>>, vector<2000x128xf32>
    %mul3A_57 = arith.constant 2.000000e-01 : f32
    %mul3A_58 = vector.broadcast %mul3A_57 : f32 to vector<2000x128xf32>
    %mul3A_59 = arith.mulf %mul3A_58, %get3A_56 : vector<2000x128xf32>
    %add3A_60 = arith.addf %mul3A_53, %mul3A_59 : vector<2000x128xf32>
    %get3A_61 = arith.constant 0 : index
    %get3A_62 = arith.constant 0 : index
    %get3A_63 = vector.load %arg9[%get3A_61, %get3A_62] : memref<128x128xf32, #tpu.memory_space<vmem>>, vector<128x128xf32>
    %dot_general3A_64 = arith.constant dense<0.000000e+00> : vector<2000x128xf32>
    %dot_general3A_65 = tpu.matmul %add3A_60, %get3A_63, %dot_general3A_64 {dimension_numbers = #tpu.dot_dimension_numbers<[1], [1], [0], [0], [0, 0, 1, 0], [], []>, transpose_lhs_hint = false} : vector<2000x128xf32>, vector<128x128xf32>, vector<2000x128xf32> -> vector<2000x128xf32>
    %get3A_66 = arith.constant 0 : index
    %get3A_67 = arith.constant 0 : index
    %get3A_68 = vector.load %arg10[%get3A_66, %get3A_67] : memref<1x128xf32, #tpu.memory_space<vmem>>, vector<1x128xf32>
    %add3A_69 = vector.broadcast %get3A_68 : vector<1x128xf32> to vector<2000x128xf32>
    %add3A_70 = arith.addf %dot_general3A_65, %add3A_69 : vector<2000x128xf32>
    %swap3A = arith.constant 0 : index
    %swap3A_71 = arith.constant 0 : index
    %swap3A_72 = vector.load %arg11[%swap3A, %swap3A_71] : memref<2000x128xf32, #tpu.memory_space<vmem>>, vector<2000x128xf32>
    tpu.vector_store %arg11[%swap3A, %swap3A_71], %add3A_70 {strides = array<i32>} : memref<2000x128xf32, #tpu.memory_space<vmem>>, vector<2000x128xf32>,
    return
  }
  func.func @transform_0(%arg0: i32) -> (i32, i32, i32) {
    %c0_i32 = arith.constant 0 : i32
    %c0_i32_0 = arith.constant 0 : i32
    %c0_i32_1 = arith.constant 0 : i32
    return %c0_i32, %arg0, %c0_i32_0 : i32, i32, i32
  }
  func.func @transform_1(%arg0: i32) -> (i32, i32, i32) {
    %c0_i32 = arith.constant 0 : i32
    %c0_i32_0 = arith.constant 0 : i32
    %c0_i32_1 = arith.constant 0 : i32
    return %c0_i32, %arg0, %c0_i32_0 : i32, i32, i32
  }
  func.func @transform_2(%arg0: i32) -> (i32, i32) {
    %c0_i32 = arith.constant 0 : i32
    %c0_i32_0 = arith.constant 0 : i32
    return %arg0, %c0_i32 : i32, i32
  }
  func.func @transform_3(%arg0: i32) -> (i32, i32) {
    %c0_i32 = arith.constant 0 : i32
    %c0_i32_0 = arith.constant 0 : i32
    return %arg0, %c0_i32 : i32, i32
  }
  func.func @transform_4(%arg0: i32) -> (i32, i32) {
    %c0_i32 = arith.constant 0 : i32
    %c0_i32_0 = arith.constant 0 : i32
    %c0_i32_1 = arith.constant 0 : i32
    return %c0_i32, %c0_i32_0 : i32, i32
  }
  func.func @transform_5(%arg0: i32) -> (i32, i32) {
    %c0_i32 = arith.constant 0 : i32
    %c0_i32_0 = arith.constant 0 : i32
    %c0_i32_1 = arith.constant 0 : i32
    return %c0_i32, %c0_i32_0 : i32, i32
  }
  func.func @transform_6(%arg0: i32) -> (i32, i32) {
    %c0_i32 = arith.constant 0 : i32
    %c0_i32_0 = arith.constant 0 : i32
    %c0_i32_1 = arith.constant 0 : i32
    return %c0_i32, %c0_i32_0 : i32, i32
  }
  func.func @transform_7(%arg0: i32) -> (i32, i32) {
    %c0_i32 = arith.constant 0 : i32
    %c0_i32_0 = arith.constant 0 : i32
    %c0_i32_1 = arith.constant 0 : i32
    return %c0_i32, %c0_i32_0 : i32, i32
  }
  func.func @transform_8(%arg0: i32) -> (i32, i32) {
    %c0_i32 = arith.constant 0 : i32
    %c0_i32_0 = arith.constant 0 : i32
    %c0_i32_1 = arith.constant 0 : i32
    return %c0_i32, %c0_i32_0 : i32, i32
  }
  func.func @transform_9(%arg0: i32) -> (i32, i32) {
    %c0_i32 = arith.constant 0 : i32
    %c0_i32_0 = arith.constant 0 : i32
    %c0_i32_1 = arith.constant 0 : i32
    return %c0_i32, %c0_i32_0 : i32, i32
  }
  func.func @transform_10(%arg0: i32) -> (i32, i32) {
    %c0_i32 = arith.constant 0 : i32
    %c0_i32_0 = arith.constant 0 : i32
    return %arg0, %c0_i32 : i32, i32
  }
}

</mosaic_0001>

<sc_bundles>
// kernel: kernel.10.cloned.1.call-start
scs
__scs_entry_jumppad:
0x0: {  	(pc) =	sbr.rel $0x88, $3  }
0x1: {  	(tag) =	ssettag $0x0;
	lr =	simm.s32 $0x1  }
0x2: {  	[smem:$0x3F85] =	sst lr;
	_ =	strace $0xD0000000  }
0x3: {  	_ = 	snop  }
0x4: {  	_ = 	snop  }
0x5: {  	_ = 	snop  }
0x6: {  	_ = 	snop  }
0x7: {  	_ = 	snop  }
__scs_overlays_trampoline_lowered:
0x8: {  	[smem:$0x3F94] =	sst s0  }
0x9: {  	[smem:$0x3F95] =	sst s1  }
0xa: {  	[smem:$0x3F96] =	sst s2  }
0xb: {  	[smem:$0x3F97] =	sst s3  }
0xc: {  	[smem:$0x3F98] =	sst s4  }
0xd: {  	[smem:$0x3F99] =	sst s5  }
0xe: {  	[smem:$0x3F9A] =	sst s6  }
0xf: {  	[smem:$0x3F9B] =	sst s7  }
0x10: {  	[smem:$0x3F9C] =	sst s8  }
0x11: {  	[smem:$0x3F9D] =	sst s9;
	s0 =	simm.s32 @!p0 $0x0  }
0x12: {  	s1 =	sld [smem:$0x3F83];
	s0 =	simm.s32 @p0 $0x1  }
0x13: {  	[smem:$0x3F9E] =	sst s0;
	s0 =	simm.s32 @!p1 $0x0  }
0x14: {  	s2 =	sld [smem:$0x3F82];
	s0 =	simm.s32 @p1 $0x1  }
0x15: {  	[smem:$0x3F9F] =	sst s0;
	s0 =	simm.s32 @!p2 $0x0  }
0x16: {  	s3 =	sld [smem:$0x3FDB];
	s0 =	simm.s32 @p2 $0x1  }
0x17: {  	s4 =	simm.s32 $0x1BF5;
	[smem:$0x3FA1] =	sst s0  }
0x18: {  	s0 =	sld [smem:$0x3F84];
	_ =	swait.ge [sflag:s4], $0x0  }
0x19: {  	s7 =	sld [smem:$0x3F85]  }
0x1a: {  	s8 =	sadd.s32 $0xFFFFE003, lr  }
0x1b: {  	s9 =	sadd.s32 $0xFFFFFEF7, lr;
	s5 =	simm.s32 $0xFFFFFFFF;
	p2 =	slt.u32 s8, $0xFFFFF086  }
0x1c: {  	p1 =	slt.u32 s9, $0xF7A;
	s5 =	simm.s32 @!p2 $0x0  }
0x1d: {  	s5 =	simm.s32 @p1 $0x1;
	p0 =	seq.s32 s7, s2  }
0x1e: {  	s7 =	smul.u32 @!p0 $0xF7A, s2;
	p2 =	seq.s32 @!p0 s5, $0x0  }
0x1f: {  	s9 =	smul.u32 $0xF7A, s1;
	s8 =	simm.s32 @!p0 $0x1BF5;
	p2 =	por !p2, p0  }
0x20: {  	[sflag:s8] =	ssyncset.s32 @!p0 $0xFFFFF086;
	s6 =	sadd.s32 @!p0 s3, s7;
	s7 =	simm.s32 @!p0 $0x108  }
0x21: {  	s3 =	sadd.s32 s3, s9;
	s6 =	sadd.s32 @!p0 $0x88, s6;
	s7 =	simm.s32 @p2 $0x1082  }
0x22: {  	[simem:s7], [sflag:s8] =	dma.local @!p0 [hbm:s6], $0xF7A  }
0x23: {  	s9 =	sor.u32 $0xD0000000, s2;
	s6 =	simm.s32 $0x108;
	_ =	swait.ge @!p0 [sflag:s8], $0x0  }
0x24: {  	s3 =	sadd.s32 $0x88, s3;
	s6 =	simm.s32 @!p1 $0x1082;
	[sflag:s4] =	ssyncset.s32 $0xFFFFF086  }
0x25: {  	[simem:s6], [sflag:s4] =	dma.local [hbm:s3], $0xF7A  }
0x26: {  	[smem:$0x3F85] =	sst s1;
	(tag) =	ssettag s2;
	_ =	strace s9  }
0x27: {  	s1 =	sld [smem:$0x3F95]  }
0x28: {  	s2 =	sld [smem:$0x3F96]  }
0x29: {  	s4 =	sld [smem:$0x3F98]  }
0x2a: {  	p0 =	seq.s32 s5, $0x0;
	s5 =	sld [smem:$0x3F99]  }
0x2b: {  	s6 =	sld [smem:$0x3F9A]  }
0x2c: {  	s7 =	sld [smem:$0x3F9B]  }
0x2d: {  	s3 =	simm.s32 $0x108;
	s8 =	sld [smem:$0x3F9C]  }
0x2e: {  	s3 =	simm.s32 @!p0 $0x1082;
	s9 =	sld [smem:$0x3F9D]  }
0x2f: {  	lr =	sadd.s32 s0, s3;
	s0 =	sld [smem:$0x3F94]  }
0x30: {  	s3 =	sld [smem:$0x3F97]  }
0x31: {  	[smem:$0x3FA0] =	sst s10  }
0x32: {  	s10 =	sld [smem:$0x3F9E];
	_ =	sdelay $0x3  }
0x33: {  	p0 =	seq.s32 s10, $0x1;
	s10 =	sld [smem:$0x3FA0];
	_ =	sdelay $0x3  }
0x34: {  	[smem:$0x3FA0] =	sst s10  }
0x35: {  	s10 =	sld [smem:$0x3F9F];
	_ =	sdelay $0x3  }
0x36: {  	p1 =	seq.s32 s10, $0x1;
	s10 =	sld [smem:$0x3FA0];
	_ =	sdelay $0x3  }
0x37: {  	[smem:$0x3FA0] =	sst s10  }
0x38: {  	s10 =	sld [smem:$0x3FA1]  }
0x39: {  	_ = 	snop;
	(pc) =	sbr.ind lr, $3  }
0x3a: {  	_ = 	snop  }
0x3b: {  	_ = 	snop  }
0x3c: {  	p2 =	seq.s32 s10, $0x1;
	s10 =	sld [smem:$0x3FA0]  }
0x3d: {  	_ =	shalt  }
0x3e: {  	_ =	shalt  }
0x3f: {  	_ =	shalt  }
0x40: {  	_ =	shalt  }
0x41: {  	_ =	shalt  }
0x42: {  	_ =	shalt  }
0x43: {  	_ =	shalt  }
0x44: {  	_ =	shalt  }
0x45: {  	_ =	shalt  }
0x46: {  	_ =	shalt  }
0x47: {  	_ =	shalt  }
0x48: {  	_ =	shalt  }
0x49: {  	_ =	shalt  }
0x4a: {  	_ =	shalt  }
0x4b: {  	_ =	shalt  }
0x4c: {  	_ =	shalt  }
0x4d: {  	_ =	shalt  }
0x4e: {  	_ =	shalt  }
0x4f: {  	_ =	shalt  }
0x50: {  	_ =	shalt  }
0x51: {  	_ =	shalt  }
0x52: {  	_ =	shalt  }
0x53: {  	_ =	shalt  }
0x54: {  	_ =	shalt  }
0x55: {  	_ =	shalt  }
0x56: {  	_ =	shalt  }
0x57: {  	_ =	shalt  }
0x58: {  	_ =	shalt  }
0x59: {  	_ =	shalt  }
0x5a: {  	_ =	shalt  }
0x5b: {  	_ =	shalt  }
0x5c: {  	_ =	shalt  }
0x5d: {  	_ =	shalt  }
0x5e: {  	_ =	shalt  }
0x5f: {  	_ =	shalt  }
0x60: {  	_ =	shalt  }
0x61: {  	_ =	shalt  }
0x62: {  	_ =	shalt  }
0x63: {  	_ =	shalt  }
0x64: {  	_ =	shalt  }
0x65: {  	_ =	shalt  }
0x66: {  	_ =	shalt  }
0x67: {  	_ =	shalt  }
0x68: {  	_ =	shalt  }
0x69: {  	_ =	shalt  }
0x6a: {  	_ =	shalt  }
0x6b: {  	_ =	shalt  }
0x6c: {  	_ =	shalt  }
0x6d: {  	_ =	shalt  }
0x6e: {  	_ =	shalt  }
0x6f: {  	_ =	shalt  }
0x70: {  	_ =	shalt  }
0x71: {  	_ =	shalt  }
0x72: {  	_ =	shalt  }
0x73: {  	_ =	shalt  }
0x74: {  	_ =	shalt  }
0x75: {  	_ =	shalt  }
0x76: {  	_ =	shalt  }
0x77: {  	_ =	shalt  }
0x78: {  	_ =	shalt  }
0x79: {  	_ =	shalt  }
0x7a: {  	_ =	shalt  }
0x7b: {  	_ =	shalt  }
0x7c: {  	_ =	shalt  }
0x7d: {  	_ =	shalt  }
0x7e: {  	_ =	shalt  }
0x7f: {  	_ =	shalt  }
0x80: {  	_ =	shalt  }
0x81: {  	_ =	shalt  }
0x82: {  	_ =	shalt  }
0x83: {  	_ =	shalt  }
0x84: {  	_ =	shalt  }
0x85: {  	_ =	shalt  }
0x86: {  	_ =	shalt  }
0x87: {  	_ =	shalt  }
.Lfunc_end0:
.L_simem_size_0:
called_computation_lowered:
.L_overlay_start_0:
0x88: {  	s2 =	sld [smem:$0x3FD9]  }
0x89: {  	s3 =	sld [smem:$0x3FFE];
	_ =	sdelay $0x1  }
0x8a: {  	s1 =	srdreg.scid  }
0x8b: {  	s0 =	sand.u32 $0x1, s1  }
0x8c: {  	s16 =	sshll.u32 s0, $0xA;
	s2 =	sadd.s32 s3, s2  }
0x8d: {  	s2 =	sadd.s32 s2, s16  }
0x8e: {  	[smem:$0x3FAC] =	sst s2  }
0x8f: {  	_ = 	snop  }
0x90: {  	(tm) =	ssettm $0x1  }
0x91: {  	s17 =	sld [smem:$0x3FFB];
	_ =	sdelay $0x3  }
0x92: {  	_ =	strace s17  }
0x93: {  	s2 =	sld [smem:$0x3FFC];
	_ =	sdelay $0x3  }
0x94: {  	_ =	strace s2  }
0x95: {  	s2 =	sld [smem:$0x3FFD];
	_ =	sdelay $0x3  }
0x96: {  	_ =	strace s2  }
0x97: {  	_ =	strace $0x8FFFFFFF  }
0x98: {  	s18 =	sld [smem:$0x3FDB];
	_ =	sdelay $0x1  }
0x99: {  	s19 =	simm.s32 $_scs_section_size  }
0x9a: {  	s4 =	simm.s32 $_size__tile_overlayer_lowered;
	s5 =	simm.s32 $_tile_overlayer_lowered  }
0x9b: {  	s22 =	simm.s32 $0x1BFF;
	s21 =	sshll.u32 s5, $0x1;
	s2 =	sadd.s32 s19, s18  }
0x9c: {  	s6 =	simm.s32 $0x0;
	s20 =	sshll.u32 s4, $0x1;
	s4 =	sadd.s32 s21, s2  }
0x9d: {  	[timem:s6], [sflag:s22] =	dma.local [hbm:s4], s20  }
0x9e: {  	_ =	swait.ge [sflag:s22], s20  }
0x9f: {  	s3 =	ssub.s32 $0x0, s20;
	[sflag:s22] =	ssyncset.done $0x0  }
0xa0: {  	[sflag:s22] =	ssyncadd.s32 s3;
	_ =	sdelay $0x1  }
0xa1: {  	s23 =	simm.s32 $0x1B8B  }
0xa2: {  	_ =	swait.ge [sflag:s23], $0x1  }
0xa3: {  	[sflag:s23] =	ssyncset.done $0x0  }
0xa4: {  	s25 =	simm.s32 $0x1B8E;
	s24 =	sld [smem:$0x3FFE];
	[sflag:s23] =	ssyncadd.s32 $0xFFFFFFFF  }
0xa5: {  	s26 =	simm.s32 $execute0_lowered;
	[smem:$0x3FD2] =	sst s25  }
0xa6: {  	s4 =	sshll.u32 s26, $0x1;
	_ =	strace $0x80000046;
	[dreg:$0x1] =	wrdreg $0xFFFFFFFF  }
0xa7: {  	s28 =	simm.s32 $_size_execute0_lowered;
	s2 =	sadd.s32 s2, s4;
	[dreg:$0x0] =	wrdreg $0x0  }
0xa8: {  	s4 =	sshll.u32 s28, $0x1;
	[dreg:$0x2] =	wrdreg s2  }
0xa9: {  	[dreg:$0x3] =	wrdreg s4  }
0xaa: {  	[dreg:$0x4] =	wrdreg $0xC0  }
0xab: {  	_ =	task [dreg:s6], $0x5FFFF  }
0xac: {  	[dreg:$0x1] =	wrdreg $0xFFFFFFFF  }
0xad: {  	[dreg:$0x0] =	wrdreg $0x60  }
0xae: {  	[dreg:$0x2] =	wrdreg s24  }
0xaf: {  	[dreg:$0x3] =	wrdreg $0x6900  }
0xb0: {  	[dreg:$0x4] =	wrdreg $0x9  }
0xb1: {  	_ =	task.clear_ibuf [dreg:s6], $0x5FFFF;
	_ =	strace $0x90000046  }
0xb2: {  	s29 =	simm.s32 $0x9;
	_ =	strace $0x80000048  }
0xb3: {  	_ =	swait.ge [sflag:s29], $0x1  }
0xb4: {  	[sflag:s29] =	ssyncadd.s32 $0xFFFFFFFF  }
0xb5: {  	_ =	strace $0x90000048  }
0xb6: {  	_ =	sfence  }
0xb7: {  	s30 =	sld [smem:$0x0];
	_ =	sdelay $0x2  }
0xb8: {  	s31 =	sshll.u32 s1, $0xD;
	s1 =	sshrl.u32 s1, $0x2  }
0xb9: {  	s3 =	sand.u32 $0x4000, s31;
	s1 =	sadd.s32 s1, s30  }
0xba: {  	s0 =	sor.u32 s3, s0;
	s1 =	sshll.u32 s1, $0x11  }
0xbb: {  	s0 =	sor.u32 s1, s0  }
0xbc: {  	s0 =	sadd.s32 $0x8F2B, s0  }
0xbd: {  	[sflag:s0] =	ssyncadd.remote.s32 $0x1  }
0xbe: {  	_ =	sfence.sel $0xFFFF  }
0xbf: {  	[dreg:$0x0] =	wrdreg $0xFFFFFFFF;
	(pc) =	sbr.abs _section_cstart, $3  }
0xc0: {  	[dreg:$0x1] =	wrdreg $0xFFFFFFFF  }
0xc1: {  	_ =	task.clear_ibuf [dreg:s6], $0x2FFFF;
	_ =	strace $0x9FFFFFFF  }
0xc2: {  	(tm) =	ssettm $0x7FFFFFFF  }
0xc3: {  	_ =	shalt  }
tec
execute0_lowered:
.L_overlay_start_1:
0x0: {  	(tag) =	ssettag $0x1  }
0x1: {  	s0 =	rddreg [dreg:$0x0]  }
0x2: {  	s1 =	rddreg [dreg:$0x1];
	s2 =	simm.s32 $0x0  }
0x3: {  	s23 =	srdreg.scid;
	s13 =	stileid.u32;
	s28 =	simm.s32 $0xF0  }
0x4: {  	s29 =	simm.s32 $0x140;
	s30 =	simm.s32 $0x1;
	s31 =	simm.s32 $0x2  }
0x5: {  	[smem:$0x7FF] =	sst s2;
	s4 =	sadd.s32 $0x10400, s0;
	s3 =	sadd.s32 $0x1A200, s0  }
0x6: {  	s6 =	sadd.s32 $0x1A400, s0;
	s5 =	sshll.u32 s13, $0x1;
	s8 =	smul.u32 $0x9C00, s13  }
0x7: {  	s0 =	sadd.s32 $0x1AA00, s0;
	s10 =	smul.u32 $0x2700, s13;
	s11 =	sadd.s32 $0x24900, s1  }
0x8: {  	s25 =	smul.u32 $0x4E20, s13;
	p0 =	seq.s32 s13, $0xF;
	s13 =	simm.s32 $0x0  }
0x9: {  	_ =	strace $0x80000047;
	[dreg:$0x3] =	wrdreg s3;
	s3 =	sand.u32 $0x1, s23  }
0xa: {  	s7 =	ssub.s32 $0x2, s3;
	s5 =	sor.u32 s3, s5;
	s24 =	smul.u32 $0x27100, s3  }
0xb: {  	s8 =	sshrl.u32 s8, $0x2;
	s3 =	smul.u32 $0x2710, s3;
	s9 =	sshrl.u32 s7, $0x1  }
0xc: {  	s5 =	smul.u32 $0x2710, s5;
	s8 =	sadd.s32 s8, s1;
	s7 =	ssub.s32 s7, s9  }
0xd: {  	s16 =	sadd.s32 s10, s24;
	s9 =	sshrl.u32 s24, $0x3;
	s3 =	sadd.s32 s3, s25  }
0xe: {  	s5 =	sshrl.u32 s5, $0x3;
	s18 =	sadd.s32 $0x2D0, s3;
	s20 =	smax.u32 s7, $0x1  }
0xf: {  	s21 =	sadd.s32 $0x280, s3;
	s22 =	sadd.s32 $0x230, s3;
	s23 =	sadd.s32 $0x1E0, s3  }
0x10: {  	s12 =	sadd.s32 s4, s5;
	s19 =	sshrl.u32 s18, $0x3;
	[dreg:$0xb] =	wrdreg s20  }
0x11: {  	s24 =	sshrl.u32 s22, $0x3;
	s25 =	sshrl.u32 s23, $0x3;
	s20 =	sshrl.u32 @p0 s11, $0x3  }
0x12: {  	s22 =	simm.s32 $0x190;
	s14 =	sadd.s32 $0xA, s12;
	[dreg:$0x4] =	wrdreg s12  }
0x13: {  	s23 =	simm.s32 $0xB;
	s26 =	sadd.s32 $0x14, s12;
	[dreg:$0x5] =	wrdreg s14  }
0x14: {  	s5 =	simm.s32 $0x5;
	s15 =	sadd.s32 $0x1E, s12;
	[dreg:$0x6] =	wrdreg s26  }
0x15: {  	s11 =	simm.s32 $0x9;
	s12 =	sadd.s32 $0x28, s12;
	[dreg:$0x7] =	wrdreg s15  }
0x16: {  	s18 =	sadd.s32 s25, s4;
	[dreg:$0x8] =	wrdreg s12;
	s12 =	sshrl.u32 s16, $0x3  }
0x17: {  	s15 =	sadd.s32 s19, s4;
	s26 =	sadd.s32 $0x190, s3;
	s3 =	simm.s32 $0x4  }
0x18: {  	s17 =	sadd.s32 s0, s12;
	s0 =	sadd.s32 s0, s9;
	s9 =	sadd.s32 s10, s1  }
0x19: {  	[dreg:$0xc] =	wrdreg s26;
	s26 =	simm.s32 $0xA0;
	s10 =	simm.s32 $0x8  }
.Ltmp0:
0x1a: {  	s12 =	simm.s32 $0xA;
	[dreg:$0x9] =	wrdreg s17;
	(pc) =	sbr.rel .LBB2_1-.Ltmp0, $4  }
0x1b: {  	s0 =	sadd.s32 $0x4920, s0;
	s17 =	sadd.s32 s24, s4;
	s24 =	simm.s32 $0x50  }
0x1c: {  	s25 =	sshrl.u32 @!p0 s9, $0x3;
	[dreg:$0xa] =	wrdreg s0;
	s0 =	sshrl.u32 s21, $0x3  }
0x1d: {  	s9 =	simm.s32 $0x7;
	s16 =	sadd.s32 s0, s4;
	s0 =	sshrl.u32 @!p0 s8, $0x3  }
0x1e: {  	s8 =	simm.s32 $0x6;
	[dreg:$0xd] =	wrdreg s0;
	s0 =	simm.s32 $0x3  }
.LBB2_4:
0x1f: {  	_ =	swait.ge [sflag:s9], $0x500  }
0x20: {  	[sflag:s9] =	ssyncset.done $0x0  }
0x21: {  	[sflag:s9] =	ssyncadd.s32 $0xFFFFFB00  }
0x22: {  	_ =	swait.ge [sflag:s10], $0x500  }
0x23: {  	[sflag:s10] =	ssyncset.done $0x0  }
0x24: {  	[sflag:s10] =	ssyncadd.s32 $0xFFFFFB00  }
0x25: {  	_ =	swait.ge [sflag:s11], $0x500  }
0x26: {  	[sflag:s11] =	ssyncset.done $0x0  }
0x27: {  	[sflag:s11] =	ssyncadd.s32 $0xFFFFFB00  }
0x28: {  	_ =	swait.ge [sflag:s12], $0x500  }
0x29: {  	[sflag:s12] =	ssyncset.done $0x0  }
0x2a: {  	[sflag:s12] =	ssyncadd.s32 $0xFFFFFB00  }
0x2b: {  	[bflag:$0x0] =	sbarrier.arrive $0xFFFF  }
0x2c: {  	s7 =	simm.s32 @p0 $0x1FCB;
	s19 =	rddreg [dreg:$0xa]  }
0x2d: {  	[hbm:s19], [sflag:s7] =	dma.local @p0 [spmem:s20], $0x500  }
0x2e: {  	s7 =	simm.s32 @p0 $0xB  }
0x2f: {  	_ =	swait.ge @p0 [sflag:s7], $0x500  }
0x30: {  	[sflag:s7] =	ssyncset.done @p0 $0x0  }
0x31: {  	[sflag:s7] =	ssyncadd.s32 @p0 $0xFFFFFB00;
	s7 =	rddreg [dreg:$0x9]  }
0x32: {  	[hbm:s7], [sflag:s14] =	dma.local @!p0 [spmem:s25], $0x4E0  }
0x33: {  	s7 =	simm.s32 @!p0 $0xB  }
0x34: {  	_ =	swait.ge @!p0 [sflag:s7], $0x4E0  }
0x35: {  	s13 =	sadd.s32 $0x1, s13;
	s21 =	rddreg [dreg:$0xb]  }
0x36: {  	p1 =	sne.s32 s13, s21  }
.Ltmp1:
0x37: {  	_ = 	snop;
	(pc) =	sbr.rel @!p1 .LBB2_5-.Ltmp1, $3  }
0x38: {  	_ =	sdelay $0x1  }
0x39: {  	[sflag:s7] =	ssyncset.done @!p0 $0x0  }
0x3a: {  	[sflag:s7] =	ssyncadd.s32 @!p0 $0xFFFFFB20  }
.LBB2_1:
0x3b: {  	s7 =	simm.s32 @p0 $0x1FCB  }
0x3c: {  	[spmem:s20], [sflag:s7] =	dma.local @p0 [hbm:s6], $0x500  }
0x3d: {  	s7 =	simm.s32 @p0 $0xB  }
0x3e: {  	s14 =	stileid.u32;
	_ =	swait.ge @p0 [sflag:s7], $0x500  }
0x3f: {  	s14 =	sshll.u32 @!p0 s14, $0x6;
	[sflag:s7] =	ssyncset.done @p0 $0x0  }
0x40: {  	s14 =	sor.u32 @!p0 $0x1C0B, s14;
	[sflag:s7] =	ssyncadd.s32 @p0 $0xFFFFFB00;
	s7 =	rddreg [dreg:$0xd]  }
0x41: {  	[spmem:s7], [sflag:s14] =	dma.local @!p0 [hbm:s6], $0x4E0  }
0x42: {  	s7 =	simm.s32 @!p0 $0xB  }
0x43: {  	_ =	swait.ge @!p0 [sflag:s7], $0x4E0  }
0x44: {  	[sflag:s7] =	ssyncset.done @!p0 $0x0  }
0x45: {  	s19 =	rddreg [dreg:$0x3];
	[sflag:s7] =	ssyncadd.s32 @!p0 $0xFFFFFB20  }
0x46: {  	[tilespmem:s22], [sflag:$0xB] =	stream.linear.gather [hbm4b:s19+s2], $0x500, $0x38;
	[tilespmem:$0x2DA0] =	vst v63  }
0x47: {  	_ =	swait.ge [sflag:s23], $0x500  }
0x48: {  	[sflag:s23] =	ssyncset.done $0x0  }
0x49: {  	s21 =	rddreg [dreg:$0x4];
	[sflag:s23] =	ssyncadd.s32 $0xFFFFFB00  }
0x4a: {  	[tilespmem:s2], [sflag:$0x1] =	stream.linear.gather [hbm4b:s21+s2], $0x50, $0x38;
	[tilespmem:$0x2DA0] =	vst v63  }
0x4b: {  	s19 =	rddreg [dreg:$0x5]  }
0x4c: {  	[tilespmem:s24], [sflag:$0x2] =	stream.linear.gather [hbm4b:s19+s2], $0x50, $0x38;
	[tilespmem:$0x2DA0] =	vst v63  }
0x4d: {  	s21 =	rddreg [dreg:$0x6]  }
0x4e: {  	[tilespmem:s26], [sflag:$0x3] =	stream.linear.gather [hbm4b:s21+s2], $0x50, $0x38;
	[tilespmem:$0x2DA0] =	vst v63  }
0x4f: {  	s19 =	rddreg [dreg:$0x7]  }
0x50: {  	[tilespmem:s28], [sflag:$0x4] =	stream.linear.gather [hbm4b:s19+s2], $0x50, $0x38;
	[tilespmem:$0x2DA0] =	vst v63  }
0x51: {  	s21 =	rddreg [dreg:$0x8]  }
0x52: {  	[tilespmem:s29], [sflag:$0x5] =	stream.linear.gather [hbm4b:s21+s2], $0x50, $0x38;
	[tilespmem:$0x2DA0] =	vst v63  }
0x53: {  	[bflag:$0x0] =	sbarrier.arrive $0xFFFF  }
0x54: {  	s7 =	simm.s32 $0x0;
	s19 =	rddreg [dreg:$0xc]  }
.LBB2_2:
0x55: {  	_ =	swait.ge [sflag:s30], $0x50  }
0x56: {  	[sflag:s30] =	ssyncset.done $0x0  }
0x57: {  	[sflag:s30] =	ssyncadd.s32 $0xFFFFFFB0  }
0x58: {  	[spmem:s1] =	stream.indirect.scatter.add.f32 [tilespmem:s22], [sflag:$0x6], $0x10, s2, s24, $0xb8;
	[tilespmem:$0x2DA0] =	vst v63  }
0x59: {  	_ =	swait.ge [sflag:s31], $0x50  }
0x5a: {  	[sflag:s31] =	ssyncset.done $0x0  }
0x5b: {  	[sflag:s31] =	ssyncadd.s32 $0xFFFFFFB0  }
0x5c: {  	[spmem:s1] =	stream.indirect.scatter.add.f32 [tilespmem:s22], [sflag:$0x7], $0x10, s24, s24, $0xb8;
	[tilespmem:$0x2DA0] =	vst v63  }
0x5d: {  	_ =	swait.ge [sflag:s0], $0x50  }
0x5e: {  	[sflag:s0] =	ssyncset.done $0x0  }
0x5f: {  	[sflag:s0] =	ssyncadd.s32 $0xFFFFFFB0  }
0x60: {  	[spmem:s1] =	stream.indirect.scatter.add.f32 [tilespmem:s22], [sflag:$0x8], $0x10, s26, s24, $0xb8;
	[tilespmem:$0x2DA0] =	vst v63  }
0x61: {  	_ =	swait.ge [sflag:s3], $0x50  }
0x62: {  	[sflag:s3] =	ssyncset.done $0x0  }
0x63: {  	[sflag:s3] =	ssyncadd.s32 $0xFFFFFFB0  }
0x64: {  	[spmem:s1] =	stream.indirect.scatter.add.f32 [tilespmem:s22], [sflag:$0x9], $0x10, s28, s24, $0xb8;
	[tilespmem:$0x2DA0] =	vst v63  }
0x65: {  	_ =	swait.ge [sflag:s5], $0x50  }
0x66: {  	p1 =	seq.s32 s7, $0x4B0;
	[sflag:s5] =	ssyncset.done $0x0  }
.Ltmp2:
0x67: {  	[sflag:s5] =	ssyncadd.s32 $0xFFFFFFB0;
	(pc) =	sbr.rel @p1 .LBB2_4-.Ltmp2, $4  }
0x68: {  	[spmem:s1] =	stream.indirect.scatter.add.f32 [tilespmem:s22], [sflag:$0xA], $0x10, s29, s24, $0xb8;
	[tilespmem:$0x2DA0] =	vst v63  }
0x69: {  	_ =	swait.ge [sflag:s8], $0x500  }
0x6a: {  	[sflag:s8] =	ssyncset.done $0x0  }
0x6b: {  	[sflag:s8] =	ssyncadd.s32 $0xFFFFFB00  }
0x6c: {  	s21 =	sshrl.u32 s19, $0x3  }
0x6d: {  	s21 =	sadd.s32 s4, s21  }
0x6e: {  	[tilespmem:s2], [sflag:$0x1] =	stream.linear.gather [hbm4b:s21+s2], $0x50, $0x38;
	[tilespmem:$0x2DA0] =	vst v63  }
0x6f: {  	_ =	swait.ge [sflag:s9], $0x500  }
0x70: {  	[sflag:s9] =	ssyncset.done $0x0  }
0x71: {  	s21 =	sadd.s32 s7, s18;
	[sflag:s9] =	ssyncadd.s32 $0xFFFFFB00  }
0x72: {  	[tilespmem:s24], [sflag:$0x2] =	stream.linear.gather [hbm4b:s21+s2], $0x50, $0x38;
	[tilespmem:$0x2DA0] =	vst v63  }
0x73: {  	_ =	swait.ge [sflag:s10], $0x500  }
0x74: {  	[sflag:s10] =	ssyncset.done $0x0  }
0x75: {  	s21 =	sadd.s32 s7, s17;
	[sflag:s10] =	ssyncadd.s32 $0xFFFFFB00  }
0x76: {  	[tilespmem:s26], [sflag:$0x3] =	stream.linear.gather [hbm4b:s21+s2], $0x50, $0x38;
	[tilespmem:$0x2DA0] =	vst v63  }
0x77: {  	_ =	swait.ge [sflag:s11], $0x500  }
0x78: {  	[sflag:s11] =	ssyncset.done $0x0  }
0x79: {  	s21 =	sadd.s32 s7, s16;
	[sflag:s11] =	ssyncadd.s32 $0xFFFFFB00  }
0x7a: {  	[tilespmem:s28], [sflag:$0x4] =	stream.linear.gather [hbm4b:s21+s2], $0x50, $0x38;
	[tilespmem:$0x2DA0] =	vst v63  }
.Ltmp3:
0x7b: {  	_ = 	snop;
	(pc) =	sbr.rel .LBB2_2-.Ltmp3, $4  }
0x7c: {  	_ =	swait.ge [sflag:s12], $0x500  }
0x7d: {  	s19 =	sadd.s32 $0x190, s19;
	[sflag:s12] =	ssyncset.done $0x0  }
0x7e: {  	s21 =	sadd.s32 s7, s15;
	s7 =	sadd.s32 $0x32, s7;
	[sflag:s12] =	ssyncadd.s32 $0xFFFFFB00  }
0x7f: {  	[tilespmem:s29], [sflag:$0x5] =	stream.linear.gather [hbm4b:s21+s2], $0x50, $0x38;
	[tilespmem:$0x2DA0] =	vst v63  }
.LBB2_5:
0x80: {  	_ =	sfence.sel $0x180000  }
0x81: {  	[bflag:$0x0] =	sbarrier.arrive $0xFFFF  }
0x82: {  	_ =	strace $0x90000047  }
0x83: {  	s0 =	stileid.u32;
	[bflag:$0x2] =	sbarrier.arrive $0xFFFF  }
0x84: {  	p0 =	sne.s32 s0, $0x0;
	s0 =	rddreg [dreg:$0x2]  }
0x85: {  	s0 =	sadd.s32 @!p0 $0x100000, s0  }
0x86: {  	[sflag:s0] =	ssyncadd.tile.s32 @!p0 $0x1;
	_ =	shalt  }
.Lfunc_end2:
_tile_overlayer_lowered:
.L_overlay_start_2:
0x87: {  	(tag) =	ssettag $0x2  }
0x88: {  	s0 =	rddreg [dreg:$0x0];
	s2 =	stileid.u32  }
0x89: {  	s1 =	rddreg [dreg:$0x1];
	p0 =	sne.s32 s2, $0x0  }
0x8a: {  	s3 =	rddreg [dreg:$0x2];
	[bflag:$0x3] =	sbarrier.arrive $0xFFFF;
	s2 =	simm.s32 @!p0 $0x1C0B  }
0x8b: {  	[timem:s3], [sflag:s2] =	dma.local @!p0 [hbm:s0], s1  }
0x8c: {  	s0 =	simm.s32 @!p0 $0xB  }
0x8d: {  	_ =	swait.ge @!p0 [sflag:s0], s1  }
0x8e: {  	s1 =	ssub.s32 @!p0 $0x0, s1;
	[sflag:s0] =	ssyncset.done @!p0 $0x0  }
0x8f: {  	[sflag:s0] =	ssyncadd.s32 @!p0 s1  }
0x90: {  	[bflag:$0x3] =	sbarrier.arrive $0xFFFF  }
0x91: {  	_ =	shalt  }

// kernel: kernel.13.cloned.1.call-start
scs
__scs_entry_jumppad:
0x0: {  	(pc) =	sbr.rel $0x88, $3  }
0x1: {  	(tag) =	ssettag $0x0;
	lr =	simm.s32 $0x1  }
0x2: {  	[smem:$0x3F85] =	sst lr;
	_ =	strace $0xD0000000  }
0x3: {  	_ = 	snop  }
0x4: {  	_ = 	snop  }
0x5: {  	_ = 	snop  }
0x6: {  	_ = 	snop  }
0x7: {  	_ = 	snop  }
__scs_overlays_trampoline_lowered:
0x8: {  	[smem:$0x3F94] =	sst s0  }
0x9: {  	[smem:$0x3F95] =	sst s1  }
0xa: {  	[smem:$0x3F96] =	sst s2  }
0xb: {  	[smem:$0x3F97] =	sst s3  }
0xc: {  	[smem:$0x3F98] =	sst s4  }
0xd: {  	[smem:$0x3F99] =	sst s5  }
0xe: {  	[smem:$0x3F9A] =	sst s6  }
0xf: {  	[smem:$0x3F9B] =	sst s7  }
0x10: {  	[smem:$0x3F9C] =	sst s8  }
0x11: {  	[smem:$0x3F9D] =	sst s9;
	s0 =	simm.s32 @!p0 $0x0  }
0x12: {  	s1 =	sld [smem:$0x3F83];
	s0 =	simm.s32 @p0 $0x1  }
0x13: {  	[smem:$0x3F9E] =	sst s0;
	s0 =	simm.s32 @!p1 $0x0  }
0x14: {  	s2 =	sld [smem:$0x3F82];
	s0 =	simm.s32 @p1 $0x1  }
0x15: {  	[smem:$0x3F9F] =	sst s0;
	s0 =	simm.s32 @!p2 $0x0  }
0x16: {  	s3 =	sld [smem:$0x3FDB];
	s0 =	simm.s32 @p2 $0x1  }
0x17: {  	s4 =	simm.s32 $0x1BF5;
	[smem:$0x3FA1] =	sst s0  }
0x18: {  	s0 =	sld [smem:$0x3F84];
	_ =	swait.ge [sflag:s4], $0x0  }
0x19: {  	s7 =	sld [smem:$0x3F85]  }
0x1a: {  	s8 =	sadd.s32 $0xFFFFE003, lr  }
0x1b: {  	s9 =	sadd.s32 $0xFFFFFEF7, lr;
	s5 =	simm.s32 $0xFFFFFFFF;
	p2 =	slt.u32 s8, $0xFFFFF086  }
0x1c: {  	p1 =	slt.u32 s9, $0xF7A;
	s5 =	simm.s32 @!p2 $0x0  }
0x1d: {  	s5 =	simm.s32 @p1 $0x1;
	p0 =	seq.s32 s7, s2  }
0x1e: {  	s7 =	smul.u32 @!p0 $0xF7A, s2;
	p2 =	seq.s32 @!p0 s5, $0x0  }
0x1f: {  	s9 =	smul.u32 $0xF7A, s1;
	s8 =	simm.s32 @!p0 $0x1BF5;
	p2 =	por !p2, p0  }
0x20: {  	[sflag:s8] =	ssyncset.s32 @!p0 $0xFFFFF086;
	s6 =	sadd.s32 @!p0 s3, s7;
	s7 =	simm.s32 @!p0 $0x108  }
0x21: {  	s3 =	sadd.s32 s3, s9;
	s6 =	sadd.s32 @!p0 $0x88, s6;
	s7 =	simm.s32 @p2 $0x1082  }
0x22: {  	[simem:s7], [sflag:s8] =	dma.local @!p0 [hbm:s6], $0xF7A  }
0x23: {  	s9 =	sor.u32 $0xD0000000, s2;
	s6 =	simm.s32 $0x108;
	_ =	swait.ge @!p0 [sflag:s8], $0x0  }
0x24: {  	s3 =	sadd.s32 $0x88, s3;
	s6 =	simm.s32 @!p1 $0x1082;
	[sflag:s4] =	ssyncset.s32 $0xFFFFF086  }
0x25: {  	[simem:s6], [sflag:s4] =	dma.local [hbm:s3], $0xF7A  }
0x26: {  	[smem:$0x3F85] =	sst s1;
	(tag) =	ssettag s2;
	_ =	strace s9  }
0x27: {  	s1 =	sld [smem:$0x3F95]  }
0x28: {  	s2 =	sld [smem:$0x3F96]  }
0x29: {  	s4 =	sld [smem:$0x3F98]  }
0x2a: {  	p0 =	seq.s32 s5, $0x0;
	s5 =	sld [smem:$0x3F99]  }
0x2b: {  	s6 =	sld [smem:$0x3F9A]  }
0x2c: {  	s7 =	sld [smem:$0x3F9B]  }
0x2d: {  	s3 =	simm.s32 $0x108;
	s8 =	sld [smem:$0x3F9C]  }
0x2e: {  	s3 =	simm.s32 @!p0 $0x1082;
	s9 =	sld [smem:$0x3F9D]  }
0x2f: {  	lr =	sadd.s32 s0, s3;
	s0 =	sld [smem:$0x3F94]  }
0x30: {  	s3 =	sld [smem:$0x3F97]  }
0x31: {  	[smem:$0x3FA0] =	sst s10  }
0x32: {  	s10 =	sld [smem:$0x3F9E];
	_ =	sdelay $0x3  }
0x33: {  	p0 =	seq.s32 s10, $0x1;
	s10 =	sld [smem:$0x3FA0];
	_ =	sdelay $0x3  }
0x34: {  	[smem:$0x3FA0] =	sst s10  }
0x35: {  	s10 =	sld [smem:$0x3F9F];
	_ =	sdelay $0x3  }
0x36: {  	p1 =	seq.s32 s10, $0x1;
	s10 =	sld [smem:$0x3FA0];
	_ =	sdelay $0x3  }
0x37: {  	[smem:$0x3FA0] =	sst s10  }
0x38: {  	s10 =	sld [smem:$0x3FA1]  }
0x39: {  	_ = 	snop;
	(pc) =	sbr.ind lr, $3  }
0x3a: {  	_ = 	snop  }
0x3b: {  	_ = 	snop  }
0x3c: {  	p2 =	seq.s32 s10, $0x1;
	s10 =	sld [smem:$0x3FA0]  }
0x3d: {  	_ =	shalt  }
0x3e: {  	_ =	shalt  }
0x3f: {  	_ =	shalt  }
0x40: {  	_ =	shalt  }
0x41: {  	_ =	shalt  }
0x42: {  	_ =	shalt  }
0x43: {  	_ =	shalt  }
0x44: {  	_ =	shalt  }
0x45: {  	_ =	shalt  }
0x46: {  	_ =	shalt  }
0x47: {  	_ =	shalt  }
0x48: {  	_ =	shalt  }
0x49: {  	_ =	shalt  }
0x4a: {  	_ =	shalt  }
0x4b: {  	_ =	shalt  }
0x4c: {  	_ =	shalt  }
0x4d: {  	_ =	shalt  }
0x4e: {  	_ =	shalt  }
0x4f: {  	_ =	shalt  }
0x50: {  	_ =	shalt  }
0x51: {  	_ =	shalt  }
0x52: {  	_ =	shalt  }
0x53: {  	_ =	shalt  }
0x54: {  	_ =	shalt  }
0x55: {  	_ =	shalt  }
0x56: {  	_ =	shalt  }
0x57: {  	_ =	shalt  }
0x58: {  	_ =	shalt  }
0x59: {  	_ =	shalt  }
0x5a: {  	_ =	shalt  }
0x5b: {  	_ =	shalt  }
0x5c: {  	_ =	shalt  }
0x5d: {  	_ =	shalt  }
0x5e: {  	_ =	shalt  }
0x5f: {  	_ =	shalt  }
0x60: {  	_ =	shalt  }
0x61: {  	_ =	shalt  }
0x62: {  	_ =	shalt  }
0x63: {  	_ =	shalt  }
0x64: {  	_ =	shalt  }
0x65: {  	_ =	shalt  }
0x66: {  	_ =	shalt  }
0x67: {  	_ =	shalt  }
0x68: {  	_ =	shalt  }
0x69: {  	_ =	shalt  }
0x6a: {  	_ =	shalt  }
0x6b: {  	_ =	shalt  }
0x6c: {  	_ =	shalt  }
0x6d: {  	_ =	shalt  }
0x6e: {  	_ =	shalt  }
0x6f: {  	_ =	shalt  }
0x70: {  	_ =	shalt  }
0x71: {  	_ =	shalt  }
0x72: {  	_ =	shalt  }
0x73: {  	_ =	shalt  }
0x74: {  	_ =	shalt  }
0x75: {  	_ =	shalt  }
0x76: {  	_ =	shalt  }
0x77: {  	_ =	shalt  }
0x78: {  	_ =	shalt  }
0x79: {  	_ =	shalt  }
0x7a: {  	_ =	shalt  }
0x7b: {  	_ =	shalt  }
0x7c: {  	_ =	shalt  }
0x7d: {  	_ =	shalt  }
0x7e: {  	_ =	shalt  }
0x7f: {  	_ =	shalt  }
0x80: {  	_ =	shalt  }
0x81: {  	_ =	shalt  }
0x82: {  	_ =	shalt  }
0x83: {  	_ =	shalt  }
0x84: {  	_ =	shalt  }
0x85: {  	_ =	shalt  }
0x86: {  	_ =	shalt  }
0x87: {  	_ =	shalt  }
.Lfunc_end0:
.L_simem_size_0:
called_computation.1_lowered:
.L_overlay_start_0:
0x88: {  	s2 =	sld [smem:$0x3FD9]  }
0x89: {  	s3 =	sld [smem:$0x3FFE];
	_ =	sdelay $0x1  }
0x8a: {  	s1 =	srdreg.scid  }
0x8b: {  	s0 =	sand.u32 $0x1, s1  }
0x8c: {  	s16 =	sshll.u32 s0, $0xA;
	s2 =	sadd.s32 s3, s2  }
0x8d: {  	s2 =	sadd.s32 s2, s16  }
0x8e: {  	[smem:$0x3FAC] =	sst s2  }
0x8f: {  	_ = 	snop  }
0x90: {  	(tm) =	ssettm $0x1  }
0x91: {  	s17 =	sld [smem:$0x3FFB];
	_ =	sdelay $0x3  }
0x92: {  	_ =	strace s17  }
0x93: {  	s2 =	sld [smem:$0x3FFC];
	_ =	sdelay $0x3  }
0x94: {  	_ =	strace s2  }
0x95: {  	s2 =	sld [smem:$0x3FFD];
	_ =	sdelay $0x3  }
0x96: {  	_ =	strace s2  }
0x97: {  	_ =	strace $0x8FFFFFFF  }
0x98: {  	s18 =	sld [smem:$0x3FDB];
	_ =	sdelay $0x1  }
0x99: {  	s19 =	simm.s32 $_scs_section_size  }
0x9a: {  	s4 =	simm.s32 $_size__tile_overlayer_lowered;
	s5 =	simm.s32 $_tile_overlayer_lowered  }
0x9b: {  	s22 =	simm.s32 $0x1BFF;
	s21 =	sshll.u32 s5, $0x1;
	s2 =	sadd.s32 s19, s18  }
0x9c: {  	s6 =	simm.s32 $0x0;
	s20 =	sshll.u32 s4, $0x1;
	s4 =	sadd.s32 s21, s2  }
0x9d: {  	[timem:s6], [sflag:s22] =	dma.local [hbm:s4], s20  }
0x9e: {  	_ =	swait.ge [sflag:s22], s20  }
0x9f: {  	s3 =	ssub.s32 $0x0, s20;
	[sflag:s22] =	ssyncset.done $0x0  }
0xa0: {  	[sflag:s22] =	ssyncadd.s32 s3;
	_ =	sdelay $0x1  }
0xa1: {  	s23 =	simm.s32 $0x1B8B  }
0xa2: {  	_ =	swait.ge [sflag:s23], $0x1  }
0xa3: {  	[sflag:s23] =	ssyncset.done $0x0  }
0xa4: {  	s25 =	simm.s32 $0x1B8E;
	s24 =	sld [smem:$0x3FFE];
	[sflag:s23] =	ssyncadd.s32 $0xFFFFFFFF  }
0xa5: {  	s26 =	simm.s32 $execute0_lowered;
	[smem:$0x3FD2] =	sst s25  }
0xa6: {  	s4 =	sshll.u32 s26, $0x1;
	_ =	strace $0x80000049;
	[dreg:$0x1] =	wrdreg $0xFFFFFFFF  }
0xa7: {  	s28 =	simm.s32 $_size_execute0_lowered;
	s2 =	sadd.s32 s2, s4;
	[dreg:$0x0] =	wrdreg $0x0  }
0xa8: {  	s4 =	sshll.u32 s28, $0x1;
	[dreg:$0x2] =	wrdreg s2  }
0xa9: {  	[dreg:$0x3] =	wrdreg s4  }
0xaa: {  	[dreg:$0x4] =	wrdreg $0xC0  }
0xab: {  	_ =	task [dreg:s6], $0x5FFFF  }
0xac: {  	[dreg:$0x1] =	wrdreg $0xFFFFFFFF  }
0xad: {  	[dreg:$0x0] =	wrdreg $0x60  }
0xae: {  	[dreg:$0x2] =	wrdreg s24  }
0xaf: {  	[dreg:$0x3] =	wrdreg $0x6B000  }
0xb0: {  	[dreg:$0x4] =	wrdreg $0x9  }
0xb1: {  	_ =	task.clear_ibuf [dreg:s6], $0x5FFFF;
	_ =	strace $0x90000049  }
0xb2: {  	s29 =	simm.s32 $0x9;
	_ =	strace $0x8000004B  }
0xb3: {  	_ =	swait.ge [sflag:s29], $0x1  }
0xb4: {  	[sflag:s29] =	ssyncadd.s32 $0xFFFFFFFF  }
0xb5: {  	_ =	strace $0x9000004B  }
0xb6: {  	_ =	sfence  }
0xb7: {  	s30 =	sld [smem:$0x0];
	_ =	sdelay $0x2  }
0xb8: {  	s31 =	sshll.u32 s1, $0xD;
	s1 =	sshrl.u32 s1, $0x2  }
0xb9: {  	s3 =	sand.u32 $0x4000, s31;
	s1 =	sadd.s32 s1, s30  }
0xba: {  	s0 =	sor.u32 s3, s0;
	s1 =	sshll.u32 s1, $0x11  }
0xbb: {  	s0 =	sor.u32 s1, s0  }
0xbc: {  	s0 =	sadd.s32 $0x8F2B, s0  }
0xbd: {  	[sflag:s0] =	ssyncadd.remote.s32 $0x1  }
0xbe: {  	_ =	sfence.sel $0xFFFF  }
0xbf: {  	[dreg:$0x0] =	wrdreg $0xFFFFFFFF;
	(pc) =	sbr.abs _section_cstart, $3  }
0xc0: {  	[dreg:$0x1] =	wrdreg $0xFFFFFFFF  }
0xc1: {  	_ =	task.clear_ibuf [dreg:s6], $0x2FFFF;
	_ =	strace $0x9FFFFFFF  }
0xc2: {  	(tm) =	ssettm $0x7FFFFFFF  }
0xc3: {  	_ =	shalt  }
tec
execute0_lowered:
.L_overlay_start_1:
0x0: {  	(tag) =	ssettag $0x1  }
0x1: {  	s0 =	rddreg [dreg:$0x0]  }
0x2: {  	s1 =	rddreg [dreg:$0x1];
	s2 =	simm.s32 $0x0;
	s3 =	srdreg.scid  }
0x3: {  	s11 =	stileid.u32;
	s28 =	simm.s32 $0x28;
	s31 =	simm.s32 $0x1B00  }
0x4: {  	[smem:$0x7FF] =	sst s2;
	s4 =	sadd.s32 $0xC0E00, s0;
	s12 =	sadd.s32 $0x6600, s0  }
0x5: {  	s13 =	sadd.s32 $0x10400, s0;
	s3 =	sand.u32 $0x1, s3;
	s7 =	smul.u32 $0x4E000, s11  }
0x6: {  	s5 =	sshll.u32 s11, $0x1;
	s8 =	sadd.s32 $0x1A200, s0;
	s16 =	smul.u32 $0x13800, s11  }
0x7: {  	s0 =	sadd.s32 $0xE8000, s0;
	s10 =	sadd.s32 $0x124800, s1;
	s18 =	smul.u32 $0x4E20, s11  }
0x8: {  	p0 =	seq.s32 s11, $0xF;
	_ =	strace $0x8000004A;
	[dreg:$0x13] =	wrdreg s8  }
0x9: {  	s6 =	ssub.s32 $0x2, s3;
	s5 =	sor.u32 s3, s5;
	[dreg:$0x15] =	wrdreg s10  }
0xa: {  	[dreg:$0x11] =	wrdreg s12;
	s9 =	sshrl.u32 s6, $0x1;
	s5 =	smul.u32 $0x2710, s5  }
0xb: {  	s7 =	sshrl.u32 s7, $0x2;
	s6 =	ssub.s32 s6, s9;
	s9 =	smul.u32 $0x138800, s3  }
0xc: {  	[dreg:$0x12] =	wrdreg s13;
	s7 =	sadd.s32 s7, s1;
	s3 =	smul.u32 $0x2710, s3  }
0xd: {  	s14 =	sadd.s32 $0x28, s5;
	s15 =	sadd.s32 $0x78, s5;
	s5 =	sshrl.u32 s5, $0x3  }
0xe: {  	[dreg:$0x14] =	wrdreg s7;
	s6 =	smax.u32 s6, $0x1;
	s10 =	sadd.s32 s12, s5  }
0xf: {  	s7 =	sshrl.u32 s14, $0x3;
	s14 =	sadd.s32 s13, s5;
	s20 =	sshrl.u32 s15, $0x3  }
0x10: {  	s22 =	sadd.s32 s16, s9;
	s23 =	sshrl.u32 s9, $0x3;
	[dreg:$0x1e] =	wrdreg s6  }
0x11: {  	s3 =	sadd.s32 s3, s18;
	[dreg:$0x16] =	wrdreg s10;
	s17 =	sadd.s32 s13, s7  }
0x12: {  	s19 =	sadd.s32 $0xA, s14;
	s7 =	sadd.s32 s13, s20;
	[dreg:$0x17] =	wrdreg s14  }
0x13: {  	s21 =	sadd.s32 $0x14, s14;
	s25 =	sadd.s32 $0x230, s3;
	[dreg:$0x18] =	wrdreg s17  }
0x14: {  	s29 =	sadd.s32 $0x208, s3;
	s2 =	sadd.s32 $0x1E0, s3;
	[dreg:$0x19] =	wrdreg s19  }
0x15: {  	s6 =	sadd.s32 $0x1B8, s3;
	s14 =	sadd.s32 $0x168, s3;
	[dreg:$0x1a] =	wrdreg s7  }
0x16: {  	s18 =	sadd.s32 $0x140, s3;
	s20 =	sadd.s32 $0x118, s3;
	[dreg:$0x1b] =	wrdreg s21  }
0x17: {  	s7 =	sshrl.u32 s22, $0x3;
	s26 =	sshrl.u32 s25, $0x3;
	s25 =	simm.s32 $0x128  }
0x18: {  	s5 =	sshrl.u32 s29, $0x3;
	s29 =	simm.s32 $0x178;
	[dreg:$0xd] =	wrdreg s25  }
0x19: {  	s16 =	sshrl.u32 s14, $0x3;
	s24 =	sadd.s32 s0, s7;
	[dreg:$0xf] =	wrdreg s29  }
0x1a: {  	s21 =	sadd.s32 $0xF0, s3;
	s30 =	sadd.s32 s5, s13;
	[dreg:$0x1c] =	wrdreg s24  }
0x1b: {  	s0 =	sadd.s32 s0, s23;
	s17 =	sadd.s32 s16, s13;
	[dreg:$0x4] =	wrdreg s30  }
0x1c: {  	s7 =	sadd.s32 $0xC8, s3;
	s3 =	sadd.s32 $0x190, s3;
	[dreg:$0x9] =	wrdreg s17  }
0x1d: {  	s23 =	sshrl.u32 s21, $0x3;
	s0 =	sadd.s32 $0x24900, s0;
	[dreg:$0x1f] =	wrdreg s3  }
0x1e: {  	s11 =	simm.s32 $0x5;
	s24 =	sadd.s32 s23, s13;
	[dreg:$0x1d] =	wrdreg s0  }
0x1f: {  	s19 =	sshrl.u32 s18, $0x3;
	s30 =	simm.s32 $0x1A0;
	[dreg:$0xc] =	wrdreg s24  }
0x20: {  	s9 =	sshrl.u32 s7, $0x3;
	s0 =	sadd.s32 s26, s13;
	[dreg:$0x10] =	wrdreg s30  }
0x21: {  	s18 =	simm.s32 $0x4;
	s10 =	sadd.s32 s9, s13;
	[dreg:$0x3] =	wrdreg s0  }
0x22: {  	s5 =	sshrl.u32 s2, $0x3;
	s15 =	sadd.s32 s9, s12;
	[dreg:$0x7] =	wrdreg s10  }
0x23: {  	s16 =	simm.s32 $0x2;
	s26 =	simm.s32 $0x150;
	[dreg:$0x8] =	wrdreg s15  }
0x24: {  	s0 =	sadd.s32 s5, s13;
	s5 =	sshrl.u32 s6, $0x3;
	[dreg:$0xe] =	wrdreg s26  }
0x25: {  	s17 =	simm.s32 $0x3;
	[dreg:$0x5] =	wrdreg s0;
	s8 =	sadd.s32 s5, s13  }
0x26: {  	s0 =	sadd.s32 s19, s13;
	s5 =	sshrl.u32 s20, $0x3;
	[dreg:$0x6] =	wrdreg s8  }
0x27: {  	s7 =	simm.s32 $0xE;
	[dreg:$0xa] =	wrdreg s0;
	s22 =	sadd.s32 s5, s13  }
0x28: {  	s15 =	simm.s32 $0x1;
	s0 =	simm.s32 $0x0;
	[dreg:$0xb] =	wrdreg s22  }
.LBB2_1:
0x29: {  	[smem:$0x7FA] =	sst s0  }
0x2a: {  	s5 =	rddreg [dreg:$0x15]  }
0x2b: {  	s8 =	rddreg [dreg:$0x13];
	s0 =	sshrl.u32 @p0 s5, $0x3  }
0x2c: {  	s5 =	simm.s32 @p0 $0x1FCF;
	[smem:$0x7FB] =	sst s0  }
0x2d: {  	[spmem:s0], [sflag:s5] =	dma.local @p0 [hbm:s8], $0x2800  }
0x2e: {  	s5 =	simm.s32 @p0 $0xF  }
0x2f: {  	s6 =	stileid.u32;
	_ =	swait.ge @p0 [sflag:s5], $0x2800  }
0x30: {  	s6 =	sshll.u32 @!p0 s6, $0x6;
	[sflag:s5] =	ssyncset.done @p0 $0x0  }
0x31: {  	s0 =	sor.u32 @!p0 $0x1C0F, s6;
	[sflag:s5] =	ssyncadd.s32 @p0 $0xFFFFD800;
	s5 =	rddreg [dreg:$0x14]  }
0x32: {  	[smem:$0x7FC] =	sst s0;
	s2 =	sshrl.u32 @!p0 s5, $0x3  }
0x33: {  	s5 =	simm.s32 @!p0 $0xF;
	[smem:$0x7FD] =	sst s2  }
0x34: {  	[spmem:s2], [sflag:s0] =	dma.local @!p0 [hbm:s8], $0x2700  }
0x35: {  	_ =	swait.ge @!p0 [sflag:s5], $0x2700  }
0x36: {  	[sflag:s5] =	ssyncset.done @!p0 $0x0  }
0x37: {  	s29 =	simm.s32 $0x0;
	s21 =	rddreg [dreg:$0x16];
	[sflag:s5] =	ssyncadd.s32 @!p0 $0xFFFFD900  }
0x38: {  	[tilespmem:s29], [sflag:$0xB] =	stream.linear.gather [hbm4b:s21+s29], $0xC8, $0x38;
	[tilespmem:$0x1A380] =	vst v63  }
0x39: {  	s9 =	simm.s32 $0x200;
	s22 =	rddreg [dreg:$0x17]  }
0x3a: {  	[tilespmem:s9], [sflag:$0xD] =	stream.linear.gather [hbm4b:s22+s29], $0x28, $0x38;
	[tilespmem:$0x1A380] =	vst v63  }
0x3b: {  	s10 =	simm.s32 $0x280;
	s23 =	rddreg [dreg:$0x18]  }
0x3c: {  	[tilespmem:s10], [sflag:$0xD] =	stream.linear.gather [hbm4b:s23+s29], $0x28, $0x38;
	[tilespmem:$0x1A380] =	vst v63  }
0x3d: {  	s12 =	simm.s32 $0x300;
	s24 =	rddreg [dreg:$0x19]  }
0x3e: {  	[tilespmem:s12], [sflag:$0xD] =	stream.linear.gather [hbm4b:s24+s29], $0x28, $0x38;
	[tilespmem:$0x1A380] =	vst v63  }
0x3f: {  	s13 =	simm.s32 $0x380;
	s25 =	rddreg [dreg:$0x1a]  }
0x40: {  	[tilespmem:s13], [sflag:$0xD] =	stream.linear.gather [hbm4b:s25+s29], $0x28, $0x38;
	[tilespmem:$0x1A380] =	vst v63  }
0x41: {  	s14 =	simm.s32 $0x400;
	s30 =	simm.s32 $0xB;
	s26 =	rddreg [dreg:$0x1b]  }
0x42: {  	[tilespmem:s14], [sflag:$0xD] =	stream.linear.gather [hbm4b:s26+s29], $0x28, $0x38;
	[tilespmem:$0x1A380] =	vst v63  }
0x43: {  	_ =	swait.ge [sflag:s30], $0xC8  }
0x44: {  	[sflag:s30] =	ssyncset.done $0x0  }
0x45: {  	s0 =	simm.s32 $0xD;
	[sflag:s30] =	ssyncadd.s32 $0xFFFFFF38  }
0x46: {  	_ =	swait.ge [sflag:s0], $0x28  }
0x47: {  	[sflag:s0] =	ssyncset.done $0x0  }
0x48: {  	[sflag:s0] =	ssyncadd.s32 $0xFFFFFFD8  }
0x49: {  	_ =	swait.ge [sflag:s0], $0x28  }
0x4a: {  	[sflag:s0] =	ssyncset.done $0x0  }
0x4b: {  	[sflag:s0] =	ssyncadd.s32 $0xFFFFFFD8  }
0x4c: {  	_ =	swait.ge [sflag:s0], $0x28  }
0x4d: {  	[sflag:s0] =	ssyncset.done $0x0  }
0x4e: {  	[sflag:s0] =	ssyncadd.s32 $0xFFFFFFD8  }
0x4f: {  	_ =	swait.ge [sflag:s0], $0x28  }
0x50: {  	[sflag:s0] =	ssyncset.done $0x0  }
0x51: {  	[sflag:s0] =	ssyncadd.s32 $0xFFFFFFD8  }
0x52: {  	_ =	swait.ge [sflag:s0], $0x28  }
0x53: {  	[sflag:s0] =	ssyncset.done $0x0  }
0x54: {  	[sflag:s0] =	ssyncadd.s32 $0xFFFFFFD8  }
0x55: {  	s0 =	simm.s32 $0x700;
	[bflag:$0x0] =	sbarrier.arrive $0xFFFF  }
0x56: {  	[tilespmem:s0], [sflag:$0x1] =	stream.indirect.gather [hbm4b:s4+s28], $0x80, s29, s28, $0xb8;
	[tilespmem:$0x1A380] =	vst v63  }
0x57: {  	s23 =	simm.s32 $0x1B00  }
0x58: {  	[tilespmem:s23], [sflag:$0x2] =	stream.indirect.gather [hbm4b:s4+s28], $0x80, s28, s28, $0xb8;
	[tilespmem:$0x1A380] =	vst v63  }
0x59: {  	s3 =	simm.s32 $0x2F00;
	s2 =	simm.s32 $0x50  }
0x5a: {  	[tilespmem:s3], [sflag:$0x3] =	stream.indirect.gather [hbm4b:s4+s28], $0x80, s2, s28, $0xb8;
	[tilespmem:$0x1A380] =	vst v63  }
0x5b: {  	s6 =	simm.s32 $0x78;
	s24 =	simm.s32 $0x4300  }
0x5c: {  	[tilespmem:s24], [sflag:$0x4] =	stream.indirect.gather [hbm4b:s4+s28], $0x80, s6, s28, $0xb8;
	[tilespmem:$0x1A380] =	vst v63  }
0x5d: {  	s20 =	simm.s32 $0xA0;
	s19 =	simm.s32 $0x5700;
	s8 =	rddreg [dreg:$0x8]  }
0x5e: {  	[tilespmem:s19], [sflag:$0x5] =	stream.indirect.gather [hbm4b:s4+s28], $0x80, s20, s28, $0xb8;
	[tilespmem:$0x1A380] =	vst v63  }
0x5f: {  	s25 =	simm.s32 $0x100;
	s21 =	rddreg [dreg:$0x7];
	s5 =	sadd.s32 $0x0, s8  }
0x60: {  	[tilespmem:s25], [sflag:$0xC] =	stream.linear.gather [hbm4b:s5+s29], $0xC8, $0x38;
	[tilespmem:$0x1A380] =	vst v63  }
0x61: {  	s26 =	simm.s32 $0x480;
	s22 =	rddreg [dreg:$0xc];
	s30 =	sadd.s32 $0x0, s21  }
0x62: {  	[tilespmem:s26], [sflag:$0xE] =	stream.linear.gather [hbm4b:s30+s29], $0x28, $0x38;
	[tilespmem:$0x1A380] =	vst v63  }
0x63: {  	s21 =	sadd.s32 $0x0, s22;
	s2 =	rddreg [dreg:$0xb];
	s20 =	simm.s32 $0x500  }
0x64: {  	[tilespmem:s20], [sflag:$0xE] =	stream.linear.gather [hbm4b:s21+s29], $0x28, $0x38;
	[tilespmem:$0x1A380] =	vst v63  }
0x65: {  	s22 =	rddreg [dreg:$0xa];
	s30 =	sadd.s32 $0x0, s2;
	s21 =	simm.s32 $0x580  }
0x66: {  	[tilespmem:s21], [sflag:$0xE] =	stream.linear.gather [hbm4b:s30+s29], $0x28, $0x38;
	[tilespmem:$0x1A380] =	vst v63  }
0x67: {  	s8 =	sadd.s32 $0x0, s22;
	s22 =	simm.s32 $0x600;
	s2 =	rddreg [dreg:$0x9]  }
0x68: {  	[tilespmem:s22], [sflag:$0xE] =	stream.linear.gather [hbm4b:s8+s29], $0x28, $0x38;
	[tilespmem:$0x1A380] =	vst v63  }
0x69: {  	s30 =	sadd.s32 $0x0, s2;
	s2 =	simm.s32 $0x680  }
0x6a: {  	[tilespmem:s2], [sflag:$0xE] =	stream.linear.gather [hbm4b:s30+s29], $0x28, $0x38;
	[tilespmem:$0x1A380] =	vst v63  }
0x6b: {  	_ =	swait.ge [sflag:s15], $0x1400  }
0x6c: {  	[sflag:s15] =	ssyncset.done $0x0  }
0x6d: {  	[sflag:s15] =	ssyncadd.s32 $0xFFFFEC00  }
0x6e: {  	[spmem:s1] =	stream.indirect.scatter.add.f32 [tilespmem:s0], [sflag:$0x6], $0x80, s9, s28, $0xb8;
	[tilespmem:$0x1A380] =	vst v63  }
0x6f: {  	_ =	swait.ge [sflag:s16], $0x1400  }
0x70: {  	[sflag:s16] =	ssyncset.done $0x0  }
0x71: {  	[sflag:s16] =	ssyncadd.s32 $0xFFFFEC00  }
0x72: {  	[spmem:s1] =	stream.indirect.scatter.add.f32 [tilespmem:s23], [sflag:$0x7], $0x80, s10, s28, $0xb8;
	[tilespmem:$0x1A380] =	vst v63  }
0x73: {  	_ =	swait.ge [sflag:s17], $0x1400  }
0x74: {  	[sflag:s17] =	ssyncset.done $0x0  }
0x75: {  	[sflag:s17] =	ssyncadd.s32 $0xFFFFEC00  }
0x76: {  	[spmem:s1] =	stream.indirect.scatter.add.f32 [tilespmem:s3], [sflag:$0x8], $0x80, s12, s28, $0xb8;
	[tilespmem:$0x1A380] =	vst v63  }
0x77: {  	_ =	swait.ge [sflag:s18], $0x1400  }
0x78: {  	[sflag:s18] =	ssyncset.done $0x0  }
0x79: {  	[sflag:s18] =	ssyncadd.s32 $0xFFFFEC00  }
0x7a: {  	[spmem:s1] =	stream.indirect.scatter.add.f32 [tilespmem:s24], [sflag:$0x9], $0x80, s13, s28, $0xb8;
	[tilespmem:$0x1A380] =	vst v63  }
0x7b: {  	_ =	swait.ge [sflag:s11], $0x1400  }
0x7c: {  	[sflag:s11] =	ssyncset.done $0x0  }
0x7d: {  	s6 =	simm.s32 $0xC;
	[sflag:s11] =	ssyncadd.s32 $0xFFFFEC00  }
0x7e: {  	[spmem:s1] =	stream.indirect.scatter.add.f32 [tilespmem:s19], [sflag:$0xA], $0x80, s14, s28, $0xb8;
	[tilespmem:$0x1A380] =	vst v63  }
0x7f: {  	_ =	swait.ge [sflag:s6], $0xC8  }
0x80: {  	[sflag:s6] =	ssyncset.done $0x0  }
0x81: {  	[sflag:s6] =	ssyncadd.s32 $0xFFFFFF38  }
0x82: {  	_ =	swait.ge [sflag:s7], $0x28  }
0x83: {  	[sflag:s7] =	ssyncset.done $0x0  }
0x84: {  	[sflag:s7] =	ssyncadd.s32 $0xFFFFFFD8  }
0x85: {  	_ =	swait.ge [sflag:s7], $0x28  }
0x86: {  	[sflag:s7] =	ssyncset.done $0x0  }
0x87: {  	[sflag:s7] =	ssyncadd.s32 $0xFFFFFFD8  }
0x88: {  	_ =	swait.ge [sflag:s7], $0x28  }
0x89: {  	[sflag:s7] =	ssyncset.done $0x0  }
0x8a: {  	[sflag:s7] =	ssyncadd.s32 $0xFFFFFFD8  }
0x8b: {  	_ =	swait.ge [sflag:s7], $0x28  }
0x8c: {  	[sflag:s7] =	ssyncset.done $0x0  }
0x8d: {  	[sflag:s7] =	ssyncadd.s32 $0xFFFFFFD8  }
0x8e: {  	_ =	swait.ge [sflag:s7], $0x28  }
0x8f: {  	[sflag:s7] =	ssyncset.done $0x0  }
0x90: {  	s8 =	simm.s32 $0x6;
	[sflag:s7] =	ssyncadd.s32 $0xFFFFFFD8  }
0x91: {  	_ =	swait.ge [sflag:s8], $0x1400  }
0x92: {  	[sflag:s8] =	ssyncset.done $0x0  }
0x93: {  	s9 =	simm.s32 $0x7;
	[sflag:s8] =	ssyncadd.s32 $0xFFFFEC00  }
0x94: {  	[tilespmem:s0], [sflag:$0x1] =	stream.indirect.gather [hbm4b:s4+s28], $0x80, s25, s28, $0xb8;
	[tilespmem:$0x1A380] =	vst v63  }
0x95: {  	_ =	swait.ge [sflag:s9], $0x1400  }
0x96: {  	[sflag:s9] =	ssyncset.done $0x0  }
0x97: {  	s12 =	simm.s32 $0x8;
	s10 =	rddreg [dreg:$0xd];
	[sflag:s9] =	ssyncadd.s32 $0xFFFFEC00  }
0x98: {  	[tilespmem:s23], [sflag:$0x2] =	stream.indirect.gather [hbm4b:s4+s28], $0x80, s10, s28, $0xb8;
	[tilespmem:$0x1A380] =	vst v63  }
0x99: {  	_ =	swait.ge [sflag:s12], $0x1400  }
0x9a: {  	[sflag:s12] =	ssyncset.done $0x0  }
0x9b: {  	s14 =	simm.s32 $0x9;
	s13 =	rddreg [dreg:$0xe];
	[sflag:s12] =	ssyncadd.s32 $0xFFFFEC00  }
0x9c: {  	[tilespmem:s3], [sflag:$0x3] =	stream.indirect.gather [hbm4b:s4+s28], $0x80, s13, s28, $0xb8;
	[tilespmem:$0x1A380] =	vst v63  }
0x9d: {  	_ =	swait.ge [sflag:s14], $0x1400  }
0x9e: {  	[sflag:s14] =	ssyncset.done $0x0  }
0x9f: {  	s29 =	simm.s32 $0xA;
	s25 =	rddreg [dreg:$0xf];
	[sflag:s14] =	ssyncadd.s32 $0xFFFFEC00  }
0xa0: {  	[tilespmem:s24], [sflag:$0x4] =	stream.indirect.gather [hbm4b:s4+s28], $0x80, s25, s28, $0xb8;
	[tilespmem:$0x1A380] =	vst v63  }
0xa1: {  	_ =	swait.ge [sflag:s29], $0x1400  }
0xa2: {  	s30 =	rddreg [dreg:$0x10]  }
0xa3: {  	p2 =	por $0x0, $0x0;
	[sflag:s29] =	ssyncset.done $0x0;
	s13 =	rddreg [dreg:$0x1f]  }
0xa4: {  	s9 =	rddreg [dreg:$0x11];
	[sflag:s29] =	ssyncadd.s32 $0xFFFFEC00;
	s6 =	sshrl.u32 @!p2 s13, $0x3  }
0xa5: {  	[tilespmem:s19], [sflag:$0x5] =	stream.indirect.gather [hbm4b:s4+s28], $0x80, s30, s28, $0xb8;
	[tilespmem:$0x1A380] =	vst v63  }
0xa6: {  	s5 =	simm.s32 @!p2 $0x0;
	s10 =	rddreg [dreg:$0x12];
	s9 =	sadd.s32 @!p2 s9, s6  }
0xa7: {  	[tilespmem:s5], [sflag:$0xB] =	stream.linear.gather @!p2 [hbm4b:s9+s5], $0xC8, $0x38;
	[tilespmem:$0x1A380] =	vst v63  }
0xa8: {  	s8 =	rddreg [dreg:$0x6];
	s6 =	sadd.s32 @!p2 s10, s6;
	s10 =	simm.s32 @!p2 $0x200  }
0xa9: {  	[tilespmem:s10], [sflag:$0xD] =	stream.linear.gather @!p2 [hbm4b:s6+s5], $0x28, $0x38;
	[tilespmem:$0x1A380] =	vst v63  }
0xaa: {  	s9 =	rddreg [dreg:$0x5];
	s6 =	sadd.s32 @!p2 $0x0, s8;
	s8 =	simm.s32 @!p2 $0x280  }
0xab: {  	[tilespmem:s8], [sflag:$0xD] =	stream.linear.gather @!p2 [hbm4b:s6+s5], $0x28, $0x38;
	[tilespmem:$0x1A380] =	vst v63  }
0xac: {  	s10 =	rddreg [dreg:$0x4];
	s6 =	sadd.s32 @!p2 $0x0, s9;
	s8 =	simm.s32 @!p2 $0x300  }
0xad: {  	[tilespmem:s8], [sflag:$0xD] =	stream.linear.gather @!p2 [hbm4b:s6+s5], $0x28, $0x38;
	[tilespmem:$0x1A380] =	vst v63  }
0xae: {  	s9 =	rddreg [dreg:$0x3];
	s6 =	sadd.s32 @!p2 $0x0, s10;
	s8 =	simm.s32 @!p2 $0x380  }
0xaf: {  	[tilespmem:s8], [sflag:$0xD] =	stream.linear.gather @!p2 [hbm4b:s6+s5], $0x28, $0x38;
	[tilespmem:$0x1A380] =	vst v63  }
0xb0: {  	s6 =	sadd.s32 @!p2 $0x0, s9;
	s8 =	simm.s32 @!p2 $0x400  }
0xb1: {  	[tilespmem:s8], [sflag:$0xD] =	stream.linear.gather @!p2 [hbm4b:s6+s5], $0x28, $0x38;
	[tilespmem:$0x1A380] =	vst v63  }
0xb2: {  	_ =	swait.ge [sflag:s15], $0x1400  }
0xb3: {  	[sflag:s15] =	ssyncset.done $0x0  }
0xb4: {  	[sflag:s15] =	ssyncadd.s32 $0xFFFFEC00  }
0xb5: {  	[spmem:s1] =	stream.indirect.scatter.add.f32 [tilespmem:s0], [sflag:$0x6], $0x80, s26, s28, $0xb8;
	[tilespmem:$0x1A380] =	vst v63  }
0xb6: {  	_ =	swait.ge [sflag:s16], $0x1400  }
0xb7: {  	[sflag:s16] =	ssyncset.done $0x0  }
0xb8: {  	[sflag:s16] =	ssyncadd.s32 $0xFFFFEC00  }
0xb9: {  	[spmem:s1] =	stream.indirect.scatter.add.f32 [tilespmem:s23], [sflag:$0x7], $0x80, s20, s28, $0xb8;
	[tilespmem:$0x1A380] =	vst v63  }
0xba: {  	_ =	swait.ge [sflag:s17], $0x1400  }
0xbb: {  	[sflag:s17] =	ssyncset.done $0x0  }
0xbc: {  	[sflag:s17] =	ssyncadd.s32 $0xFFFFEC00  }
0xbd: {  	[spmem:s1] =	stream.indirect.scatter.add.f32 [tilespmem:s3], [sflag:$0x8], $0x80, s21, s28, $0xb8;
	[tilespmem:$0x1A380] =	vst v63  }
0xbe: {  	_ =	swait.ge [sflag:s18], $0x1400  }
0xbf: {  	[sflag:s18] =	ssyncset.done $0x0  }
0xc0: {  	[sflag:s18] =	ssyncadd.s32 $0xFFFFEC00  }
0xc1: {  	[spmem:s1] =	stream.indirect.scatter.add.f32 [tilespmem:s24], [sflag:$0x9], $0x80, s22, s28, $0xb8;
	[tilespmem:$0x1A380] =	vst v63  }
0xc2: {  	_ =	swait.ge [sflag:s11], $0x1400  }
0xc3: {  	[sflag:s11] =	ssyncset.done $0x0  }
0xc4: {  	s6 =	simm.s32 @!p2 $0xB;
	[sflag:s11] =	ssyncadd.s32 $0xFFFFEC00  }
0xc5: {  	[spmem:s1] =	stream.indirect.scatter.add.f32 [tilespmem:s19], [sflag:$0xA], $0x80, s2, s28, $0xb8;
	[tilespmem:$0x1A380] =	vst v63  }
0xc6: {  	_ =	swait.ge @!p2 [sflag:s6], $0xC8  }
0xc7: {  	[sflag:s6] =	ssyncset.done @!p2 $0x0  }
0xc8: {  	s8 =	simm.s32 @!p2 $0xD;
	[sflag:s6] =	ssyncadd.s32 @!p2 $0xFFFFFF38  }
0xc9: {  	_ =	swait.ge @!p2 [sflag:s8], $0x28  }
0xca: {  	[sflag:s8] =	ssyncset.done @!p2 $0x0  }
0xcb: {  	[sflag:s8] =	ssyncadd.s32 @!p2 $0xFFFFFFD8  }
0xcc: {  	_ =	swait.ge @!p2 [sflag:s8], $0x28  }
0xcd: {  	[sflag:s8] =	ssyncset.done @!p2 $0x0  }
0xce: {  	[sflag:s8] =	ssyncadd.s32 @!p2 $0xFFFFFFD8  }
0xcf: {  	_ =	swait.ge @!p2 [sflag:s8], $0x28  }
0xd0: {  	[sflag:s8] =	ssyncset.done @!p2 $0x0  }
0xd1: {  	[sflag:s8] =	ssyncadd.s32 @!p2 $0xFFFFFFD8  }
0xd2: {  	_ =	swait.ge @!p2 [sflag:s8], $0x28  }
0xd3: {  	[sflag:s8] =	ssyncset.done @!p2 $0x0  }
0xd4: {  	[sflag:s8] =	ssyncadd.s32 @!p2 $0xFFFFFFD8  }
0xd5: {  	_ =	swait.ge @!p2 [sflag:s8], $0x28  }
0xd6: {  	[sflag:s8] =	ssyncset.done @!p2 $0x0  }
0xd7: {  	s6 =	simm.s32 @!p2 $0x6;
	[sflag:s8] =	ssyncadd.s32 @!p2 $0xFFFFFFD8  }
0xd8: {  	_ =	swait.ge @!p2 [sflag:s6], $0x1400  }
0xd9: {  	s10 =	simm.s32 @!p2 $0x28;
	[sflag:s6] =	ssyncset.done @!p2 $0x0  }
0xda: {  	s8 =	simm.s32 @!p2 $0x700;
	[sflag:s6] =	ssyncadd.s32 @!p2 $0xFFFFEC00;
	s6 =	simm.s32 @!p2 $0x7  }
0xdb: {  	[tilespmem:s8], [sflag:$0x1] =	stream.indirect.gather @!p2 [hbm4b:s4+s10], $0x80, s5, s10, $0xb8;
	[tilespmem:$0x1A380] =	vst v63  }
0xdc: {  	_ =	swait.ge @!p2 [sflag:s6], $0x1400  }
0xdd: {  	[sflag:s6] =	ssyncset.done @!p2 $0x0  }
0xde: {  	s5 =	simm.s32 @!p2 $0x1B00;
	[sflag:s6] =	ssyncadd.s32 @!p2 $0xFFFFEC00;
	s6 =	simm.s32 @!p2 $0x8  }
0xdf: {  	[tilespmem:s5], [sflag:$0x2] =	stream.indirect.gather @!p2 [hbm4b:s4+s10], $0x80, s10, s10, $0xb8;
	[tilespmem:$0x1A380] =	vst v63  }
0xe0: {  	_ =	swait.ge @!p2 [sflag:s6], $0x1400  }
0xe1: {  	s9 =	simm.s32 @!p2 $0x9;
	[sflag:s6] =	ssyncset.done @!p2 $0x0  }
0xe2: {  	s8 =	simm.s32 @!p2 $0x2F00;
	s5 =	simm.s32 @!p2 $0x50;
	[sflag:s6] =	ssyncadd.s32 @!p2 $0xFFFFEC00  }
0xe3: {  	[tilespmem:s8], [sflag:$0x3] =	stream.indirect.gather @!p2 [hbm4b:s4+s10], $0x80, s5, s10, $0xb8;
	[tilespmem:$0x1A380] =	vst v63  }
0xe4: {  	s12 =	simm.s32 @!p2 $0x78;
	s23 =	simm.s32 $0x32;
	_ =	swait.ge @!p2 [sflag:s9], $0x1400  }
0xe5: {  	s24 =	sadd.s32 $0x190, s13;
	s13 =	simm.s32 @!p2 $0xA0;
	[sflag:s9] =	ssyncset.done @!p2 $0x0  }
0xe6: {  	s5 =	simm.s32 @!p2 $0x4300;
	s8 =	simm.s32 @!p2 $0xA;
	[sflag:s9] =	ssyncadd.s32 @!p2 $0xFFFFEC00  }
0xe7: {  	[tilespmem:s5], [sflag:$0x4] =	stream.indirect.gather @!p2 [hbm4b:s4+s10], $0x80, s12, s10, $0xb8;
	[tilespmem:$0x1A380] =	vst v63  }
0xe8: {  	s6 =	simm.s32 $0x64;
	s9 =	simm.s32 @!p2 $0x5700;
	_ =	swait.ge @!p2 [sflag:s8], $0x1400  }
0xe9: {  	s5 =	simm.s32 $0x1;
	s12 =	rddreg [dreg:$0x8];
	[sflag:s8] =	ssyncset.done @!p2 $0x0  }
.LBB2_2:
0xea: {  	s14 =	rddreg [dreg:$0x7];
	[sflag:s8] =	ssyncadd.s32 @!p2 $0xFFFFEC00  }
0xeb: {  	[tilespmem:s9], [sflag:$0x5] =	stream.indirect.gather @!p2 [hbm4b:s4+s10], $0x80, s13, s10, $0xb8;
	[tilespmem:$0x1A380] =	vst v63  }
0xec: {  	s20 =	sadd.s32 s23, s12;
	s0 =	simm.s32 $0x0;
	s13 =	simm.s32 $0x100  }
0xed: {  	[tilespmem:s13], [sflag:$0xC] =	stream.linear.gather [hbm4b:s20+s0], $0xC8, $0x38;
	[tilespmem:$0x1A380] =	vst v63  }
0xee: {  	s21 =	rddreg [dreg:$0xc];
	s26 =	simm.s32 $0x480;
	s22 =	sadd.s32 s23, s14  }
0xef: {  	[tilespmem:s26], [sflag:$0xE] =	stream.linear.gather [hbm4b:s22+s0], $0x28, $0x38;
	[tilespmem:$0x1A380] =	vst v63  }
0xf0: {  	s25 =	rddreg [dreg:$0xb];
	s29 =	sadd.s32 s23, s21;
	s20 =	simm.s32 $0x500  }
0xf1: {  	[tilespmem:s20], [sflag:$0xE] =	stream.linear.gather [hbm4b:s29+s0], $0x28, $0x38;
	[tilespmem:$0x1A380] =	vst v63  }
0xf2: {  	s30 =	rddreg [dreg:$0xa];
	s2 =	sadd.s32 s23, s25;
	s21 =	simm.s32 $0x580  }
0xf3: {  	[tilespmem:s21], [sflag:$0xE] =	stream.linear.gather [hbm4b:s2+s0], $0x28, $0x38;
	[tilespmem:$0x1A380] =	vst v63  }
0xf4: {  	s3 =	rddreg [dreg:$0x9];
	s10 =	sadd.s32 s23, s30;
	s22 =	simm.s32 $0x600  }
0xf5: {  	[tilespmem:s22], [sflag:$0xE] =	stream.linear.gather [hbm4b:s10+s0], $0x28, $0x38;
	[tilespmem:$0x1A380] =	vst v63  }
0xf6: {  	s14 =	sadd.s32 s23, s3;
	s2 =	simm.s32 $0x680  }
0xf7: {  	[tilespmem:s2], [sflag:$0xE] =	stream.linear.gather [hbm4b:s14+s0], $0x28, $0x38;
	[tilespmem:$0x1A380] =	vst v63  }
0xf8: {  	_ =	swait.ge [sflag:s15], $0x1400  }
0xf9: {  	[sflag:s15] =	ssyncset.done $0x0  }
0xfa: {  	s19 =	simm.s32 $0x200;
	s0 =	simm.s32 $0x700;
	[sflag:s15] =	ssyncadd.s32 $0xFFFFEC00  }
0xfb: {  	[spmem:s1] =	stream.indirect.scatter.add.f32 [tilespmem:s0], [sflag:$0x6], $0x80, s19, s28, $0xb8;
	[tilespmem:$0x1A380] =	vst v63  }
0xfc: {  	_ =	swait.ge [sflag:s16], $0x1400  }
0xfd: {  	[sflag:s16] =	ssyncset.done $0x0  }
0xfe: {  	s25 =	simm.s32 $0x280;
	[sflag:s16] =	ssyncadd.s32 $0xFFFFEC00  }
0xff: {  	[spmem:s1] =	stream.indirect.scatter.add.f32 [tilespmem:s31], [sflag:$0x7], $0x80, s25, s28, $0xb8;
	[tilespmem:$0x1A380] =	vst v63  }
0x100: {  	_ =	swait.ge [sflag:s17], $0x1400  }
0x101: {  	[sflag:s17] =	ssyncset.done $0x0  }
0x102: {  	s3 =	simm.s32 $0x2F00;
	s29 =	simm.s32 $0x300;
	[sflag:s17] =	ssyncadd.s32 $0xFFFFEC00  }
0x103: {  	[spmem:s1] =	stream.indirect.scatter.add.f32 [tilespmem:s3], [sflag:$0x8], $0x80, s29, s28, $0xb8;
	[tilespmem:$0x1A380] =	vst v63  }
0x104: {  	_ =	swait.ge [sflag:s18], $0x1400  }
0x105: {  	[sflag:s18] =	ssyncset.done $0x0  }
0x106: {  	s30 =	simm.s32 $0x380;
	s25 =	simm.s32 $0x4300;
	[sflag:s18] =	ssyncadd.s32 $0xFFFFEC00  }
0x107: {  	[spmem:s1] =	stream.indirect.scatter.add.f32 [tilespmem:s25], [sflag:$0x9], $0x80, s30, s28, $0xb8;
	[tilespmem:$0x1A380] =	vst v63  }
0x108: {  	_ =	swait.ge [sflag:s11], $0x1400  }
0x109: {  	s12 =	simm.s32 $0xC;
	[sflag:s11] =	ssyncset.done $0x0  }
0x10a: {  	s10 =	simm.s32 $0x400;
	s19 =	simm.s32 $0x5700;
	[sflag:s11] =	ssyncadd.s32 $0xFFFFEC00  }
0x10b: {  	[spmem:s1] =	stream.indirect.scatter.add.f32 [tilespmem:s19], [sflag:$0xA], $0x80, s10, s28, $0xb8;
	[tilespmem:$0x1A380] =	vst v63  }
0x10c: {  	_ =	swait.ge [sflag:s12], $0xC8  }
0x10d: {  	[sflag:s12] =	ssyncset.done $0x0  }
0x10e: {  	[sflag:s12] =	ssyncadd.s32 $0xFFFFFF38  }
0x10f: {  	_ =	swait.ge [sflag:s7], $0x28  }
0x110: {  	[sflag:s7] =	ssyncset.done $0x0  }
0x111: {  	[sflag:s7] =	ssyncadd.s32 $0xFFFFFFD8  }
0x112: {  	_ =	swait.ge [sflag:s7], $0x28  }
0x113: {  	[sflag:s7] =	ssyncset.done $0x0  }
0x114: {  	[sflag:s7] =	ssyncadd.s32 $0xFFFFFFD8  }
0x115: {  	_ =	swait.ge [sflag:s7], $0x28  }
0x116: {  	[sflag:s7] =	ssyncset.done $0x0  }
0x117: {  	[sflag:s7] =	ssyncadd.s32 $0xFFFFFFD8  }
0x118: {  	_ =	swait.ge [sflag:s7], $0x28  }
0x119: {  	[sflag:s7] =	ssyncset.done $0x0  }
0x11a: {  	[sflag:s7] =	ssyncadd.s32 $0xFFFFFFD8  }
0x11b: {  	_ =	swait.ge [sflag:s7], $0x28  }
0x11c: {  	[sflag:s7] =	ssyncset.done $0x0  }
0x11d: {  	s14 =	simm.s32 $0x6;
	[sflag:s7] =	ssyncadd.s32 $0xFFFFFFD8  }
0x11e: {  	_ =	swait.ge [sflag:s14], $0x1400  }
0x11f: {  	[sflag:s14] =	ssyncset.done $0x0  }
0x120: {  	s29 =	simm.s32 $0x7;
	[sflag:s14] =	ssyncadd.s32 $0xFFFFEC00  }
0x121: {  	[tilespmem:s0], [sflag:$0x1] =	stream.indirect.gather [hbm4b:s4+s28], $0x80, s13, s28, $0xb8;
	[tilespmem:$0x1A380] =	vst v63  }
0x122: {  	_ =	swait.ge [sflag:s29], $0x1400  }
0x123: {  	[sflag:s29] =	ssyncset.done $0x0  }
0x124: {  	s9 =	simm.s32 $0x8;
	s30 =	rddreg [dreg:$0xd];
	[sflag:s29] =	ssyncadd.s32 $0xFFFFEC00  }
0x125: {  	[tilespmem:s31], [sflag:$0x2] =	stream.indirect.gather [hbm4b:s4+s28], $0x80, s30, s28, $0xb8;
	[tilespmem:$0x1A380] =	vst v63  }
0x126: {  	_ =	swait.ge [sflag:s9], $0x1400  }
0x127: {  	[sflag:s9] =	ssyncset.done $0x0  }
0x128: {  	s13 =	simm.s32 $0x9;
	s12 =	rddreg [dreg:$0xe];
	[sflag:s9] =	ssyncadd.s32 $0xFFFFEC00  }
0x129: {  	[tilespmem:s3], [sflag:$0x3] =	stream.indirect.gather [hbm4b:s4+s28], $0x80, s12, s28, $0xb8;
	[tilespmem:$0x1A380] =	vst v63  }
0x12a: {  	_ =	swait.ge [sflag:s13], $0x1400  }
0x12b: {  	[sflag:s13] =	ssyncset.done $0x0  }
0x12c: {  	s29 =	simm.s32 $0xA;
	s14 =	rddreg [dreg:$0xf];
	[sflag:s13] =	ssyncadd.s32 $0xFFFFEC00  }
0x12d: {  	[tilespmem:s25], [sflag:$0x4] =	stream.indirect.gather [hbm4b:s4+s28], $0x80, s14, s28, $0xb8;
	[tilespmem:$0x1A380] =	vst v63  }
0x12e: {  	_ =	swait.ge [sflag:s29], $0x1400  }
0x12f: {  	p2 =	sgt.u32 s5, $0x17;
	[sflag:s29] =	ssyncset.done $0x0;
	s30 =	rddreg [dreg:$0x10]  }
0x130: {  	s13 =	sshrl.u32 @!p2 s24, $0x3;
	s10 =	rddreg [dreg:$0x11];
	[sflag:s29] =	ssyncadd.s32 $0xFFFFEC00  }
0x131: {  	[tilespmem:s19], [sflag:$0x5] =	stream.indirect.gather [hbm4b:s4+s28], $0x80, s30, s28, $0xb8;
	[tilespmem:$0x1A380] =	vst v63  }
0x132: {  	s9 =	simm.s32 @!p2 $0x0;
	s10 =	sadd.s32 @!p2 s10, s13;
	s29 =	rddreg [dreg:$0x12]  }
0x133: {  	[tilespmem:s9], [sflag:$0xB] =	stream.linear.gather @!p2 [hbm4b:s10+s9], $0xC8, $0x38;
	[tilespmem:$0x1A380] =	vst v63  }
0x134: {  	s14 =	rddreg [dreg:$0x6];
	s13 =	sadd.s32 @!p2 s29, s13;
	s29 =	simm.s32 @!p2 $0x200  }
0x135: {  	[tilespmem:s29], [sflag:$0xD] =	stream.linear.gather @!p2 [hbm4b:s13+s9], $0x28, $0x38;
	[tilespmem:$0x1A380] =	vst v63  }
0x136: {  	s12 =	rddreg [dreg:$0x5];
	s10 =	sadd.s32 @!p2 s23, s14;
	s14 =	simm.s32 @!p2 $0x280  }
0x137: {  	[tilespmem:s14], [sflag:$0xD] =	stream.linear.gather @!p2 [hbm4b:s10+s9], $0x28, $0x38;
	[tilespmem:$0x1A380] =	vst v63  }
0x138: {  	s12 =	sadd.s32 @!p2 s23, s12;
	s30 =	rddreg [dreg:$0x4];
	s13 =	simm.s32 @!p2 $0x300  }
0x139: {  	[tilespmem:s13], [sflag:$0xD] =	stream.linear.gather @!p2 [hbm4b:s12+s9], $0x28, $0x38;
	[tilespmem:$0x1A380] =	vst v63  }
0x13a: {  	s29 =	rddreg [dreg:$0x3];
	s10 =	sadd.s32 @!p2 s23, s30;
	s14 =	simm.s32 @!p2 $0x380  }
0x13b: {  	[tilespmem:s14], [sflag:$0xD] =	stream.linear.gather @!p2 [hbm4b:s10+s9], $0x28, $0x38;
	[tilespmem:$0x1A380] =	vst v63  }
0x13c: {  	s12 =	sadd.s32 @!p2 s23, s29;
	s13 =	simm.s32 @!p2 $0x400  }
0x13d: {  	[tilespmem:s13], [sflag:$0xD] =	stream.linear.gather @!p2 [hbm4b:s12+s9], $0x28, $0x38;
	[tilespmem:$0x1A380] =	vst v63  }
0x13e: {  	_ =	swait.ge [sflag:s15], $0x1400  }
0x13f: {  	[sflag:s15] =	ssyncset.done $0x0  }
0x140: {  	[sflag:s15] =	ssyncadd.s32 $0xFFFFEC00  }
0x141: {  	[spmem:s1] =	stream.indirect.scatter.add.f32 [tilespmem:s0], [sflag:$0x6], $0x80, s26, s28, $0xb8;
	[tilespmem:$0x1A380] =	vst v63  }
0x142: {  	_ =	swait.ge [sflag:s16], $0x1400  }
0x143: {  	[sflag:s16] =	ssyncset.done $0x0  }
0x144: {  	[sflag:s16] =	ssyncadd.s32 $0xFFFFEC00  }
0x145: {  	[spmem:s1] =	stream.indirect.scatter.add.f32 [tilespmem:s31], [sflag:$0x7], $0x80, s20, s28, $0xb8;
	[tilespmem:$0x1A380] =	vst v63  }
0x146: {  	_ =	swait.ge [sflag:s17], $0x1400  }
0x147: {  	[sflag:s17] =	ssyncset.done $0x0  }
0x148: {  	[sflag:s17] =	ssyncadd.s32 $0xFFFFEC00  }
0x149: {  	[spmem:s1] =	stream.indirect.scatter.add.f32 [tilespmem:s3], [sflag:$0x8], $0x80, s21, s28, $0xb8;
	[tilespmem:$0x1A380] =	vst v63  }
0x14a: {  	_ =	swait.ge [sflag:s18], $0x1400  }
0x14b: {  	[sflag:s18] =	ssyncset.done $0x0  }
0x14c: {  	[sflag:s18] =	ssyncadd.s32 $0xFFFFEC00  }
0x14d: {  	[spmem:s1] =	stream.indirect.scatter.add.f32 [tilespmem:s25], [sflag:$0x9], $0x80, s22, s28, $0xb8;
	[tilespmem:$0x1A380] =	vst v63  }
0x14e: {  	_ =	swait.ge [sflag:s11], $0x1400  }
0x14f: {  	s8 =	smov.u32 s6;
	[sflag:s11] =	ssyncset.done $0x0  }
0x150: {  	s23 =	smov.u32 s8;
	s8 =	simm.s32 @!p2 $0xB;
	[sflag:s11] =	ssyncadd.s32 $0xFFFFEC00  }
0x151: {  	[spmem:s1] =	stream.indirect.scatter.add.f32 [tilespmem:s19], [sflag:$0xA], $0x80, s2, s28, $0xb8;
	[tilespmem:$0x1A380] =	vst v63  }
0x152: {  	_ =	swait.ge @!p2 [sflag:s8], $0xC8  }
0x153: {  	[sflag:s8] =	ssyncset.done @!p2 $0x0  }
0x154: {  	s10 =	simm.s32 @!p2 $0xD;
	[sflag:s8] =	ssyncadd.s32 @!p2 $0xFFFFFF38  }
0x155: {  	_ =	swait.ge @!p2 [sflag:s10], $0x28  }
0x156: {  	[sflag:s10] =	ssyncset.done @!p2 $0x0  }
0x157: {  	[sflag:s10] =	ssyncadd.s32 @!p2 $0xFFFFFFD8  }
0x158: {  	_ =	swait.ge @!p2 [sflag:s10], $0x28  }
0x159: {  	[sflag:s10] =	ssyncset.done @!p2 $0x0  }
0x15a: {  	[sflag:s10] =	ssyncadd.s32 @!p2 $0xFFFFFFD8  }
0x15b: {  	_ =	swait.ge @!p2 [sflag:s10], $0x28  }
0x15c: {  	[sflag:s10] =	ssyncset.done @!p2 $0x0  }
0x15d: {  	[sflag:s10] =	ssyncadd.s32 @!p2 $0xFFFFFFD8  }
0x15e: {  	_ =	swait.ge @!p2 [sflag:s10], $0x28  }
0x15f: {  	[sflag:s10] =	ssyncset.done @!p2 $0x0  }
0x160: {  	[sflag:s10] =	ssyncadd.s32 @!p2 $0xFFFFFFD8  }
0x161: {  	_ =	swait.ge @!p2 [sflag:s10], $0x28  }
0x162: {  	[sflag:s10] =	ssyncset.done @!p2 $0x0  }
0x163: {  	s8 =	simm.s32 @!p2 $0x6;
	[sflag:s10] =	ssyncadd.s32 @!p2 $0xFFFFFFD8  }
0x164: {  	_ =	swait.ge @!p2 [sflag:s8], $0x1400  }
0x165: {  	s12 =	simm.s32 @!p2 $0x700;
	[sflag:s8] =	ssyncset.done @!p2 $0x0  }
0x166: {  	s10 =	simm.s32 @!p2 $0x28;
	[sflag:s8] =	ssyncadd.s32 @!p2 $0xFFFFEC00;
	s8 =	simm.s32 @!p2 $0x7  }
0x167: {  	[tilespmem:s12], [sflag:$0x1] =	stream.indirect.gather @!p2 [hbm4b:s4+s10], $0x80, s9, s10, $0xb8;
	[tilespmem:$0x1A380] =	vst v63  }
0x168: {  	_ =	swait.ge @!p2 [sflag:s8], $0x1400  }
0x169: {  	[sflag:s8] =	ssyncset.done @!p2 $0x0  }
0x16a: {  	s9 =	simm.s32 @!p2 $0x1B00;
	[sflag:s8] =	ssyncadd.s32 @!p2 $0xFFFFEC00;
	s8 =	simm.s32 @!p2 $0x8  }
0x16b: {  	[tilespmem:s9], [sflag:$0x2] =	stream.indirect.gather @!p2 [hbm4b:s4+s10], $0x80, s10, s10, $0xb8;
	[tilespmem:$0x1A380] =	vst v63  }
0x16c: {  	_ =	swait.ge @!p2 [sflag:s8], $0x1400  }
0x16d: {  	s6 =	sadd.s32 $0x32, s6;
	s12 =	simm.s32 @!p2 $0x2F00;
	[sflag:s8] =	ssyncset.done @!p2 $0x0  }
0x16e: {  	s9 =	simm.s32 @!p2 $0x50;
	[sflag:s8] =	ssyncadd.s32 @!p2 $0xFFFFEC00;
	s8 =	simm.s32 @!p2 $0x9  }
0x16f: {  	[tilespmem:s12], [sflag:$0x3] =	stream.indirect.gather @!p2 [hbm4b:s4+s10], $0x80, s9, s10, $0xb8;
	[tilespmem:$0x1A380] =	vst v63  }
0x170: {  	p1 =	sne.s32 s6, $0x4E2;
	s5 =	sadd.s32 $0x1, s5;
	_ =	swait.ge @!p2 [sflag:s8], $0x1400  }
.Ltmp0:
0x171: {  	s9 =	simm.s32 @!p2 $0x4300;
	[sflag:s8] =	ssyncset.done @!p2 $0x0;
	(pc) =	sbr.rel @p1 .LBB2_2-.Ltmp0, $4  }
0x172: {  	s12 =	simm.s32 @!p2 $0x78;
	[sflag:s8] =	ssyncadd.s32 @!p2 $0xFFFFEC00;
	s8 =	simm.s32 @!p2 $0xA  }
0x173: {  	[tilespmem:s9], [sflag:$0x4] =	stream.indirect.gather @!p2 [hbm4b:s4+s10], $0x80, s12, s10, $0xb8;
	[tilespmem:$0x1A380] =	vst v63  }
0x174: {  	s24 =	sadd.s32 $0x190, s24;
	s13 =	simm.s32 @!p2 $0xA0;
	_ =	swait.ge @!p2 [sflag:s8], $0x1400  }
0x175: {  	s9 =	simm.s32 @!p2 $0x5700;
	s12 =	rddreg [dreg:$0x8];
	[sflag:s8] =	ssyncset.done @!p2 $0x0  }
0x176: {  	[sflag:s8] =	ssyncadd.s32 @!p2 $0xFFFFEC00;
	s6 =	rddreg [dreg:$0x7]  }
0x177: {  	[tilespmem:s9], [sflag:$0x5] =	stream.indirect.gather @!p2 [hbm4b:s4+s10], $0x80, s13, s10, $0xb8;
	[tilespmem:$0x1A380] =	vst v63  }
0x178: {  	s26 =	sadd.s32 s23, s12;
	s0 =	simm.s32 $0x0;
	s9 =	simm.s32 $0x100  }
0x179: {  	[tilespmem:s9], [sflag:$0xC] =	stream.linear.gather [hbm4b:s26+s0], $0xC8, $0x38;
	[tilespmem:$0x1A380] =	vst v63  }
0x17a: {  	s29 =	rddreg [dreg:$0xc];
	s14 =	simm.s32 $0x480;
	s6 =	sadd.s32 s23, s6  }
0x17b: {  	[tilespmem:s14], [sflag:$0xE] =	stream.linear.gather [hbm4b:s6+s0], $0x28, $0x38;
	[tilespmem:$0x1A380] =	vst v63  }
0x17c: {  	s30 =	rddreg [dreg:$0xb];
	s19 =	simm.s32 $0x500;
	s8 =	sadd.s32 s23, s29  }
0x17d: {  	[tilespmem:s19], [sflag:$0xE] =	stream.linear.gather [hbm4b:s8+s0], $0x28, $0x38;
	[tilespmem:$0x1A380] =	vst v63  }
0x17e: {  	s2 =	rddreg [dreg:$0xa];
	s20 =	simm.s32 $0x580;
	s6 =	sadd.s32 s23, s30  }
0x17f: {  	[tilespmem:s20], [sflag:$0xE] =	stream.linear.gather [hbm4b:s6+s0], $0x28, $0x38;
	[tilespmem:$0x1A380] =	vst v63  }
0x180: {  	s3 =	rddreg [dreg:$0x9];
	s21 =	simm.s32 $0x600;
	s8 =	sadd.s32 s23, s2  }
0x181: {  	[tilespmem:s21], [sflag:$0xE] =	stream.linear.gather [hbm4b:s8+s0], $0x28, $0x38;
	[tilespmem:$0x1A380] =	vst v63  }
0x182: {  	s2 =	simm.s32 $0x680;
	s6 =	sadd.s32 s23, s3  }
0x183: {  	[tilespmem:s2], [sflag:$0xE] =	stream.linear.gather [hbm4b:s6+s0], $0x28, $0x38;
	[tilespmem:$0x1A380] =	vst v63  }
0x184: {  	_ =	swait.ge [sflag:s15], $0x1400  }
0x185: {  	[sflag:s15] =	ssyncset.done $0x0  }
0x186: {  	s10 =	simm.s32 $0x200;
	s0 =	simm.s32 $0x700;
	[sflag:s15] =	ssyncadd.s32 $0xFFFFEC00  }
0x187: {  	[spmem:s1] =	stream.indirect.scatter.add.f32 [tilespmem:s0], [sflag:$0x6], $0x80, s10, s28, $0xb8;
	[tilespmem:$0x1A380] =	vst v63  }
0x188: {  	_ =	swait.ge [sflag:s16], $0x1400  }
0x189: {  	[sflag:s16] =	ssyncset.done $0x0  }
0x18a: {  	s12 =	simm.s32 $0x280;
	s10 =	simm.s32 $0x1B00;
	[sflag:s16] =	ssyncadd.s32 $0xFFFFEC00  }
0x18b: {  	[spmem:s1] =	stream.indirect.scatter.add.f32 [tilespmem:s10], [sflag:$0x7], $0x80, s12, s28, $0xb8;
	[tilespmem:$0x1A380] =	vst v63  }
0x18c: {  	_ =	swait.ge [sflag:s17], $0x1400  }
0x18d: {  	[sflag:s17] =	ssyncset.done $0x0  }
0x18e: {  	s13 =	simm.s32 $0x300;
	s3 =	simm.s32 $0x2F00;
	[sflag:s17] =	ssyncadd.s32 $0xFFFFEC00  }
0x18f: {  	[spmem:s1] =	stream.indirect.scatter.add.f32 [tilespmem:s3], [sflag:$0x8], $0x80, s13, s28, $0xb8;
	[tilespmem:$0x1A380] =	vst v63  }
0x190: {  	_ =	swait.ge [sflag:s18], $0x1400  }
0x191: {  	[sflag:s18] =	ssyncset.done $0x0  }
0x192: {  	s22 =	simm.s32 $0x380;
	s12 =	simm.s32 $0x4300;
	[sflag:s18] =	ssyncadd.s32 $0xFFFFEC00  }
0x193: {  	[spmem:s1] =	stream.indirect.scatter.add.f32 [tilespmem:s12], [sflag:$0x9], $0x80, s22, s28, $0xb8;
	[tilespmem:$0x1A380] =	vst v63  }
0x194: {  	_ =	swait.ge [sflag:s11], $0x1400  }
0x195: {  	s25 =	simm.s32 $0x400;
	[sflag:s11] =	ssyncset.done $0x0  }
0x196: {  	s26 =	simm.s32 $0xC;
	s13 =	simm.s32 $0x5700;
	[sflag:s11] =	ssyncadd.s32 $0xFFFFEC00  }
0x197: {  	[spmem:s1] =	stream.indirect.scatter.add.f32 [tilespmem:s13], [sflag:$0xA], $0x80, s25, s28, $0xb8;
	[tilespmem:$0x1A380] =	vst v63  }
0x198: {  	_ =	swait.ge [sflag:s26], $0xC8  }
0x199: {  	[sflag:s26] =	ssyncset.done $0x0  }
0x19a: {  	[sflag:s26] =	ssyncadd.s32 $0xFFFFFF38  }
0x19b: {  	_ =	swait.ge [sflag:s7], $0x28  }
0x19c: {  	[sflag:s7] =	ssyncset.done $0x0  }
0x19d: {  	[sflag:s7] =	ssyncadd.s32 $0xFFFFFFD8  }
0x19e: {  	_ =	swait.ge [sflag:s7], $0x28  }
0x19f: {  	[sflag:s7] =	ssyncset.done $0x0  }
0x1a0: {  	[sflag:s7] =	ssyncadd.s32 $0xFFFFFFD8  }
0x1a1: {  	_ =	swait.ge [sflag:s7], $0x28  }
0x1a2: {  	[sflag:s7] =	ssyncset.done $0x0  }
0x1a3: {  	[sflag:s7] =	ssyncadd.s32 $0xFFFFFFD8  }
0x1a4: {  	_ =	swait.ge [sflag:s7], $0x28  }
0x1a5: {  	[sflag:s7] =	ssyncset.done $0x0  }
0x1a6: {  	[sflag:s7] =	ssyncadd.s32 $0xFFFFFFD8  }
0x1a7: {  	_ =	swait.ge [sflag:s7], $0x28  }
0x1a8: {  	[sflag:s7] =	ssyncset.done $0x0  }
0x1a9: {  	s22 =	simm.s32 $0x6;
	[sflag:s7] =	ssyncadd.s32 $0xFFFFFFD8  }
0x1aa: {  	_ =	swait.ge [sflag:s22], $0x1400  }
0x1ab: {  	[sflag:s22] =	ssyncset.done $0x0  }
0x1ac: {  	s25 =	simm.s32 $0x7;
	[sflag:s22] =	ssyncadd.s32 $0xFFFFEC00  }
0x1ad: {  	[tilespmem:s0], [sflag:$0x1] =	stream.indirect.gather [hbm4b:s4+s28], $0x80, s9, s28, $0xb8;
	[tilespmem:$0x1A380] =	vst v63  }
0x1ae: {  	_ =	swait.ge [sflag:s25], $0x1400  }
0x1af: {  	[sflag:s25] =	ssyncset.done $0x0  }
0x1b0: {  	s26 =	simm.s32 $0x8;
	s29 =	rddreg [dreg:$0xd];
	[sflag:s25] =	ssyncadd.s32 $0xFFFFEC00  }
0x1b1: {  	[tilespmem:s10], [sflag:$0x2] =	stream.indirect.gather [hbm4b:s4+s28], $0x80, s29, s28, $0xb8;
	[tilespmem:$0x1A380] =	vst v63  }
0x1b2: {  	_ =	swait.ge [sflag:s26], $0x1400  }
0x1b3: {  	[sflag:s26] =	ssyncset.done $0x0  }
0x1b4: {  	s29 =	simm.s32 $0x9;
	s30 =	rddreg [dreg:$0xe];
	[sflag:s26] =	ssyncadd.s32 $0xFFFFEC00  }
0x1b5: {  	[tilespmem:s3], [sflag:$0x3] =	stream.indirect.gather [hbm4b:s4+s28], $0x80, s30, s28, $0xb8;
	[tilespmem:$0x1A380] =	vst v63  }
0x1b6: {  	_ =	swait.ge [sflag:s29], $0x1400  }
0x1b7: {  	[sflag:s29] =	ssyncset.done $0x0  }
0x1b8: {  	s30 =	simm.s32 $0xA;
	s8 =	rddreg [dreg:$0xf];
	[sflag:s29] =	ssyncadd.s32 $0xFFFFEC00  }
0x1b9: {  	[tilespmem:s12], [sflag:$0x4] =	stream.indirect.gather [hbm4b:s4+s28], $0x80, s8, s28, $0xb8;
	[tilespmem:$0x1A380] =	vst v63  }
0x1ba: {  	_ =	swait.ge [sflag:s30], $0x1400  }
0x1bb: {  	p1 =	sgt.u32 s5, $0x17;
	s9 =	rddreg [dreg:$0x10];
	[sflag:s30] =	ssyncset.done $0x0  }
0x1bc: {  	s8 =	sshrl.u32 @!p1 s24, $0x3;
	s6 =	rddreg [dreg:$0x11];
	[sflag:s30] =	ssyncadd.s32 $0xFFFFEC00  }
0x1bd: {  	[tilespmem:s13], [sflag:$0x5] =	stream.indirect.gather [hbm4b:s4+s28], $0x80, s9, s28, $0xb8;
	[tilespmem:$0x1A380] =	vst v63  }
0x1be: {  	s5 =	simm.s32 @!p1 $0x0;
	s6 =	sadd.s32 @!p1 s6, s8;
	s9 =	rddreg [dreg:$0x12]  }
0x1bf: {  	[tilespmem:s5], [sflag:$0xB] =	stream.linear.gather @!p1 [hbm4b:s6+s5], $0xC8, $0x38;
	[tilespmem:$0x1A380] =	vst v63  }
0x1c0: {  	s8 =	sadd.s32 @!p1 s9, s8;
	s9 =	simm.s32 @!p1 $0x200;
	s6 =	rddreg [dreg:$0x6]  }
0x1c1: {  	[tilespmem:s9], [sflag:$0xD] =	stream.linear.gather @!p1 [hbm4b:s8+s5], $0x28, $0x38;
	[tilespmem:$0x1A380] =	vst v63  }
0x1c2: {  	s6 =	sadd.s32 @!p1 s23, s6;
	s8 =	rddreg [dreg:$0x5];
	s9 =	simm.s32 @!p1 $0x280  }
0x1c3: {  	[tilespmem:s9], [sflag:$0xD] =	stream.linear.gather @!p1 [hbm4b:s6+s5], $0x28, $0x38;
	[tilespmem:$0x1A380] =	vst v63  }
0x1c4: {  	s8 =	sadd.s32 @!p1 s23, s8;
	s6 =	rddreg [dreg:$0x4];
	s9 =	simm.s32 @!p1 $0x300  }
0x1c5: {  	[tilespmem:s9], [sflag:$0xD] =	stream.linear.gather @!p1 [hbm4b:s8+s5], $0x28, $0x38;
	[tilespmem:$0x1A380] =	vst v63  }
0x1c6: {  	s6 =	sadd.s32 @!p1 s23, s6;
	s8 =	rddreg [dreg:$0x3];
	s9 =	simm.s32 @!p1 $0x380  }
0x1c7: {  	[tilespmem:s9], [sflag:$0xD] =	stream.linear.gather @!p1 [hbm4b:s6+s5], $0x28, $0x38;
	[tilespmem:$0x1A380] =	vst v63  }
0x1c8: {  	s6 =	sadd.s32 @!p1 s23, s8;
	s8 =	simm.s32 @!p1 $0x400  }
0x1c9: {  	[tilespmem:s8], [sflag:$0xD] =	stream.linear.gather @!p1 [hbm4b:s6+s5], $0x28, $0x38;
	[tilespmem:$0x1A380] =	vst v63  }
0x1ca: {  	_ =	swait.ge [sflag:s15], $0x1400  }
0x1cb: {  	[sflag:s15] =	ssyncset.done $0x0  }
0x1cc: {  	[sflag:s15] =	ssyncadd.s32 $0xFFFFEC00  }
0x1cd: {  	[spmem:s1] =	stream.indirect.scatter.add.f32 [tilespmem:s0], [sflag:$0x6], $0x80, s14, s28, $0xb8;
	[tilespmem:$0x1A380] =	vst v63  }
0x1ce: {  	_ =	swait.ge [sflag:s16], $0x1400  }
0x1cf: {  	[sflag:s16] =	ssyncset.done $0x0  }
0x1d0: {  	[sflag:s16] =	ssyncadd.s32 $0xFFFFEC00  }
0x1d1: {  	[spmem:s1] =	stream.indirect.scatter.add.f32 [tilespmem:s10], [sflag:$0x7], $0x80, s19, s28, $0xb8;
	[tilespmem:$0x1A380] =	vst v63  }
0x1d2: {  	_ =	swait.ge [sflag:s17], $0x1400  }
0x1d3: {  	[sflag:s17] =	ssyncset.done $0x0  }
0x1d4: {  	[sflag:s17] =	ssyncadd.s32 $0xFFFFEC00  }
0x1d5: {  	[spmem:s1] =	stream.indirect.scatter.add.f32 [tilespmem:s3], [sflag:$0x8], $0x80, s20, s28, $0xb8;
	[tilespmem:$0x1A380] =	vst v63  }
0x1d6: {  	_ =	swait.ge [sflag:s18], $0x1400  }
0x1d7: {  	[sflag:s18] =	ssyncset.done $0x0  }
0x1d8: {  	[sflag:s18] =	ssyncadd.s32 $0xFFFFEC00  }
0x1d9: {  	[spmem:s1] =	stream.indirect.scatter.add.f32 [tilespmem:s12], [sflag:$0x9], $0x80, s21, s28, $0xb8;
	[tilespmem:$0x1A380] =	vst v63  }
0x1da: {  	_ =	swait.ge [sflag:s11], $0x1400  }
0x1db: {  	[sflag:s11] =	ssyncset.done $0x0  }
0x1dc: {  	s6 =	simm.s32 @!p1 $0xB;
	[sflag:s11] =	ssyncadd.s32 $0xFFFFEC00  }
0x1dd: {  	[spmem:s1] =	stream.indirect.scatter.add.f32 [tilespmem:s13], [sflag:$0xA], $0x80, s2, s28, $0xb8;
	[tilespmem:$0x1A380] =	vst v63  }
0x1de: {  	_ =	swait.ge @!p1 [sflag:s6], $0xC8  }
0x1df: {  	[sflag:s6] =	ssyncset.done @!p1 $0x0  }
0x1e0: {  	s8 =	simm.s32 @!p1 $0xD;
	[sflag:s6] =	ssyncadd.s32 @!p1 $0xFFFFFF38  }
0x1e1: {  	_ =	swait.ge @!p1 [sflag:s8], $0x28  }
0x1e2: {  	[sflag:s8] =	ssyncset.done @!p1 $0x0  }
0x1e3: {  	[sflag:s8] =	ssyncadd.s32 @!p1 $0xFFFFFFD8  }
0x1e4: {  	_ =	swait.ge @!p1 [sflag:s8], $0x28  }
0x1e5: {  	[sflag:s8] =	ssyncset.done @!p1 $0x0  }
0x1e6: {  	[sflag:s8] =	ssyncadd.s32 @!p1 $0xFFFFFFD8  }
0x1e7: {  	_ =	swait.ge @!p1 [sflag:s8], $0x28  }
0x1e8: {  	[sflag:s8] =	ssyncset.done @!p1 $0x0  }
0x1e9: {  	[sflag:s8] =	ssyncadd.s32 @!p1 $0xFFFFFFD8  }
0x1ea: {  	_ =	swait.ge @!p1 [sflag:s8], $0x28  }
0x1eb: {  	[sflag:s8] =	ssyncset.done @!p1 $0x0  }
0x1ec: {  	[sflag:s8] =	ssyncadd.s32 @!p1 $0xFFFFFFD8  }
0x1ed: {  	_ =	swait.ge @!p1 [sflag:s8], $0x28  }
0x1ee: {  	[sflag:s8] =	ssyncset.done @!p1 $0x0  }
0x1ef: {  	s6 =	simm.s32 @!p1 $0x6;
	[sflag:s8] =	ssyncadd.s32 @!p1 $0xFFFFFFD8  }
0x1f0: {  	_ =	swait.ge @!p1 [sflag:s6], $0x1400  }
0x1f1: {  	[sflag:s6] =	ssyncset.done @!p1 $0x0  }
0x1f2: {  	s8 =	simm.s32 @!p1 $0x28;
	[sflag:s6] =	ssyncadd.s32 @!p1 $0xFFFFEC00;
	s6 =	simm.s32 @!p1 $0x700  }
0x1f3: {  	[tilespmem:s6], [sflag:$0x1] =	stream.indirect.gather @!p1 [hbm4b:s4+s8], $0x80, s5, s8, $0xb8;
	[tilespmem:$0x1A380] =	vst v63  }
0x1f4: {  	s5 =	simm.s32 @!p1 $0x7  }
0x1f5: {  	_ =	swait.ge @!p1 [sflag:s5], $0x1400  }
0x1f6: {  	[sflag:s5] =	ssyncset.done @!p1 $0x0  }
0x1f7: {  	s6 =	simm.s32 @!p1 $0x1B00;
	[sflag:s5] =	ssyncadd.s32 @!p1 $0xFFFFEC00;
	s5 =	simm.s32 @!p1 $0x8  }
0x1f8: {  	[tilespmem:s6], [sflag:$0x2] =	stream.indirect.gather @!p1 [hbm4b:s4+s8], $0x80, s8, s8, $0xb8;
	[tilespmem:$0x1A380] =	vst v63  }
0x1f9: {  	_ =	swait.ge @!p1 [sflag:s5], $0x1400  }
0x1fa: {  	[sflag:s5] =	ssyncset.done @!p1 $0x0  }
0x1fb: {  	s6 =	simm.s32 @!p1 $0x50;
	[sflag:s5] =	ssyncadd.s32 @!p1 $0xFFFFEC00;
	s5 =	simm.s32 @!p1 $0x2F00  }
0x1fc: {  	[tilespmem:s5], [sflag:$0x3] =	stream.indirect.gather @!p1 [hbm4b:s4+s8], $0x80, s6, s8, $0xb8;
	[tilespmem:$0x1A380] =	vst v63  }
0x1fd: {  	s5 =	simm.s32 @!p1 $0x9  }
0x1fe: {  	_ =	swait.ge @!p1 [sflag:s5], $0x1400  }
0x1ff: {  	[sflag:s5] =	ssyncset.done @!p1 $0x0  }
0x200: {  	s6 =	simm.s32 @!p1 $0x4300;
	[sflag:s5] =	ssyncadd.s32 @!p1 $0xFFFFEC00;
	s5 =	simm.s32 @!p1 $0x78  }
0x201: {  	[tilespmem:s6], [sflag:$0x4] =	stream.indirect.gather @!p1 [hbm4b:s4+s8], $0x80, s5, s8, $0xb8;
	[tilespmem:$0x1A380] =	vst v63  }
0x202: {  	s5 =	simm.s32 @!p1 $0xA  }
0x203: {  	_ =	swait.ge @!p1 [sflag:s5], $0x1400  }
0x204: {  	[sflag:s5] =	ssyncset.done @!p1 $0x0  }
0x205: {  	s6 =	simm.s32 @!p1 $0x5700;
	[sflag:s5] =	ssyncadd.s32 @!p1 $0xFFFFEC00;
	s5 =	simm.s32 @!p1 $0xA0  }
0x206: {  	[tilespmem:s6], [sflag:$0x5] =	stream.indirect.gather @!p1 [hbm4b:s4+s8], $0x80, s5, s8, $0xb8;
	[tilespmem:$0x1A380] =	vst v63  }
0x207: {  	_ =	swait.ge [sflag:s22], $0x1400  }
0x208: {  	[sflag:s22] =	ssyncset.done $0x0  }
0x209: {  	[sflag:s22] =	ssyncadd.s32 $0xFFFFEC00  }
0x20a: {  	_ =	swait.ge [sflag:s25], $0x1400  }
0x20b: {  	[sflag:s25] =	ssyncset.done $0x0  }
0x20c: {  	[sflag:s25] =	ssyncadd.s32 $0xFFFFEC00  }
0x20d: {  	_ =	swait.ge [sflag:s26], $0x1400  }
0x20e: {  	[sflag:s26] =	ssyncset.done $0x0  }
0x20f: {  	[sflag:s26] =	ssyncadd.s32 $0xFFFFEC00  }
0x210: {  	_ =	swait.ge [sflag:s29], $0x1400  }
0x211: {  	[sflag:s29] =	ssyncset.done $0x0  }
0x212: {  	[sflag:s29] =	ssyncadd.s32 $0xFFFFEC00  }
0x213: {  	_ =	swait.ge [sflag:s30], $0x1400  }
0x214: {  	[sflag:s30] =	ssyncset.done $0x0  }
0x215: {  	[sflag:s30] =	ssyncadd.s32 $0xFFFFEC00  }
0x216: {  	[bflag:$0x0] =	sbarrier.arrive $0xFFFF  }
0x217: {  	s0 =	sld [smem:$0x7FB];
	_ =	sdelay $0x1  }
0x218: {  	s5 =	simm.s32 @p0 $0x1FCF;
	s6 =	rddreg [dreg:$0x1d]  }
0x219: {  	[hbm:s6], [sflag:s5] =	dma.local @p0 [spmem:s0], $0x2800  }
0x21a: {  	s5 =	simm.s32 @p0 $0xF  }
0x21b: {  	_ =	swait.ge @p0 [sflag:s5], $0x2800  }
0x21c: {  	s0 =	sld [smem:$0x7FC]  }
0x21d: {  	s2 =	sld [smem:$0x7FD]  }
0x21e: {  	[sflag:s5] =	ssyncset.done @p0 $0x0  }
0x21f: {  	[sflag:s5] =	ssyncadd.s32 @p0 $0xFFFFD800;
	s5 =	rddreg [dreg:$0x1c]  }
0x220: {  	[hbm:s5], [sflag:s0] =	dma.local @!p0 [spmem:s2], $0x2700  }
0x221: {  	s5 =	simm.s32 @!p0 $0xF  }
0x222: {  	_ =	swait.ge @!p0 [sflag:s5], $0x2700  }
0x223: {  	s29 =	sld [smem:$0x7FA];
	_ =	sdelay $0x2  }
0x224: {  	s30 =	rddreg [dreg:$0x1e];
	s0 =	sadd.s32 $0x1, s29  }
0x225: {  	p1 =	sne.s32 s0, s30  }
.Ltmp1:
0x226: {  	_ = 	snop;
	(pc) =	sbr.rel @p1 .LBB2_1-.Ltmp1, $3  }
0x227: {  	_ =	sdelay $0x1  }
0x228: {  	[sflag:s5] =	ssyncset.done @!p0 $0x0  }
0x229: {  	[sflag:s5] =	ssyncadd.s32 @!p0 $0xFFFFD900  }
0x22a: {  	_ =	sfence.sel $0x180000  }
0x22b: {  	[bflag:$0x0] =	sbarrier.arrive $0xFFFF  }
0x22c: {  	_ =	strace $0x9000004A  }
0x22d: {  	s0 =	stileid.u32;
	[bflag:$0x2] =	sbarrier.arrive $0xFFFF  }
0x22e: {  	p0 =	sne.s32 s0, $0x0;
	s0 =	rddreg [dreg:$0x2]  }
0x22f: {  	s0 =	sadd.s32 @!p0 $0x100000, s0  }
0x230: {  	[sflag:s0] =	ssyncadd.tile.s32 @!p0 $0x1;
	_ =	shalt  }
.Lfunc_end2:
_tile_overlayer_lowered:
.L_overlay_start_2:
0x231: {  	(tag) =	ssettag $0x2  }
0x232: {  	s0 =	rddreg [dreg:$0x0];
	s2 =	stileid.u32  }
0x233: {  	s1 =	rddreg [dreg:$0x1];
	p0 =	sne.s32 s2, $0x0  }
0x234: {  	s3 =	rddreg [dreg:$0x2];
	[bflag:$0x3] =	sbarrier.arrive $0xFFFF;
	s2 =	simm.s32 @!p0 $0x1C0F  }
0x235: {  	[timem:s3], [sflag:s2] =	dma.local @!p0 [hbm:s0], s1  }
0x236: {  	s0 =	simm.s32 @!p0 $0xF  }
0x237: {  	_ =	swait.ge @!p0 [sflag:s0], s1  }
0x238: {  	s1 =	ssub.s32 @!p0 $0x0, s1;
	[sflag:s0] =	ssyncset.done @!p0 $0x0  }
0x239: {  	[sflag:s0] =	ssyncadd.s32 @!p0 s1  }
0x23a: {  	[bflag:$0x3] =	sbarrier.arrive $0xFFFF  }
0x23b: {  	_ =	shalt  }

// kernel: kernel.16.cloned.1.call-start
scs
__scs_entry_jumppad:
0x0: {  	(pc) =	sbr.rel $0x88, $3  }
0x1: {  	(tag) =	ssettag $0x0;
	lr =	simm.s32 $0x1  }
0x2: {  	[smem:$0x3F85] =	sst lr;
	_ =	strace $0xD0000000  }
0x3: {  	_ = 	snop  }
0x4: {  	_ = 	snop  }
0x5: {  	_ = 	snop  }
0x6: {  	_ = 	snop  }
0x7: {  	_ = 	snop  }
__scs_overlays_trampoline_lowered:
0x8: {  	[smem:$0x3F94] =	sst s0  }
0x9: {  	[smem:$0x3F95] =	sst s1  }
0xa: {  	[smem:$0x3F96] =	sst s2  }
0xb: {  	[smem:$0x3F97] =	sst s3  }
0xc: {  	[smem:$0x3F98] =	sst s4  }
0xd: {  	[smem:$0x3F99] =	sst s5  }
0xe: {  	[smem:$0x3F9A] =	sst s6  }
0xf: {  	[smem:$0x3F9B] =	sst s7  }
0x10: {  	[smem:$0x3F9C] =	sst s8  }
0x11: {  	[smem:$0x3F9D] =	sst s9;
	s0 =	simm.s32 @!p0 $0x0  }
0x12: {  	s1 =	sld [smem:$0x3F83];
	s0 =	simm.s32 @p0 $0x1  }
0x13: {  	[smem:$0x3F9E] =	sst s0;
	s0 =	simm.s32 @!p1 $0x0  }
0x14: {  	s2 =	sld [smem:$0x3F82];
	s0 =	simm.s32 @p1 $0x1  }
0x15: {  	[smem:$0x3F9F] =	sst s0;
	s0 =	simm.s32 @!p2 $0x0  }
0x16: {  	s3 =	sld [smem:$0x3FDB];
	s0 =	simm.s32 @p2 $0x1  }
0x17: {  	s4 =	simm.s32 $0x1BF5;
	[smem:$0x3FA1] =	sst s0  }
0x18: {  	s0 =	sld [smem:$0x3F84];
	_ =	swait.ge [sflag:s4], $0x0  }
0x19: {  	s7 =	sld [smem:$0x3F85]  }
0x1a: {  	s8 =	sadd.s32 $0xFFFFE003, lr  }
0x1b: {  	s9 =	sadd.s32 $0xFFFFFEF7, lr;
	s5 =	simm.s32 $0xFFFFFFFF;
	p2 =	slt.u32 s8, $0xFFFFF086  }
0x1c: {  	p1 =	slt.u32 s9, $0xF7A;
	s5 =	simm.s32 @!p2 $0x0  }
0x1d: {  	s5 =	simm.s32 @p1 $0x1;
	p0 =	seq.s32 s7, s2  }
0x1e: {  	s7 =	smul.u32 @!p0 $0xF7A, s2;
	p2 =	seq.s32 @!p0 s5, $0x0  }
0x1f: {  	s9 =	smul.u32 $0xF7A, s1;
	s8 =	simm.s32 @!p0 $0x1BF5;
	p2 =	por !p2, p0  }
0x20: {  	[sflag:s8] =	ssyncset.s32 @!p0 $0xFFFFF086;
	s6 =	sadd.s32 @!p0 s3, s7;
	s7 =	simm.s32 @!p0 $0x108  }
0x21: {  	s3 =	sadd.s32 s3, s9;
	s6 =	sadd.s32 @!p0 $0x88, s6;
	s7 =	simm.s32 @p2 $0x1082  }
0x22: {  	[simem:s7], [sflag:s8] =	dma.local @!p0 [hbm:s6], $0xF7A  }
0x23: {  	s9 =	sor.u32 $0xD0000000, s2;
	s6 =	simm.s32 $0x108;
	_ =	swait.ge @!p0 [sflag:s8], $0x0  }
0x24: {  	s3 =	sadd.s32 $0x88, s3;
	s6 =	simm.s32 @!p1 $0x1082;
	[sflag:s4] =	ssyncset.s32 $0xFFFFF086  }
0x25: {  	[simem:s6], [sflag:s4] =	dma.local [hbm:s3], $0xF7A  }
0x26: {  	[smem:$0x3F85] =	sst s1;
	(tag) =	ssettag s2;
	_ =	strace s9  }
0x27: {  	s1 =	sld [smem:$0x3F95]  }
0x28: {  	s2 =	sld [smem:$0x3F96]  }
0x29: {  	s4 =	sld [smem:$0x3F98]  }
0x2a: {  	p0 =	seq.s32 s5, $0x0;
	s5 =	sld [smem:$0x3F99]  }
0x2b: {  	s6 =	sld [smem:$0x3F9A]  }
0x2c: {  	s7 =	sld [smem:$0x3F9B]  }
0x2d: {  	s3 =	simm.s32 $0x108;
	s8 =	sld [smem:$0x3F9C]  }
0x2e: {  	s3 =	simm.s32 @!p0 $0x1082;
	s9 =	sld [smem:$0x3F9D]  }
0x2f: {  	lr =	sadd.s32 s0, s3;
	s0 =	sld [smem:$0x3F94]  }
0x30: {  	s3 =	sld [smem:$0x3F97]  }
0x31: {  	[smem:$0x3FA0] =	sst s10  }
0x32: {  	s10 =	sld [smem:$0x3F9E];
	_ =	sdelay $0x3  }
0x33: {  	p0 =	seq.s32 s10, $0x1;
	s10 =	sld [smem:$0x3FA0];
	_ =	sdelay $0x3  }
0x34: {  	[smem:$0x3FA0] =	sst s10  }
0x35: {  	s10 =	sld [smem:$0x3F9F];
	_ =	sdelay $0x3  }
0x36: {  	p1 =	seq.s32 s10, $0x1;
	s10 =	sld [smem:$0x3FA0];
	_ =	sdelay $0x3  }
0x37: {  	[smem:$0x3FA0] =	sst s10  }
0x38: {  	s10 =	sld [smem:$0x3FA1]  }
0x39: {  	_ = 	snop;
	(pc) =	sbr.ind lr, $3  }
0x3a: {  	_ = 	snop  }
0x3b: {  	_ = 	snop  }
0x3c: {  	p2 =	seq.s32 s10, $0x1;
	s10 =	sld [smem:$0x3FA0]  }
0x3d: {  	_ =	shalt  }
0x3e: {  	_ =	shalt  }
0x3f: {  	_ =	shalt  }
0x40: {  	_ =	shalt  }
0x41: {  	_ =	shalt  }
0x42: {  	_ =	shalt  }
0x43: {  	_ =	shalt  }
0x44: {  	_ =	shalt  }
0x45: {  	_ =	shalt  }
0x46: {  	_ =	shalt  }
0x47: {  	_ =	shalt  }
0x48: {  	_ =	shalt  }
0x49: {  	_ =	shalt  }
0x4a: {  	_ =	shalt  }
0x4b: {  	_ =	shalt  }
0x4c: {  	_ =	shalt  }
0x4d: {  	_ =	shalt  }
0x4e: {  	_ =	shalt  }
0x4f: {  	_ =	shalt  }
0x50: {  	_ =	shalt  }
0x51: {  	_ =	shalt  }
0x52: {  	_ =	shalt  }
0x53: {  	_ =	shalt  }
0x54: {  	_ =	shalt  }
0x55: {  	_ =	shalt  }
0x56: {  	_ =	shalt  }
0x57: {  	_ =	shalt  }
0x58: {  	_ =	shalt  }
0x59: {  	_ =	shalt  }
0x5a: {  	_ =	shalt  }
0x5b: {  	_ =	shalt  }
0x5c: {  	_ =	shalt  }
0x5d: {  	_ =	shalt  }
0x5e: {  	_ =	shalt  }
0x5f: {  	_ =	shalt  }
0x60: {  	_ =	shalt  }
0x61: {  	_ =	shalt  }
0x62: {  	_ =	shalt  }
0x63: {  	_ =	shalt  }
0x64: {  	_ =	shalt  }
0x65: {  	_ =	shalt  }
0x66: {  	_ =	shalt  }
0x67: {  	_ =	shalt  }
0x68: {  	_ =	shalt  }
0x69: {  	_ =	shalt  }
0x6a: {  	_ =	shalt  }
0x6b: {  	_ =	shalt  }
0x6c: {  	_ =	shalt  }
0x6d: {  	_ =	shalt  }
0x6e: {  	_ =	shalt  }
0x6f: {  	_ =	shalt  }
0x70: {  	_ =	shalt  }
0x71: {  	_ =	shalt  }
0x72: {  	_ =	shalt  }
0x73: {  	_ =	shalt  }
0x74: {  	_ =	shalt  }
0x75: {  	_ =	shalt  }
0x76: {  	_ =	shalt  }
0x77: {  	_ =	shalt  }
0x78: {  	_ =	shalt  }
0x79: {  	_ =	shalt  }
0x7a: {  	_ =	shalt  }
0x7b: {  	_ =	shalt  }
0x7c: {  	_ =	shalt  }
0x7d: {  	_ =	shalt  }
0x7e: {  	_ =	shalt  }
0x7f: {  	_ =	shalt  }
0x80: {  	_ =	shalt  }
0x81: {  	_ =	shalt  }
0x82: {  	_ =	shalt  }
0x83: {  	_ =	shalt  }
0x84: {  	_ =	shalt  }
0x85: {  	_ =	shalt  }
0x86: {  	_ =	shalt  }
0x87: {  	_ =	shalt  }
.Lfunc_end0:
.L_simem_size_0:
called_computation.2_lowered:
.L_overlay_start_0:
0x88: {  	s2 =	sld [smem:$0x3FD9]  }
0x89: {  	s3 =	sld [smem:$0x3FFE];
	_ =	sdelay $0x1  }
0x8a: {  	s1 =	srdreg.scid  }
0x8b: {  	s0 =	sand.u32 $0x1, s1  }
0x8c: {  	s17 =	sshll.u32 s0, $0xA;
	s2 =	sadd.s32 s3, s2  }
0x8d: {  	s2 =	sadd.s32 s2, s17  }
0x8e: {  	[smem:$0x3FAC] =	sst s2  }
0x8f: {  	_ = 	snop  }
0x90: {  	s2 =	sld [smem:$0x3FD0];
	(tm) =	ssettm $0x1  }
0x91: {  	s18 =	sld [smem:$0x3FFB];
	_ =	sdelay $0x3  }
0x92: {  	_ =	strace s18  }
0x93: {  	s3 =	sld [smem:$0x3FFC];
	_ =	sdelay $0x3  }
0x94: {  	_ =	strace s3  }
0x95: {  	s3 =	sld [smem:$0x3FFD];
	_ =	sdelay $0x3  }
0x96: {  	_ =	strace s3  }
0x97: {  	_ =	strace $0x8FFFFFFF  }
0x98: {  	s19 =	sld [smem:$0x3FDB];
	_ =	sdelay $0x1  }
0x99: {  	s4 =	simm.s32 $_scs_section_size  }
0x9a: {  	s5 =	simm.s32 $_size__tile_overlayer_lowered;
	s6 =	simm.s32 $_tile_overlayer_lowered  }
0x9b: {  	s22 =	simm.s32 $0x1BFF;
	s21 =	sshll.u32 s6, $0x1;
	s3 =	sadd.s32 s4, s19  }
0x9c: {  	s7 =	simm.s32 $0x0;
	s20 =	sshll.u32 s5, $0x1;
	s5 =	sadd.s32 s21, s3  }
0x9d: {  	[timem:s7], [sflag:s22] =	dma.local [hbm:s5], s20  }
0x9e: {  	_ =	swait.ge [sflag:s22], s20  }
0x9f: {  	s4 =	ssub.s32 $0x0, s20;
	[sflag:s22] =	ssyncset.done $0x0  }
0xa0: {  	[sflag:s22] =	ssyncadd.s32 s4;
	_ =	sdelay $0x1  }
0xa1: {  	s23 =	simm.s32 $0x1B8B  }
0xa2: {  	_ =	swait.ge [sflag:s23], $0x1  }
0xa3: {  	[sflag:s23] =	ssyncset.done $0x0  }
0xa4: {  	s25 =	simm.s32 $0x1B8E;
	s24 =	sld [smem:$0x3FFE];
	[sflag:s23] =	ssyncadd.s32 $0xFFFFFFFF  }
0xa5: {  	s26 =	simm.s32 $execute0_lowered;
	[smem:$0x3FD2] =	sst s25  }
0xa6: {  	s5 =	sshll.u32 s26, $0x1;
	_ =	strace $0x8000004C;
	[dreg:$0x1] =	wrdreg $0xFFFFFFFF  }
0xa7: {  	s28 =	simm.s32 $_size_execute0_lowered;
	s3 =	sadd.s32 s3, s5;
	[dreg:$0x0] =	wrdreg $0x0  }
0xa8: {  	s5 =	sshll.u32 s28, $0x1;
	[dreg:$0x2] =	wrdreg s3  }
0xa9: {  	[dreg:$0x3] =	wrdreg s5  }
0xaa: {  	[dreg:$0x4] =	wrdreg $0xC0  }
0xab: {  	_ =	task [dreg:s7], $0x5FFFF  }
0xac: {  	[dreg:$0x1] =	wrdreg $0xFFFFFFFF  }
0xad: {  	[dreg:$0x0] =	wrdreg $0x60  }
0xae: {  	[dreg:$0x2] =	wrdreg s2  }
0xaf: {  	[dreg:$0x3] =	wrdreg s24  }
0xb0: {  	[dreg:$0x4] =	wrdreg $0x6B000  }
0xb1: {  	[dreg:$0x5] =	wrdreg $0x9  }
0xb2: {  	_ =	task.clear_ibuf [dreg:s7], $0x6FFFF;
	_ =	strace $0x9000004C  }
0xb3: {  	s29 =	simm.s32 $0x9;
	_ =	strace $0x8000004E  }
0xb4: {  	_ =	swait.ge [sflag:s29], $0x1  }
0xb5: {  	[sflag:s29] =	ssyncadd.s32 $0xFFFFFFFF  }
0xb6: {  	_ =	strace $0x9000004E  }
0xb7: {  	_ =	sfence  }
0xb8: {  	s30 =	sld [smem:$0x0];
	_ =	sdelay $0x2  }
0xb9: {  	s31 =	sshll.u32 s1, $0xD;
	s1 =	sshrl.u32 s1, $0x2  }
0xba: {  	s3 =	sand.u32 $0x4000, s31;
	s1 =	sadd.s32 s1, s30  }
0xbb: {  	s0 =	sor.u32 s3, s0;
	s1 =	sshll.u32 s1, $0x11  }
0xbc: {  	s0 =	sor.u32 s1, s0  }
0xbd: {  	s0 =	sadd.s32 $0x8F2B, s0  }
0xbe: {  	[sflag:s0] =	ssyncadd.remote.s32 $0x1  }
0xbf: {  	_ =	sfence.sel $0xFFFF  }
0xc0: {  	[dreg:$0x0] =	wrdreg $0xFFFFFFFF;
	(pc) =	sbr.abs _section_cstart, $3  }
0xc1: {  	[dreg:$0x1] =	wrdreg $0xFFFFFFFF  }
0xc2: {  	_ =	task.clear_ibuf [dreg:s7], $0x2FFFF;
	_ =	strace $0x9FFFFFFF  }
0xc3: {  	(tm) =	ssettm $0x7FFFFFFF  }
tec
execute0_lowered:
.L_overlay_start_1:
0x0: {  	(tag) =	ssettag $0x1  }
0x1: {  	s1 =	rddreg [dreg:$0x0]  }
0x2: {  	s0 =	rddreg [dreg:$0x1]  }
0x3: {  	s2 =	rddreg [dreg:$0x2];
	s3 =	simm.s32 $0x0  }
0x4: {  	s4 =	srdreg.scid;
	s11 =	stileid.u32;
	s28 =	simm.s32 $0x28  }
0x5: {  	s31 =	simm.s32 $0x1B00;
	[smem:$0x7FF] =	sst s3;
	s12 =	sadd.s32 $0x6600, s0  }
0x6: {  	s13 =	sadd.s32 $0x10400, s0;
	s4 =	sand.u32 $0x1, s4;
	s7 =	smul.u32 $0x4E000, s11  }
0x7: {  	s5 =	sshll.u32 s11, $0x1;
	s8 =	sadd.s32 $0x1A200, s0;
	s16 =	smul.u32 $0x13800, s11  }
0x8: {  	s0 =	sadd.s32 $0xC0E00, s0;
	s10 =	sadd.s32 $0x124800, s2;
	s18 =	smul.u32 $0x4E20, s11  }
0x9: {  	p0 =	seq.s32 s11, $0xF;
	_ =	strace $0x8000004D;
	[dreg:$0x14] =	wrdreg s8  }
0xa: {  	s6 =	ssub.s32 $0x2, s4;
	s5 =	sor.u32 s4, s5;
	[dreg:$0x16] =	wrdreg s10  }
0xb: {  	[dreg:$0x12] =	wrdreg s12;
	s9 =	sshrl.u32 s6, $0x1;
	s5 =	smul.u32 $0x2710, s5  }
0xc: {  	s7 =	sshrl.u32 s7, $0x2;
	s6 =	ssub.s32 s6, s9;
	s9 =	smul.u32 $0x138800, s4  }
0xd: {  	[dreg:$0x13] =	wrdreg s13;
	s7 =	sadd.s32 s7, s2;
	s4 =	smul.u32 $0x2710, s4  }
0xe: {  	s14 =	sadd.s32 $0x28, s5;
	s15 =	sadd.s32 $0x78, s5;
	s5 =	sshrl.u32 s5, $0x3  }
0xf: {  	[dreg:$0x15] =	wrdreg s7;
	s6 =	smax.u32 s6, $0x1;
	s10 =	sadd.s32 s12, s5  }
0x10: {  	s7 =	sshrl.u32 s14, $0x3;
	s14 =	sadd.s32 s13, s5;
	s20 =	sshrl.u32 s15, $0x3  }
0x11: {  	s22 =	sadd.s32 s16, s9;
	s23 =	sshrl.u32 s9, $0x3;
	[dreg:$0x1f] =	wrdreg s6  }
0x12: {  	s4 =	sadd.s32 s4, s18;
	[dreg:$0x17] =	wrdreg s10;
	s17 =	sadd.s32 s13, s7  }
0x13: {  	s19 =	sadd.s32 $0xA, s14;
	s7 =	sadd.s32 s13, s20;
	[dreg:$0x18] =	wrdreg s14  }
0x14: {  	s21 =	sadd.s32 $0x14, s14;
	s25 =	sadd.s32 $0x230, s4;
	[dreg:$0x19] =	wrdreg s17  }
0x15: {  	s29 =	sadd.s32 $0x208, s4;
	s3 =	sadd.s32 $0x1E0, s4;
	[dreg:$0x1a] =	wrdreg s19  }
0x16: {  	s6 =	sadd.s32 $0x1B8, s4;
	s14 =	sadd.s32 $0x168, s4;
	[dreg:$0x1b] =	wrdreg s7  }
0x17: {  	s18 =	sadd.s32 $0x140, s4;
	s20 =	sadd.s32 $0x118, s4;
	[dreg:$0x1c] =	wrdreg s21  }
0x18: {  	s7 =	sshrl.u32 s22, $0x3;
	s26 =	sshrl.u32 s25, $0x3;
	s25 =	simm.s32 $0x128  }
0x19: {  	s5 =	sshrl.u32 s29, $0x3;
	s29 =	simm.s32 $0x178;
	[dreg:$0xe] =	wrdreg s25  }
0x1a: {  	s16 =	sshrl.u32 s14, $0x3;
	s24 =	sadd.s32 s0, s7;
	[dreg:$0x10] =	wrdreg s29  }
0x1b: {  	s21 =	sadd.s32 $0xF0, s4;
	s30 =	sadd.s32 s5, s13;
	[dreg:$0x1d] =	wrdreg s24  }
0x1c: {  	s0 =	sadd.s32 s0, s23;
	s17 =	sadd.s32 s16, s13;
	[dreg:$0x5] =	wrdreg s30  }
0x1d: {  	s7 =	sadd.s32 $0xC8, s4;
	s4 =	sadd.s32 $0x190, s4;
	[dreg:$0xa] =	wrdreg s17  }
0x1e: {  	s23 =	sshrl.u32 s21, $0x3;
	s0 =	sadd.s32 $0x24900, s0;
	[smem:$0x7FD] =	sst s4  }
0x1f: {  	s11 =	simm.s32 $0x5;
	s24 =	sadd.s32 s23, s13;
	[dreg:$0x1e] =	wrdreg s0  }
0x20: {  	s19 =	sshrl.u32 s18, $0x3;
	s30 =	simm.s32 $0x1A0;
	[dreg:$0xd] =	wrdreg s24  }
0x21: {  	s9 =	sshrl.u32 s7, $0x3;
	s0 =	sadd.s32 s26, s13;
	[dreg:$0x11] =	wrdreg s30  }
0x22: {  	s18 =	simm.s32 $0x4;
	s10 =	sadd.s32 s9, s13;
	[dreg:$0x4] =	wrdreg s0  }
0x23: {  	s5 =	sshrl.u32 s3, $0x3;
	s15 =	sadd.s32 s9, s12;
	[dreg:$0x8] =	wrdreg s10  }
0x24: {  	s16 =	simm.s32 $0x2;
	s26 =	simm.s32 $0x150;
	[dreg:$0x9] =	wrdreg s15  }
0x25: {  	s0 =	sadd.s32 s5, s13;
	s5 =	sshrl.u32 s6, $0x3;
	[dreg:$0xf] =	wrdreg s26  }
0x26: {  	s17 =	simm.s32 $0x3;
	[dreg:$0x6] =	wrdreg s0;
	s8 =	sadd.s32 s5, s13  }
0x27: {  	s0 =	sadd.s32 s19, s13;
	s5 =	sshrl.u32 s20, $0x3;
	[dreg:$0x7] =	wrdreg s8  }
0x28: {  	s7 =	simm.s32 $0xE;
	[dreg:$0xb] =	wrdreg s0;
	s22 =	sadd.s32 s5, s13  }
0x29: {  	s15 =	simm.s32 $0x1;
	s0 =	simm.s32 $0x0;
	[dreg:$0xc] =	wrdreg s22  }
.LBB2_1:
0x2a: {  	[smem:$0x7F9] =	sst s0  }
0x2b: {  	s5 =	rddreg [dreg:$0x16]  }
0x2c: {  	s8 =	rddreg [dreg:$0x14];
	s0 =	sshrl.u32 @p0 s5, $0x3  }
0x2d: {  	s5 =	simm.s32 @p0 $0x1FCF;
	[smem:$0x7FA] =	sst s0  }
0x2e: {  	[spmem:s0], [sflag:s5] =	dma.local @p0 [hbm:s8], $0x2800  }
0x2f: {  	s5 =	simm.s32 @p0 $0xF  }
0x30: {  	s6 =	stileid.u32;
	_ =	swait.ge @p0 [sflag:s5], $0x2800  }
0x31: {  	s6 =	sshll.u32 @!p0 s6, $0x6;
	[sflag:s5] =	ssyncset.done @p0 $0x0  }
0x32: {  	s0 =	sor.u32 @!p0 $0x1C0F, s6;
	[sflag:s5] =	ssyncadd.s32 @p0 $0xFFFFD800;
	s5 =	rddreg [dreg:$0x15]  }
0x33: {  	[smem:$0x7FB] =	sst s0;
	s3 =	sshrl.u32 @!p0 s5, $0x3  }
0x34: {  	s5 =	simm.s32 @!p0 $0xF;
	[smem:$0x7FC] =	sst s3  }
0x35: {  	[spmem:s3], [sflag:s0] =	dma.local @!p0 [hbm:s8], $0x2700  }
0x36: {  	_ =	swait.ge @!p0 [sflag:s5], $0x2700  }
0x37: {  	[sflag:s5] =	ssyncset.done @!p0 $0x0  }
0x38: {  	s29 =	simm.s32 $0x0;
	s21 =	rddreg [dreg:$0x17];
	[sflag:s5] =	ssyncadd.s32 @!p0 $0xFFFFD900  }
0x39: {  	[tilespmem:s29], [sflag:$0xB] =	stream.linear.gather [hbm4b:s21+s29], $0xC8, $0x38;
	[tilespmem:$0x1A380] =	vst v63  }
0x3a: {  	s9 =	simm.s32 $0x200;
	s22 =	rddreg [dreg:$0x18]  }
0x3b: {  	[tilespmem:s9], [sflag:$0xD] =	stream.linear.gather [hbm4b:s22+s29], $0x28, $0x38;
	[tilespmem:$0x1A380] =	vst v63  }
0x3c: {  	s10 =	simm.s32 $0x280;
	s23 =	rddreg [dreg:$0x19]  }
0x3d: {  	[tilespmem:s10], [sflag:$0xD] =	stream.linear.gather [hbm4b:s23+s29], $0x28, $0x38;
	[tilespmem:$0x1A380] =	vst v63  }
0x3e: {  	s12 =	simm.s32 $0x300;
	s24 =	rddreg [dreg:$0x1a]  }
0x3f: {  	[tilespmem:s12], [sflag:$0xD] =	stream.linear.gather [hbm4b:s24+s29], $0x28, $0x38;
	[tilespmem:$0x1A380] =	vst v63  }
0x40: {  	s13 =	simm.s32 $0x380;
	s25 =	rddreg [dreg:$0x1b]  }
0x41: {  	[tilespmem:s13], [sflag:$0xD] =	stream.linear.gather [hbm4b:s25+s29], $0x28, $0x38;
	[tilespmem:$0x1A380] =	vst v63  }
0x42: {  	s14 =	simm.s32 $0x400;
	s30 =	simm.s32 $0xB;
	s26 =	rddreg [dreg:$0x1c]  }
0x43: {  	[tilespmem:s14], [sflag:$0xD] =	stream.linear.gather [hbm4b:s26+s29], $0x28, $0x38;
	[tilespmem:$0x1A380] =	vst v63  }
0x44: {  	_ =	swait.ge [sflag:s30], $0xC8  }
0x45: {  	[sflag:s30] =	ssyncset.done $0x0  }
0x46: {  	s0 =	simm.s32 $0xD;
	[sflag:s30] =	ssyncadd.s32 $0xFFFFFF38  }
0x47: {  	_ =	swait.ge [sflag:s0], $0x28  }
0x48: {  	[sflag:s0] =	ssyncset.done $0x0  }
0x49: {  	[sflag:s0] =	ssyncadd.s32 $0xFFFFFFD8  }
0x4a: {  	_ =	swait.ge [sflag:s0], $0x28  }
0x4b: {  	[sflag:s0] =	ssyncset.done $0x0  }
0x4c: {  	[sflag:s0] =	ssyncadd.s32 $0xFFFFFFD8  }
0x4d: {  	_ =	swait.ge [sflag:s0], $0x28  }
0x4e: {  	[sflag:s0] =	ssyncset.done $0x0  }
0x4f: {  	[sflag:s0] =	ssyncadd.s32 $0xFFFFFFD8  }
0x50: {  	_ =	swait.ge [sflag:s0], $0x28  }
0x51: {  	[sflag:s0] =	ssyncset.done $0x0  }
0x52: {  	[sflag:s0] =	ssyncadd.s32 $0xFFFFFFD8  }
0x53: {  	_ =	swait.ge [sflag:s0], $0x28  }
0x54: {  	[sflag:s0] =	ssyncset.done $0x0  }
0x55: {  	[sflag:s0] =	ssyncadd.s32 $0xFFFFFFD8  }
0x56: {  	s0 =	simm.s32 $0x700;
	[bflag:$0x0] =	sbarrier.arrive $0xFFFF  }
0x57: {  	[tilespmem:s0], [sflag:$0x1] =	stream.indirect.gather [hbm4b:s1+s28], $0x80, s29, s28, $0xb8;
	[tilespmem:$0x1A380] =	vst v63  }
0x58: {  	s23 =	simm.s32 $0x1B00  }
0x59: {  	[tilespmem:s23], [sflag:$0x2] =	stream.indirect.gather [hbm4b:s1+s28], $0x80, s28, s28, $0xb8;
	[tilespmem:$0x1A380] =	vst v63  }
0x5a: {  	s4 =	simm.s32 $0x2F00;
	s3 =	simm.s32 $0x50  }
0x5b: {  	[tilespmem:s4], [sflag:$0x3] =	stream.indirect.gather [hbm4b:s1+s28], $0x80, s3, s28, $0xb8;
	[tilespmem:$0x1A380] =	vst v63  }
0x5c: {  	s6 =	simm.s32 $0x78;
	s24 =	simm.s32 $0x4300  }
0x5d: {  	[tilespmem:s24], [sflag:$0x4] =	stream.indirect.gather [hbm4b:s1+s28], $0x80, s6, s28, $0xb8;
	[tilespmem:$0x1A380] =	vst v63  }
0x5e: {  	s20 =	simm.s32 $0xA0;
	s19 =	simm.s32 $0x5700;
	s8 =	rddreg [dreg:$0x9]  }
0x5f: {  	[tilespmem:s19], [sflag:$0x5] =	stream.indirect.gather [hbm4b:s1+s28], $0x80, s20, s28, $0xb8;
	[tilespmem:$0x1A380] =	vst v63  }
0x60: {  	s25 =	simm.s32 $0x100;
	s21 =	rddreg [dreg:$0x8];
	s5 =	sadd.s32 $0x0, s8  }
0x61: {  	[tilespmem:s25], [sflag:$0xC] =	stream.linear.gather [hbm4b:s5+s29], $0xC8, $0x38;
	[tilespmem:$0x1A380] =	vst v63  }
0x62: {  	s26 =	simm.s32 $0x480;
	s22 =	rddreg [dreg:$0xd];
	s30 =	sadd.s32 $0x0, s21  }
0x63: {  	[tilespmem:s26], [sflag:$0xE] =	stream.linear.gather [hbm4b:s30+s29], $0x28, $0x38;
	[tilespmem:$0x1A380] =	vst v63  }
0x64: {  	s21 =	sadd.s32 $0x0, s22;
	s3 =	rddreg [dreg:$0xc];
	s20 =	simm.s32 $0x500  }
0x65: {  	[tilespmem:s20], [sflag:$0xE] =	stream.linear.gather [hbm4b:s21+s29], $0x28, $0x38;
	[tilespmem:$0x1A380] =	vst v63  }
0x66: {  	s22 =	rddreg [dreg:$0xb];
	s30 =	sadd.s32 $0x0, s3;
	s21 =	simm.s32 $0x580  }
0x67: {  	[tilespmem:s21], [sflag:$0xE] =	stream.linear.gather [hbm4b:s30+s29], $0x28, $0x38;
	[tilespmem:$0x1A380] =	vst v63  }
0x68: {  	s8 =	sadd.s32 $0x0, s22;
	s22 =	simm.s32 $0x600;
	s3 =	rddreg [dreg:$0xa]  }
0x69: {  	[tilespmem:s22], [sflag:$0xE] =	stream.linear.gather [hbm4b:s8+s29], $0x28, $0x38;
	[tilespmem:$0x1A380] =	vst v63  }
0x6a: {  	s30 =	sadd.s32 $0x0, s3;
	s3 =	simm.s32 $0x680  }
0x6b: {  	[tilespmem:s3], [sflag:$0xE] =	stream.linear.gather [hbm4b:s30+s29], $0x28, $0x38;
	[tilespmem:$0x1A380] =	vst v63  }
0x6c: {  	_ =	swait.ge [sflag:s15], $0x1400  }
0x6d: {  	[sflag:s15] =	ssyncset.done $0x0  }
0x6e: {  	[sflag:s15] =	ssyncadd.s32 $0xFFFFEC00  }
0x6f: {  	[spmem:s2] =	stream.indirect.scatter.add.f32 [tilespmem:s0], [sflag:$0x6], $0x80, s9, s28, $0xb8;
	[tilespmem:$0x1A380] =	vst v63  }
0x70: {  	_ =	swait.ge [sflag:s16], $0x1400  }
0x71: {  	[sflag:s16] =	ssyncset.done $0x0  }
0x72: {  	[sflag:s16] =	ssyncadd.s32 $0xFFFFEC00  }
0x73: {  	[spmem:s2] =	stream.indirect.scatter.add.f32 [tilespmem:s23], [sflag:$0x7], $0x80, s10, s28, $0xb8;
	[tilespmem:$0x1A380] =	vst v63  }
0x74: {  	_ =	swait.ge [sflag:s17], $0x1400  }
0x75: {  	[sflag:s17] =	ssyncset.done $0x0  }
0x76: {  	[sflag:s17] =	ssyncadd.s32 $0xFFFFEC00  }
0x77: {  	[spmem:s2] =	stream.indirect.scatter.add.f32 [tilespmem:s4], [sflag:$0x8], $0x80, s12, s28, $0xb8;
	[tilespmem:$0x1A380] =	vst v63  }
0x78: {  	_ =	swait.ge [sflag:s18], $0x1400  }
0x79: {  	[sflag:s18] =	ssyncset.done $0x0  }
0x7a: {  	[sflag:s18] =	ssyncadd.s32 $0xFFFFEC00  }
0x7b: {  	[spmem:s2] =	stream.indirect.scatter.add.f32 [tilespmem:s24], [sflag:$0x9], $0x80, s13, s28, $0xb8;
	[tilespmem:$0x1A380] =	vst v63  }
0x7c: {  	_ =	swait.ge [sflag:s11], $0x1400  }
0x7d: {  	[sflag:s11] =	ssyncset.done $0x0  }
0x7e: {  	s6 =	simm.s32 $0xC;
	[sflag:s11] =	ssyncadd.s32 $0xFFFFEC00  }
0x7f: {  	[spmem:s2] =	stream.indirect.scatter.add.f32 [tilespmem:s19], [sflag:$0xA], $0x80, s14, s28, $0xb8;
	[tilespmem:$0x1A380] =	vst v63  }
0x80: {  	_ =	swait.ge [sflag:s6], $0xC8  }
0x81: {  	[sflag:s6] =	ssyncset.done $0x0  }
0x82: {  	[sflag:s6] =	ssyncadd.s32 $0xFFFFFF38  }
0x83: {  	_ =	swait.ge [sflag:s7], $0x28  }
0x84: {  	[sflag:s7] =	ssyncset.done $0x0  }
0x85: {  	[sflag:s7] =	ssyncadd.s32 $0xFFFFFFD8  }
0x86: {  	_ =	swait.ge [sflag:s7], $0x28  }
0x87: {  	[sflag:s7] =	ssyncset.done $0x0  }
0x88: {  	[sflag:s7] =	ssyncadd.s32 $0xFFFFFFD8  }
0x89: {  	_ =	swait.ge [sflag:s7], $0x28  }
0x8a: {  	[sflag:s7] =	ssyncset.done $0x0  }
0x8b: {  	[sflag:s7] =	ssyncadd.s32 $0xFFFFFFD8  }
0x8c: {  	_ =	swait.ge [sflag:s7], $0x28  }
0x8d: {  	[sflag:s7] =	ssyncset.done $0x0  }
0x8e: {  	[sflag:s7] =	ssyncadd.s32 $0xFFFFFFD8  }
0x8f: {  	_ =	swait.ge [sflag:s7], $0x28  }
0x90: {  	[sflag:s7] =	ssyncset.done $0x0  }
0x91: {  	s8 =	simm.s32 $0x6;
	[sflag:s7] =	ssyncadd.s32 $0xFFFFFFD8  }
0x92: {  	_ =	swait.ge [sflag:s8], $0x1400  }
0x93: {  	[sflag:s8] =	ssyncset.done $0x0  }
0x94: {  	s9 =	simm.s32 $0x7;
	[sflag:s8] =	ssyncadd.s32 $0xFFFFEC00  }
0x95: {  	[tilespmem:s0], [sflag:$0x1] =	stream.indirect.gather [hbm4b:s1+s28], $0x80, s25, s28, $0xb8;
	[tilespmem:$0x1A380] =	vst v63  }
0x96: {  	_ =	swait.ge [sflag:s9], $0x1400  }
0x97: {  	[sflag:s9] =	ssyncset.done $0x0  }
0x98: {  	s12 =	simm.s32 $0x8;
	s10 =	rddreg [dreg:$0xe];
	[sflag:s9] =	ssyncadd.s32 $0xFFFFEC00  }
0x99: {  	[tilespmem:s23], [sflag:$0x2] =	stream.indirect.gather [hbm4b:s1+s28], $0x80, s10, s28, $0xb8;
	[tilespmem:$0x1A380] =	vst v63  }
0x9a: {  	_ =	swait.ge [sflag:s12], $0x1400  }
0x9b: {  	[sflag:s12] =	ssyncset.done $0x0  }
0x9c: {  	s14 =	simm.s32 $0x9;
	s13 =	rddreg [dreg:$0xf];
	[sflag:s12] =	ssyncadd.s32 $0xFFFFEC00  }
0x9d: {  	[tilespmem:s4], [sflag:$0x3] =	stream.indirect.gather [hbm4b:s1+s28], $0x80, s13, s28, $0xb8;
	[tilespmem:$0x1A380] =	vst v63  }
0x9e: {  	_ =	swait.ge [sflag:s14], $0x1400  }
0x9f: {  	[sflag:s14] =	ssyncset.done $0x0  }
0xa0: {  	s29 =	simm.s32 $0xA;
	s25 =	rddreg [dreg:$0x10];
	[sflag:s14] =	ssyncadd.s32 $0xFFFFEC00  }
0xa1: {  	[tilespmem:s24], [sflag:$0x4] =	stream.indirect.gather [hbm4b:s1+s28], $0x80, s25, s28, $0xb8;
	[tilespmem:$0x1A380] =	vst v63  }
0xa2: {  	_ =	swait.ge [sflag:s29], $0x1400  }
0xa3: {  	[sflag:s29] =	ssyncset.done $0x0;
	s13 =	sld [smem:$0x7FD]  }
0xa4: {  	p2 =	por $0x0, $0x0;
	s30 =	rddreg [dreg:$0x11];
	[sflag:s29] =	ssyncadd.s32 $0xFFFFEC00  }
0xa5: {  	[tilespmem:s19], [sflag:$0x5] =	stream.indirect.gather [hbm4b:s1+s28], $0x80, s30, s28, $0xb8;
	[tilespmem:$0x1A380] =	vst v63  }
0xa6: {  	s9 =	rddreg [dreg:$0x12];
	s6 =	sshrl.u32 @!p2 s13, $0x3  }
0xa7: {  	s5 =	simm.s32 @!p2 $0x0;
	s10 =	rddreg [dreg:$0x13];
	s9 =	sadd.s32 @!p2 s9, s6  }
0xa8: {  	[tilespmem:s5], [sflag:$0xB] =	stream.linear.gather @!p2 [hbm4b:s9+s5], $0xC8, $0x38;
	[tilespmem:$0x1A380] =	vst v63  }
0xa9: {  	s8 =	rddreg [dreg:$0x7];
	s6 =	sadd.s32 @!p2 s10, s6;
	s10 =	simm.s32 @!p2 $0x200  }
0xaa: {  	[tilespmem:s10], [sflag:$0xD] =	stream.linear.gather @!p2 [hbm4b:s6+s5], $0x28, $0x38;
	[tilespmem:$0x1A380] =	vst v63  }
0xab: {  	s9 =	rddreg [dreg:$0x6];
	s6 =	sadd.s32 @!p2 $0x0, s8;
	s8 =	simm.s32 @!p2 $0x280  }
0xac: {  	[tilespmem:s8], [sflag:$0xD] =	stream.linear.gather @!p2 [hbm4b:s6+s5], $0x28, $0x38;
	[tilespmem:$0x1A380] =	vst v63  }
0xad: {  	s10 =	rddreg [dreg:$0x5];
	s6 =	sadd.s32 @!p2 $0x0, s9;
	s8 =	simm.s32 @!p2 $0x300  }
0xae: {  	[tilespmem:s8], [sflag:$0xD] =	stream.linear.gather @!p2 [hbm4b:s6+s5], $0x28, $0x38;
	[tilespmem:$0x1A380] =	vst v63  }
0xaf: {  	s9 =	rddreg [dreg:$0x4];
	s6 =	sadd.s32 @!p2 $0x0, s10;
	s8 =	simm.s32 @!p2 $0x380  }
0xb0: {  	[tilespmem:s8], [sflag:$0xD] =	stream.linear.gather @!p2 [hbm4b:s6+s5], $0x28, $0x38;
	[tilespmem:$0x1A380] =	vst v63  }
0xb1: {  	s6 =	sadd.s32 @!p2 $0x0, s9;
	s8 =	simm.s32 @!p2 $0x400  }
0xb2: {  	[tilespmem:s8], [sflag:$0xD] =	stream.linear.gather @!p2 [hbm4b:s6+s5], $0x28, $0x38;
	[tilespmem:$0x1A380] =	vst v63  }
0xb3: {  	_ =	swait.ge [sflag:s15], $0x1400  }
0xb4: {  	[sflag:s15] =	ssyncset.done $0x0  }
0xb5: {  	[sflag:s15] =	ssyncadd.s32 $0xFFFFEC00  }
0xb6: {  	[spmem:s2] =	stream.indirect.scatter.add.f32 [tilespmem:s0], [sflag:$0x6], $0x80, s26, s28, $0xb8;
	[tilespmem:$0x1A380] =	vst v63  }
0xb7: {  	_ =	swait.ge [sflag:s16], $0x1400  }
0xb8: {  	[sflag:s16] =	ssyncset.done $0x0  }
0xb9: {  	[sflag:s16] =	ssyncadd.s32 $0xFFFFEC00  }
0xba: {  	[spmem:s2] =	stream.indirect.scatter.add.f32 [tilespmem:s23], [sflag:$0x7], $0x80, s20, s28, $0xb8;
	[tilespmem:$0x1A380] =	vst v63  }
0xbb: {  	_ =	swait.ge [sflag:s17], $0x1400  }
0xbc: {  	[sflag:s17] =	ssyncset.done $0x0  }
0xbd: {  	[sflag:s17] =	ssyncadd.s32 $0xFFFFEC00  }
0xbe: {  	[spmem:s2] =	stream.indirect.scatter.add.f32 [tilespmem:s4], [sflag:$0x8], $0x80, s21, s28, $0xb8;
	[tilespmem:$0x1A380] =	vst v63  }
0xbf: {  	_ =	swait.ge [sflag:s18], $0x1400  }
0xc0: {  	[sflag:s18] =	ssyncset.done $0x0  }
0xc1: {  	[sflag:s18] =	ssyncadd.s32 $0xFFFFEC00  }
0xc2: {  	[spmem:s2] =	stream.indirect.scatter.add.f32 [tilespmem:s24], [sflag:$0x9], $0x80, s22, s28, $0xb8;
	[tilespmem:$0x1A380] =	vst v63  }
0xc3: {  	_ =	swait.ge [sflag:s11], $0x1400  }
0xc4: {  	[sflag:s11] =	ssyncset.done $0x0  }
0xc5: {  	s6 =	simm.s32 @!p2 $0xB;
	[sflag:s11] =	ssyncadd.s32 $0xFFFFEC00  }
0xc6: {  	[spmem:s2] =	stream.indirect.scatter.add.f32 [tilespmem:s19], [sflag:$0xA], $0x80, s3, s28, $0xb8;
	[tilespmem:$0x1A380] =	vst v63  }
0xc7: {  	_ =	swait.ge @!p2 [sflag:s6], $0xC8  }
0xc8: {  	[sflag:s6] =	ssyncset.done @!p2 $0x0  }
0xc9: {  	s8 =	simm.s32 @!p2 $0xD;
	[sflag:s6] =	ssyncadd.s32 @!p2 $0xFFFFFF38  }
0xca: {  	_ =	swait.ge @!p2 [sflag:s8], $0x28  }
0xcb: {  	[sflag:s8] =	ssyncset.done @!p2 $0x0  }
0xcc: {  	[sflag:s8] =	ssyncadd.s32 @!p2 $0xFFFFFFD8  }
0xcd: {  	_ =	swait.ge @!p2 [sflag:s8], $0x28  }
0xce: {  	[sflag:s8] =	ssyncset.done @!p2 $0x0  }
0xcf: {  	[sflag:s8] =	ssyncadd.s32 @!p2 $0xFFFFFFD8  }
0xd0: {  	_ =	swait.ge @!p2 [sflag:s8], $0x28  }
0xd1: {  	[sflag:s8] =	ssyncset.done @!p2 $0x0  }
0xd2: {  	[sflag:s8] =	ssyncadd.s32 @!p2 $0xFFFFFFD8  }
0xd3: {  	_ =	swait.ge @!p2 [sflag:s8], $0x28  }
0xd4: {  	[sflag:s8] =	ssyncset.done @!p2 $0x0  }
0xd5: {  	[sflag:s8] =	ssyncadd.s32 @!p2 $0xFFFFFFD8  }
0xd6: {  	_ =	swait.ge @!p2 [sflag:s8], $0x28  }
0xd7: {  	[sflag:s8] =	ssyncset.done @!p2 $0x0  }
0xd8: {  	s6 =	simm.s32 @!p2 $0x6;
	[sflag:s8] =	ssyncadd.s32 @!p2 $0xFFFFFFD8  }
0xd9: {  	_ =	swait.ge @!p2 [sflag:s6], $0x1400  }
0xda: {  	s10 =	simm.s32 @!p2 $0x28;
	[sflag:s6] =	ssyncset.done @!p2 $0x0  }
0xdb: {  	s8 =	simm.s32 @!p2 $0x700;
	[sflag:s6] =	ssyncadd.s32 @!p2 $0xFFFFEC00;
	s6 =	simm.s32 @!p2 $0x7  }
0xdc: {  	[tilespmem:s8], [sflag:$0x1] =	stream.indirect.gather @!p2 [hbm4b:s1+s10], $0x80, s5, s10, $0xb8;
	[tilespmem:$0x1A380] =	vst v63  }
0xdd: {  	_ =	swait.ge @!p2 [sflag:s6], $0x1400  }
0xde: {  	[sflag:s6] =	ssyncset.done @!p2 $0x0  }
0xdf: {  	s5 =	simm.s32 @!p2 $0x1B00;
	[sflag:s6] =	ssyncadd.s32 @!p2 $0xFFFFEC00;
	s6 =	simm.s32 @!p2 $0x8  }
0xe0: {  	[tilespmem:s5], [sflag:$0x2] =	stream.indirect.gather @!p2 [hbm4b:s1+s10], $0x80, s10, s10, $0xb8;
	[tilespmem:$0x1A380] =	vst v63  }
0xe1: {  	_ =	swait.ge @!p2 [sflag:s6], $0x1400  }
0xe2: {  	s9 =	simm.s32 @!p2 $0x9;
	[sflag:s6] =	ssyncset.done @!p2 $0x0  }
0xe3: {  	s8 =	simm.s32 @!p2 $0x2F00;
	s5 =	simm.s32 @!p2 $0x50;
	[sflag:s6] =	ssyncadd.s32 @!p2 $0xFFFFEC00  }
0xe4: {  	[tilespmem:s8], [sflag:$0x3] =	stream.indirect.gather @!p2 [hbm4b:s1+s10], $0x80, s5, s10, $0xb8;
	[tilespmem:$0x1A380] =	vst v63  }
0xe5: {  	s12 =	simm.s32 @!p2 $0x78;
	s23 =	simm.s32 $0x32;
	_ =	swait.ge @!p2 [sflag:s9], $0x1400  }
0xe6: {  	s24 =	sadd.s32 $0x190, s13;
	s13 =	simm.s32 @!p2 $0xA0;
	[sflag:s9] =	ssyncset.done @!p2 $0x0  }
0xe7: {  	s5 =	simm.s32 @!p2 $0x4300;
	s8 =	simm.s32 @!p2 $0xA;
	[sflag:s9] =	ssyncadd.s32 @!p2 $0xFFFFEC00  }
0xe8: {  	[tilespmem:s5], [sflag:$0x4] =	stream.indirect.gather @!p2 [hbm4b:s1+s10], $0x80, s12, s10, $0xb8;
	[tilespmem:$0x1A380] =	vst v63  }
0xe9: {  	s6 =	simm.s32 $0x64;
	s9 =	simm.s32 @!p2 $0x5700;
	_ =	swait.ge @!p2 [sflag:s8], $0x1400  }
0xea: {  	s5 =	simm.s32 $0x1;
	s12 =	rddreg [dreg:$0x9];
	[sflag:s8] =	ssyncset.done @!p2 $0x0  }
.LBB2_2:
0xeb: {  	s14 =	rddreg [dreg:$0x8];
	[sflag:s8] =	ssyncadd.s32 @!p2 $0xFFFFEC00  }
0xec: {  	[tilespmem:s9], [sflag:$0x5] =	stream.indirect.gather @!p2 [hbm4b:s1+s10], $0x80, s13, s10, $0xb8;
	[tilespmem:$0x1A380] =	vst v63  }
0xed: {  	s20 =	sadd.s32 s23, s12;
	s0 =	simm.s32 $0x0;
	s13 =	simm.s32 $0x100  }
0xee: {  	[tilespmem:s13], [sflag:$0xC] =	stream.linear.gather [hbm4b:s20+s0], $0xC8, $0x38;
	[tilespmem:$0x1A380] =	vst v63  }
0xef: {  	s21 =	rddreg [dreg:$0xd];
	s26 =	simm.s32 $0x480;
	s22 =	sadd.s32 s23, s14  }
0xf0: {  	[tilespmem:s26], [sflag:$0xE] =	stream.linear.gather [hbm4b:s22+s0], $0x28, $0x38;
	[tilespmem:$0x1A380] =	vst v63  }
0xf1: {  	s25 =	rddreg [dreg:$0xc];
	s29 =	sadd.s32 s23, s21;
	s20 =	simm.s32 $0x500  }
0xf2: {  	[tilespmem:s20], [sflag:$0xE] =	stream.linear.gather [hbm4b:s29+s0], $0x28, $0x38;
	[tilespmem:$0x1A380] =	vst v63  }
0xf3: {  	s30 =	rddreg [dreg:$0xb];
	s3 =	sadd.s32 s23, s25;
	s21 =	simm.s32 $0x580  }
0xf4: {  	[tilespmem:s21], [sflag:$0xE] =	stream.linear.gather [hbm4b:s3+s0], $0x28, $0x38;
	[tilespmem:$0x1A380] =	vst v63  }
0xf5: {  	s4 =	rddreg [dreg:$0xa];
	s10 =	sadd.s32 s23, s30;
	s22 =	simm.s32 $0x600  }
0xf6: {  	[tilespmem:s22], [sflag:$0xE] =	stream.linear.gather [hbm4b:s10+s0], $0x28, $0x38;
	[tilespmem:$0x1A380] =	vst v63  }
0xf7: {  	s14 =	sadd.s32 s23, s4;
	s3 =	simm.s32 $0x680  }
0xf8: {  	[tilespmem:s3], [sflag:$0xE] =	stream.linear.gather [hbm4b:s14+s0], $0x28, $0x38;
	[tilespmem:$0x1A380] =	vst v63  }
0xf9: {  	_ =	swait.ge [sflag:s15], $0x1400  }
0xfa: {  	[sflag:s15] =	ssyncset.done $0x0  }
0xfb: {  	s19 =	simm.s32 $0x200;
	s0 =	simm.s32 $0x700;
	[sflag:s15] =	ssyncadd.s32 $0xFFFFEC00  }
0xfc: {  	[spmem:s2] =	stream.indirect.scatter.add.f32 [tilespmem:s0], [sflag:$0x6], $0x80, s19, s28, $0xb8;
	[tilespmem:$0x1A380] =	vst v63  }
0xfd: {  	_ =	swait.ge [sflag:s16], $0x1400  }
0xfe: {  	[sflag:s16] =	ssyncset.done $0x0  }
0xff: {  	s25 =	simm.s32 $0x280;
	[sflag:s16] =	ssyncadd.s32 $0xFFFFEC00  }
0x100: {  	[spmem:s2] =	stream.indirect.scatter.add.f32 [tilespmem:s31], [sflag:$0x7], $0x80, s25, s28, $0xb8;
	[tilespmem:$0x1A380] =	vst v63  }
0x101: {  	_ =	swait.ge [sflag:s17], $0x1400  }
0x102: {  	[sflag:s17] =	ssyncset.done $0x0  }
0x103: {  	s4 =	simm.s32 $0x2F00;
	s29 =	simm.s32 $0x300;
	[sflag:s17] =	ssyncadd.s32 $0xFFFFEC00  }
0x104: {  	[spmem:s2] =	stream.indirect.scatter.add.f32 [tilespmem:s4], [sflag:$0x8], $0x80, s29, s28, $0xb8;
	[tilespmem:$0x1A380] =	vst v63  }
0x105: {  	_ =	swait.ge [sflag:s18], $0x1400  }
0x106: {  	[sflag:s18] =	ssyncset.done $0x0  }
0x107: {  	s30 =	simm.s32 $0x380;
	s25 =	simm.s32 $0x4300;
	[sflag:s18] =	ssyncadd.s32 $0xFFFFEC00  }
0x108: {  	[spmem:s2] =	stream.indirect.scatter.add.f32 [tilespmem:s25], [sflag:$0x9], $0x80, s30, s28, $0xb8;
	[tilespmem:$0x1A380] =	vst v63  }
0x109: {  	_ =	swait.ge [sflag:s11], $0x1400  }
0x10a: {  	s12 =	simm.s32 $0xC;
	[sflag:s11] =	ssyncset.done $0x0  }
0x10b: {  	s10 =	simm.s32 $0x400;
	s19 =	simm.s32 $0x5700;
	[sflag:s11] =	ssyncadd.s32 $0xFFFFEC00  }
0x10c: {  	[spmem:s2] =	stream.indirect.scatter.add.f32 [tilespmem:s19], [sflag:$0xA], $0x80, s10, s28, $0xb8;
	[tilespmem:$0x1A380] =	vst v63  }
0x10d: {  	_ =	swait.ge [sflag:s12], $0xC8  }
0x10e: {  	[sflag:s12] =	ssyncset.done $0x0  }
0x10f: {  	[sflag:s12] =	ssyncadd.s32 $0xFFFFFF38  }
0x110: {  	_ =	swait.ge [sflag:s7], $0x28  }
0x111: {  	[sflag:s7] =	ssyncset.done $0x0  }
0x112: {  	[sflag:s7] =	ssyncadd.s32 $0xFFFFFFD8  }
0x113: {  	_ =	swait.ge [sflag:s7], $0x28  }
0x114: {  	[sflag:s7] =	ssyncset.done $0x0  }
0x115: {  	[sflag:s7] =	ssyncadd.s32 $0xFFFFFFD8  }
0x116: {  	_ =	swait.ge [sflag:s7], $0x28  }
0x117: {  	[sflag:s7] =	ssyncset.done $0x0  }
0x118: {  	[sflag:s7] =	ssyncadd.s32 $0xFFFFFFD8  }
0x119: {  	_ =	swait.ge [sflag:s7], $0x28  }
0x11a: {  	[sflag:s7] =	ssyncset.done $0x0  }
0x11b: {  	[sflag:s7] =	ssyncadd.s32 $0xFFFFFFD8  }
0x11c: {  	_ =	swait.ge [sflag:s7], $0x28  }
0x11d: {  	[sflag:s7] =	ssyncset.done $0x0  }
0x11e: {  	s14 =	simm.s32 $0x6;
	[sflag:s7] =	ssyncadd.s32 $0xFFFFFFD8  }
0x11f: {  	_ =	swait.ge [sflag:s14], $0x1400  }
0x120: {  	[sflag:s14] =	ssyncset.done $0x0  }
0x121: {  	s29 =	simm.s32 $0x7;
	[sflag:s14] =	ssyncadd.s32 $0xFFFFEC00  }
0x122: {  	[tilespmem:s0], [sflag:$0x1] =	stream.indirect.gather [hbm4b:s1+s28], $0x80, s13, s28, $0xb8;
	[tilespmem:$0x1A380] =	vst v63  }
0x123: {  	_ =	swait.ge [sflag:s29], $0x1400  }
0x124: {  	[sflag:s29] =	ssyncset.done $0x0  }
0x125: {  	s9 =	simm.s32 $0x8;
	s30 =	rddreg [dreg:$0xe];
	[sflag:s29] =	ssyncadd.s32 $0xFFFFEC00  }
0x126: {  	[tilespmem:s31], [sflag:$0x2] =	stream.indirect.gather [hbm4b:s1+s28], $0x80, s30, s28, $0xb8;
	[tilespmem:$0x1A380] =	vst v63  }
0x127: {  	_ =	swait.ge [sflag:s9], $0x1400  }
0x128: {  	[sflag:s9] =	ssyncset.done $0x0  }
0x129: {  	s13 =	simm.s32 $0x9;
	s12 =	rddreg [dreg:$0xf];
	[sflag:s9] =	ssyncadd.s32 $0xFFFFEC00  }
0x12a: {  	[tilespmem:s4], [sflag:$0x3] =	stream.indirect.gather [hbm4b:s1+s28], $0x80, s12, s28, $0xb8;
	[tilespmem:$0x1A380] =	vst v63  }
0x12b: {  	_ =	swait.ge [sflag:s13], $0x1400  }
0x12c: {  	[sflag:s13] =	ssyncset.done $0x0  }
0x12d: {  	s29 =	simm.s32 $0xA;
	s14 =	rddreg [dreg:$0x10];
	[sflag:s13] =	ssyncadd.s32 $0xFFFFEC00  }
0x12e: {  	[tilespmem:s25], [sflag:$0x4] =	stream.indirect.gather [hbm4b:s1+s28], $0x80, s14, s28, $0xb8;
	[tilespmem:$0x1A380] =	vst v63  }
0x12f: {  	_ =	swait.ge [sflag:s29], $0x1400  }
0x130: {  	p2 =	sgt.u32 s5, $0x17;
	[sflag:s29] =	ssyncset.done $0x0;
	s30 =	rddreg [dreg:$0x11]  }
0x131: {  	s13 =	sshrl.u32 @!p2 s24, $0x3;
	s10 =	rddreg [dreg:$0x12];
	[sflag:s29] =	ssyncadd.s32 $0xFFFFEC00  }
0x132: {  	[tilespmem:s19], [sflag:$0x5] =	stream.indirect.gather [hbm4b:s1+s28], $0x80, s30, s28, $0xb8;
	[tilespmem:$0x1A380] =	vst v63  }
0x133: {  	s9 =	simm.s32 @!p2 $0x0;
	s10 =	sadd.s32 @!p2 s10, s13;
	s29 =	rddreg [dreg:$0x13]  }
0x134: {  	[tilespmem:s9], [sflag:$0xB] =	stream.linear.gather @!p2 [hbm4b:s10+s9], $0xC8, $0x38;
	[tilespmem:$0x1A380] =	vst v63  }
0x135: {  	s14 =	rddreg [dreg:$0x7];
	s13 =	sadd.s32 @!p2 s29, s13;
	s29 =	simm.s32 @!p2 $0x200  }
0x136: {  	[tilespmem:s29], [sflag:$0xD] =	stream.linear.gather @!p2 [hbm4b:s13+s9], $0x28, $0x38;
	[tilespmem:$0x1A380] =	vst v63  }
0x137: {  	s12 =	rddreg [dreg:$0x6];
	s10 =	sadd.s32 @!p2 s23, s14;
	s14 =	simm.s32 @!p2 $0x280  }
0x138: {  	[tilespmem:s14], [sflag:$0xD] =	stream.linear.gather @!p2 [hbm4b:s10+s9], $0x28, $0x38;
	[tilespmem:$0x1A380] =	vst v63  }
0x139: {  	s12 =	sadd.s32 @!p2 s23, s12;
	s30 =	rddreg [dreg:$0x5];
	s13 =	simm.s32 @!p2 $0x300  }
0x13a: {  	[tilespmem:s13], [sflag:$0xD] =	stream.linear.gather @!p2 [hbm4b:s12+s9], $0x28, $0x38;
	[tilespmem:$0x1A380] =	vst v63  }
0x13b: {  	s29 =	rddreg [dreg:$0x4];
	s10 =	sadd.s32 @!p2 s23, s30;
	s14 =	simm.s32 @!p2 $0x380  }
0x13c: {  	[tilespmem:s14], [sflag:$0xD] =	stream.linear.gather @!p2 [hbm4b:s10+s9], $0x28, $0x38;
	[tilespmem:$0x1A380] =	vst v63  }
0x13d: {  	s12 =	sadd.s32 @!p2 s23, s29;
	s13 =	simm.s32 @!p2 $0x400  }
0x13e: {  	[tilespmem:s13], [sflag:$0xD] =	stream.linear.gather @!p2 [hbm4b:s12+s9], $0x28, $0x38;
	[tilespmem:$0x1A380] =	vst v63  }
0x13f: {  	_ =	swait.ge [sflag:s15], $0x1400  }
0x140: {  	[sflag:s15] =	ssyncset.done $0x0  }
0x141: {  	[sflag:s15] =	ssyncadd.s32 $0xFFFFEC00  }
0x142: {  	[spmem:s2] =	stream.indirect.scatter.add.f32 [tilespmem:s0], [sflag:$0x6], $0x80, s26, s28, $0xb8;
	[tilespmem:$0x1A380] =	vst v63  }
0x143: {  	_ =	swait.ge [sflag:s16], $0x1400  }
0x144: {  	[sflag:s16] =	ssyncset.done $0x0  }
0x145: {  	[sflag:s16] =	ssyncadd.s32 $0xFFFFEC00  }
0x146: {  	[spmem:s2] =	stream.indirect.scatter.add.f32 [tilespmem:s31], [sflag:$0x7], $0x80, s20, s28, $0xb8;
	[tilespmem:$0x1A380] =	vst v63  }
0x147: {  	_ =	swait.ge [sflag:s17], $0x1400  }
0x148: {  	[sflag:s17] =	ssyncset.done $0x0  }
0x149: {  	[sflag:s17] =	ssyncadd.s32 $0xFFFFEC00  }
0x14a: {  	[spmem:s2] =	stream.indirect.scatter.add.f32 [tilespmem:s4], [sflag:$0x8], $0x80, s21, s28, $0xb8;
	[tilespmem:$0x1A380] =	vst v63  }
0x14b: {  	_ =	swait.ge [sflag:s18], $0x1400  }
0x14c: {  	[sflag:s18] =	ssyncset.done $0x0  }
0x14d: {  	[sflag:s18] =	ssyncadd.s32 $0xFFFFEC00  }
0x14e: {  	[spmem:s2] =	stream.indirect.scatter.add.f32 [tilespmem:s25], [sflag:$0x9], $0x80, s22, s28, $0xb8;
	[tilespmem:$0x1A380] =	vst v63  }
0x14f: {  	_ =	swait.ge [sflag:s11], $0x1400  }
0x150: {  	s8 =	smov.u32 s6;
	[sflag:s11] =	ssyncset.done $0x0  }
0x151: {  	s23 =	smov.u32 s8;
	s8 =	simm.s32 @!p2 $0xB;
	[sflag:s11] =	ssyncadd.s32 $0xFFFFEC00  }
0x152: {  	[spmem:s2] =	stream.indirect.scatter.add.f32 [tilespmem:s19], [sflag:$0xA], $0x80, s3, s28, $0xb8;
	[tilespmem:$0x1A380] =	vst v63  }
0x153: {  	_ =	swait.ge @!p2 [sflag:s8], $0xC8  }
0x154: {  	[sflag:s8] =	ssyncset.done @!p2 $0x0  }
0x155: {  	s10 =	simm.s32 @!p2 $0xD;
	[sflag:s8] =	ssyncadd.s32 @!p2 $0xFFFFFF38  }
0x156: {  	_ =	swait.ge @!p2 [sflag:s10], $0x28  }
0x157: {  	[sflag:s10] =	ssyncset.done @!p2 $0x0  }
0x158: {  	[sflag:s10] =	ssyncadd.s32 @!p2 $0xFFFFFFD8  }
0x159: {  	_ =	swait.ge @!p2 [sflag:s10], $0x28  }
0x15a: {  	[sflag:s10] =	ssyncset.done @!p2 $0x0  }
0x15b: {  	[sflag:s10] =	ssyncadd.s32 @!p2 $0xFFFFFFD8  }
0x15c: {  	_ =	swait.ge @!p2 [sflag:s10], $0x28  }
0x15d: {  	[sflag:s10] =	ssyncset.done @!p2 $0x0  }
0x15e: {  	[sflag:s10] =	ssyncadd.s32 @!p2 $0xFFFFFFD8  }
0x15f: {  	_ =	swait.ge @!p2 [sflag:s10], $0x28  }
0x160: {  	[sflag:s10] =	ssyncset.done @!p2 $0x0  }
0x161: {  	[sflag:s10] =	ssyncadd.s32 @!p2 $0xFFFFFFD8  }
0x162: {  	_ =	swait.ge @!p2 [sflag:s10], $0x28  }
0x163: {  	[sflag:s10] =	ssyncset.done @!p2 $0x0  }
0x164: {  	s8 =	simm.s32 @!p2 $0x6;
	[sflag:s10] =	ssyncadd.s32 @!p2 $0xFFFFFFD8  }
0x165: {  	_ =	swait.ge @!p2 [sflag:s8], $0x1400  }
0x166: {  	s12 =	simm.s32 @!p2 $0x700;
	[sflag:s8] =	ssyncset.done @!p2 $0x0  }
0x167: {  	s10 =	simm.s32 @!p2 $0x28;
	[sflag:s8] =	ssyncadd.s32 @!p2 $0xFFFFEC00;
	s8 =	simm.s32 @!p2 $0x7  }
0x168: {  	[tilespmem:s12], [sflag:$0x1] =	stream.indirect.gather @!p2 [hbm4b:s1+s10], $0x80, s9, s10, $0xb8;
	[tilespmem:$0x1A380] =	vst v63  }
0x169: {  	_ =	swait.ge @!p2 [sflag:s8], $0x1400  }
0x16a: {  	[sflag:s8] =	ssyncset.done @!p2 $0x0  }
0x16b: {  	s9 =	simm.s32 @!p2 $0x1B00;
	[sflag:s8] =	ssyncadd.s32 @!p2 $0xFFFFEC00;
	s8 =	simm.s32 @!p2 $0x8  }
0x16c: {  	[tilespmem:s9], [sflag:$0x2] =	stream.indirect.gather @!p2 [hbm4b:s1+s10], $0x80, s10, s10, $0xb8;
	[tilespmem:$0x1A380] =	vst v63  }
0x16d: {  	_ =	swait.ge @!p2 [sflag:s8], $0x1400  }
0x16e: {  	s6 =	sadd.s32 $0x32, s6;
	s12 =	simm.s32 @!p2 $0x2F00;
	[sflag:s8] =	ssyncset.done @!p2 $0x0  }
0x16f: {  	s9 =	simm.s32 @!p2 $0x50;
	[sflag:s8] =	ssyncadd.s32 @!p2 $0xFFFFEC00;
	s8 =	simm.s32 @!p2 $0x9  }
0x170: {  	[tilespmem:s12], [sflag:$0x3] =	stream.indirect.gather @!p2 [hbm4b:s1+s10], $0x80, s9, s10, $0xb8;
	[tilespmem:$0x1A380] =	vst v63  }
0x171: {  	p1 =	sne.s32 s6, $0x4E2;
	s5 =	sadd.s32 $0x1, s5;
	_ =	swait.ge @!p2 [sflag:s8], $0x1400  }
.Ltmp0:
0x172: {  	s9 =	simm.s32 @!p2 $0x4300;
	[sflag:s8] =	ssyncset.done @!p2 $0x0;
	(pc) =	sbr.rel @p1 .LBB2_2-.Ltmp0, $4  }
0x173: {  	s12 =	simm.s32 @!p2 $0x78;
	[sflag:s8] =	ssyncadd.s32 @!p2 $0xFFFFEC00;
	s8 =	simm.s32 @!p2 $0xA  }
0x174: {  	[tilespmem:s9], [sflag:$0x4] =	stream.indirect.gather @!p2 [hbm4b:s1+s10], $0x80, s12, s10, $0xb8;
	[tilespmem:$0x1A380] =	vst v63  }
0x175: {  	s24 =	sadd.s32 $0x190, s24;
	s13 =	simm.s32 @!p2 $0xA0;
	_ =	swait.ge @!p2 [sflag:s8], $0x1400  }
0x176: {  	s9 =	simm.s32 @!p2 $0x5700;
	s12 =	rddreg [dreg:$0x9];
	[sflag:s8] =	ssyncset.done @!p2 $0x0  }
0x177: {  	[sflag:s8] =	ssyncadd.s32 @!p2 $0xFFFFEC00;
	s6 =	rddreg [dreg:$0x8]  }
0x178: {  	[tilespmem:s9], [sflag:$0x5] =	stream.indirect.gather @!p2 [hbm4b:s1+s10], $0x80, s13, s10, $0xb8;
	[tilespmem:$0x1A380] =	vst v63  }
0x179: {  	s26 =	sadd.s32 s23, s12;
	s0 =	simm.s32 $0x0;
	s9 =	simm.s32 $0x100  }
0x17a: {  	[tilespmem:s9], [sflag:$0xC] =	stream.linear.gather [hbm4b:s26+s0], $0xC8, $0x38;
	[tilespmem:$0x1A380] =	vst v63  }
0x17b: {  	s29 =	rddreg [dreg:$0xd];
	s14 =	simm.s32 $0x480;
	s6 =	sadd.s32 s23, s6  }
0x17c: {  	[tilespmem:s14], [sflag:$0xE] =	stream.linear.gather [hbm4b:s6+s0], $0x28, $0x38;
	[tilespmem:$0x1A380] =	vst v63  }
0x17d: {  	s30 =	rddreg [dreg:$0xc];
	s19 =	simm.s32 $0x500;
	s8 =	sadd.s32 s23, s29  }
0x17e: {  	[tilespmem:s19], [sflag:$0xE] =	stream.linear.gather [hbm4b:s8+s0], $0x28, $0x38;
	[tilespmem:$0x1A380] =	vst v63  }
0x17f: {  	s3 =	rddreg [dreg:$0xb];
	s20 =	simm.s32 $0x580;
	s6 =	sadd.s32 s23, s30  }
0x180: {  	[tilespmem:s20], [sflag:$0xE] =	stream.linear.gather [hbm4b:s6+s0], $0x28, $0x38;
	[tilespmem:$0x1A380] =	vst v63  }
0x181: {  	s4 =	rddreg [dreg:$0xa];
	s21 =	simm.s32 $0x600;
	s8 =	sadd.s32 s23, s3  }
0x182: {  	[tilespmem:s21], [sflag:$0xE] =	stream.linear.gather [hbm4b:s8+s0], $0x28, $0x38;
	[tilespmem:$0x1A380] =	vst v63  }
0x183: {  	s3 =	simm.s32 $0x680;
	s6 =	sadd.s32 s23, s4  }
0x184: {  	[tilespmem:s3], [sflag:$0xE] =	stream.linear.gather [hbm4b:s6+s0], $0x28, $0x38;
	[tilespmem:$0x1A380] =	vst v63  }
0x185: {  	_ =	swait.ge [sflag:s15], $0x1400  }
0x186: {  	[sflag:s15] =	ssyncset.done $0x0  }
0x187: {  	s10 =	simm.s32 $0x200;
	s0 =	simm.s32 $0x700;
	[sflag:s15] =	ssyncadd.s32 $0xFFFFEC00  }
0x188: {  	[spmem:s2] =	stream.indirect.scatter.add.f32 [tilespmem:s0], [sflag:$0x6], $0x80, s10, s28, $0xb8;
	[tilespmem:$0x1A380] =	vst v63  }
0x189: {  	_ =	swait.ge [sflag:s16], $0x1400  }
0x18a: {  	[sflag:s16] =	ssyncset.done $0x0  }
0x18b: {  	s12 =	simm.s32 $0x280;
	s10 =	simm.s32 $0x1B00;
	[sflag:s16] =	ssyncadd.s32 $0xFFFFEC00  }
0x18c: {  	[spmem:s2] =	stream.indirect.scatter.add.f32 [tilespmem:s10], [sflag:$0x7], $0x80, s12, s28, $0xb8;
	[tilespmem:$0x1A380] =	vst v63  }
0x18d: {  	_ =	swait.ge [sflag:s17], $0x1400  }
0x18e: {  	[sflag:s17] =	ssyncset.done $0x0  }
0x18f: {  	s13 =	simm.s32 $0x300;
	s4 =	simm.s32 $0x2F00;
	[sflag:s17] =	ssyncadd.s32 $0xFFFFEC00  }
0x190: {  	[spmem:s2] =	stream.indirect.scatter.add.f32 [tilespmem:s4], [sflag:$0x8], $0x80, s13, s28, $0xb8;
	[tilespmem:$0x1A380] =	vst v63  }
0x191: {  	_ =	swait.ge [sflag:s18], $0x1400  }
0x192: {  	[sflag:s18] =	ssyncset.done $0x0  }
0x193: {  	s22 =	simm.s32 $0x380;
	s12 =	simm.s32 $0x4300;
	[sflag:s18] =	ssyncadd.s32 $0xFFFFEC00  }
0x194: {  	[spmem:s2] =	stream.indirect.scatter.add.f32 [tilespmem:s12], [sflag:$0x9], $0x80, s22, s28, $0xb8;
	[tilespmem:$0x1A380] =	vst v63  }
0x195: {  	_ =	swait.ge [sflag:s11], $0x1400  }
0x196: {  	s25 =	simm.s32 $0x400;
	[sflag:s11] =	ssyncset.done $0x0  }
0x197: {  	s26 =	simm.s32 $0xC;
	s13 =	simm.s32 $0x5700;
	[sflag:s11] =	ssyncadd.s32 $0xFFFFEC00  }
0x198: {  	[spmem:s2] =	stream.indirect.scatter.add.f32 [tilespmem:s13], [sflag:$0xA], $0x80, s25, s28, $0xb8;
	[tilespmem:$0x1A380] =	vst v63  }
0x199: {  	_ =	swait.ge [sflag:s26], $0xC8  }
0x19a: {  	[sflag:s26] =	ssyncset.done $0x0  }
0x19b: {  	[sflag:s26] =	ssyncadd.s32 $0xFFFFFF38  }
0x19c: {  	_ =	swait.ge [sflag:s7], $0x28  }
0x19d: {  	[sflag:s7] =	ssyncset.done $0x0  }
0x19e: {  	[sflag:s7] =	ssyncadd.s32 $0xFFFFFFD8  }
0x19f: {  	_ =	swait.ge [sflag:s7], $0x28  }
0x1a0: {  	[sflag:s7] =	ssyncset.done $0x0  }
0x1a1: {  	[sflag:s7] =	ssyncadd.s32 $0xFFFFFFD8  }
0x1a2: {  	_ =	swait.ge [sflag:s7], $0x28  }
0x1a3: {  	[sflag:s7] =	ssyncset.done $0x0  }
0x1a4: {  	[sflag:s7] =	ssyncadd.s32 $0xFFFFFFD8  }
0x1a5: {  	_ =	swait.ge [sflag:s7], $0x28  }
0x1a6: {  	[sflag:s7] =	ssyncset.done $0x0  }
0x1a7: {  	[sflag:s7] =	ssyncadd.s32 $0xFFFFFFD8  }
0x1a8: {  	_ =	swait.ge [sflag:s7], $0x28  }
0x1a9: {  	[sflag:s7] =	ssyncset.done $0x0  }
0x1aa: {  	s22 =	simm.s32 $0x6;
	[sflag:s7] =	ssyncadd.s32 $0xFFFFFFD8  }
0x1ab: {  	_ =	swait.ge [sflag:s22], $0x1400  }
0x1ac: {  	[sflag:s22] =	ssyncset.done $0x0  }
0x1ad: {  	s25 =	simm.s32 $0x7;
	[sflag:s22] =	ssyncadd.s32 $0xFFFFEC00  }
0x1ae: {  	[tilespmem:s0], [sflag:$0x1] =	stream.indirect.gather [hbm4b:s1+s28], $0x80, s9, s28, $0xb8;
	[tilespmem:$0x1A380] =	vst v63  }
0x1af: {  	_ =	swait.ge [sflag:s25], $0x1400  }
0x1b0: {  	[sflag:s25] =	ssyncset.done $0x0  }
0x1b1: {  	s26 =	simm.s32 $0x8;
	s29 =	rddreg [dreg:$0xe];
	[sflag:s25] =	ssyncadd.s32 $0xFFFFEC00  }
0x1b2: {  	[tilespmem:s10], [sflag:$0x2] =	stream.indirect.gather [hbm4b:s1+s28], $0x80, s29, s28, $0xb8;
	[tilespmem:$0x1A380] =	vst v63  }
0x1b3: {  	_ =	swait.ge [sflag:s26], $0x1400  }
0x1b4: {  	[sflag:s26] =	ssyncset.done $0x0  }
0x1b5: {  	s29 =	simm.s32 $0x9;
	s30 =	rddreg [dreg:$0xf];
	[sflag:s26] =	ssyncadd.s32 $0xFFFFEC00  }
0x1b6: {  	[tilespmem:s4], [sflag:$0x3] =	stream.indirect.gather [hbm4b:s1+s28], $0x80, s30, s28, $0xb8;
	[tilespmem:$0x1A380] =	vst v63  }
0x1b7: {  	_ =	swait.ge [sflag:s29], $0x1400  }
0x1b8: {  	[sflag:s29] =	ssyncset.done $0x0  }
0x1b9: {  	s30 =	simm.s32 $0xA;
	s8 =	rddreg [dreg:$0x10];
	[sflag:s29] =	ssyncadd.s32 $0xFFFFEC00  }
0x1ba: {  	[tilespmem:s12], [sflag:$0x4] =	stream.indirect.gather [hbm4b:s1+s28], $0x80, s8, s28, $0xb8;
	[tilespmem:$0x1A380] =	vst v63  }
0x1bb: {  	_ =	swait.ge [sflag:s30], $0x1400  }
0x1bc: {  	p1 =	sgt.u32 s5, $0x17;
	s9 =	rddreg [dreg:$0x11];
	[sflag:s30] =	ssyncset.done $0x0  }
0x1bd: {  	s8 =	sshrl.u32 @!p1 s24, $0x3;
	s6 =	rddreg [dreg:$0x12];
	[sflag:s30] =	ssyncadd.s32 $0xFFFFEC00  }
0x1be: {  	[tilespmem:s13], [sflag:$0x5] =	stream.indirect.gather [hbm4b:s1+s28], $0x80, s9, s28, $0xb8;
	[tilespmem:$0x1A380] =	vst v63  }
0x1bf: {  	s5 =	simm.s32 @!p1 $0x0;
	s6 =	sadd.s32 @!p1 s6, s8;
	s9 =	rddreg [dreg:$0x13]  }
0x1c0: {  	[tilespmem:s5], [sflag:$0xB] =	stream.linear.gather @!p1 [hbm4b:s6+s5], $0xC8, $0x38;
	[tilespmem:$0x1A380] =	vst v63  }
0x1c1: {  	s8 =	sadd.s32 @!p1 s9, s8;
	s9 =	simm.s32 @!p1 $0x200;
	s6 =	rddreg [dreg:$0x7]  }
0x1c2: {  	[tilespmem:s9], [sflag:$0xD] =	stream.linear.gather @!p1 [hbm4b:s8+s5], $0x28, $0x38;
	[tilespmem:$0x1A380] =	vst v63  }
0x1c3: {  	s6 =	sadd.s32 @!p1 s23, s6;
	s8 =	rddreg [dreg:$0x6];
	s9 =	simm.s32 @!p1 $0x280  }
0x1c4: {  	[tilespmem:s9], [sflag:$0xD] =	stream.linear.gather @!p1 [hbm4b:s6+s5], $0x28, $0x38;
	[tilespmem:$0x1A380] =	vst v63  }
0x1c5: {  	s8 =	sadd.s32 @!p1 s23, s8;
	s6 =	rddreg [dreg:$0x5];
	s9 =	simm.s32 @!p1 $0x300  }
0x1c6: {  	[tilespmem:s9], [sflag:$0xD] =	stream.linear.gather @!p1 [hbm4b:s8+s5], $0x28, $0x38;
	[tilespmem:$0x1A380] =	vst v63  }
0x1c7: {  	s6 =	sadd.s32 @!p1 s23, s6;
	s8 =	rddreg [dreg:$0x4];
	s9 =	simm.s32 @!p1 $0x380  }
0x1c8: {  	[tilespmem:s9], [sflag:$0xD] =	stream.linear.gather @!p1 [hbm4b:s6+s5], $0x28, $0x38;
	[tilespmem:$0x1A380] =	vst v63  }
0x1c9: {  	s6 =	sadd.s32 @!p1 s23, s8;
	s8 =	simm.s32 @!p1 $0x400  }
0x1ca: {  	[tilespmem:s8], [sflag:$0xD] =	stream.linear.gather @!p1 [hbm4b:s6+s5], $0x28, $0x38;
	[tilespmem:$0x1A380] =	vst v63  }
0x1cb: {  	_ =	swait.ge [sflag:s15], $0x1400  }
0x1cc: {  	[sflag:s15] =	ssyncset.done $0x0  }
0x1cd: {  	[sflag:s15] =	ssyncadd.s32 $0xFFFFEC00  }
0x1ce: {  	[spmem:s2] =	stream.indirect.scatter.add.f32 [tilespmem:s0], [sflag:$0x6], $0x80, s14, s28, $0xb8;
	[tilespmem:$0x1A380] =	vst v63  }
0x1cf: {  	_ =	swait.ge [sflag:s16], $0x1400  }
0x1d0: {  	[sflag:s16] =	ssyncset.done $0x0  }
0x1d1: {  	[sflag:s16] =	ssyncadd.s32 $0xFFFFEC00  }
0x1d2: {  	[spmem:s2] =	stream.indirect.scatter.add.f32 [tilespmem:s10], [sflag:$0x7], $0x80, s19, s28, $0xb8;
	[tilespmem:$0x1A380] =	vst v63  }
0x1d3: {  	_ =	swait.ge [sflag:s17], $0x1400  }
0x1d4: {  	[sflag:s17] =	ssyncset.done $0x0  }
0x1d5: {  	[sflag:s17] =	ssyncadd.s32 $0xFFFFEC00  }
0x1d6: {  	[spmem:s2] =	stream.indirect.scatter.add.f32 [tilespmem:s4], [sflag:$0x8], $0x80, s20, s28, $0xb8;
	[tilespmem:$0x1A380] =	vst v63  }
0x1d7: {  	_ =	swait.ge [sflag:s18], $0x1400  }
0x1d8: {  	[sflag:s18] =	ssyncset.done $0x0  }
0x1d9: {  	[sflag:s18] =	ssyncadd.s32 $0xFFFFEC00  }
0x1da: {  	[spmem:s2] =	stream.indirect.scatter.add.f32 [tilespmem:s12], [sflag:$0x9], $0x80, s21, s28, $0xb8;
	[tilespmem:$0x1A380] =	vst v63  }
0x1db: {  	_ =	swait.ge [sflag:s11], $0x1400  }
0x1dc: {  	[sflag:s11] =	ssyncset.done $0x0  }
0x1dd: {  	s6 =	simm.s32 @!p1 $0xB;
	[sflag:s11] =	ssyncadd.s32 $0xFFFFEC00  }
0x1de: {  	[spmem:s2] =	stream.indirect.scatter.add.f32 [tilespmem:s13], [sflag:$0xA], $0x80, s3, s28, $0xb8;
	[tilespmem:$0x1A380] =	vst v63  }
0x1df: {  	_ =	swait.ge @!p1 [sflag:s6], $0xC8  }
0x1e0: {  	[sflag:s6] =	ssyncset.done @!p1 $0x0  }
0x1e1: {  	s8 =	simm.s32 @!p1 $0xD;
	[sflag:s6] =	ssyncadd.s32 @!p1 $0xFFFFFF38  }
0x1e2: {  	_ =	swait.ge @!p1 [sflag:s8], $0x28  }
0x1e3: {  	[sflag:s8] =	ssyncset.done @!p1 $0x0  }
0x1e4: {  	[sflag:s8] =	ssyncadd.s32 @!p1 $0xFFFFFFD8  }
0x1e5: {  	_ =	swait.ge @!p1 [sflag:s8], $0x28  }
0x1e6: {  	[sflag:s8] =	ssyncset.done @!p1 $0x0  }
0x1e7: {  	[sflag:s8] =	ssyncadd.s32 @!p1 $0xFFFFFFD8  }
0x1e8: {  	_ =	swait.ge @!p1 [sflag:s8], $0x28  }
0x1e9: {  	[sflag:s8] =	ssyncset.done @!p1 $0x0  }
0x1ea: {  	[sflag:s8] =	ssyncadd.s32 @!p1 $0xFFFFFFD8  }
0x1eb: {  	_ =	swait.ge @!p1 [sflag:s8], $0x28  }
0x1ec: {  	[sflag:s8] =	ssyncset.done @!p1 $0x0  }
0x1ed: {  	[sflag:s8] =	ssyncadd.s32 @!p1 $0xFFFFFFD8  }
0x1ee: {  	_ =	swait.ge @!p1 [sflag:s8], $0x28  }
0x1ef: {  	[sflag:s8] =	ssyncset.done @!p1 $0x0  }
0x1f0: {  	s6 =	simm.s32 @!p1 $0x6;
	[sflag:s8] =	ssyncadd.s32 @!p1 $0xFFFFFFD8  }
0x1f1: {  	_ =	swait.ge @!p1 [sflag:s6], $0x1400  }
0x1f2: {  	[sflag:s6] =	ssyncset.done @!p1 $0x0  }
0x1f3: {  	s8 =	simm.s32 @!p1 $0x28;
	[sflag:s6] =	ssyncadd.s32 @!p1 $0xFFFFEC00;
	s6 =	simm.s32 @!p1 $0x700  }
0x1f4: {  	[tilespmem:s6], [sflag:$0x1] =	stream.indirect.gather @!p1 [hbm4b:s1+s8], $0x80, s5, s8, $0xb8;
	[tilespmem:$0x1A380] =	vst v63  }
0x1f5: {  	s5 =	simm.s32 @!p1 $0x7  }
0x1f6: {  	_ =	swait.ge @!p1 [sflag:s5], $0x1400  }
0x1f7: {  	[sflag:s5] =	ssyncset.done @!p1 $0x0  }
0x1f8: {  	s6 =	simm.s32 @!p1 $0x1B00;
	[sflag:s5] =	ssyncadd.s32 @!p1 $0xFFFFEC00;
	s5 =	simm.s32 @!p1 $0x8  }
0x1f9: {  	[tilespmem:s6], [sflag:$0x2] =	stream.indirect.gather @!p1 [hbm4b:s1+s8], $0x80, s8, s8, $0xb8;
	[tilespmem:$0x1A380] =	vst v63  }
0x1fa: {  	_ =	swait.ge @!p1 [sflag:s5], $0x1400  }
0x1fb: {  	[sflag:s5] =	ssyncset.done @!p1 $0x0  }
0x1fc: {  	s6 =	simm.s32 @!p1 $0x50;
	[sflag:s5] =	ssyncadd.s32 @!p1 $0xFFFFEC00;
	s5 =	simm.s32 @!p1 $0x2F00  }
0x1fd: {  	[tilespmem:s5], [sflag:$0x3] =	stream.indirect.gather @!p1 [hbm4b:s1+s8], $0x80, s6, s8, $0xb8;
	[tilespmem:$0x1A380] =	vst v63  }
0x1fe: {  	s5 =	simm.s32 @!p1 $0x9  }
0x1ff: {  	_ =	swait.ge @!p1 [sflag:s5], $0x1400  }
0x200: {  	[sflag:s5] =	ssyncset.done @!p1 $0x0  }
0x201: {  	s6 =	simm.s32 @!p1 $0x4300;
	[sflag:s5] =	ssyncadd.s32 @!p1 $0xFFFFEC00;
	s5 =	simm.s32 @!p1 $0x78  }
0x202: {  	[tilespmem:s6], [sflag:$0x4] =	stream.indirect.gather @!p1 [hbm4b:s1+s8], $0x80, s5, s8, $0xb8;
	[tilespmem:$0x1A380] =	vst v63  }
0x203: {  	s5 =	simm.s32 @!p1 $0xA  }
0x204: {  	_ =	swait.ge @!p1 [sflag:s5], $0x1400  }
0x205: {  	[sflag:s5] =	ssyncset.done @!p1 $0x0  }
0x206: {  	s6 =	simm.s32 @!p1 $0x5700;
	[sflag:s5] =	ssyncadd.s32 @!p1 $0xFFFFEC00;
	s5 =	simm.s32 @!p1 $0xA0  }
0x207: {  	[tilespmem:s6], [sflag:$0x5] =	stream.indirect.gather @!p1 [hbm4b:s1+s8], $0x80, s5, s8, $0xb8;
	[tilespmem:$0x1A380] =	vst v63  }
0x208: {  	_ =	swait.ge [sflag:s22], $0x1400  }
0x209: {  	[sflag:s22] =	ssyncset.done $0x0  }
0x20a: {  	[sflag:s22] =	ssyncadd.s32 $0xFFFFEC00  }
0x20b: {  	_ =	swait.ge [sflag:s25], $0x1400  }
0x20c: {  	[sflag:s25] =	ssyncset.done $0x0  }
0x20d: {  	[sflag:s25] =	ssyncadd.s32 $0xFFFFEC00  }
0x20e: {  	_ =	swait.ge [sflag:s26], $0x1400  }
0x20f: {  	[sflag:s26] =	ssyncset.done $0x0  }
0x210: {  	[sflag:s26] =	ssyncadd.s32 $0xFFFFEC00  }
0x211: {  	_ =	swait.ge [sflag:s29], $0x1400  }
0x212: {  	[sflag:s29] =	ssyncset.done $0x0  }
0x213: {  	[sflag:s29] =	ssyncadd.s32 $0xFFFFEC00  }
0x214: {  	_ =	swait.ge [sflag:s30], $0x1400  }
0x215: {  	[sflag:s30] =	ssyncset.done $0x0  }
0x216: {  	[sflag:s30] =	ssyncadd.s32 $0xFFFFEC00  }
0x217: {  	[bflag:$0x0] =	sbarrier.arrive $0xFFFF  }
0x218: {  	s0 =	sld [smem:$0x7FA];
	_ =	sdelay $0x1  }
0x219: {  	s5 =	simm.s32 @p0 $0x1FCF;
	s6 =	rddreg [dreg:$0x1e]  }
0x21a: {  	[hbm:s6], [sflag:s5] =	dma.local @p0 [spmem:s0], $0x2800  }
0x21b: {  	s5 =	simm.s32 @p0 $0xF  }
0x21c: {  	_ =	swait.ge @p0 [sflag:s5], $0x2800  }
0x21d: {  	s0 =	sld [smem:$0x7FB]  }
0x21e: {  	s3 =	sld [smem:$0x7FC]  }
0x21f: {  	[sflag:s5] =	ssyncset.done @p0 $0x0  }
0x220: {  	[sflag:s5] =	ssyncadd.s32 @p0 $0xFFFFD800;
	s5 =	rddreg [dreg:$0x1d]  }
0x221: {  	[hbm:s5], [sflag:s0] =	dma.local @!p0 [spmem:s3], $0x2700  }
0x222: {  	s5 =	simm.s32 @!p0 $0xF  }
0x223: {  	_ =	swait.ge @!p0 [sflag:s5], $0x2700  }
0x224: {  	s29 =	sld [smem:$0x7F9];
	_ =	sdelay $0x2  }
0x225: {  	s30 =	rddreg [dreg:$0x1f];
	s0 =	sadd.s32 $0x1, s29  }
0x226: {  	p1 =	sne.s32 s0, s30  }
.Ltmp1:
0x227: {  	_ = 	snop;
	(pc) =	sbr.rel @p1 .LBB2_1-.Ltmp1, $3  }
0x228: {  	_ =	sdelay $0x1  }
0x229: {  	[sflag:s5] =	ssyncset.done @!p0 $0x0  }
0x22a: {  	[sflag:s5] =	ssyncadd.s32 @!p0 $0xFFFFD900  }
0x22b: {  	_ =	sfence.sel $0x180000  }
0x22c: {  	[bflag:$0x0] =	sbarrier.arrive $0xFFFF  }
0x22d: {  	_ =	strace $0x9000004D  }
0x22e: {  	s0 =	stileid.u32;
	[bflag:$0x2] =	sbarrier.arrive $0xFFFF  }
0x22f: {  	p0 =	sne.s32 s0, $0x0;
	s0 =	rddreg [dreg:$0x3]  }
0x230: {  	s0 =	sadd.s32 @!p0 $0x100000, s0  }
0x231: {  	[sflag:s0] =	ssyncadd.tile.s32 @!p0 $0x1;
	_ =	shalt  }
.Lfunc_end2:
_tile_overlayer_lowered:
.L_overlay_start_2:
0x232: {  	(tag) =	ssettag $0x2  }
0x233: {  	s0 =	rddreg [dreg:$0x0];
	s2 =	stileid.u32  }
0x234: {  	s1 =	rddreg [dreg:$0x1];
	p0 =	sne.s32 s2, $0x0  }
0x235: {  	s3 =	rddreg [dreg:$0x2];
	[bflag:$0x3] =	sbarrier.arrive $0xFFFF;
	s2 =	simm.s32 @!p0 $0x1C0F  }
0x236: {  	[timem:s3], [sflag:s2] =	dma.local @!p0 [hbm:s0], s1  }
0x237: {  	s0 =	simm.s32 @!p0 $0xF  }
0x238: {  	_ =	swait.ge @!p0 [sflag:s0], s1  }
0x239: {  	s1 =	ssub.s32 @!p0 $0x0, s1;
	[sflag:s0] =	ssyncset.done @!p0 $0x0  }
0x23a: {  	[sflag:s0] =	ssyncadd.s32 @!p0 s1  }
0x23b: {  	[bflag:$0x3] =	sbarrier.arrive $0xFFFF  }
0x23c: {  	_ =	shalt  }

</sc_bundles>
